<compile_context>
chip_gen: v7x
topology: tpu7x:2x2x1
jax: 0.10.2.dev20260603
libtpu: 0.0.44.dev20260713+nightly
codegen_flags: <defaults>
</compile_context>

<pallas_src>
import functools

import jax
import jax.numpy as jnp
from jax import lax
from jax.experimental import pallas as pl
from jax.experimental.pallas import tpu as pltpu
from jax.experimental.pallas import tpu_sc as plsc

NC = 2
NS = 16
LANES = 16
EPS = 1e-16



def _mm_body(x_ref, w_ref, b_ref, o_ref):
    o_ref[...] = (
        jnp.dot(x_ref[...], w_ref[...], preferred_element_type=jnp.float32)
        + b_ref[...]
    )


def _matmul_bias(x, w, b, bm):
    n, d = x.shape
    k = w.shape[1]
    return pl.pallas_call(
        _mm_body,
        grid=(n // bm,),
        in_specs=[
            pl.BlockSpec((bm, d), lambda i: (i, 0)),
            pl.BlockSpec((d, k), lambda i: (0, 0)),
            pl.BlockSpec((1, k), lambda i: (0, 0)),
        ],
        out_specs=pl.BlockSpec((bm, k), lambda i: (i, 0)),
        out_shape=jax.ShapeDtypeStruct((n, k), jnp.float32),
    )(x, w, b.reshape(1, k))


def _fin1_body(num_ref, den_ref, b1_ref, w_ref, b2_ref, yl_ref, yr_ref):
    num = num_ref[...]
    den = den_ref[...]
    h = jnp.concatenate(
        [
            num[0, :, 0:64] / (den[0, :, 0:1] + EPS),
            num[0, :, 64:128] / (den[0, :, 1:2] + EPS),
            num[1, :, 0:64] / (den[1, :, 0:1] + EPS),
            num[1, :, 64:128] / (den[1, :, 1:2] + EPS),
        ],
        axis=1,
    ) + b1_ref[...]
    h = jnp.where(h > 0.0, h, jnp.exp(h) - 1.0)
    ylyr = (
        jnp.dot(h, w_ref[...], preferred_element_type=jnp.float32)
        + b2_ref[...]
    )
    yl_ref[...] = ylyr[:, 0:128]
    yr_ref[...] = ylyr[:, 128:256]


def _finalize1_project(num1, den1, bias1, w2cat, b2cat, bm):
    n = num1.shape[1]
    return pl.pallas_call(
        _fin1_body,
        grid=(n // bm,),
        in_specs=[
            pl.BlockSpec((2, bm, 128), lambda i: (0, i, 0)),
            pl.BlockSpec((2, bm, 16), lambda i: (0, i, 0)),
            pl.BlockSpec((1, 256), lambda i: (0, 0)),
            pl.BlockSpec((256, 256), lambda i: (0, 0)),
            pl.BlockSpec((1, 256), lambda i: (0, 0)),
        ],
        out_specs=[
            pl.BlockSpec((bm, 128), lambda i: (i, 0)),
            pl.BlockSpec((bm, 128), lambda i: (i, 0)),
        ],
        out_shape=[
            jax.ShapeDtypeStruct((n, 128), jnp.float32),
            jax.ShapeDtypeStruct((n, 128), jnp.float32),
        ],
    )(num1, den1, bias1.reshape(1, 256), w2cat, b2cat.reshape(1, 256))


def _fin2_body(num_ref, den_ref, b_ref, o_ref):
    den = den_ref[0, :, 0:1] + den_ref[1, :, 0:1] + EPS
    o_ref[...] = (num_ref[0] + num_ref[1]) / den + b_ref[...]


def _finalize2(num2, den2, bias2, bm):
    n = num2.shape[1]
    return pl.pallas_call(
        _fin2_body,
        grid=(n // bm,),
        in_specs=[
            pl.BlockSpec((2, bm, 128), lambda i: (0, i, 0)),
            pl.BlockSpec((2, bm, 16), lambda i: (0, i, 0)),
            pl.BlockSpec((1, 128), lambda i: (0, 0)),
        ],
        out_specs=pl.BlockSpec((bm, 128), lambda i: (i, 0)),
        out_shape=jax.ShapeDtypeStruct((n, 128), jnp.float32),
    )(num2, den2, bias2.reshape(1, 128))



def _lane_sum(v, red_v, u, perms):
    for step, p in enumerate(perms):
        off = (u * 4 + step) * LANES
        red_v[pl.ds(off, LANES)] = v
        v = v + plsc.load_gather(red_v, [jnp.int32(off) + p])
    return v


def _zero_fill_vmem(buf, rows, cols):
    z = jnp.zeros((LANES,), jnp.float32)
    nk = cols // LANES

    def body(r, _):
        for k in range(nk):
            buf[r, pl.ds(k * LANES, LANES)] = z
        return 0

    lax.fori_loop(0, rows, body, 0)


def _make_edge_pass(n_nodes, n_edges, heads_per_core, split_edges_by_core, g):
    n_tiles_for_edges = NC * NS if split_edges_by_core else NS
    ept = n_edges // n_tiles_for_edges
    assert ept % g == 0 and g % 8 == 0 and g <= 128
    chunks = ept // g
    rpt = (n_nodes // NS) // 8 * 8
    tail = n_nodes - NS * rpt
    zrows = 16
    assert rpt % zrows == 0 and tail <= zrows
    istarts = [k * LANES for k in range(g // LANES)]
    if g % LANES:
        istarts.append(g - LANES)
    assert g % 4 == 0 and g >= 2 * LANES
    mesh = plsc.VectorSubcoreMesh(core_axis_name="c", subcore_axis_name="s")

    @functools.partial(
        pl.kernel,
        compiler_params=pltpu.CompilerParams(
            needs_layout_passes=False, use_tc_tiling_on_sc=False),
        out_type=(
            jax.ShapeDtypeStruct((NC, n_nodes, 128), jnp.float32),
            jax.ShapeDtypeStruct((NC, n_nodes, 16), jnp.float32),
        ),
        mesh=mesh,
        scratch_types=[
            pltpu.VMEM((g,), jnp.int32),
            pltpu.VMEM((g,), jnp.int32),
            pltpu.VMEM((g,), jnp.int32),
            pltpu.VMEM((g,), jnp.int32),
            pltpu.VMEM((g, 128), jnp.float32),
            pltpu.VMEM((g, 128), jnp.float32),
            pltpu.VMEM((g, 128), jnp.float32),
            pltpu.VMEM((g, 16), jnp.float32),
            pltpu.VMEM((128,), jnp.float32),
            pltpu.VMEM((zrows, 128), jnp.float32),
            pltpu.VMEM((zrows, 16), jnp.float32),
            pltpu.VMEM((8 * 4 * LANES,), jnp.float32),
            pltpu.VMEM_SHARED((n_nodes, 128), jnp.float32),
            pltpu.VMEM_SHARED((n_nodes, 16), jnp.float32),
            pltpu.SemaphoreType.DMA,
            pltpu.SemaphoreType.DMA,
        ],
    )
    def edge_pass(xl_hbm, xr_hbm, src_hbm, dst_hbm, att_hbm,
                  num_out, den_out,
                  src_v, dst_v, idxl_v, idxr_v, xl_v, xr_v, num_v, den_v,
                  att_v, znum_v, zden_v, red_v, num_s, den_s, sem1, sem2):
        c = lax.axis_index("c")
        s = lax.axis_index("s")

        _zero_fill_vmem(znum_v, zrows, 128)
        _zero_fill_vmem(zden_v, zrows, 16)
        rb = s * rpt

        def zcopy(k, _):
            pltpu.sync_copy(znum_v, num_s.at[pl.ds(rb + k * zrows, zrows)])
            pltpu.sync_copy(zden_v, den_s.at[pl.ds(rb + k * zrows, zrows)])
            return 0

        lax.fori_loop(0, rpt // zrows, zcopy, 0)

        @pl.when(s == NS - 1)
        def _zero_tail():
            pltpu.sync_copy(znum_v.at[pl.ds(0, tail)],
                            num_s.at[pl.ds(NS * rpt, tail)])
            pltpu.sync_copy(zden_v.at[pl.ds(0, tail)],
                            den_s.at[pl.ds(NS * rpt, tail)])

        plsc.subcore_barrier()

        pltpu.sync_copy(att_hbm.at[c], att_v)
        attr = [att_v[pl.ds(k * LANES, LANES)] for k in range(8)]
        lane = lax.iota(jnp.int32, LANES)
        perms = [lane ^ sh for sh in (1, 2, 4, 8)]

        if split_edges_by_core:
            ebase = c * (n_edges // NC) + s * ept
            row_off = jnp.int32(0)
        else:
            ebase = s * ept
            row_off = c * jnp.int32(n_nodes)

        width = 128 // heads_per_core
        nj = width // LANES

        def chunk(gi, _):
            off = ebase + gi * g
            pltpu.sync_copy(src_hbm.at[pl.ds(off, g)], src_v)
            pltpu.sync_copy(dst_hbm.at[pl.ds(off, g)], dst_v)
            for st in istarts:
                sl = pl.ds(st, LANES)
                idxl_v[sl] = src_v[sl] + row_off
                idxr_v[sl] = dst_v[sl] + row_off
            cp1 = pltpu.async_copy(xl_hbm.at[idxl_v], xl_v, sem1)
            cp2 = pltpu.async_copy(xr_hbm.at[idxr_v], xr_v, sem2)
            cp1.wait()
            cp2.wait()

            def edge4(i4, _):
                for u in range(4):
                    i = i4 * 4 + u
                    eas = []
                    for h in range(heads_per_core):
                        xs = []
                        acc = None
                        for j in range(nj):
                            sl = pl.ds(h * width + j * LANES, LANES)
                            xlv = xl_v[i, sl]
                            xs.append(xlv)
                            a = xlv + xr_v[i, sl]
                            lr = (jnp.maximum(a, 0.0)
                                  + 0.2 * jnp.minimum(a, 0.0))
                            t = lr * attr[h * nj + j]
                            acc = t if acc is None else acc + t
                        ea = jnp.exp(_lane_sum(
                            acc, red_v, u * heads_per_core + h, perms))
                        eas.append(ea)
                        for j in range(nj):
                            sl = pl.ds(h * width + j * LANES, LANES)
                            num_v[i, sl] = ea * xs[j]
                    dr = jnp.where(lane == 0, eas[0], 0.0)
                    if heads_per_core == 2:
                        dr = dr + jnp.where(lane == 1, eas[1], 0.0)
                    den_v[i, :] = dr
                return 0

            lax.fori_loop(0, g // 4, edge4, 0)
            pltpu.sync_copy(num_v, num_s.at[dst_v], add=True)
            pltpu.sync_copy(den_v, den_s.at[dst_v], add=True)
            return 0

        lax.fori_loop(0, chunks, chunk, 0)
        plsc.subcore_barrier()

        pltpu.sync_copy(num_s.at[pl.ds(rb, rpt)],
                        num_out.at[c, pl.ds(rb, rpt)])
        pltpu.sync_copy(den_s.at[pl.ds(rb, rpt)],
                        den_out.at[c, pl.ds(rb, rpt)])

        @pl.when(s == NS - 1)
        def _dump_tail():
            pltpu.sync_copy(num_s.at[pl.ds(NS * rpt, tail)],
                            num_out.at[c, pl.ds(NS * rpt, tail)])
            pltpu.sync_copy(den_s.at[pl.ds(NS * rpt, tail)],
                            den_out.at[c, pl.ds(NS * rpt, tail)])

    return edge_pass



def kernel(x, edge_index, Wl1, bl1, Wr1, br1, att1, bias1,
           Wl2, bl2, Wr2, br2, att2, bias2):
    n, d = x.shape
    e = edge_index.shape[1]
    src = edge_index[0]
    dst = edge_index[1]

    wcat = jnp.concatenate([Wl1, Wr1], axis=1)
    bcat = jnp.concatenate([bl1, br1])
    xlxr = _matmul_bias(x, wcat, bcat, bm=1000)
    xl_tab = jnp.concatenate([xlxr[:, 0:128], xlxr[:, 128:256]], axis=0)
    xr_tab = jnp.concatenate([xlxr[:, 256:384], xlxr[:, 384:512]], axis=0)
    att_tab1 = att1.reshape(2, 128)

    pass1 = _make_edge_pass(n, e, heads_per_core=2,
                            split_edges_by_core=False, g=80)
    num1, den1 = pass1(xl_tab, xr_tab, src, dst, att_tab1)

    w2cat = jnp.concatenate([Wl2, Wr2], axis=1)
    b2cat = jnp.concatenate([bl2, br2])
    yl, yr = _finalize1_project(num1, den1, bias1, w2cat, b2cat, bm=1000)

    att_tab2 = jnp.broadcast_to(att2.reshape(1, 128), (2, 128))
    pass2 = _make_edge_pass(n, e, heads_per_core=1,
                            split_edges_by_core=True, g=80)
    num2, den2 = pass2(yl, yr, src, dst, att_tab2)

    return _finalize2(num2, den2, bias2, bm=1000)

# --- scband reference (transcript-rebuilt; emitter-appended) ---
"""Pipeline reference for scband-gatv2-net-54168127537215 (READ-ONLY COPY).

The authoritative reference and input builder live on the scoring server;
editing this copy changes nothing except your own understanding.
"""

import jax, jax.numpy as jnp
import numpy as np

N = 10000
E = 320000
D = 128
H = 4
C = 64
OUT = 128


def setup_inputs(seed: int = 0) -> dict:
    key = jax.random.key(seed)
    ks = jax.random.split(key, 16)
    x = jax.random.normal(ks[0], (N, D), dtype=jnp.float32)
    edge_index = jax.random.randint(ks[1], (2, E), 0, N, dtype=jnp.int32)
    s1 = 1.0 / np.sqrt(D)
    s2 = 1.0 / np.sqrt(H * C)
    Wl1 = jax.random.normal(ks[2], (D, H * C), dtype=jnp.float32) * s1
    bl1 = jnp.zeros((H * C,), dtype=jnp.float32)
    Wr1 = jax.random.normal(ks[3], (D, H * C), dtype=jnp.float32) * s1
    br1 = jnp.zeros((H * C,), dtype=jnp.float32)
    att1 = jax.random.normal(ks[4], (H, C), dtype=jnp.float32) * (1.0 / np.sqrt(C))
    bias1 = jnp.zeros((H * C,), dtype=jnp.float32)
    Wl2 = jax.random.normal(ks[5], (H * C, OUT), dtype=jnp.float32) * s2
    bl2 = jnp.zeros((OUT,), dtype=jnp.float32)
    Wr2 = jax.random.normal(ks[6], (H * C, OUT), dtype=jnp.float32) * s2
    br2 = jnp.zeros((OUT,), dtype=jnp.float32)
    att2 = jax.random.normal(ks[7], (1, OUT), dtype=jnp.float32) * (1.0 / np.sqrt(OUT))
    bias2 = jnp.zeros((OUT,), dtype=jnp.float32)
    return {"x": x, "edge_index": edge_index,
            "Wl1": Wl1, "bl1": bl1, "Wr1": Wr1, "br1": br1, "att1": att1, "bias1": bias1,
            "Wl2": Wl2, "bl2": bl2, "Wr2": Wr2, "br2": br2, "att2": att2, "bias2": bias2}


def _gatv2_conv(x, edge_index, Wl, bl, Wr, br, att, bias, heads, out_ch, concat):
    Nn = x.shape[0]
    src = edge_index[0]
    dst = edge_index[1]
    # GATv2: x_j (source) uses lin_l, x_i (target) uses lin_r
    xl = (x @ Wl + bl).reshape(Nn, heads, out_ch)
    xr = (x @ Wr + br).reshape(Nn, heads, out_ch)
    x_j = xl[src]            # [E, H, C] gather
    x_i = xr[dst]            # [E, H, C] gather
    e = jax.nn.leaky_relu(x_j + x_i, negative_slope=0.2)
    alpha = jnp.sum(e * att[None, :, :], axis=-1)  # [E, H]
    # softmax over incoming edges of each dst node
    m = jax.ops.segment_max(alpha, dst, num_segments=Nn)
    m = jnp.where(jnp.isfinite(m), m, 0.0)
    alpha = jnp.exp(alpha - m[dst])
    denom = jax.ops.segment_sum(alpha, dst, num_segments=Nn)
    alpha = alpha / (denom[dst] + 1e-16)
    out = jax.ops.segment_sum(x_j * alpha[:, :, None], dst, num_segments=Nn)
    if concat:
        out = out.reshape(Nn, heads * out_ch)
    else:
        out = out.mean(axis=1)
    return out + bias


def reference(x, edge_index, Wl1, bl1, Wr1, br1, att1, bias1,
              Wl2, bl2, Wr2, br2, att2, bias2):
    h = _gatv2_conv(x, edge_index, Wl1, bl1, Wr1, br1, att1, bias1, H, C, True)
    h = jax.nn.elu(h)
    out = _gatv2_conv(h, edge_index, Wl2, bl2, Wr2, br2, att2, bias2, 1, OUT, False)
    return out

if __name__ == "__main__":
    import jax
    _d = setup_inputs()
    print(jax.jit(kernel)(*tuple(_d.values())))

</pallas_src>

<mosaic_0001>
#map = affine_map<(d0, d1) -> (0, 0)>
#map1 = affine_map<(d0, d1) -> (0)>
#map2 = affine_map<(d0, d1) -> (0, 0, 0)>
module attributes {stable_mosaic.version = 14 : i64} {
  func.func @edge_pass(%arg0: i32, %arg1: i32, %arg2: memref<20000x128xf32, #tpu.memory_space<hbm>>, %arg3: memref<20000x128xf32, #tpu.memory_space<hbm>>, %arg4: memref<320000xi32, #tpu.memory_space<hbm>>, %arg5: memref<320000xi32, #tpu.memory_space<hbm>>, %arg6: memref<2x128xf32, #tpu.memory_space<hbm>>, %arg7: memref<2x10000x128xf32, #tpu.memory_space<hbm>>, %arg8: memref<2x10000x16xf32, #tpu.memory_space<hbm>>, %arg9: memref<80xi32, #tpu.memory_space<vmem>>, %arg10: memref<80xi32, #tpu.memory_space<vmem>>, %arg11: memref<80xi32, #tpu.memory_space<vmem>>, %arg12: memref<80xi32, #tpu.memory_space<vmem>>, %arg13: memref<80x128xf32, #tpu.memory_space<vmem>>, %arg14: memref<80x128xf32, #tpu.memory_space<vmem>>, %arg15: memref<80x128xf32, #tpu.memory_space<vmem>>, %arg16: memref<80x16xf32, #tpu.memory_space<vmem>>, %arg17: memref<128xf32, #tpu.memory_space<vmem>>, %arg18: memref<16x128xf32, #tpu.memory_space<vmem>>, %arg19: memref<16x16xf32, #tpu.memory_space<vmem>>, %arg20: memref<512xf32, #tpu.memory_space<vmem>>, %arg21: memref<10000x128xf32, #tpu.memory_space<vmem_shared>>, %arg22: memref<10000x16xf32, #tpu.memory_space<vmem_shared>>, %arg23: memref<!tpu.dma_semaphore, #tpu.memory_space<semaphore_mem>>, %arg24: memref<!tpu.dma_semaphore, #tpu.memory_space<semaphore_mem>>) attributes {dimension_semantics = [#tpu.dimension_semantics<core_parallel>, #tpu.dimension_semantics<subcore_parallel>], iteration_bounds = array<i64: 2, 16>, scalar_prefetch = 0 : i64, scratch_operands = 16 : i64, tpu.core_type = #tpu.core_type<sc_vector_subcore>, window_params = [{transform_indices = #map}, {transform_indices = #map}, {transform_indices = #map1}, {transform_indices = #map1}, {transform_indices = #map}, {transform_indices = #map2}, {transform_indices = #map2}]} {
    %broadcast_in_dim3A = arith.constant 0.000000e+00 : f32
    %broadcast_in_dim3A_0 = vector.broadcast %broadcast_in_dim3A : f32 to vector<16xf32>
    %scan3A = arith.constant 0 : i32
    %scan3A_1 = arith.constant 0 : i32
    %scan3A_2 = arith.constant 16 : i32
    %scan3A_3 = arith.addi %scan3A_1, %scan3A_2 : i32
    %scan3A_4 = arith.constant 1 : i32
    %scan3A_5 = scf.for %scan3A_69 = %scan3A_1 to %scan3A_3 step %scan3A_4 iter_args(%scan3A_70 = %scan3A) -> (i32)  : i32 {
      %swap3A = arith.index_cast %scan3A_69 : i32 to index
      %swap3A_71 = arith.constant 0 : index
      %swap3A_72 = tpu.vector_load %arg18[%swap3A, %swap3A_71] {strides = array<i32>} : memref<16x128xf32, #tpu.memory_space<vmem>>, vector<16xf32>,
      tpu.vector_store %arg18[%swap3A, %swap3A_71], %broadcast_in_dim3A_0 {strides = array<i32>} : memref<16x128xf32, #tpu.memory_space<vmem>>, vector<16xf32>,
      %swap3A_73 = arith.index_cast %scan3A_69 : i32 to index
      %swap3A_74 = arith.constant 16 : index
      %swap3A_75 = tpu.vector_load %arg18[%swap3A_73, %swap3A_74] {strides = array<i32>} : memref<16x128xf32, #tpu.memory_space<vmem>>, vector<16xf32>,
      tpu.vector_store %arg18[%swap3A_73, %swap3A_74], %broadcast_in_dim3A_0 {strides = array<i32>} : memref<16x128xf32, #tpu.memory_space<vmem>>, vector<16xf32>,
      %swap3A_76 = arith.index_cast %scan3A_69 : i32 to index
      %swap3A_77 = arith.constant 32 : index
      %swap3A_78 = tpu.vector_load %arg18[%swap3A_76, %swap3A_77] {strides = array<i32>} : memref<16x128xf32, #tpu.memory_space<vmem>>, vector<16xf32>,
      tpu.vector_store %arg18[%swap3A_76, %swap3A_77], %broadcast_in_dim3A_0 {strides = array<i32>} : memref<16x128xf32, #tpu.memory_space<vmem>>, vector<16xf32>,
      %swap3A_79 = arith.index_cast %scan3A_69 : i32 to index
      %swap3A_80 = arith.constant 48 : index
      %swap3A_81 = tpu.vector_load %arg18[%swap3A_79, %swap3A_80] {strides = array<i32>} : memref<16x128xf32, #tpu.memory_space<vmem>>, vector<16xf32>,
      tpu.vector_store %arg18[%swap3A_79, %swap3A_80], %broadcast_in_dim3A_0 {strides = array<i32>} : memref<16x128xf32, #tpu.memory_space<vmem>>, vector<16xf32>,
      %swap3A_82 = arith.index_cast %scan3A_69 : i32 to index
      %swap3A_83 = arith.constant 64 : index
      %swap3A_84 = tpu.vector_load %arg18[%swap3A_82, %swap3A_83] {strides = array<i32>} : memref<16x128xf32, #tpu.memory_space<vmem>>, vector<16xf32>,
      tpu.vector_store %arg18[%swap3A_82, %swap3A_83], %broadcast_in_dim3A_0 {strides = array<i32>} : memref<16x128xf32, #tpu.memory_space<vmem>>, vector<16xf32>,
      %swap3A_85 = arith.index_cast %scan3A_69 : i32 to index
      %swap3A_86 = arith.constant 80 : index
      %swap3A_87 = tpu.vector_load %arg18[%swap3A_85, %swap3A_86] {strides = array<i32>} : memref<16x128xf32, #tpu.memory_space<vmem>>, vector<16xf32>,
      tpu.vector_store %arg18[%swap3A_85, %swap3A_86], %broadcast_in_dim3A_0 {strides = array<i32>} : memref<16x128xf32, #tpu.memory_space<vmem>>, vector<16xf32>,
      %swap3A_88 = arith.index_cast %scan3A_69 : i32 to index
      %swap3A_89 = arith.constant 96 : index
      %swap3A_90 = tpu.vector_load %arg18[%swap3A_88, %swap3A_89] {strides = array<i32>} : memref<16x128xf32, #tpu.memory_space<vmem>>, vector<16xf32>,
      tpu.vector_store %arg18[%swap3A_88, %swap3A_89], %broadcast_in_dim3A_0 {strides = array<i32>} : memref<16x128xf32, #tpu.memory_space<vmem>>, vector<16xf32>,
      %swap3A_91 = arith.index_cast %scan3A_69 : i32 to index
      %swap3A_92 = arith.constant 112 : index
      %swap3A_93 = tpu.vector_load %arg18[%swap3A_91, %swap3A_92] {strides = array<i32>} : memref<16x128xf32, #tpu.memory_space<vmem>>, vector<16xf32>,
      tpu.vector_store %arg18[%swap3A_91, %swap3A_92], %broadcast_in_dim3A_0 {strides = array<i32>} : memref<16x128xf32, #tpu.memory_space<vmem>>, vector<16xf32>,
      %scan3A_94 = arith.constant 0 : i32
      scf.yield %scan3A_94 : i32
    }
    %scan3A_6 = arith.constant 16 : i32
    %broadcast_in_dim3A_7 = arith.constant 0.000000e+00 : f32
    %broadcast_in_dim3A_8 = vector.broadcast %broadcast_in_dim3A_7 : f32 to vector<16xf32>
    %scan3A_9 = arith.constant 0 : i32
    %scan3A_10 = arith.constant 0 : i32
    %scan3A_11 = arith.constant 16 : i32
    %scan3A_12 = arith.addi %scan3A_10, %scan3A_11 : i32
    %scan3A_13 = arith.constant 1 : i32
    %scan3A_14 = scf.for %scan3A_69 = %scan3A_10 to %scan3A_12 step %scan3A_13 iter_args(%scan3A_70 = %scan3A_9) -> (i32)  : i32 {
      %swap3A = arith.index_cast %scan3A_69 : i32 to index
      %swap3A_71 = arith.constant 0 : index
      %swap3A_72 = tpu.vector_load %arg19[%swap3A, %swap3A_71] {strides = array<i32>} : memref<16x16xf32, #tpu.memory_space<vmem>>, vector<16xf32>,
      tpu.vector_store %arg19[%swap3A, %swap3A_71], %broadcast_in_dim3A_8 {strides = array<i32>} : memref<16x16xf32, #tpu.memory_space<vmem>>, vector<16xf32>,
      %scan3A_73 = arith.constant 0 : i32
      scf.yield %scan3A_73 : i32
    }
    %scan3A_15 = arith.constant 16 : i32
    %mul3A = arith.constant 624 : i32
    %mul3A_16 = arith.muli %arg1, %mul3A : i32
    %scan3A_17 = arith.constant 0 : i32
    %scan3A_18 = arith.constant 0 : i32
    %scan3A_19 = arith.constant 39 : i32
    %scan3A_20 = arith.addi %scan3A_18, %scan3A_19 : i32
    %scan3A_21 = arith.constant 1 : i32
    %scan3A_22 = scf.for %scan3A_69 = %scan3A_18 to %scan3A_20 step %scan3A_21 iter_args(%scan3A_70 = %scan3A_17) -> (i32)  : i32 {
      %mul3A_71 = arith.constant 16 : i32
      %mul3A_72 = arith.muli %scan3A_69, %mul3A_71 : i32
      %add3A = arith.addi %mul3A_16, %mul3A_72 : i32
      "tpu.region"() ({
        %run_scoped3A = tpu.sem_alloc : memref<!tpu.dma_semaphore, #tpu.memory_space<semaphore_mem>>
        %dma_start3A = arith.constant 0 : i32
        %dma_start3A_77 = tpu.memref_slice %arg21[%add3A, %dma_start3A] : memref<10000x128xf32, #tpu.memory_space<vmem_shared>> -> memref<16x128xf32, #tpu.memory_space<vmem_shared>>
        %dma_start3A_78 = arith.constant 0 : i32
        %dma_start3A_79 = tpu.memref_slice %arg21[%add3A, %dma_start3A_78] : memref<10000x128xf32, #tpu.memory_space<vmem_shared>> -> memref<16x128xf32, #tpu.memory_space<vmem_shared>>
        tpu.enqueue_dma source(%arg18 : memref<16x128xf32, #tpu.memory_space<vmem>>) target(%dma_start3A_79 : memref<16x128xf32, #tpu.memory_space<vmem_shared>>) target_semaphore(%run_scoped3A : memref<!tpu.dma_semaphore, #tpu.memory_space<semaphore_mem>>)
        %dma_wait3A = arith.constant 0 : i32
        %dma_wait3A_80 = tpu.memref_slice %arg21[%add3A, %dma_wait3A] : memref<10000x128xf32, #tpu.memory_space<vmem_shared>> -> memref<16x128xf32, #tpu.memory_space<vmem_shared>>
        %dma_wait3A_81 = arith.constant 0 : i32
        %dma_wait3A_82 = tpu.memref_slice %arg21[%add3A, %dma_wait3A_81] : memref<10000x128xf32, #tpu.memory_space<vmem_shared>> -> memref<16x128xf32, #tpu.memory_space<vmem_shared>>
        tpu.wait_dma2 semaphore(%run_scoped3A : memref<!tpu.dma_semaphore, #tpu.memory_space<semaphore_mem>>) src(%arg18 : memref<16x128xf32, #tpu.memory_space<vmem>>) dst(%dma_wait3A_82 : memref<16x128xf32, #tpu.memory_space<vmem_shared>>)
        tpu.yield
      }) : () -> ()
      %mul3A_73 = arith.constant 16 : i32
      %mul3A_74 = arith.muli %scan3A_69, %mul3A_73 : i32
      %add3A_75 = arith.addi %mul3A_16, %mul3A_74 : i32
      "tpu.region"() ({
        %run_scoped3A = tpu.sem_alloc : memref<!tpu.dma_semaphore, #tpu.memory_space<semaphore_mem>>
        %dma_start3A = arith.constant 0 : i32
        %dma_start3A_77 = tpu.memref_slice %arg22[%add3A_75, %dma_start3A] : memref<10000x16xf32, #tpu.memory_space<vmem_shared>> -> memref<16x16xf32, #tpu.memory_space<vmem_shared>>
        %dma_start3A_78 = arith.constant 0 : i32
        %dma_start3A_79 = tpu.memref_slice %arg22[%add3A_75, %dma_start3A_78] : memref<10000x16xf32, #tpu.memory_space<vmem_shared>> -> memref<16x16xf32, #tpu.memory_space<vmem_shared>>
        tpu.enqueue_dma source(%arg19 : memref<16x16xf32, #tpu.memory_space<vmem>>) target(%dma_start3A_79 : memref<16x16xf32, #tpu.memory_space<vmem_shared>>) target_semaphore(%run_scoped3A : memref<!tpu.dma_semaphore, #tpu.memory_space<semaphore_mem>>)
        %dma_wait3A = arith.constant 0 : i32
        %dma_wait3A_80 = tpu.memref_slice %arg22[%add3A_75, %dma_wait3A] : memref<10000x16xf32, #tpu.memory_space<vmem_shared>> -> memref<16x16xf32, #tpu.memory_space<vmem_shared>>
        %dma_wait3A_81 = arith.constant 0 : i32
        %dma_wait3A_82 = tpu.memref_slice %arg22[%add3A_75, %dma_wait3A_81] : memref<10000x16xf32, #tpu.memory_space<vmem_shared>> -> memref<16x16xf32, #tpu.memory_space<vmem_shared>>
        tpu.wait_dma2 semaphore(%run_scoped3A : memref<!tpu.dma_semaphore, #tpu.memory_space<semaphore_mem>>) src(%arg19 : memref<16x16xf32, #tpu.memory_space<vmem>>) dst(%dma_wait3A_82 : memref<16x16xf32, #tpu.memory_space<vmem_shared>>)
        tpu.yield
      }) : () -> ()
      %scan3A_76 = arith.constant 0 : i32
      scf.yield %scan3A_76 : i32
    }
    %scan3A_23 = arith.constant 39 : i32
    %eq3A = arith.constant 15 : i32
    %eq3A_24 = arith.cmpi eq, %arg1, %eq3A : i32
    %convert_element_type3A = arith.extui %eq3A_24 : i1 to i32
    %cond3A = arith.constant 0 : i32
    %cond3A_25 = arith.cmpi ne, %convert_element_type3A, %cond3A : i32
    scf.if %cond3A_25 {
      "tpu.region"() ({
        %run_scoped3A = tpu.sem_alloc : memref<!tpu.dma_semaphore, #tpu.memory_space<semaphore_mem>>
        %dma_start3A = arith.constant 0 : i32
        %dma_start3A_69 = arith.constant 0 : i32
        %dma_start3A_70 = tpu.memref_slice %arg18[%dma_start3A, %dma_start3A_69] : memref<16x128xf32, #tpu.memory_space<vmem>> -> memref<16x128xf32, #tpu.memory_space<vmem>>
        %dma_start3A_71 = arith.constant 9984 : i32
        %dma_start3A_72 = arith.constant 0 : i32
        %dma_start3A_73 = tpu.memref_slice %arg21[%dma_start3A_71, %dma_start3A_72] : memref<10000x128xf32, #tpu.memory_space<vmem_shared>> -> memref<16x128xf32, #tpu.memory_space<vmem_shared>>
        %dma_start3A_74 = arith.constant 9984 : i32
        %dma_start3A_75 = arith.constant 0 : i32
        %dma_start3A_76 = tpu.memref_slice %arg21[%dma_start3A_74, %dma_start3A_75] : memref<10000x128xf32, #tpu.memory_space<vmem_shared>> -> memref<16x128xf32, #tpu.memory_space<vmem_shared>>
        %dma_start3A_77 = arith.constant 0 : i32
        %dma_start3A_78 = arith.constant 0 : i32
        %dma_start3A_79 = tpu.memref_slice %arg18[%dma_start3A_77, %dma_start3A_78] : memref<16x128xf32, #tpu.memory_space<vmem>> -> memref<16x128xf32, #tpu.memory_space<vmem>>
        tpu.enqueue_dma source(%dma_start3A_79 : memref<16x128xf32, #tpu.memory_space<vmem>>) target(%dma_start3A_76 : memref<16x128xf32, #tpu.memory_space<vmem_shared>>) target_semaphore(%run_scoped3A : memref<!tpu.dma_semaphore, #tpu.memory_space<semaphore_mem>>)
        %dma_wait3A = arith.constant 0 : i32
        %dma_wait3A_80 = arith.constant 0 : i32
        %dma_wait3A_81 = tpu.memref_slice %arg18[%dma_wait3A, %dma_wait3A_80] : memref<16x128xf32, #tpu.memory_space<vmem>> -> memref<16x128xf32, #tpu.memory_space<vmem>>
        %dma_wait3A_82 = arith.constant 9984 : i32
        %dma_wait3A_83 = arith.constant 0 : i32
        %dma_wait3A_84 = tpu.memref_slice %arg21[%dma_wait3A_82, %dma_wait3A_83] : memref<10000x128xf32, #tpu.memory_space<vmem_shared>> -> memref<16x128xf32, #tpu.memory_space<vmem_shared>>
        %dma_wait3A_85 = arith.constant 9984 : i32
        %dma_wait3A_86 = arith.constant 0 : i32
        %dma_wait3A_87 = tpu.memref_slice %arg21[%dma_wait3A_85, %dma_wait3A_86] : memref<10000x128xf32, #tpu.memory_space<vmem_shared>> -> memref<16x128xf32, #tpu.memory_space<vmem_shared>>
        %dma_wait3A_88 = arith.constant 0 : i32
        %dma_wait3A_89 = arith.constant 0 : i32
        %dma_wait3A_90 = tpu.memref_slice %arg18[%dma_wait3A_88, %dma_wait3A_89] : memref<16x128xf32, #tpu.memory_space<vmem>> -> memref<16x128xf32, #tpu.memory_space<vmem>>
        tpu.wait_dma2 semaphore(%run_scoped3A : memref<!tpu.dma_semaphore, #tpu.memory_space<semaphore_mem>>) src(%dma_wait3A_90 : memref<16x128xf32, #tpu.memory_space<vmem>>) dst(%dma_wait3A_87 : memref<16x128xf32, #tpu.memory_space<vmem_shared>>)
        tpu.yield
      }) : () -> ()
      "tpu.region"() ({
        %run_scoped3A = tpu.sem_alloc : memref<!tpu.dma_semaphore, #tpu.memory_space<semaphore_mem>>
        %dma_start3A = arith.constant 0 : i32
        %dma_start3A_69 = arith.constant 0 : i32
        %dma_start3A_70 = tpu.memref_slice %arg19[%dma_start3A, %dma_start3A_69] : memref<16x16xf32, #tpu.memory_space<vmem>> -> memref<16x16xf32, #tpu.memory_space<vmem>>
        %dma_start3A_71 = arith.constant 9984 : i32
        %dma_start3A_72 = arith.constant 0 : i32
        %dma_start3A_73 = tpu.memref_slice %arg22[%dma_start3A_71, %dma_start3A_72] : memref<10000x16xf32, #tpu.memory_space<vmem_shared>> -> memref<16x16xf32, #tpu.memory_space<vmem_shared>>
        %dma_start3A_74 = arith.constant 9984 : i32
        %dma_start3A_75 = arith.constant 0 : i32
        %dma_start3A_76 = tpu.memref_slice %arg22[%dma_start3A_74, %dma_start3A_75] : memref<10000x16xf32, #tpu.memory_space<vmem_shared>> -> memref<16x16xf32, #tpu.memory_space<vmem_shared>>
        %dma_start3A_77 = arith.constant 0 : i32
        %dma_start3A_78 = arith.constant 0 : i32
        %dma_start3A_79 = tpu.memref_slice %arg19[%dma_start3A_77, %dma_start3A_78] : memref<16x16xf32, #tpu.memory_space<vmem>> -> memref<16x16xf32, #tpu.memory_space<vmem>>
        tpu.enqueue_dma source(%dma_start3A_79 : memref<16x16xf32, #tpu.memory_space<vmem>>) target(%dma_start3A_76 : memref<16x16xf32, #tpu.memory_space<vmem_shared>>) target_semaphore(%run_scoped3A : memref<!tpu.dma_semaphore, #tpu.memory_space<semaphore_mem>>)
        %dma_wait3A = arith.constant 0 : i32
        %dma_wait3A_80 = arith.constant 0 : i32
        %dma_wait3A_81 = tpu.memref_slice %arg19[%dma_wait3A, %dma_wait3A_80] : memref<16x16xf32, #tpu.memory_space<vmem>> -> memref<16x16xf32, #tpu.memory_space<vmem>>
        %dma_wait3A_82 = arith.constant 9984 : i32
        %dma_wait3A_83 = arith.constant 0 : i32
        %dma_wait3A_84 = tpu.memref_slice %arg22[%dma_wait3A_82, %dma_wait3A_83] : memref<10000x16xf32, #tpu.memory_space<vmem_shared>> -> memref<16x16xf32, #tpu.memory_space<vmem_shared>>
        %dma_wait3A_85 = arith.constant 9984 : i32
        %dma_wait3A_86 = arith.constant 0 : i32
        %dma_wait3A_87 = tpu.memref_slice %arg22[%dma_wait3A_85, %dma_wait3A_86] : memref<10000x16xf32, #tpu.memory_space<vmem_shared>> -> memref<16x16xf32, #tpu.memory_space<vmem_shared>>
        %dma_wait3A_88 = arith.constant 0 : i32
        %dma_wait3A_89 = arith.constant 0 : i32
        %dma_wait3A_90 = tpu.memref_slice %arg19[%dma_wait3A_88, %dma_wait3A_89] : memref<16x16xf32, #tpu.memory_space<vmem>> -> memref<16x16xf32, #tpu.memory_space<vmem>>
        tpu.wait_dma2 semaphore(%run_scoped3A : memref<!tpu.dma_semaphore, #tpu.memory_space<semaphore_mem>>) src(%dma_wait3A_90 : memref<16x16xf32, #tpu.memory_space<vmem>>) dst(%dma_wait3A_87 : memref<16x16xf32, #tpu.memory_space<vmem_shared>>)
        tpu.yield
      }) : () -> ()
    } else {
    }
    %barrier3A = arith.constant 0 : index
    tpu.barrier barrier_id(%barrier3A)
    "tpu.region"() ({
      %run_scoped3A = tpu.sem_alloc : memref<!tpu.dma_semaphore, #tpu.memory_space<semaphore_mem>>
      %dma_start3A = arith.constant 0 : i32
      %dma_start3A_69 = tpu.memref_slice %arg6[%arg0, %dma_start3A] : memref<2x128xf32, #tpu.memory_space<hbm>> -> memref<1x128xf32, #tpu.memory_space<hbm>>
      %dma_start3A_70 = tpu.memref_squeeze %dma_start3A_69 : memref<1x128xf32, #tpu.memory_space<hbm>> -> memref<128xf32, #tpu.memory_space<hbm>>
      %dma_start3A_71 = arith.constant 0 : i32
      %dma_start3A_72 = tpu.memref_slice %arg6[%arg0, %dma_start3A_71] : memref<2x128xf32, #tpu.memory_space<hbm>> -> memref<1x128xf32, #tpu.memory_space<hbm>>
      %dma_start3A_73 = tpu.memref_squeeze %dma_start3A_72 : memref<1x128xf32, #tpu.memory_space<hbm>> -> memref<128xf32, #tpu.memory_space<hbm>>
      tpu.enqueue_dma source(%dma_start3A_73 : memref<128xf32, #tpu.memory_space<hbm>>) target(%arg17 : memref<128xf32, #tpu.memory_space<vmem>>) target_semaphore(%run_scoped3A : memref<!tpu.dma_semaphore, #tpu.memory_space<semaphore_mem>>)
      %dma_wait3A = arith.constant 0 : i32
      %dma_wait3A_74 = tpu.memref_slice %arg6[%arg0, %dma_wait3A] : memref<2x128xf32, #tpu.memory_space<hbm>> -> memref<1x128xf32, #tpu.memory_space<hbm>>
      %dma_wait3A_75 = tpu.memref_squeeze %dma_wait3A_74 : memref<1x128xf32, #tpu.memory_space<hbm>> -> memref<128xf32, #tpu.memory_space<hbm>>
      %dma_wait3A_76 = arith.constant 0 : i32
      %dma_wait3A_77 = tpu.memref_slice %arg6[%arg0, %dma_wait3A_76] : memref<2x128xf32, #tpu.memory_space<hbm>> -> memref<1x128xf32, #tpu.memory_space<hbm>>
      %dma_wait3A_78 = tpu.memref_squeeze %dma_wait3A_77 : memref<1x128xf32, #tpu.memory_space<hbm>> -> memref<128xf32, #tpu.memory_space<hbm>>
      tpu.wait_dma2 semaphore(%run_scoped3A : memref<!tpu.dma_semaphore, #tpu.memory_space<semaphore_mem>>) src(%dma_wait3A_78 : memref<128xf32, #tpu.memory_space<hbm>>) dst(%arg17 : memref<128xf32, #tpu.memory_space<vmem>>)
      tpu.yield
    }) : () -> ()
    %get3A = arith.constant 0 : index
    %get3A_26 = tpu.vector_load %arg17[%get3A] {strides = array<i32>} : memref<128xf32, #tpu.memory_space<vmem>>, vector<16xf32>,
    %get3A_27 = arith.constant 16 : index
    %get3A_28 = tpu.vector_load %arg17[%get3A_27] {strides = array<i32>} : memref<128xf32, #tpu.memory_space<vmem>>, vector<16xf32>,
    %get3A_29 = arith.constant 32 : index
    %get3A_30 = tpu.vector_load %arg17[%get3A_29] {strides = array<i32>} : memref<128xf32, #tpu.memory_space<vmem>>, vector<16xf32>,
    %get3A_31 = arith.constant 48 : index
    %get3A_32 = tpu.vector_load %arg17[%get3A_31] {strides = array<i32>} : memref<128xf32, #tpu.memory_space<vmem>>, vector<16xf32>,
    %get3A_33 = arith.constant 64 : index
    %get3A_34 = tpu.vector_load %arg17[%get3A_33] {strides = array<i32>} : memref<128xf32, #tpu.memory_space<vmem>>, vector<16xf32>,
    %get3A_35 = arith.constant 80 : index
    %get3A_36 = tpu.vector_load %arg17[%get3A_35] {strides = array<i32>} : memref<128xf32, #tpu.memory_space<vmem>>, vector<16xf32>,
    %get3A_37 = arith.constant 96 : index
    %get3A_38 = tpu.vector_load %arg17[%get3A_37] {strides = array<i32>} : memref<128xf32, #tpu.memory_space<vmem>>, vector<16xf32>,
    %get3A_39 = arith.constant 112 : index
    %get3A_40 = tpu.vector_load %arg17[%get3A_39] {strides = array<i32>} : memref<128xf32, #tpu.memory_space<vmem>>, vector<16xf32>,
    %iota3A = tpu.iota {dimensions = array<i32: 0>} : vector<16xi32>
    %xor3A = arith.constant 1 : i32
    %xor3A_41 = vector.broadcast %xor3A : i32 to vector<16xi32>
    %xor3A_42 = arith.xori %iota3A, %xor3A_41 : vector<16xi32>
    %xor3A_43 = arith.constant 2 : i32
    %xor3A_44 = vector.broadcast %xor3A_43 : i32 to vector<16xi32>
    %xor3A_45 = arith.xori %iota3A, %xor3A_44 : vector<16xi32>
    %xor3A_46 = arith.constant 4 : i32
    %xor3A_47 = vector.broadcast %xor3A_46 : i32 to vector<16xi32>
    %xor3A_48 = arith.xori %iota3A, %xor3A_47 : vector<16xi32>
    %xor3A_49 = arith.constant 8 : i32
    %xor3A_50 = vector.broadcast %xor3A_49 : i32 to vector<16xi32>
    %xor3A_51 = arith.xori %iota3A, %xor3A_50 : vector<16xi32>
    %mul3A_52 = arith.constant 20000 : i32
    %mul3A_53 = arith.muli %arg1, %mul3A_52 : i32
    %mul3A_54 = arith.constant 10000 : i32
    %mul3A_55 = arith.muli %arg0, %mul3A_54 : i32
    %scan3A_56 = arith.constant 0 : i32
    %scan3A_57 = arith.constant 0 : i32
    %scan3A_58 = arith.constant 250 : i32
    %scan3A_59 = arith.addi %scan3A_57, %scan3A_58 : i32
    %scan3A_60 = arith.constant 1 : i32
    %scan3A_61 = scf.for %scan3A_69 = %scan3A_57 to %scan3A_59 step %scan3A_60 iter_args(%scan3A_70 = %scan3A_56) -> (i32)  : i32 {
      %mul3A_71 = arith.constant 80 : i32
      %mul3A_72 = arith.muli %scan3A_69, %mul3A_71 : i32
      %add3A = arith.addi %mul3A_53, %mul3A_72 : i32
      "tpu.region"() ({
        %run_scoped3A = tpu.sem_alloc : memref<!tpu.dma_semaphore, #tpu.memory_space<semaphore_mem>>
        %dma_start3A_150 = tpu.memref_slice %arg4[%add3A] : memref<320000xi32, #tpu.memory_space<hbm>> -> memref<80xi32, #tpu.memory_space<hbm>>
        %dma_start3A_151 = tpu.memref_slice %arg4[%add3A] : memref<320000xi32, #tpu.memory_space<hbm>> -> memref<80xi32, #tpu.memory_space<hbm>>
        tpu.enqueue_dma source(%dma_start3A_151 : memref<80xi32, #tpu.memory_space<hbm>>) target(%arg9 : memref<80xi32, #tpu.memory_space<vmem>>) target_semaphore(%run_scoped3A : memref<!tpu.dma_semaphore, #tpu.memory_space<semaphore_mem>>)
        %dma_wait3A_152 = tpu.memref_slice %arg4[%add3A] : memref<320000xi32, #tpu.memory_space<hbm>> -> memref<80xi32, #tpu.memory_space<hbm>>
        %dma_wait3A_153 = tpu.memref_slice %arg4[%add3A] : memref<320000xi32, #tpu.memory_space<hbm>> -> memref<80xi32, #tpu.memory_space<hbm>>
        tpu.wait_dma2 semaphore(%run_scoped3A : memref<!tpu.dma_semaphore, #tpu.memory_space<semaphore_mem>>) src(%dma_wait3A_153 : memref<80xi32, #tpu.memory_space<hbm>>) dst(%arg9 : memref<80xi32, #tpu.memory_space<vmem>>)
        tpu.yield
      }) : () -> ()
      "tpu.region"() ({
        %run_scoped3A = tpu.sem_alloc : memref<!tpu.dma_semaphore, #tpu.memory_space<semaphore_mem>>
        %dma_start3A_150 = tpu.memref_slice %arg5[%add3A] : memref<320000xi32, #tpu.memory_space<hbm>> -> memref<80xi32, #tpu.memory_space<hbm>>
        %dma_start3A_151 = tpu.memref_slice %arg5[%add3A] : memref<320000xi32, #tpu.memory_space<hbm>> -> memref<80xi32, #tpu.memory_space<hbm>>
        tpu.enqueue_dma source(%dma_start3A_151 : memref<80xi32, #tpu.memory_space<hbm>>) target(%arg10 : memref<80xi32, #tpu.memory_space<vmem>>) target_semaphore(%run_scoped3A : memref<!tpu.dma_semaphore, #tpu.memory_space<semaphore_mem>>)
        %dma_wait3A_152 = tpu.memref_slice %arg5[%add3A] : memref<320000xi32, #tpu.memory_space<hbm>> -> memref<80xi32, #tpu.memory_space<hbm>>
        %dma_wait3A_153 = tpu.memref_slice %arg5[%add3A] : memref<320000xi32, #tpu.memory_space<hbm>> -> memref<80xi32, #tpu.memory_space<hbm>>
        tpu.wait_dma2 semaphore(%run_scoped3A : memref<!tpu.dma_semaphore, #tpu.memory_space<semaphore_mem>>) src(%dma_wait3A_153 : memref<80xi32, #tpu.memory_space<hbm>>) dst(%arg10 : memref<80xi32, #tpu.memory_space<vmem>>)
        tpu.yield
      }) : () -> ()
      %get3A_73 = arith.constant 0 : index
      %get3A_74 = tpu.vector_load %arg9[%get3A_73] {strides = array<i32>} : memref<80xi32, #tpu.memory_space<vmem>>, vector<16xi32>,
      %add3A_75 = vector.broadcast %mul3A_55 : i32 to vector<16xi32>
      %add3A_76 = arith.addi %get3A_74, %add3A_75 : vector<16xi32>
      %swap3A = arith.constant 0 : index
      %swap3A_77 = tpu.vector_load %arg11[%swap3A] {strides = array<i32>} : memref<80xi32, #tpu.memory_space<vmem>>, vector<16xi32>,
      tpu.vector_store %arg11[%swap3A], %add3A_76 {strides = array<i32>} : memref<80xi32, #tpu.memory_space<vmem>>, vector<16xi32>,
      %get3A_78 = arith.constant 0 : index
      %get3A_79 = tpu.vector_load %arg10[%get3A_78] {strides = array<i32>} : memref<80xi32, #tpu.memory_space<vmem>>, vector<16xi32>,
      %add3A_80 = vector.broadcast %mul3A_55 : i32 to vector<16xi32>
      %add3A_81 = arith.addi %get3A_79, %add3A_80 : vector<16xi32>
      %swap3A_82 = arith.constant 0 : index
      %swap3A_83 = tpu.vector_load %arg12[%swap3A_82] {strides = array<i32>} : memref<80xi32, #tpu.memory_space<vmem>>, vector<16xi32>,
      tpu.vector_store %arg12[%swap3A_82], %add3A_81 {strides = array<i32>} : memref<80xi32, #tpu.memory_space<vmem>>, vector<16xi32>,
      %get3A_84 = arith.constant 16 : index
      %get3A_85 = tpu.vector_load %arg9[%get3A_84] {strides = array<i32>} : memref<80xi32, #tpu.memory_space<vmem>>, vector<16xi32>,
      %add3A_86 = vector.broadcast %mul3A_55 : i32 to vector<16xi32>
      %add3A_87 = arith.addi %get3A_85, %add3A_86 : vector<16xi32>
      %swap3A_88 = arith.constant 16 : index
      %swap3A_89 = tpu.vector_load %arg11[%swap3A_88] {strides = array<i32>} : memref<80xi32, #tpu.memory_space<vmem>>, vector<16xi32>,
      tpu.vector_store %arg11[%swap3A_88], %add3A_87 {strides = array<i32>} : memref<80xi32, #tpu.memory_space<vmem>>, vector<16xi32>,
      %get3A_90 = arith.constant 16 : index
      %get3A_91 = tpu.vector_load %arg10[%get3A_90] {strides = array<i32>} : memref<80xi32, #tpu.memory_space<vmem>>, vector<16xi32>,
      %add3A_92 = vector.broadcast %mul3A_55 : i32 to vector<16xi32>
      %add3A_93 = arith.addi %get3A_91, %add3A_92 : vector<16xi32>
      %swap3A_94 = arith.constant 16 : index
      %swap3A_95 = tpu.vector_load %arg12[%swap3A_94] {strides = array<i32>} : memref<80xi32, #tpu.memory_space<vmem>>, vector<16xi32>,
      tpu.vector_store %arg12[%swap3A_94], %add3A_93 {strides = array<i32>} : memref<80xi32, #tpu.memory_space<vmem>>, vector<16xi32>,
      %get3A_96 = arith.constant 32 : index
      %get3A_97 = tpu.vector_load %arg9[%get3A_96] {strides = array<i32>} : memref<80xi32, #tpu.memory_space<vmem>>, vector<16xi32>,
      %add3A_98 = vector.broadcast %mul3A_55 : i32 to vector<16xi32>
      %add3A_99 = arith.addi %get3A_97, %add3A_98 : vector<16xi32>
      %swap3A_100 = arith.constant 32 : index
      %swap3A_101 = tpu.vector_load %arg11[%swap3A_100] {strides = array<i32>} : memref<80xi32, #tpu.memory_space<vmem>>, vector<16xi32>,
      tpu.vector_store %arg11[%swap3A_100], %add3A_99 {strides = array<i32>} : memref<80xi32, #tpu.memory_space<vmem>>, vector<16xi32>,
      %get3A_102 = arith.constant 32 : index
      %get3A_103 = tpu.vector_load %arg10[%get3A_102] {strides = array<i32>} : memref<80xi32, #tpu.memory_space<vmem>>, vector<16xi32>,
      %add3A_104 = vector.broadcast %mul3A_55 : i32 to vector<16xi32>
      %add3A_105 = arith.addi %get3A_103, %add3A_104 : vector<16xi32>
      %swap3A_106 = arith.constant 32 : index
      %swap3A_107 = tpu.vector_load %arg12[%swap3A_106] {strides = array<i32>} : memref<80xi32, #tpu.memory_space<vmem>>, vector<16xi32>,
      tpu.vector_store %arg12[%swap3A_106], %add3A_105 {strides = array<i32>} : memref<80xi32, #tpu.memory_space<vmem>>, vector<16xi32>,
      %get3A_108 = arith.constant 48 : index
      %get3A_109 = tpu.vector_load %arg9[%get3A_108] {strides = array<i32>} : memref<80xi32, #tpu.memory_space<vmem>>, vector<16xi32>,
      %add3A_110 = vector.broadcast %mul3A_55 : i32 to vector<16xi32>
      %add3A_111 = arith.addi %get3A_109, %add3A_110 : vector<16xi32>
      %swap3A_112 = arith.constant 48 : index
      %swap3A_113 = tpu.vector_load %arg11[%swap3A_112] {strides = array<i32>} : memref<80xi32, #tpu.memory_space<vmem>>, vector<16xi32>,
      tpu.vector_store %arg11[%swap3A_112], %add3A_111 {strides = array<i32>} : memref<80xi32, #tpu.memory_space<vmem>>, vector<16xi32>,
      %get3A_114 = arith.constant 48 : index
      %get3A_115 = tpu.vector_load %arg10[%get3A_114] {strides = array<i32>} : memref<80xi32, #tpu.memory_space<vmem>>, vector<16xi32>,
      %add3A_116 = vector.broadcast %mul3A_55 : i32 to vector<16xi32>
      %add3A_117 = arith.addi %get3A_115, %add3A_116 : vector<16xi32>
      %swap3A_118 = arith.constant 48 : index
      %swap3A_119 = tpu.vector_load %arg12[%swap3A_118] {strides = array<i32>} : memref<80xi32, #tpu.memory_space<vmem>>, vector<16xi32>,
      tpu.vector_store %arg12[%swap3A_118], %add3A_117 {strides = array<i32>} : memref<80xi32, #tpu.memory_space<vmem>>, vector<16xi32>,
      %get3A_120 = arith.constant 64 : index
      %get3A_121 = tpu.vector_load %arg9[%get3A_120] {strides = array<i32>} : memref<80xi32, #tpu.memory_space<vmem>>, vector<16xi32>,
      %add3A_122 = vector.broadcast %mul3A_55 : i32 to vector<16xi32>
      %add3A_123 = arith.addi %get3A_121, %add3A_122 : vector<16xi32>
      %swap3A_124 = arith.constant 64 : index
      %swap3A_125 = tpu.vector_load %arg11[%swap3A_124] {strides = array<i32>} : memref<80xi32, #tpu.memory_space<vmem>>, vector<16xi32>,
      tpu.vector_store %arg11[%swap3A_124], %add3A_123 {strides = array<i32>} : memref<80xi32, #tpu.memory_space<vmem>>, vector<16xi32>,
      %get3A_126 = arith.constant 64 : index
      %get3A_127 = tpu.vector_load %arg10[%get3A_126] {strides = array<i32>} : memref<80xi32, #tpu.memory_space<vmem>>, vector<16xi32>,
      %add3A_128 = vector.broadcast %mul3A_55 : i32 to vector<16xi32>
      %add3A_129 = arith.addi %get3A_127, %add3A_128 : vector<16xi32>
      %swap3A_130 = arith.constant 64 : index
      %swap3A_131 = tpu.vector_load %arg12[%swap3A_130] {strides = array<i32>} : memref<80xi32, #tpu.memory_space<vmem>>, vector<16xi32>,
      tpu.vector_store %arg12[%swap3A_130], %add3A_129 {strides = array<i32>} : memref<80xi32, #tpu.memory_space<vmem>>, vector<16xi32>,
      %dma_start3A = arith.constant 0 : i32
      %dma_start3A_132 = arith.constant 0 : i32
      %dma_start3A_133 = tpu.memref_slice %arg2[%dma_start3A, %dma_start3A_132] : memref<20000x128xf32, #tpu.memory_space<hbm>> -> memref<20000x128xf32, #tpu.memory_space<hbm>>
      tpu.enqueue_indirect_dma source(%dma_start3A_133 : memref<20000x128xf32, #tpu.memory_space<hbm>>) target(%arg13 : memref<80x128xf32, #tpu.memory_space<vmem>>) offsets(%arg11 : memref<80xi32, #tpu.memory_space<vmem>>) semaphore(%arg23 : memref<!tpu.dma_semaphore, #tpu.memory_space<semaphore_mem>>)
      %dma_start3A_134 = arith.constant 0 : i32
      %dma_start3A_135 = arith.constant 0 : i32
      %dma_start3A_136 = tpu.memref_slice %arg3[%dma_start3A_134, %dma_start3A_135] : memref<20000x128xf32, #tpu.memory_space<hbm>> -> memref<20000x128xf32, #tpu.memory_space<hbm>>
      tpu.enqueue_indirect_dma source(%dma_start3A_136 : memref<20000x128xf32, #tpu.memory_space<hbm>>) target(%arg14 : memref<80x128xf32, #tpu.memory_space<vmem>>) offsets(%arg12 : memref<80xi32, #tpu.memory_space<vmem>>) semaphore(%arg24 : memref<!tpu.dma_semaphore, #tpu.memory_space<semaphore_mem>>)
      %dma_wait3A = arith.constant 0 : i32
      %dma_wait3A_137 = arith.constant 0 : i32
      %dma_wait3A_138 = tpu.memref_slice %arg2[%dma_wait3A, %dma_wait3A_137] : memref<20000x128xf32, #tpu.memory_space<hbm>> -> memref<20000x128xf32, #tpu.memory_space<hbm>>
      tpu.wait_indirect_dma semaphore(%arg23 : memref<!tpu.dma_semaphore, #tpu.memory_space<semaphore_mem>>) src(%dma_wait3A_138 : memref<20000x128xf32, #tpu.memory_space<hbm>>) dst(%arg13 : memref<80x128xf32, #tpu.memory_space<vmem>>)
      %dma_wait3A_139 = arith.constant 0 : i32
      %dma_wait3A_140 = arith.constant 0 : i32
      %dma_wait3A_141 = tpu.memref_slice %arg3[%dma_wait3A_139, %dma_wait3A_140] : memref<20000x128xf32, #tpu.memory_space<hbm>> -> memref<20000x128xf32, #tpu.memory_space<hbm>>
      tpu.wait_indirect_dma semaphore(%arg24 : memref<!tpu.dma_semaphore, #tpu.memory_space<semaphore_mem>>) src(%dma_wait3A_141 : memref<20000x128xf32, #tpu.memory_space<hbm>>) dst(%arg14 : memref<80x128xf32, #tpu.memory_space<vmem>>)
      %scan3A_142 = arith.constant 0 : i32
      %scan3A_143 = arith.constant 0 : i32
      %scan3A_144 = arith.constant 20 : i32
      %scan3A_145 = arith.addi %scan3A_143, %scan3A_144 : i32
      %scan3A_146 = arith.constant 1 : i32
      %scan3A_147 = scf.for %scan3A_150 = %scan3A_143 to %scan3A_145 step %scan3A_146 iter_args(%scan3A_151 = %scan3A_142) -> (i32)  : i32 {
        %mul3A_152 = arith.constant 4 : i32
        %mul3A_153 = arith.muli %scan3A_150, %mul3A_152 : i32
        %add3A_154 = arith.constant 0 : i32
        %add3A_155 = arith.addi %mul3A_153, %add3A_154 : i32
        %get3A_156 = arith.index_cast %add3A_155 : i32 to index
        %get3A_157 = arith.constant 0 : index
        %get3A_158 = tpu.vector_load %arg13[%get3A_156, %get3A_157] {strides = array<i32>} : memref<80x128xf32, #tpu.memory_space<vmem>>, vector<16xf32>,
        %get3A_159 = arith.index_cast %add3A_155 : i32 to index
        %get3A_160 = arith.constant 0 : index
        %get3A_161 = tpu.vector_load %arg14[%get3A_159, %get3A_160] {strides = array<i32>} : memref<80x128xf32, #tpu.memory_space<vmem>>, vector<16xf32>,
        %add3A_162 = arith.addf %get3A_158, %get3A_161 : vector<16xf32>
        %max3A = arith.constant 0.000000e+00 : f32
        %max3A_163 = vector.broadcast %max3A : f32 to vector<16xf32>
        %max3A_164 = arith.maximumf %add3A_162, %max3A_163 : vector<16xf32>
        %min3A = arith.constant 0.000000e+00 : f32
        %min3A_165 = vector.broadcast %min3A : f32 to vector<16xf32>
        %min3A_166 = arith.minimumf %add3A_162, %min3A_165 : vector<16xf32>
        %mul3A_167 = arith.constant 2.000000e-01 : f32
        %mul3A_168 = vector.broadcast %mul3A_167 : f32 to vector<16xf32>
        %mul3A_169 = arith.mulf %mul3A_168, %min3A_166 : vector<16xf32>
        %add3A_170 = arith.addf %max3A_164, %mul3A_169 : vector<16xf32>
        %mul3A_171 = arith.mulf %add3A_170, %get3A_26 : vector<16xf32>
        %get3A_172 = arith.index_cast %add3A_155 : i32 to index
        %get3A_173 = arith.constant 16 : index
        %get3A_174 = tpu.vector_load %arg13[%get3A_172, %get3A_173] {strides = array<i32>} : memref<80x128xf32, #tpu.memory_space<vmem>>, vector<16xf32>,
        %get3A_175 = arith.index_cast %add3A_155 : i32 to index
        %get3A_176 = arith.constant 16 : index
        %get3A_177 = tpu.vector_load %arg14[%get3A_175, %get3A_176] {strides = array<i32>} : memref<80x128xf32, #tpu.memory_space<vmem>>, vector<16xf32>,
        %add3A_178 = arith.addf %get3A_174, %get3A_177 : vector<16xf32>
        %max3A_179 = arith.constant 0.000000e+00 : f32
        %max3A_180 = vector.broadcast %max3A_179 : f32 to vector<16xf32>
        %max3A_181 = arith.maximumf %add3A_178, %max3A_180 : vector<16xf32>
        %min3A_182 = arith.constant 0.000000e+00 : f32
        %min3A_183 = vector.broadcast %min3A_182 : f32 to vector<16xf32>
        %min3A_184 = arith.minimumf %add3A_178, %min3A_183 : vector<16xf32>
        %mul3A_185 = arith.constant 2.000000e-01 : f32
        %mul3A_186 = vector.broadcast %mul3A_185 : f32 to vector<16xf32>
        %mul3A_187 = arith.mulf %mul3A_186, %min3A_184 : vector<16xf32>
        %add3A_188 = arith.addf %max3A_181, %mul3A_187 : vector<16xf32>
        %mul3A_189 = arith.mulf %add3A_188, %get3A_28 : vector<16xf32>
        %add3A_190 = arith.addf %mul3A_171, %mul3A_189 : vector<16xf32>
        %get3A_191 = arith.index_cast %add3A_155 : i32 to index
        %get3A_192 = arith.constant 32 : index
        %get3A_193 = tpu.vector_load %arg13[%get3A_191, %get3A_192] {strides = array<i32>} : memref<80x128xf32, #tpu.memory_space<vmem>>, vector<16xf32>,
        %get3A_194 = arith.index_cast %add3A_155 : i32 to index
        %get3A_195 = arith.constant 32 : index
        %get3A_196 = tpu.vector_load %arg14[%get3A_194, %get3A_195] {strides = array<i32>} : memref<80x128xf32, #tpu.memory_space<vmem>>, vector<16xf32>,
        %add3A_197 = arith.addf %get3A_193, %get3A_196 : vector<16xf32>
        %max3A_198 = arith.constant 0.000000e+00 : f32
        %max3A_199 = vector.broadcast %max3A_198 : f32 to vector<16xf32>
        %max3A_200 = arith.maximumf %add3A_197, %max3A_199 : vector<16xf32>
        %min3A_201 = arith.constant 0.000000e+00 : f32
        %min3A_202 = vector.broadcast %min3A_201 : f32 to vector<16xf32>
        %min3A_203 = arith.minimumf %add3A_197, %min3A_202 : vector<16xf32>
        %mul3A_204 = arith.constant 2.000000e-01 : f32
        %mul3A_205 = vector.broadcast %mul3A_204 : f32 to vector<16xf32>
        %mul3A_206 = arith.mulf %mul3A_205, %min3A_203 : vector<16xf32>
        %add3A_207 = arith.addf %max3A_200, %mul3A_206 : vector<16xf32>
        %mul3A_208 = arith.mulf %add3A_207, %get3A_30 : vector<16xf32>
        %add3A_209 = arith.addf %add3A_190, %mul3A_208 : vector<16xf32>
        %get3A_210 = arith.index_cast %add3A_155 : i32 to index
        %get3A_211 = arith.constant 48 : index
        %get3A_212 = tpu.vector_load %arg13[%get3A_210, %get3A_211] {strides = array<i32>} : memref<80x128xf32, #tpu.memory_space<vmem>>, vector<16xf32>,
        %get3A_213 = arith.index_cast %add3A_155 : i32 to index
        %get3A_214 = arith.constant 48 : index
        %get3A_215 = tpu.vector_load %arg14[%get3A_213, %get3A_214] {strides = array<i32>} : memref<80x128xf32, #tpu.memory_space<vmem>>, vector<16xf32>,
        %add3A_216 = arith.addf %get3A_212, %get3A_215 : vector<16xf32>
        %max3A_217 = arith.constant 0.000000e+00 : f32
        %max3A_218 = vector.broadcast %max3A_217 : f32 to vector<16xf32>
        %max3A_219 = arith.maximumf %add3A_216, %max3A_218 : vector<16xf32>
        %min3A_220 = arith.constant 0.000000e+00 : f32
        %min3A_221 = vector.broadcast %min3A_220 : f32 to vector<16xf32>
        %min3A_222 = arith.minimumf %add3A_216, %min3A_221 : vector<16xf32>
        %mul3A_223 = arith.constant 2.000000e-01 : f32
        %mul3A_224 = vector.broadcast %mul3A_223 : f32 to vector<16xf32>
        %mul3A_225 = arith.mulf %mul3A_224, %min3A_222 : vector<16xf32>
        %add3A_226 = arith.addf %max3A_219, %mul3A_225 : vector<16xf32>
        %mul3A_227 = arith.mulf %add3A_226, %get3A_32 : vector<16xf32>
        %add3A_228 = arith.addf %add3A_209, %mul3A_227 : vector<16xf32>
        %swap3A_229 = arith.constant 0 : index
        %swap3A_230 = tpu.vector_load %arg20[%swap3A_229] {strides = array<i32>} : memref<512xf32, #tpu.memory_space<vmem>>, vector<16xf32>,
        tpu.vector_store %arg20[%swap3A_229], %add3A_228 {strides = array<i32>} : memref<512xf32, #tpu.memory_space<vmem>>, vector<16xf32>,
        %add3A_231 = arith.constant 0 : i32
        %add3A_232 = vector.broadcast %add3A_231 : i32 to vector<16xi32>
        %add3A_233 = arith.addi %add3A_232, %xor3A_42 : vector<16xi32>
        %gather3A = tpu.vector_load_idx %arg20[%add3A_233] : memref<512xf32, #tpu.memory_space<vmem>>[vector<16xi32>], vector<16xf32>,
        %add3A_234 = arith.addf %add3A_228, %gather3A : vector<16xf32>
        %swap3A_235 = arith.constant 16 : index
        %swap3A_236 = tpu.vector_load %arg20[%swap3A_235] {strides = array<i32>} : memref<512xf32, #tpu.memory_space<vmem>>, vector<16xf32>,
        tpu.vector_store %arg20[%swap3A_235], %add3A_234 {strides = array<i32>} : memref<512xf32, #tpu.memory_space<vmem>>, vector<16xf32>,
        %add3A_237 = arith.constant 16 : i32
        %add3A_238 = vector.broadcast %add3A_237 : i32 to vector<16xi32>
        %add3A_239 = arith.addi %add3A_238, %xor3A_45 : vector<16xi32>
        %gather3A_240 = tpu.vector_load_idx %arg20[%add3A_239] : memref<512xf32, #tpu.memory_space<vmem>>[vector<16xi32>], vector<16xf32>,
        %add3A_241 = arith.addf %add3A_234, %gather3A_240 : vector<16xf32>
        %swap3A_242 = arith.constant 32 : index
        %swap3A_243 = tpu.vector_load %arg20[%swap3A_242] {strides = array<i32>} : memref<512xf32, #tpu.memory_space<vmem>>, vector<16xf32>,
        tpu.vector_store %arg20[%swap3A_242], %add3A_241 {strides = array<i32>} : memref<512xf32, #tpu.memory_space<vmem>>, vector<16xf32>,
        %add3A_244 = arith.constant 32 : i32
        %add3A_245 = vector.broadcast %add3A_244 : i32 to vector<16xi32>
        %add3A_246 = arith.addi %add3A_245, %xor3A_48 : vector<16xi32>
        %gather3A_247 = tpu.vector_load_idx %arg20[%add3A_246] : memref<512xf32, #tpu.memory_space<vmem>>[vector<16xi32>], vector<16xf32>,
        %add3A_248 = arith.addf %add3A_241, %gather3A_247 : vector<16xf32>
        %swap3A_249 = arith.constant 48 : index
        %swap3A_250 = tpu.vector_load %arg20[%swap3A_249] {strides = array<i32>} : memref<512xf32, #tpu.memory_space<vmem>>, vector<16xf32>,
        tpu.vector_store %arg20[%swap3A_249], %add3A_248 {strides = array<i32>} : memref<512xf32, #tpu.memory_space<vmem>>, vector<16xf32>,
        %add3A_251 = arith.constant 48 : i32
        %add3A_252 = vector.broadcast %add3A_251 : i32 to vector<16xi32>
        %add3A_253 = arith.addi %add3A_252, %xor3A_51 : vector<16xi32>
        %gather3A_254 = tpu.vector_load_idx %arg20[%add3A_253] : memref<512xf32, #tpu.memory_space<vmem>>[vector<16xi32>], vector<16xf32>,
        %add3A_255 = arith.addf %add3A_248, %gather3A_254 : vector<16xf32>
        %exp3A = math.exp %add3A_255 : vector<16xf32>
        %mul3A_256 = arith.mulf %exp3A, %get3A_158 : vector<16xf32>
        %swap3A_257 = arith.index_cast %add3A_155 : i32 to index
        %swap3A_258 = arith.constant 0 : index
        %swap3A_259 = tpu.vector_load %arg15[%swap3A_257, %swap3A_258] {strides = array<i32>} : memref<80x128xf32, #tpu.memory_space<vmem>>, vector<16xf32>,
        tpu.vector_store %arg15[%swap3A_257, %swap3A_258], %mul3A_256 {strides = array<i32>} : memref<80x128xf32, #tpu.memory_space<vmem>>, vector<16xf32>,
        %mul3A_260 = arith.mulf %exp3A, %get3A_174 : vector<16xf32>
        %swap3A_261 = arith.index_cast %add3A_155 : i32 to index
        %swap3A_262 = arith.constant 16 : index
        %swap3A_263 = tpu.vector_load %arg15[%swap3A_261, %swap3A_262] {strides = array<i32>} : memref<80x128xf32, #tpu.memory_space<vmem>>, vector<16xf32>,
        tpu.vector_store %arg15[%swap3A_261, %swap3A_262], %mul3A_260 {strides = array<i32>} : memref<80x128xf32, #tpu.memory_space<vmem>>, vector<16xf32>,
        %mul3A_264 = arith.mulf %exp3A, %get3A_193 : vector<16xf32>
        %swap3A_265 = arith.index_cast %add3A_155 : i32 to index
        %swap3A_266 = arith.constant 32 : index
        %swap3A_267 = tpu.vector_load %arg15[%swap3A_265, %swap3A_266] {strides = array<i32>} : memref<80x128xf32, #tpu.memory_space<vmem>>, vector<16xf32>,
        tpu.vector_store %arg15[%swap3A_265, %swap3A_266], %mul3A_264 {strides = array<i32>} : memref<80x128xf32, #tpu.memory_space<vmem>>, vector<16xf32>,
        %mul3A_268 = arith.mulf %exp3A, %get3A_212 : vector<16xf32>
        %swap3A_269 = arith.index_cast %add3A_155 : i32 to index
        %swap3A_270 = arith.constant 48 : index
        %swap3A_271 = tpu.vector_load %arg15[%swap3A_269, %swap3A_270] {strides = array<i32>} : memref<80x128xf32, #tpu.memory_space<vmem>>, vector<16xf32>,
        tpu.vector_store %arg15[%swap3A_269, %swap3A_270], %mul3A_268 {strides = array<i32>} : memref<80x128xf32, #tpu.memory_space<vmem>>, vector<16xf32>,
        %get3A_272 = arith.index_cast %add3A_155 : i32 to index
        %get3A_273 = arith.constant 64 : index
        %get3A_274 = tpu.vector_load %arg13[%get3A_272, %get3A_273] {strides = array<i32>} : memref<80x128xf32, #tpu.memory_space<vmem>>, vector<16xf32>,
        %get3A_275 = arith.index_cast %add3A_155 : i32 to index
        %get3A_276 = arith.constant 64 : index
        %get3A_277 = tpu.vector_load %arg14[%get3A_275, %get3A_276] {strides = array<i32>} : memref<80x128xf32, #tpu.memory_space<vmem>>, vector<16xf32>,
        %add3A_278 = arith.addf %get3A_274, %get3A_277 : vector<16xf32>
        %max3A_279 = arith.constant 0.000000e+00 : f32
        %max3A_280 = vector.broadcast %max3A_279 : f32 to vector<16xf32>
        %max3A_281 = arith.maximumf %add3A_278, %max3A_280 : vector<16xf32>
        %min3A_282 = arith.constant 0.000000e+00 : f32
        %min3A_283 = vector.broadcast %min3A_282 : f32 to vector<16xf32>
        %min3A_284 = arith.minimumf %add3A_278, %min3A_283 : vector<16xf32>
        %mul3A_285 = arith.constant 2.000000e-01 : f32
        %mul3A_286 = vector.broadcast %mul3A_285 : f32 to vector<16xf32>
        %mul3A_287 = arith.mulf %mul3A_286, %min3A_284 : vector<16xf32>
        %add3A_288 = arith.addf %max3A_281, %mul3A_287 : vector<16xf32>
        %mul3A_289 = arith.mulf %add3A_288, %get3A_34 : vector<16xf32>
        %get3A_290 = arith.index_cast %add3A_155 : i32 to index
        %get3A_291 = arith.constant 80 : index
        %get3A_292 = tpu.vector_load %arg13[%get3A_290, %get3A_291] {strides = array<i32>} : memref<80x128xf32, #tpu.memory_space<vmem>>, vector<16xf32>,
        %get3A_293 = arith.index_cast %add3A_155 : i32 to index
        %get3A_294 = arith.constant 80 : index
        %get3A_295 = tpu.vector_load %arg14[%get3A_293, %get3A_294] {strides = array<i32>} : memref<80x128xf32, #tpu.memory_space<vmem>>, vector<16xf32>,
        %add3A_296 = arith.addf %get3A_292, %get3A_295 : vector<16xf32>
        %max3A_297 = arith.constant 0.000000e+00 : f32
        %max3A_298 = vector.broadcast %max3A_297 : f32 to vector<16xf32>
        %max3A_299 = arith.maximumf %add3A_296, %max3A_298 : vector<16xf32>
        %min3A_300 = arith.constant 0.000000e+00 : f32
        %min3A_301 = vector.broadcast %min3A_300 : f32 to vector<16xf32>
        %min3A_302 = arith.minimumf %add3A_296, %min3A_301 : vector<16xf32>
        %mul3A_303 = arith.constant 2.000000e-01 : f32
        %mul3A_304 = vector.broadcast %mul3A_303 : f32 to vector<16xf32>
        %mul3A_305 = arith.mulf %mul3A_304, %min3A_302 : vector<16xf32>
        %add3A_306 = arith.addf %max3A_299, %mul3A_305 : vector<16xf32>
        %mul3A_307 = arith.mulf %add3A_306, %get3A_36 : vector<16xf32>
        %add3A_308 = arith.addf %mul3A_289, %mul3A_307 : vector<16xf32>
        %get3A_309 = arith.index_cast %add3A_155 : i32 to index
        %get3A_310 = arith.constant 96 : index
        %get3A_311 = tpu.vector_load %arg13[%get3A_309, %get3A_310] {strides = array<i32>} : memref<80x128xf32, #tpu.memory_space<vmem>>, vector<16xf32>,
        %get3A_312 = arith.index_cast %add3A_155 : i32 to index
        %get3A_313 = arith.constant 96 : index
        %get3A_314 = tpu.vector_load %arg14[%get3A_312, %get3A_313] {strides = array<i32>} : memref<80x128xf32, #tpu.memory_space<vmem>>, vector<16xf32>,
        %add3A_315 = arith.addf %get3A_311, %get3A_314 : vector<16xf32>
        %max3A_316 = arith.constant 0.000000e+00 : f32
        %max3A_317 = vector.broadcast %max3A_316 : f32 to vector<16xf32>
        %max3A_318 = arith.maximumf %add3A_315, %max3A_317 : vector<16xf32>
        %min3A_319 = arith.constant 0.000000e+00 : f32
        %min3A_320 = vector.broadcast %min3A_319 : f32 to vector<16xf32>
        %min3A_321 = arith.minimumf %add3A_315, %min3A_320 : vector<16xf32>
        %mul3A_322 = arith.constant 2.000000e-01 : f32
        %mul3A_323 = vector.broadcast %mul3A_322 : f32 to vector<16xf32>
        %mul3A_324 = arith.mulf %mul3A_323, %min3A_321 : vector<16xf32>
        %add3A_325 = arith.addf %max3A_318, %mul3A_324 : vector<16xf32>
        %mul3A_326 = arith.mulf %add3A_325, %get3A_38 : vector<16xf32>
        %add3A_327 = arith.addf %add3A_308, %mul3A_326 : vector<16xf32>
        %get3A_328 = arith.index_cast %add3A_155 : i32 to index
        %get3A_329 = arith.constant 112 : index
        %get3A_330 = tpu.vector_load %arg13[%get3A_328, %get3A_329] {strides = array<i32>} : memref<80x128xf32, #tpu.memory_space<vmem>>, vector<16xf32>,
        %get3A_331 = arith.index_cast %add3A_155 : i32 to index
        %get3A_332 = arith.constant 112 : index
        %get3A_333 = tpu.vector_load %arg14[%get3A_331, %get3A_332] {strides = array<i32>} : memref<80x128xf32, #tpu.memory_space<vmem>>, vector<16xf32>,
        %add3A_334 = arith.addf %get3A_330, %get3A_333 : vector<16xf32>
        %max3A_335 = arith.constant 0.000000e+00 : f32
        %max3A_336 = vector.broadcast %max3A_335 : f32 to vector<16xf32>
        %max3A_337 = arith.maximumf %add3A_334, %max3A_336 : vector<16xf32>
        %min3A_338 = arith.constant 0.000000e+00 : f32
        %min3A_339 = vector.broadcast %min3A_338 : f32 to vector<16xf32>
        %min3A_340 = arith.minimumf %add3A_334, %min3A_339 : vector<16xf32>
        %mul3A_341 = arith.constant 2.000000e-01 : f32
        %mul3A_342 = vector.broadcast %mul3A_341 : f32 to vector<16xf32>
        %mul3A_343 = arith.mulf %mul3A_342, %min3A_340 : vector<16xf32>
        %add3A_344 = arith.addf %max3A_337, %mul3A_343 : vector<16xf32>
        %mul3A_345 = arith.mulf %add3A_344, %get3A_40 : vector<16xf32>
        %add3A_346 = arith.addf %add3A_327, %mul3A_345 : vector<16xf32>
        %swap3A_347 = arith.constant 64 : index
        %swap3A_348 = tpu.vector_load %arg20[%swap3A_347] {strides = array<i32>} : memref<512xf32, #tpu.memory_space<vmem>>, vector<16xf32>,
        tpu.vector_store %arg20[%swap3A_347], %add3A_346 {strides = array<i32>} : memref<512xf32, #tpu.memory_space<vmem>>, vector<16xf32>,
        %add3A_349 = arith.constant 64 : i32
        %add3A_350 = vector.broadcast %add3A_349 : i32 to vector<16xi32>
        %add3A_351 = arith.addi %add3A_350, %xor3A_42 : vector<16xi32>
        %gather3A_352 = tpu.vector_load_idx %arg20[%add3A_351] : memref<512xf32, #tpu.memory_space<vmem>>[vector<16xi32>], vector<16xf32>,
        %add3A_353 = arith.addf %add3A_346, %gather3A_352 : vector<16xf32>
        %swap3A_354 = arith.constant 80 : index
        %swap3A_355 = tpu.vector_load %arg20[%swap3A_354] {strides = array<i32>} : memref<512xf32, #tpu.memory_space<vmem>>, vector<16xf32>,
        tpu.vector_store %arg20[%swap3A_354], %add3A_353 {strides = array<i32>} : memref<512xf32, #tpu.memory_space<vmem>>, vector<16xf32>,
        %add3A_356 = arith.constant 80 : i32
        %add3A_357 = vector.broadcast %add3A_356 : i32 to vector<16xi32>
        %add3A_358 = arith.addi %add3A_357, %xor3A_45 : vector<16xi32>
        %gather3A_359 = tpu.vector_load_idx %arg20[%add3A_358] : memref<512xf32, #tpu.memory_space<vmem>>[vector<16xi32>], vector<16xf32>,
        %add3A_360 = arith.addf %add3A_353, %gather3A_359 : vector<16xf32>
        %swap3A_361 = arith.constant 96 : index
        %swap3A_362 = tpu.vector_load %arg20[%swap3A_361] {strides = array<i32>} : memref<512xf32, #tpu.memory_space<vmem>>, vector<16xf32>,
        tpu.vector_store %arg20[%swap3A_361], %add3A_360 {strides = array<i32>} : memref<512xf32, #tpu.memory_space<vmem>>, vector<16xf32>,
        %add3A_363 = arith.constant 96 : i32
        %add3A_364 = vector.broadcast %add3A_363 : i32 to vector<16xi32>
        %add3A_365 = arith.addi %add3A_364, %xor3A_48 : vector<16xi32>
        %gather3A_366 = tpu.vector_load_idx %arg20[%add3A_365] : memref<512xf32, #tpu.memory_space<vmem>>[vector<16xi32>], vector<16xf32>,
        %add3A_367 = arith.addf %add3A_360, %gather3A_366 : vector<16xf32>
        %swap3A_368 = arith.constant 112 : index
        %swap3A_369 = tpu.vector_load %arg20[%swap3A_368] {strides = array<i32>} : memref<512xf32, #tpu.memory_space<vmem>>, vector<16xf32>,
        tpu.vector_store %arg20[%swap3A_368], %add3A_367 {strides = array<i32>} : memref<512xf32, #tpu.memory_space<vmem>>, vector<16xf32>,
        %add3A_370 = arith.constant 112 : i32
        %add3A_371 = vector.broadcast %add3A_370 : i32 to vector<16xi32>
        %add3A_372 = arith.addi %add3A_371, %xor3A_51 : vector<16xi32>
        %gather3A_373 = tpu.vector_load_idx %arg20[%add3A_372] : memref<512xf32, #tpu.memory_space<vmem>>[vector<16xi32>], vector<16xf32>,
        %add3A_374 = arith.addf %add3A_367, %gather3A_373 : vector<16xf32>
        %exp3A_375 = math.exp %add3A_374 : vector<16xf32>
        %mul3A_376 = arith.mulf %exp3A_375, %get3A_274 : vector<16xf32>
        %swap3A_377 = arith.index_cast %add3A_155 : i32 to index
        %swap3A_378 = arith.constant 64 : index
        %swap3A_379 = tpu.vector_load %arg15[%swap3A_377, %swap3A_378] {strides = array<i32>} : memref<80x128xf32, #tpu.memory_space<vmem>>, vector<16xf32>,
        tpu.vector_store %arg15[%swap3A_377, %swap3A_378], %mul3A_376 {strides = array<i32>} : memref<80x128xf32, #tpu.memory_space<vmem>>, vector<16xf32>,
        %mul3A_380 = arith.mulf %exp3A_375, %get3A_292 : vector<16xf32>
        %swap3A_381 = arith.index_cast %add3A_155 : i32 to index
        %swap3A_382 = arith.constant 80 : index
        %swap3A_383 = tpu.vector_load %arg15[%swap3A_381, %swap3A_382] {strides = array<i32>} : memref<80x128xf32, #tpu.memory_space<vmem>>, vector<16xf32>,
        tpu.vector_store %arg15[%swap3A_381, %swap3A_382], %mul3A_380 {strides = array<i32>} : memref<80x128xf32, #tpu.memory_space<vmem>>, vector<16xf32>,
        %mul3A_384 = arith.mulf %exp3A_375, %get3A_311 : vector<16xf32>
        %swap3A_385 = arith.index_cast %add3A_155 : i32 to index
        %swap3A_386 = arith.constant 96 : index
        %swap3A_387 = tpu.vector_load %arg15[%swap3A_385, %swap3A_386] {strides = array<i32>} : memref<80x128xf32, #tpu.memory_space<vmem>>, vector<16xf32>,
        tpu.vector_store %arg15[%swap3A_385, %swap3A_386], %mul3A_384 {strides = array<i32>} : memref<80x128xf32, #tpu.memory_space<vmem>>, vector<16xf32>,
        %mul3A_388 = arith.mulf %exp3A_375, %get3A_330 : vector<16xf32>
        %swap3A_389 = arith.index_cast %add3A_155 : i32 to index
        %swap3A_390 = arith.constant 112 : index
        %swap3A_391 = tpu.vector_load %arg15[%swap3A_389, %swap3A_390] {strides = array<i32>} : memref<80x128xf32, #tpu.memory_space<vmem>>, vector<16xf32>,
        tpu.vector_store %arg15[%swap3A_389, %swap3A_390], %mul3A_388 {strides = array<i32>} : memref<80x128xf32, #tpu.memory_space<vmem>>, vector<16xf32>,
        %eq3A_392 = arith.constant 0 : i32
        %eq3A_393 = vector.broadcast %eq3A_392 : i32 to vector<16xi32>
        %eq3A_394 = arith.cmpi eq, %iota3A, %eq3A_393 : vector<16xi32>
        %jit3A = arith.constant 0.000000e+00 : f32
        %broadcast_in_dim3A_395 = vector.broadcast %jit3A : f32 to vector<16xf32>
        %select_n3A = arith.select %eq3A_394, %exp3A, %broadcast_in_dim3A_395 : vector<16xi1>, vector<16xf32>
        %eq3A_396 = arith.constant 1 : i32
        %eq3A_397 = vector.broadcast %eq3A_396 : i32 to vector<16xi32>
        %eq3A_398 = arith.cmpi eq, %iota3A, %eq3A_397 : vector<16xi32>
        %jit3A_399 = arith.constant 0.000000e+00 : f32
        %broadcast_in_dim3A_400 = vector.broadcast %jit3A_399 : f32 to vector<16xf32>
        %select_n3A_401 = arith.select %eq3A_398, %exp3A_375, %broadcast_in_dim3A_400 : vector<16xi1>, vector<16xf32>
        %add3A_402 = arith.addf %select_n3A, %select_n3A_401 : vector<16xf32>
        %swap3A_403 = arith.index_cast %add3A_155 : i32 to index
        %swap3A_404 = arith.constant 0 : index
        %swap3A_405 = tpu.vector_load %arg16[%swap3A_403, %swap3A_404] {strides = array<i32>} : memref<80x16xf32, #tpu.memory_space<vmem>>, vector<16xf32>,
        tpu.vector_store %arg16[%swap3A_403, %swap3A_404], %add3A_402 {strides = array<i32>} : memref<80x16xf32, #tpu.memory_space<vmem>>, vector<16xf32>,
        %mul3A_406 = arith.constant 4 : i32
        %mul3A_407 = arith.muli %scan3A_150, %mul3A_406 : i32
        %add3A_408 = arith.constant 1 : i32
        %add3A_409 = arith.addi %mul3A_407, %add3A_408 : i32
        %get3A_410 = arith.index_cast %add3A_409 : i32 to index
        %get3A_411 = arith.constant 0 : index
        %get3A_412 = tpu.vector_load %arg13[%get3A_410, %get3A_411] {strides = array<i32>} : memref<80x128xf32, #tpu.memory_space<vmem>>, vector<16xf32>,
        %get3A_413 = arith.index_cast %add3A_409 : i32 to index
        %get3A_414 = arith.constant 0 : index
        %get3A_415 = tpu.vector_load %arg14[%get3A_413, %get3A_414] {strides = array<i32>} : memref<80x128xf32, #tpu.memory_space<vmem>>, vector<16xf32>,
        %add3A_416 = arith.addf %get3A_412, %get3A_415 : vector<16xf32>
        %max3A_417 = arith.constant 0.000000e+00 : f32
        %max3A_418 = vector.broadcast %max3A_417 : f32 to vector<16xf32>
        %max3A_419 = arith.maximumf %add3A_416, %max3A_418 : vector<16xf32>
        %min3A_420 = arith.constant 0.000000e+00 : f32
        %min3A_421 = vector.broadcast %min3A_420 : f32 to vector<16xf32>
        %min3A_422 = arith.minimumf %add3A_416, %min3A_421 : vector<16xf32>
        %mul3A_423 = arith.constant 2.000000e-01 : f32
        %mul3A_424 = vector.broadcast %mul3A_423 : f32 to vector<16xf32>
        %mul3A_425 = arith.mulf %mul3A_424, %min3A_422 : vector<16xf32>
        %add3A_426 = arith.addf %max3A_419, %mul3A_425 : vector<16xf32>
        %mul3A_427 = arith.mulf %add3A_426, %get3A_26 : vector<16xf32>
        %get3A_428 = arith.index_cast %add3A_409 : i32 to index
        %get3A_429 = arith.constant 16 : index
        %get3A_430 = tpu.vector_load %arg13[%get3A_428, %get3A_429] {strides = array<i32>} : memref<80x128xf32, #tpu.memory_space<vmem>>, vector<16xf32>,
        %get3A_431 = arith.index_cast %add3A_409 : i32 to index
        %get3A_432 = arith.constant 16 : index
        %get3A_433 = tpu.vector_load %arg14[%get3A_431, %get3A_432] {strides = array<i32>} : memref<80x128xf32, #tpu.memory_space<vmem>>, vector<16xf32>,
        %add3A_434 = arith.addf %get3A_430, %get3A_433 : vector<16xf32>
        %max3A_435 = arith.constant 0.000000e+00 : f32
        %max3A_436 = vector.broadcast %max3A_435 : f32 to vector<16xf32>
        %max3A_437 = arith.maximumf %add3A_434, %max3A_436 : vector<16xf32>
        %min3A_438 = arith.constant 0.000000e+00 : f32
        %min3A_439 = vector.broadcast %min3A_438 : f32 to vector<16xf32>
        %min3A_440 = arith.minimumf %add3A_434, %min3A_439 : vector<16xf32>
        %mul3A_441 = arith.constant 2.000000e-01 : f32
        %mul3A_442 = vector.broadcast %mul3A_441 : f32 to vector<16xf32>
        %mul3A_443 = arith.mulf %mul3A_442, %min3A_440 : vector<16xf32>
        %add3A_444 = arith.addf %max3A_437, %mul3A_443 : vector<16xf32>
        %mul3A_445 = arith.mulf %add3A_444, %get3A_28 : vector<16xf32>
        %add3A_446 = arith.addf %mul3A_427, %mul3A_445 : vector<16xf32>
        %get3A_447 = arith.index_cast %add3A_409 : i32 to index
        %get3A_448 = arith.constant 32 : index
        %get3A_449 = tpu.vector_load %arg13[%get3A_447, %get3A_448] {strides = array<i32>} : memref<80x128xf32, #tpu.memory_space<vmem>>, vector<16xf32>,
        %get3A_450 = arith.index_cast %add3A_409 : i32 to index
        %get3A_451 = arith.constant 32 : index
        %get3A_452 = tpu.vector_load %arg14[%get3A_450, %get3A_451] {strides = array<i32>} : memref<80x128xf32, #tpu.memory_space<vmem>>, vector<16xf32>,
        %add3A_453 = arith.addf %get3A_449, %get3A_452 : vector<16xf32>
        %max3A_454 = arith.constant 0.000000e+00 : f32
        %max3A_455 = vector.broadcast %max3A_454 : f32 to vector<16xf32>
        %max3A_456 = arith.maximumf %add3A_453, %max3A_455 : vector<16xf32>
        %min3A_457 = arith.constant 0.000000e+00 : f32
        %min3A_458 = vector.broadcast %min3A_457 : f32 to vector<16xf32>
        %min3A_459 = arith.minimumf %add3A_453, %min3A_458 : vector<16xf32>
        %mul3A_460 = arith.constant 2.000000e-01 : f32
        %mul3A_461 = vector.broadcast %mul3A_460 : f32 to vector<16xf32>
        %mul3A_462 = arith.mulf %mul3A_461, %min3A_459 : vector<16xf32>
        %add3A_463 = arith.addf %max3A_456, %mul3A_462 : vector<16xf32>
        %mul3A_464 = arith.mulf %add3A_463, %get3A_30 : vector<16xf32>
        %add3A_465 = arith.addf %add3A_446, %mul3A_464 : vector<16xf32>
        %get3A_466 = arith.index_cast %add3A_409 : i32 to index
        %get3A_467 = arith.constant 48 : index
        %get3A_468 = tpu.vector_load %arg13[%get3A_466, %get3A_467] {strides = array<i32>} : memref<80x128xf32, #tpu.memory_space<vmem>>, vector<16xf32>,
        %get3A_469 = arith.index_cast %add3A_409 : i32 to index
        %get3A_470 = arith.constant 48 : index
        %get3A_471 = tpu.vector_load %arg14[%get3A_469, %get3A_470] {strides = array<i32>} : memref<80x128xf32, #tpu.memory_space<vmem>>, vector<16xf32>,
        %add3A_472 = arith.addf %get3A_468, %get3A_471 : vector<16xf32>
        %max3A_473 = arith.constant 0.000000e+00 : f32
        %max3A_474 = vector.broadcast %max3A_473 : f32 to vector<16xf32>
        %max3A_475 = arith.maximumf %add3A_472, %max3A_474 : vector<16xf32>
        %min3A_476 = arith.constant 0.000000e+00 : f32
        %min3A_477 = vector.broadcast %min3A_476 : f32 to vector<16xf32>
        %min3A_478 = arith.minimumf %add3A_472, %min3A_477 : vector<16xf32>
        %mul3A_479 = arith.constant 2.000000e-01 : f32
        %mul3A_480 = vector.broadcast %mul3A_479 : f32 to vector<16xf32>
        %mul3A_481 = arith.mulf %mul3A_480, %min3A_478 : vector<16xf32>
        %add3A_482 = arith.addf %max3A_475, %mul3A_481 : vector<16xf32>
        %mul3A_483 = arith.mulf %add3A_482, %get3A_32 : vector<16xf32>
        %add3A_484 = arith.addf %add3A_465, %mul3A_483 : vector<16xf32>
        %swap3A_485 = arith.constant 128 : index
        %swap3A_486 = tpu.vector_load %arg20[%swap3A_485] {strides = array<i32>} : memref<512xf32, #tpu.memory_space<vmem>>, vector<16xf32>,
        tpu.vector_store %arg20[%swap3A_485], %add3A_484 {strides = array<i32>} : memref<512xf32, #tpu.memory_space<vmem>>, vector<16xf32>,
        %add3A_487 = arith.constant 128 : i32
        %add3A_488 = vector.broadcast %add3A_487 : i32 to vector<16xi32>
        %add3A_489 = arith.addi %add3A_488, %xor3A_42 : vector<16xi32>
        %gather3A_490 = tpu.vector_load_idx %arg20[%add3A_489] : memref<512xf32, #tpu.memory_space<vmem>>[vector<16xi32>], vector<16xf32>,
        %add3A_491 = arith.addf %add3A_484, %gather3A_490 : vector<16xf32>
        %swap3A_492 = arith.constant 144 : index
        %swap3A_493 = tpu.vector_load %arg20[%swap3A_492] {strides = array<i32>} : memref<512xf32, #tpu.memory_space<vmem>>, vector<16xf32>,
        tpu.vector_store %arg20[%swap3A_492], %add3A_491 {strides = array<i32>} : memref<512xf32, #tpu.memory_space<vmem>>, vector<16xf32>,
        %add3A_494 = arith.constant 144 : i32
        %add3A_495 = vector.broadcast %add3A_494 : i32 to vector<16xi32>
        %add3A_496 = arith.addi %add3A_495, %xor3A_45 : vector<16xi32>
        %gather3A_497 = tpu.vector_load_idx %arg20[%add3A_496] : memref<512xf32, #tpu.memory_space<vmem>>[vector<16xi32>], vector<16xf32>,
        %add3A_498 = arith.addf %add3A_491, %gather3A_497 : vector<16xf32>
        %swap3A_499 = arith.constant 160 : index
        %swap3A_500 = tpu.vector_load %arg20[%swap3A_499] {strides = array<i32>} : memref<512xf32, #tpu.memory_space<vmem>>, vector<16xf32>,
        tpu.vector_store %arg20[%swap3A_499], %add3A_498 {strides = array<i32>} : memref<512xf32, #tpu.memory_space<vmem>>, vector<16xf32>,
        %add3A_501 = arith.constant 160 : i32
        %add3A_502 = vector.broadcast %add3A_501 : i32 to vector<16xi32>
        %add3A_503 = arith.addi %add3A_502, %xor3A_48 : vector<16xi32>
        %gather3A_504 = tpu.vector_load_idx %arg20[%add3A_503] : memref<512xf32, #tpu.memory_space<vmem>>[vector<16xi32>], vector<16xf32>,
        %add3A_505 = arith.addf %add3A_498, %gather3A_504 : vector<16xf32>
        %swap3A_506 = arith.constant 176 : index
        %swap3A_507 = tpu.vector_load %arg20[%swap3A_506] {strides = array<i32>} : memref<512xf32, #tpu.memory_space<vmem>>, vector<16xf32>,
        tpu.vector_store %arg20[%swap3A_506], %add3A_505 {strides = array<i32>} : memref<512xf32, #tpu.memory_space<vmem>>, vector<16xf32>,
        %add3A_508 = arith.constant 176 : i32
        %add3A_509 = vector.broadcast %add3A_508 : i32 to vector<16xi32>
        %add3A_510 = arith.addi %add3A_509, %xor3A_51 : vector<16xi32>
        %gather3A_511 = tpu.vector_load_idx %arg20[%add3A_510] : memref<512xf32, #tpu.memory_space<vmem>>[vector<16xi32>], vector<16xf32>,
        %add3A_512 = arith.addf %add3A_505, %gather3A_511 : vector<16xf32>
        %exp3A_513 = math.exp %add3A_512 : vector<16xf32>
        %mul3A_514 = arith.mulf %exp3A_513, %get3A_412 : vector<16xf32>
        %swap3A_515 = arith.index_cast %add3A_409 : i32 to index
        %swap3A_516 = arith.constant 0 : index
        %swap3A_517 = tpu.vector_load %arg15[%swap3A_515, %swap3A_516] {strides = array<i32>} : memref<80x128xf32, #tpu.memory_space<vmem>>, vector<16xf32>,
        tpu.vector_store %arg15[%swap3A_515, %swap3A_516], %mul3A_514 {strides = array<i32>} : memref<80x128xf32, #tpu.memory_space<vmem>>, vector<16xf32>,
        %mul3A_518 = arith.mulf %exp3A_513, %get3A_430 : vector<16xf32>
        %swap3A_519 = arith.index_cast %add3A_409 : i32 to index
        %swap3A_520 = arith.constant 16 : index
        %swap3A_521 = tpu.vector_load %arg15[%swap3A_519, %swap3A_520] {strides = array<i32>} : memref<80x128xf32, #tpu.memory_space<vmem>>, vector<16xf32>,
        tpu.vector_store %arg15[%swap3A_519, %swap3A_520], %mul3A_518 {strides = array<i32>} : memref<80x128xf32, #tpu.memory_space<vmem>>, vector<16xf32>,
        %mul3A_522 = arith.mulf %exp3A_513, %get3A_449 : vector<16xf32>
        %swap3A_523 = arith.index_cast %add3A_409 : i32 to index
        %swap3A_524 = arith.constant 32 : index
        %swap3A_525 = tpu.vector_load %arg15[%swap3A_523, %swap3A_524] {strides = array<i32>} : memref<80x128xf32, #tpu.memory_space<vmem>>, vector<16xf32>,
        tpu.vector_store %arg15[%swap3A_523, %swap3A_524], %mul3A_522 {strides = array<i32>} : memref<80x128xf32, #tpu.memory_space<vmem>>, vector<16xf32>,
        %mul3A_526 = arith.mulf %exp3A_513, %get3A_468 : vector<16xf32>
        %swap3A_527 = arith.index_cast %add3A_409 : i32 to index
        %swap3A_528 = arith.constant 48 : index
        %swap3A_529 = tpu.vector_load %arg15[%swap3A_527, %swap3A_528] {strides = array<i32>} : memref<80x128xf32, #tpu.memory_space<vmem>>, vector<16xf32>,
        tpu.vector_store %arg15[%swap3A_527, %swap3A_528], %mul3A_526 {strides = array<i32>} : memref<80x128xf32, #tpu.memory_space<vmem>>, vector<16xf32>,
        %get3A_530 = arith.index_cast %add3A_409 : i32 to index
        %get3A_531 = arith.constant 64 : index
        %get3A_532 = tpu.vector_load %arg13[%get3A_530, %get3A_531] {strides = array<i32>} : memref<80x128xf32, #tpu.memory_space<vmem>>, vector<16xf32>,
        %get3A_533 = arith.index_cast %add3A_409 : i32 to index
        %get3A_534 = arith.constant 64 : index
        %get3A_535 = tpu.vector_load %arg14[%get3A_533, %get3A_534] {strides = array<i32>} : memref<80x128xf32, #tpu.memory_space<vmem>>, vector<16xf32>,
        %add3A_536 = arith.addf %get3A_532, %get3A_535 : vector<16xf32>
        %max3A_537 = arith.constant 0.000000e+00 : f32
        %max3A_538 = vector.broadcast %max3A_537 : f32 to vector<16xf32>
        %max3A_539 = arith.maximumf %add3A_536, %max3A_538 : vector<16xf32>
        %min3A_540 = arith.constant 0.000000e+00 : f32
        %min3A_541 = vector.broadcast %min3A_540 : f32 to vector<16xf32>
        %min3A_542 = arith.minimumf %add3A_536, %min3A_541 : vector<16xf32>
        %mul3A_543 = arith.constant 2.000000e-01 : f32
        %mul3A_544 = vector.broadcast %mul3A_543 : f32 to vector<16xf32>
        %mul3A_545 = arith.mulf %mul3A_544, %min3A_542 : vector<16xf32>
        %add3A_546 = arith.addf %max3A_539, %mul3A_545 : vector<16xf32>
        %mul3A_547 = arith.mulf %add3A_546, %get3A_34 : vector<16xf32>
        %get3A_548 = arith.index_cast %add3A_409 : i32 to index
        %get3A_549 = arith.constant 80 : index
        %get3A_550 = tpu.vector_load %arg13[%get3A_548, %get3A_549] {strides = array<i32>} : memref<80x128xf32, #tpu.memory_space<vmem>>, vector<16xf32>,
        %get3A_551 = arith.index_cast %add3A_409 : i32 to index
        %get3A_552 = arith.constant 80 : index
        %get3A_553 = tpu.vector_load %arg14[%get3A_551, %get3A_552] {strides = array<i32>} : memref<80x128xf32, #tpu.memory_space<vmem>>, vector<16xf32>,
        %add3A_554 = arith.addf %get3A_550, %get3A_553 : vector<16xf32>
        %max3A_555 = arith.constant 0.000000e+00 : f32
        %max3A_556 = vector.broadcast %max3A_555 : f32 to vector<16xf32>
        %max3A_557 = arith.maximumf %add3A_554, %max3A_556 : vector<16xf32>
        %min3A_558 = arith.constant 0.000000e+00 : f32
        %min3A_559 = vector.broadcast %min3A_558 : f32 to vector<16xf32>
        %min3A_560 = arith.minimumf %add3A_554, %min3A_559 : vector<16xf32>
        %mul3A_561 = arith.constant 2.000000e-01 : f32
        %mul3A_562 = vector.broadcast %mul3A_561 : f32 to vector<16xf32>
        %mul3A_563 = arith.mulf %mul3A_562, %min3A_560 : vector<16xf32>
        %add3A_564 = arith.addf %max3A_557, %mul3A_563 : vector<16xf32>
        %mul3A_565 = arith.mulf %add3A_564, %get3A_36 : vector<16xf32>
        %add3A_566 = arith.addf %mul3A_547, %mul3A_565 : vector<16xf32>
        %get3A_567 = arith.index_cast %add3A_409 : i32 to index
        %get3A_568 = arith.constant 96 : index
        %get3A_569 = tpu.vector_load %arg13[%get3A_567, %get3A_568] {strides = array<i32>} : memref<80x128xf32, #tpu.memory_space<vmem>>, vector<16xf32>,
        %get3A_570 = arith.index_cast %add3A_409 : i32 to index
        %get3A_571 = arith.constant 96 : index
        %get3A_572 = tpu.vector_load %arg14[%get3A_570, %get3A_571] {strides = array<i32>} : memref<80x128xf32, #tpu.memory_space<vmem>>, vector<16xf32>,
        %add3A_573 = arith.addf %get3A_569, %get3A_572 : vector<16xf32>
        %max3A_574 = arith.constant 0.000000e+00 : f32
        %max3A_575 = vector.broadcast %max3A_574 : f32 to vector<16xf32>
        %max3A_576 = arith.maximumf %add3A_573, %max3A_575 : vector<16xf32>
        %min3A_577 = arith.constant 0.000000e+00 : f32
        %min3A_578 = vector.broadcast %min3A_577 : f32 to vector<16xf32>
        %min3A_579 = arith.minimumf %add3A_573, %min3A_578 : vector<16xf32>
        %mul3A_580 = arith.constant 2.000000e-01 : f32
        %mul3A_581 = vector.broadcast %mul3A_580 : f32 to vector<16xf32>
        %mul3A_582 = arith.mulf %mul3A_581, %min3A_579 : vector<16xf32>
        %add3A_583 = arith.addf %max3A_576, %mul3A_582 : vector<16xf32>
        %mul3A_584 = arith.mulf %add3A_583, %get3A_38 : vector<16xf32>
        %add3A_585 = arith.addf %add3A_566, %mul3A_584 : vector<16xf32>
        %get3A_586 = arith.index_cast %add3A_409 : i32 to index
        %get3A_587 = arith.constant 112 : index
        %get3A_588 = tpu.vector_load %arg13[%get3A_586, %get3A_587] {strides = array<i32>} : memref<80x128xf32, #tpu.memory_space<vmem>>, vector<16xf32>,
        %get3A_589 = arith.index_cast %add3A_409 : i32 to index
        %get3A_590 = arith.constant 112 : index
        %get3A_591 = tpu.vector_load %arg14[%get3A_589, %get3A_590] {strides = array<i32>} : memref<80x128xf32, #tpu.memory_space<vmem>>, vector<16xf32>,
        %add3A_592 = arith.addf %get3A_588, %get3A_591 : vector<16xf32>
        %max3A_593 = arith.constant 0.000000e+00 : f32
        %max3A_594 = vector.broadcast %max3A_593 : f32 to vector<16xf32>
        %max3A_595 = arith.maximumf %add3A_592, %max3A_594 : vector<16xf32>
        %min3A_596 = arith.constant 0.000000e+00 : f32
        %min3A_597 = vector.broadcast %min3A_596 : f32 to vector<16xf32>
        %min3A_598 = arith.minimumf %add3A_592, %min3A_597 : vector<16xf32>
        %mul3A_599 = arith.constant 2.000000e-01 : f32
        %mul3A_600 = vector.broadcast %mul3A_599 : f32 to vector<16xf32>
        %mul3A_601 = arith.mulf %mul3A_600, %min3A_598 : vector<16xf32>
        %add3A_602 = arith.addf %max3A_595, %mul3A_601 : vector<16xf32>
        %mul3A_603 = arith.mulf %add3A_602, %get3A_40 : vector<16xf32>
        %add3A_604 = arith.addf %add3A_585, %mul3A_603 : vector<16xf32>
        %swap3A_605 = arith.constant 192 : index
        %swap3A_606 = tpu.vector_load %arg20[%swap3A_605] {strides = array<i32>} : memref<512xf32, #tpu.memory_space<vmem>>, vector<16xf32>,
        tpu.vector_store %arg20[%swap3A_605], %add3A_604 {strides = array<i32>} : memref<512xf32, #tpu.memory_space<vmem>>, vector<16xf32>,
        %add3A_607 = arith.constant 192 : i32
        %add3A_608 = vector.broadcast %add3A_607 : i32 to vector<16xi32>
        %add3A_609 = arith.addi %add3A_608, %xor3A_42 : vector<16xi32>
        %gather3A_610 = tpu.vector_load_idx %arg20[%add3A_609] : memref<512xf32, #tpu.memory_space<vmem>>[vector<16xi32>], vector<16xf32>,
        %add3A_611 = arith.addf %add3A_604, %gather3A_610 : vector<16xf32>
        %swap3A_612 = arith.constant 208 : index
        %swap3A_613 = tpu.vector_load %arg20[%swap3A_612] {strides = array<i32>} : memref<512xf32, #tpu.memory_space<vmem>>, vector<16xf32>,
        tpu.vector_store %arg20[%swap3A_612], %add3A_611 {strides = array<i32>} : memref<512xf32, #tpu.memory_space<vmem>>, vector<16xf32>,
        %add3A_614 = arith.constant 208 : i32
        %add3A_615 = vector.broadcast %add3A_614 : i32 to vector<16xi32>
        %add3A_616 = arith.addi %add3A_615, %xor3A_45 : vector<16xi32>
        %gather3A_617 = tpu.vector_load_idx %arg20[%add3A_616] : memref<512xf32, #tpu.memory_space<vmem>>[vector<16xi32>], vector<16xf32>,
        %add3A_618 = arith.addf %add3A_611, %gather3A_617 : vector<16xf32>
        %swap3A_619 = arith.constant 224 : index
        %swap3A_620 = tpu.vector_load %arg20[%swap3A_619] {strides = array<i32>} : memref<512xf32, #tpu.memory_space<vmem>>, vector<16xf32>,
        tpu.vector_store %arg20[%swap3A_619], %add3A_618 {strides = array<i32>} : memref<512xf32, #tpu.memory_space<vmem>>, vector<16xf32>,
        %add3A_621 = arith.constant 224 : i32
        %add3A_622 = vector.broadcast %add3A_621 : i32 to vector<16xi32>
        %add3A_623 = arith.addi %add3A_622, %xor3A_48 : vector<16xi32>
        %gather3A_624 = tpu.vector_load_idx %arg20[%add3A_623] : memref<512xf32, #tpu.memory_space<vmem>>[vector<16xi32>], vector<16xf32>,
        %add3A_625 = arith.addf %add3A_618, %gather3A_624 : vector<16xf32>
        %swap3A_626 = arith.constant 240 : index
        %swap3A_627 = tpu.vector_load %arg20[%swap3A_626] {strides = array<i32>} : memref<512xf32, #tpu.memory_space<vmem>>, vector<16xf32>,
        tpu.vector_store %arg20[%swap3A_626], %add3A_625 {strides = array<i32>} : memref<512xf32, #tpu.memory_space<vmem>>, vector<16xf32>,
        %add3A_628 = arith.constant 240 : i32
        %add3A_629 = vector.broadcast %add3A_628 : i32 to vector<16xi32>
        %add3A_630 = arith.addi %add3A_629, %xor3A_51 : vector<16xi32>
        %gather3A_631 = tpu.vector_load_idx %arg20[%add3A_630] : memref<512xf32, #tpu.memory_space<vmem>>[vector<16xi32>], vector<16xf32>,
        %add3A_632 = arith.addf %add3A_625, %gather3A_631 : vector<16xf32>
        %exp3A_633 = math.exp %add3A_632 : vector<16xf32>
        %mul3A_634 = arith.mulf %exp3A_633, %get3A_532 : vector<16xf32>
        %swap3A_635 = arith.index_cast %add3A_409 : i32 to index
        %swap3A_636 = arith.constant 64 : index
        %swap3A_637 = tpu.vector_load %arg15[%swap3A_635, %swap3A_636] {strides = array<i32>} : memref<80x128xf32, #tpu.memory_space<vmem>>, vector<16xf32>,
        tpu.vector_store %arg15[%swap3A_635, %swap3A_636], %mul3A_634 {strides = array<i32>} : memref<80x128xf32, #tpu.memory_space<vmem>>, vector<16xf32>,
        %mul3A_638 = arith.mulf %exp3A_633, %get3A_550 : vector<16xf32>
        %swap3A_639 = arith.index_cast %add3A_409 : i32 to index
        %swap3A_640 = arith.constant 80 : index
        %swap3A_641 = tpu.vector_load %arg15[%swap3A_639, %swap3A_640] {strides = array<i32>} : memref<80x128xf32, #tpu.memory_space<vmem>>, vector<16xf32>,
        tpu.vector_store %arg15[%swap3A_639, %swap3A_640], %mul3A_638 {strides = array<i32>} : memref<80x128xf32, #tpu.memory_space<vmem>>, vector<16xf32>,
        %mul3A_642 = arith.mulf %exp3A_633, %get3A_569 : vector<16xf32>
        %swap3A_643 = arith.index_cast %add3A_409 : i32 to index
        %swap3A_644 = arith.constant 96 : index
        %swap3A_645 = tpu.vector_load %arg15[%swap3A_643, %swap3A_644] {strides = array<i32>} : memref<80x128xf32, #tpu.memory_space<vmem>>, vector<16xf32>,
        tpu.vector_store %arg15[%swap3A_643, %swap3A_644], %mul3A_642 {strides = array<i32>} : memref<80x128xf32, #tpu.memory_space<vmem>>, vector<16xf32>,
        %mul3A_646 = arith.mulf %exp3A_633, %get3A_588 : vector<16xf32>
        %swap3A_647 = arith.index_cast %add3A_409 : i32 to index
        %swap3A_648 = arith.constant 112 : index
        %swap3A_649 = tpu.vector_load %arg15[%swap3A_647, %swap3A_648] {strides = array<i32>} : memref<80x128xf32, #tpu.memory_space<vmem>>, vector<16xf32>,
        tpu.vector_store %arg15[%swap3A_647, %swap3A_648], %mul3A_646 {strides = array<i32>} : memref<80x128xf32, #tpu.memory_space<vmem>>, vector<16xf32>,
        %eq3A_650 = arith.constant 0 : i32
        %eq3A_651 = vector.broadcast %eq3A_650 : i32 to vector<16xi32>
        %eq3A_652 = arith.cmpi eq, %iota3A, %eq3A_651 : vector<16xi32>
        %jit3A_653 = arith.constant 0.000000e+00 : f32
        %broadcast_in_dim3A_654 = vector.broadcast %jit3A_653 : f32 to vector<16xf32>
        %select_n3A_655 = arith.select %eq3A_652, %exp3A_513, %broadcast_in_dim3A_654 : vector<16xi1>, vector<16xf32>
        %eq3A_656 = arith.constant 1 : i32
        %eq3A_657 = vector.broadcast %eq3A_656 : i32 to vector<16xi32>
        %eq3A_658 = arith.cmpi eq, %iota3A, %eq3A_657 : vector<16xi32>
        %jit3A_659 = arith.constant 0.000000e+00 : f32
        %broadcast_in_dim3A_660 = vector.broadcast %jit3A_659 : f32 to vector<16xf32>
        %select_n3A_661 = arith.select %eq3A_658, %exp3A_633, %broadcast_in_dim3A_660 : vector<16xi1>, vector<16xf32>
        %add3A_662 = arith.addf %select_n3A_655, %select_n3A_661 : vector<16xf32>
        %swap3A_663 = arith.index_cast %add3A_409 : i32 to index
        %swap3A_664 = arith.constant 0 : index
        %swap3A_665 = tpu.vector_load %arg16[%swap3A_663, %swap3A_664] {strides = array<i32>} : memref<80x16xf32, #tpu.memory_space<vmem>>, vector<16xf32>,
        tpu.vector_store %arg16[%swap3A_663, %swap3A_664], %add3A_662 {strides = array<i32>} : memref<80x16xf32, #tpu.memory_space<vmem>>, vector<16xf32>,
        %mul3A_666 = arith.constant 4 : i32
        %mul3A_667 = arith.muli %scan3A_150, %mul3A_666 : i32
        %add3A_668 = arith.constant 2 : i32
        %add3A_669 = arith.addi %mul3A_667, %add3A_668 : i32
        %get3A_670 = arith.index_cast %add3A_669 : i32 to index
        %get3A_671 = arith.constant 0 : index
        %get3A_672 = tpu.vector_load %arg13[%get3A_670, %get3A_671] {strides = array<i32>} : memref<80x128xf32, #tpu.memory_space<vmem>>, vector<16xf32>,
        %get3A_673 = arith.index_cast %add3A_669 : i32 to index
        %get3A_674 = arith.constant 0 : index
        %get3A_675 = tpu.vector_load %arg14[%get3A_673, %get3A_674] {strides = array<i32>} : memref<80x128xf32, #tpu.memory_space<vmem>>, vector<16xf32>,
        %add3A_676 = arith.addf %get3A_672, %get3A_675 : vector<16xf32>
        %max3A_677 = arith.constant 0.000000e+00 : f32
        %max3A_678 = vector.broadcast %max3A_677 : f32 to vector<16xf32>
        %max3A_679 = arith.maximumf %add3A_676, %max3A_678 : vector<16xf32>
        %min3A_680 = arith.constant 0.000000e+00 : f32
        %min3A_681 = vector.broadcast %min3A_680 : f32 to vector<16xf32>
        %min3A_682 = arith.minimumf %add3A_676, %min3A_681 : vector<16xf32>
        %mul3A_683 = arith.constant 2.000000e-01 : f32
        %mul3A_684 = vector.broadcast %mul3A_683 : f32 to vector<16xf32>
        %mul3A_685 = arith.mulf %mul3A_684, %min3A_682 : vector<16xf32>
        %add3A_686 = arith.addf %max3A_679, %mul3A_685 : vector<16xf32>
        %mul3A_687 = arith.mulf %add3A_686, %get3A_26 : vector<16xf32>
        %get3A_688 = arith.index_cast %add3A_669 : i32 to index
        %get3A_689 = arith.constant 16 : index
        %get3A_690 = tpu.vector_load %arg13[%get3A_688, %get3A_689] {strides = array<i32>} : memref<80x128xf32, #tpu.memory_space<vmem>>, vector<16xf32>,
        %get3A_691 = arith.index_cast %add3A_669 : i32 to index
        %get3A_692 = arith.constant 16 : index
        %get3A_693 = tpu.vector_load %arg14[%get3A_691, %get3A_692] {strides = array<i32>} : memref<80x128xf32, #tpu.memory_space<vmem>>, vector<16xf32>,
        %add3A_694 = arith.addf %get3A_690, %get3A_693 : vector<16xf32>
        %max3A_695 = arith.constant 0.000000e+00 : f32
        %max3A_696 = vector.broadcast %max3A_695 : f32 to vector<16xf32>
        %max3A_697 = arith.maximumf %add3A_694, %max3A_696 : vector<16xf32>
        %min3A_698 = arith.constant 0.000000e+00 : f32
        %min3A_699 = vector.broadcast %min3A_698 : f32 to vector<16xf32>
        %min3A_700 = arith.minimumf %add3A_694, %min3A_699 : vector<16xf32>
        %mul3A_701 = arith.constant 2.000000e-01 : f32
        %mul3A_702 = vector.broadcast %mul3A_701 : f32 to vector<16xf32>
        %mul3A_703 = arith.mulf %mul3A_702, %min3A_700 : vector<16xf32>
        %add3A_704 = arith.addf %max3A_697, %mul3A_703 : vector<16xf32>
        %mul3A_705 = arith.mulf %add3A_704, %get3A_28 : vector<16xf32>
        %add3A_706 = arith.addf %mul3A_687, %mul3A_705 : vector<16xf32>
        %get3A_707 = arith.index_cast %add3A_669 : i32 to index
        %get3A_708 = arith.constant 32 : index
        %get3A_709 = tpu.vector_load %arg13[%get3A_707, %get3A_708] {strides = array<i32>} : memref<80x128xf32, #tpu.memory_space<vmem>>, vector<16xf32>,
        %get3A_710 = arith.index_cast %add3A_669 : i32 to index
        %get3A_711 = arith.constant 32 : index
        %get3A_712 = tpu.vector_load %arg14[%get3A_710, %get3A_711] {strides = array<i32>} : memref<80x128xf32, #tpu.memory_space<vmem>>, vector<16xf32>,
        %add3A_713 = arith.addf %get3A_709, %get3A_712 : vector<16xf32>
        %max3A_714 = arith.constant 0.000000e+00 : f32
        %max3A_715 = vector.broadcast %max3A_714 : f32 to vector<16xf32>
        %max3A_716 = arith.maximumf %add3A_713, %max3A_715 : vector<16xf32>
        %min3A_717 = arith.constant 0.000000e+00 : f32
        %min3A_718 = vector.broadcast %min3A_717 : f32 to vector<16xf32>
        %min3A_719 = arith.minimumf %add3A_713, %min3A_718 : vector<16xf32>
        %mul3A_720 = arith.constant 2.000000e-01 : f32
        %mul3A_721 = vector.broadcast %mul3A_720 : f32 to vector<16xf32>
        %mul3A_722 = arith.mulf %mul3A_721, %min3A_719 : vector<16xf32>
        %add3A_723 = arith.addf %max3A_716, %mul3A_722 : vector<16xf32>
        %mul3A_724 = arith.mulf %add3A_723, %get3A_30 : vector<16xf32>
        %add3A_725 = arith.addf %add3A_706, %mul3A_724 : vector<16xf32>
        %get3A_726 = arith.index_cast %add3A_669 : i32 to index
        %get3A_727 = arith.constant 48 : index
        %get3A_728 = tpu.vector_load %arg13[%get3A_726, %get3A_727] {strides = array<i32>} : memref<80x128xf32, #tpu.memory_space<vmem>>, vector<16xf32>,
        %get3A_729 = arith.index_cast %add3A_669 : i32 to index
        %get3A_730 = arith.constant 48 : index
        %get3A_731 = tpu.vector_load %arg14[%get3A_729, %get3A_730] {strides = array<i32>} : memref<80x128xf32, #tpu.memory_space<vmem>>, vector<16xf32>,
        %add3A_732 = arith.addf %get3A_728, %get3A_731 : vector<16xf32>
        %max3A_733 = arith.constant 0.000000e+00 : f32
        %max3A_734 = vector.broadcast %max3A_733 : f32 to vector<16xf32>
        %max3A_735 = arith.maximumf %add3A_732, %max3A_734 : vector<16xf32>
        %min3A_736 = arith.constant 0.000000e+00 : f32
        %min3A_737 = vector.broadcast %min3A_736 : f32 to vector<16xf32>
        %min3A_738 = arith.minimumf %add3A_732, %min3A_737 : vector<16xf32>
        %mul3A_739 = arith.constant 2.000000e-01 : f32
        %mul3A_740 = vector.broadcast %mul3A_739 : f32 to vector<16xf32>
        %mul3A_741 = arith.mulf %mul3A_740, %min3A_738 : vector<16xf32>
        %add3A_742 = arith.addf %max3A_735, %mul3A_741 : vector<16xf32>
        %mul3A_743 = arith.mulf %add3A_742, %get3A_32 : vector<16xf32>
        %add3A_744 = arith.addf %add3A_725, %mul3A_743 : vector<16xf32>
        %swap3A_745 = arith.constant 256 : index
        %swap3A_746 = tpu.vector_load %arg20[%swap3A_745] {strides = array<i32>} : memref<512xf32, #tpu.memory_space<vmem>>, vector<16xf32>,
        tpu.vector_store %arg20[%swap3A_745], %add3A_744 {strides = array<i32>} : memref<512xf32, #tpu.memory_space<vmem>>, vector<16xf32>,
        %add3A_747 = arith.constant 256 : i32
        %add3A_748 = vector.broadcast %add3A_747 : i32 to vector<16xi32>
        %add3A_749 = arith.addi %add3A_748, %xor3A_42 : vector<16xi32>
        %gather3A_750 = tpu.vector_load_idx %arg20[%add3A_749] : memref<512xf32, #tpu.memory_space<vmem>>[vector<16xi32>], vector<16xf32>,
        %add3A_751 = arith.addf %add3A_744, %gather3A_750 : vector<16xf32>
        %swap3A_752 = arith.constant 272 : index
        %swap3A_753 = tpu.vector_load %arg20[%swap3A_752] {strides = array<i32>} : memref<512xf32, #tpu.memory_space<vmem>>, vector<16xf32>,
        tpu.vector_store %arg20[%swap3A_752], %add3A_751 {strides = array<i32>} : memref<512xf32, #tpu.memory_space<vmem>>, vector<16xf32>,
        %add3A_754 = arith.constant 272 : i32
        %add3A_755 = vector.broadcast %add3A_754 : i32 to vector<16xi32>
        %add3A_756 = arith.addi %add3A_755, %xor3A_45 : vector<16xi32>
        %gather3A_757 = tpu.vector_load_idx %arg20[%add3A_756] : memref<512xf32, #tpu.memory_space<vmem>>[vector<16xi32>], vector<16xf32>,
        %add3A_758 = arith.addf %add3A_751, %gather3A_757 : vector<16xf32>
        %swap3A_759 = arith.constant 288 : index
        %swap3A_760 = tpu.vector_load %arg20[%swap3A_759] {strides = array<i32>} : memref<512xf32, #tpu.memory_space<vmem>>, vector<16xf32>,
        tpu.vector_store %arg20[%swap3A_759], %add3A_758 {strides = array<i32>} : memref<512xf32, #tpu.memory_space<vmem>>, vector<16xf32>,
        %add3A_761 = arith.constant 288 : i32
        %add3A_762 = vector.broadcast %add3A_761 : i32 to vector<16xi32>
        %add3A_763 = arith.addi %add3A_762, %xor3A_48 : vector<16xi32>
        %gather3A_764 = tpu.vector_load_idx %arg20[%add3A_763] : memref<512xf32, #tpu.memory_space<vmem>>[vector<16xi32>], vector<16xf32>,
        %add3A_765 = arith.addf %add3A_758, %gather3A_764 : vector<16xf32>
        %swap3A_766 = arith.constant 304 : index
        %swap3A_767 = tpu.vector_load %arg20[%swap3A_766] {strides = array<i32>} : memref<512xf32, #tpu.memory_space<vmem>>, vector<16xf32>,
        tpu.vector_store %arg20[%swap3A_766], %add3A_765 {strides = array<i32>} : memref<512xf32, #tpu.memory_space<vmem>>, vector<16xf32>,
        %add3A_768 = arith.constant 304 : i32
        %add3A_769 = vector.broadcast %add3A_768 : i32 to vector<16xi32>
        %add3A_770 = arith.addi %add3A_769, %xor3A_51 : vector<16xi32>
        %gather3A_771 = tpu.vector_load_idx %arg20[%add3A_770] : memref<512xf32, #tpu.memory_space<vmem>>[vector<16xi32>], vector<16xf32>,
        %add3A_772 = arith.addf %add3A_765, %gather3A_771 : vector<16xf32>
        %exp3A_773 = math.exp %add3A_772 : vector<16xf32>
        %mul3A_774 = arith.mulf %exp3A_773, %get3A_672 : vector<16xf32>
        %swap3A_775 = arith.index_cast %add3A_669 : i32 to index
        %swap3A_776 = arith.constant 0 : index
        %swap3A_777 = tpu.vector_load %arg15[%swap3A_775, %swap3A_776] {strides = array<i32>} : memref<80x128xf32, #tpu.memory_space<vmem>>, vector<16xf32>,
        tpu.vector_store %arg15[%swap3A_775, %swap3A_776], %mul3A_774 {strides = array<i32>} : memref<80x128xf32, #tpu.memory_space<vmem>>, vector<16xf32>,
        %mul3A_778 = arith.mulf %exp3A_773, %get3A_690 : vector<16xf32>
        %swap3A_779 = arith.index_cast %add3A_669 : i32 to index
        %swap3A_780 = arith.constant 16 : index
        %swap3A_781 = tpu.vector_load %arg15[%swap3A_779, %swap3A_780] {strides = array<i32>} : memref<80x128xf32, #tpu.memory_space<vmem>>, vector<16xf32>,
        tpu.vector_store %arg15[%swap3A_779, %swap3A_780], %mul3A_778 {strides = array<i32>} : memref<80x128xf32, #tpu.memory_space<vmem>>, vector<16xf32>,
        %mul3A_782 = arith.mulf %exp3A_773, %get3A_709 : vector<16xf32>
        %swap3A_783 = arith.index_cast %add3A_669 : i32 to index
        %swap3A_784 = arith.constant 32 : index
        %swap3A_785 = tpu.vector_load %arg15[%swap3A_783, %swap3A_784] {strides = array<i32>} : memref<80x128xf32, #tpu.memory_space<vmem>>, vector<16xf32>,
        tpu.vector_store %arg15[%swap3A_783, %swap3A_784], %mul3A_782 {strides = array<i32>} : memref<80x128xf32, #tpu.memory_space<vmem>>, vector<16xf32>,
        %mul3A_786 = arith.mulf %exp3A_773, %get3A_728 : vector<16xf32>
        %swap3A_787 = arith.index_cast %add3A_669 : i32 to index
        %swap3A_788 = arith.constant 48 : index
        %swap3A_789 = tpu.vector_load %arg15[%swap3A_787, %swap3A_788] {strides = array<i32>} : memref<80x128xf32, #tpu.memory_space<vmem>>, vector<16xf32>,
        tpu.vector_store %arg15[%swap3A_787, %swap3A_788], %mul3A_786 {strides = array<i32>} : memref<80x128xf32, #tpu.memory_space<vmem>>, vector<16xf32>,
        %get3A_790 = arith.index_cast %add3A_669 : i32 to index
        %get3A_791 = arith.constant 64 : index
        %get3A_792 = tpu.vector_load %arg13[%get3A_790, %get3A_791] {strides = array<i32>} : memref<80x128xf32, #tpu.memory_space<vmem>>, vector<16xf32>,
        %get3A_793 = arith.index_cast %add3A_669 : i32 to index
        %get3A_794 = arith.constant 64 : index
        %get3A_795 = tpu.vector_load %arg14[%get3A_793, %get3A_794] {strides = array<i32>} : memref<80x128xf32, #tpu.memory_space<vmem>>, vector<16xf32>,
        %add3A_796 = arith.addf %get3A_792, %get3A_795 : vector<16xf32>
        %max3A_797 = arith.constant 0.000000e+00 : f32
        %max3A_798 = vector.broadcast %max3A_797 : f32 to vector<16xf32>
        %max3A_799 = arith.maximumf %add3A_796, %max3A_798 : vector<16xf32>
        %min3A_800 = arith.constant 0.000000e+00 : f32
        %min3A_801 = vector.broadcast %min3A_800 : f32 to vector<16xf32>
        %min3A_802 = arith.minimumf %add3A_796, %min3A_801 : vector<16xf32>
        %mul3A_803 = arith.constant 2.000000e-01 : f32
        %mul3A_804 = vector.broadcast %mul3A_803 : f32 to vector<16xf32>
        %mul3A_805 = arith.mulf %mul3A_804, %min3A_802 : vector<16xf32>
        %add3A_806 = arith.addf %max3A_799, %mul3A_805 : vector<16xf32>
        %mul3A_807 = arith.mulf %add3A_806, %get3A_34 : vector<16xf32>
        %get3A_808 = arith.index_cast %add3A_669 : i32 to index
        %get3A_809 = arith.constant 80 : index
        %get3A_810 = tpu.vector_load %arg13[%get3A_808, %get3A_809] {strides = array<i32>} : memref<80x128xf32, #tpu.memory_space<vmem>>, vector<16xf32>,
        %get3A_811 = arith.index_cast %add3A_669 : i32 to index
        %get3A_812 = arith.constant 80 : index
        %get3A_813 = tpu.vector_load %arg14[%get3A_811, %get3A_812] {strides = array<i32>} : memref<80x128xf32, #tpu.memory_space<vmem>>, vector<16xf32>,
        %add3A_814 = arith.addf %get3A_810, %get3A_813 : vector<16xf32>
        %max3A_815 = arith.constant 0.000000e+00 : f32
        %max3A_816 = vector.broadcast %max3A_815 : f32 to vector<16xf32>
        %max3A_817 = arith.maximumf %add3A_814, %max3A_816 : vector<16xf32>
        %min3A_818 = arith.constant 0.000000e+00 : f32
        %min3A_819 = vector.broadcast %min3A_818 : f32 to vector<16xf32>
        %min3A_820 = arith.minimumf %add3A_814, %min3A_819 : vector<16xf32>
        %mul3A_821 = arith.constant 2.000000e-01 : f32
        %mul3A_822 = vector.broadcast %mul3A_821 : f32 to vector<16xf32>
        %mul3A_823 = arith.mulf %mul3A_822, %min3A_820 : vector<16xf32>
        %add3A_824 = arith.addf %max3A_817, %mul3A_823 : vector<16xf32>
        %mul3A_825 = arith.mulf %add3A_824, %get3A_36 : vector<16xf32>
        %add3A_826 = arith.addf %mul3A_807, %mul3A_825 : vector<16xf32>
        %get3A_827 = arith.index_cast %add3A_669 : i32 to index
        %get3A_828 = arith.constant 96 : index
        %get3A_829 = tpu.vector_load %arg13[%get3A_827, %get3A_828] {strides = array<i32>} : memref<80x128xf32, #tpu.memory_space<vmem>>, vector<16xf32>,
        %get3A_830 = arith.index_cast %add3A_669 : i32 to index
        %get3A_831 = arith.constant 96 : index
        %get3A_832 = tpu.vector_load %arg14[%get3A_830, %get3A_831] {strides = array<i32>} : memref<80x128xf32, #tpu.memory_space<vmem>>, vector<16xf32>,
        %add3A_833 = arith.addf %get3A_829, %get3A_832 : vector<16xf32>
        %max3A_834 = arith.constant 0.000000e+00 : f32
        %max3A_835 = vector.broadcast %max3A_834 : f32 to vector<16xf32>
        %max3A_836 = arith.maximumf %add3A_833, %max3A_835 : vector<16xf32>
        %min3A_837 = arith.constant 0.000000e+00 : f32
        %min3A_838 = vector.broadcast %min3A_837 : f32 to vector<16xf32>
        %min3A_839 = arith.minimumf %add3A_833, %min3A_838 : vector<16xf32>
        %mul3A_840 = arith.constant 2.000000e-01 : f32
        %mul3A_841 = vector.broadcast %mul3A_840 : f32 to vector<16xf32>
        %mul3A_842 = arith.mulf %mul3A_841, %min3A_839 : vector<16xf32>
        %add3A_843 = arith.addf %max3A_836, %mul3A_842 : vector<16xf32>
        %mul3A_844 = arith.mulf %add3A_843, %get3A_38 : vector<16xf32>
        %add3A_845 = arith.addf %add3A_826, %mul3A_844 : vector<16xf32>
        %get3A_846 = arith.index_cast %add3A_669 : i32 to index
        %get3A_847 = arith.constant 112 : index
        %get3A_848 = tpu.vector_load %arg13[%get3A_846, %get3A_847] {strides = array<i32>} : memref<80x128xf32, #tpu.memory_space<vmem>>, vector<16xf32>,
        %get3A_849 = arith.index_cast %add3A_669 : i32 to index
        %get3A_850 = arith.constant 112 : index
        %get3A_851 = tpu.vector_load %arg14[%get3A_849, %get3A_850] {strides = array<i32>} : memref<80x128xf32, #tpu.memory_space<vmem>>, vector<16xf32>,
        %add3A_852 = arith.addf %get3A_848, %get3A_851 : vector<16xf32>
        %max3A_853 = arith.constant 0.000000e+00 : f32
        %max3A_854 = vector.broadcast %max3A_853 : f32 to vector<16xf32>
        %max3A_855 = arith.maximumf %add3A_852, %max3A_854 : vector<16xf32>
        %min3A_856 = arith.constant 0.000000e+00 : f32
        %min3A_857 = vector.broadcast %min3A_856 : f32 to vector<16xf32>
        %min3A_858 = arith.minimumf %add3A_852, %min3A_857 : vector<16xf32>
        %mul3A_859 = arith.constant 2.000000e-01 : f32
        %mul3A_860 = vector.broadcast %mul3A_859 : f32 to vector<16xf32>
        %mul3A_861 = arith.mulf %mul3A_860, %min3A_858 : vector<16xf32>
        %add3A_862 = arith.addf %max3A_855, %mul3A_861 : vector<16xf32>
        %mul3A_863 = arith.mulf %add3A_862, %get3A_40 : vector<16xf32>
        %add3A_864 = arith.addf %add3A_845, %mul3A_863 : vector<16xf32>
        %swap3A_865 = arith.constant 320 : index
        %swap3A_866 = tpu.vector_load %arg20[%swap3A_865] {strides = array<i32>} : memref<512xf32, #tpu.memory_space<vmem>>, vector<16xf32>,
        tpu.vector_store %arg20[%swap3A_865], %add3A_864 {strides = array<i32>} : memref<512xf32, #tpu.memory_space<vmem>>, vector<16xf32>,
        %add3A_867 = arith.constant 320 : i32
        %add3A_868 = vector.broadcast %add3A_867 : i32 to vector<16xi32>
        %add3A_869 = arith.addi %add3A_868, %xor3A_42 : vector<16xi32>
        %gather3A_870 = tpu.vector_load_idx %arg20[%add3A_869] : memref<512xf32, #tpu.memory_space<vmem>>[vector<16xi32>], vector<16xf32>,
        %add3A_871 = arith.addf %add3A_864, %gather3A_870 : vector<16xf32>
        %swap3A_872 = arith.constant 336 : index
        %swap3A_873 = tpu.vector_load %arg20[%swap3A_872] {strides = array<i32>} : memref<512xf32, #tpu.memory_space<vmem>>, vector<16xf32>,
        tpu.vector_store %arg20[%swap3A_872], %add3A_871 {strides = array<i32>} : memref<512xf32, #tpu.memory_space<vmem>>, vector<16xf32>,
        %add3A_874 = arith.constant 336 : i32
        %add3A_875 = vector.broadcast %add3A_874 : i32 to vector<16xi32>
        %add3A_876 = arith.addi %add3A_875, %xor3A_45 : vector<16xi32>
        %gather3A_877 = tpu.vector_load_idx %arg20[%add3A_876] : memref<512xf32, #tpu.memory_space<vmem>>[vector<16xi32>], vector<16xf32>,
        %add3A_878 = arith.addf %add3A_871, %gather3A_877 : vector<16xf32>
        %swap3A_879 = arith.constant 352 : index
        %swap3A_880 = tpu.vector_load %arg20[%swap3A_879] {strides = array<i32>} : memref<512xf32, #tpu.memory_space<vmem>>, vector<16xf32>,
        tpu.vector_store %arg20[%swap3A_879], %add3A_878 {strides = array<i32>} : memref<512xf32, #tpu.memory_space<vmem>>, vector<16xf32>,
        %add3A_881 = arith.constant 352 : i32
        %add3A_882 = vector.broadcast %add3A_881 : i32 to vector<16xi32>
        %add3A_883 = arith.addi %add3A_882, %xor3A_48 : vector<16xi32>
        %gather3A_884 = tpu.vector_load_idx %arg20[%add3A_883] : memref<512xf32, #tpu.memory_space<vmem>>[vector<16xi32>], vector<16xf32>,
        %add3A_885 = arith.addf %add3A_878, %gather3A_884 : vector<16xf32>
        %swap3A_886 = arith.constant 368 : index
        %swap3A_887 = tpu.vector_load %arg20[%swap3A_886] {strides = array<i32>} : memref<512xf32, #tpu.memory_space<vmem>>, vector<16xf32>,
        tpu.vector_store %arg20[%swap3A_886], %add3A_885 {strides = array<i32>} : memref<512xf32, #tpu.memory_space<vmem>>, vector<16xf32>,
        %add3A_888 = arith.constant 368 : i32
        %add3A_889 = vector.broadcast %add3A_888 : i32 to vector<16xi32>
        %add3A_890 = arith.addi %add3A_889, %xor3A_51 : vector<16xi32>
        %gather3A_891 = tpu.vector_load_idx %arg20[%add3A_890] : memref<512xf32, #tpu.memory_space<vmem>>[vector<16xi32>], vector<16xf32>,
        %add3A_892 = arith.addf %add3A_885, %gather3A_891 : vector<16xf32>
        %exp3A_893 = math.exp %add3A_892 : vector<16xf32>
        %mul3A_894 = arith.mulf %exp3A_893, %get3A_792 : vector<16xf32>
        %swap3A_895 = arith.index_cast %add3A_669 : i32 to index
        %swap3A_896 = arith.constant 64 : index
        %swap3A_897 = tpu.vector_load %arg15[%swap3A_895, %swap3A_896] {strides = array<i32>} : memref<80x128xf32, #tpu.memory_space<vmem>>, vector<16xf32>,
        tpu.vector_store %arg15[%swap3A_895, %swap3A_896], %mul3A_894 {strides = array<i32>} : memref<80x128xf32, #tpu.memory_space<vmem>>, vector<16xf32>,
        %mul3A_898 = arith.mulf %exp3A_893, %get3A_810 : vector<16xf32>
        %swap3A_899 = arith.index_cast %add3A_669 : i32 to index
        %swap3A_900 = arith.constant 80 : index
        %swap3A_901 = tpu.vector_load %arg15[%swap3A_899, %swap3A_900] {strides = array<i32>} : memref<80x128xf32, #tpu.memory_space<vmem>>, vector<16xf32>,
        tpu.vector_store %arg15[%swap3A_899, %swap3A_900], %mul3A_898 {strides = array<i32>} : memref<80x128xf32, #tpu.memory_space<vmem>>, vector<16xf32>,
        %mul3A_902 = arith.mulf %exp3A_893, %get3A_829 : vector<16xf32>
        %swap3A_903 = arith.index_cast %add3A_669 : i32 to index
        %swap3A_904 = arith.constant 96 : index
        %swap3A_905 = tpu.vector_load %arg15[%swap3A_903, %swap3A_904] {strides = array<i32>} : memref<80x128xf32, #tpu.memory_space<vmem>>, vector<16xf32>,
        tpu.vector_store %arg15[%swap3A_903, %swap3A_904], %mul3A_902 {strides = array<i32>} : memref<80x128xf32, #tpu.memory_space<vmem>>, vector<16xf32>,
        %mul3A_906 = arith.mulf %exp3A_893, %get3A_848 : vector<16xf32>
        %swap3A_907 = arith.index_cast %add3A_669 : i32 to index
        %swap3A_908 = arith.constant 112 : index
        %swap3A_909 = tpu.vector_load %arg15[%swap3A_907, %swap3A_908] {strides = array<i32>} : memref<80x128xf32, #tpu.memory_space<vmem>>, vector<16xf32>,
        tpu.vector_store %arg15[%swap3A_907, %swap3A_908], %mul3A_906 {strides = array<i32>} : memref<80x128xf32, #tpu.memory_space<vmem>>, vector<16xf32>,
        %eq3A_910 = arith.constant 0 : i32
        %eq3A_911 = vector.broadcast %eq3A_910 : i32 to vector<16xi32>
        %eq3A_912 = arith.cmpi eq, %iota3A, %eq3A_911 : vector<16xi32>
        %jit3A_913 = arith.constant 0.000000e+00 : f32
        %broadcast_in_dim3A_914 = vector.broadcast %jit3A_913 : f32 to vector<16xf32>
        %select_n3A_915 = arith.select %eq3A_912, %exp3A_773, %broadcast_in_dim3A_914 : vector<16xi1>, vector<16xf32>
        %eq3A_916 = arith.constant 1 : i32
        %eq3A_917 = vector.broadcast %eq3A_916 : i32 to vector<16xi32>
        %eq3A_918 = arith.cmpi eq, %iota3A, %eq3A_917 : vector<16xi32>
        %jit3A_919 = arith.constant 0.000000e+00 : f32
        %broadcast_in_dim3A_920 = vector.broadcast %jit3A_919 : f32 to vector<16xf32>
        %select_n3A_921 = arith.select %eq3A_918, %exp3A_893, %broadcast_in_dim3A_920 : vector<16xi1>, vector<16xf32>
        %add3A_922 = arith.addf %select_n3A_915, %select_n3A_921 : vector<16xf32>
        %swap3A_923 = arith.index_cast %add3A_669 : i32 to index
        %swap3A_924 = arith.constant 0 : index
        %swap3A_925 = tpu.vector_load %arg16[%swap3A_923, %swap3A_924] {strides = array<i32>} : memref<80x16xf32, #tpu.memory_space<vmem>>, vector<16xf32>,
        tpu.vector_store %arg16[%swap3A_923, %swap3A_924], %add3A_922 {strides = array<i32>} : memref<80x16xf32, #tpu.memory_space<vmem>>, vector<16xf32>,
        %mul3A_926 = arith.constant 4 : i32
        %mul3A_927 = arith.muli %scan3A_150, %mul3A_926 : i32
        %add3A_928 = arith.constant 3 : i32
        %add3A_929 = arith.addi %mul3A_927, %add3A_928 : i32
        %get3A_930 = arith.index_cast %add3A_929 : i32 to index
        %get3A_931 = arith.constant 0 : index
        %get3A_932 = tpu.vector_load %arg13[%get3A_930, %get3A_931] {strides = array<i32>} : memref<80x128xf32, #tpu.memory_space<vmem>>, vector<16xf32>,
        %get3A_933 = arith.index_cast %add3A_929 : i32 to index
        %get3A_934 = arith.constant 0 : index
        %get3A_935 = tpu.vector_load %arg14[%get3A_933, %get3A_934] {strides = array<i32>} : memref<80x128xf32, #tpu.memory_space<vmem>>, vector<16xf32>,
        %add3A_936 = arith.addf %get3A_932, %get3A_935 : vector<16xf32>
        %max3A_937 = arith.constant 0.000000e+00 : f32
        %max3A_938 = vector.broadcast %max3A_937 : f32 to vector<16xf32>
        %max3A_939 = arith.maximumf %add3A_936, %max3A_938 : vector<16xf32>
        %min3A_940 = arith.constant 0.000000e+00 : f32
        %min3A_941 = vector.broadcast %min3A_940 : f32 to vector<16xf32>
        %min3A_942 = arith.minimumf %add3A_936, %min3A_941 : vector<16xf32>
        %mul3A_943 = arith.constant 2.000000e-01 : f32
        %mul3A_944 = vector.broadcast %mul3A_943 : f32 to vector<16xf32>
        %mul3A_945 = arith.mulf %mul3A_944, %min3A_942 : vector<16xf32>
        %add3A_946 = arith.addf %max3A_939, %mul3A_945 : vector<16xf32>
        %mul3A_947 = arith.mulf %add3A_946, %get3A_26 : vector<16xf32>
        %get3A_948 = arith.index_cast %add3A_929 : i32 to index
        %get3A_949 = arith.constant 16 : index
        %get3A_950 = tpu.vector_load %arg13[%get3A_948, %get3A_949] {strides = array<i32>} : memref<80x128xf32, #tpu.memory_space<vmem>>, vector<16xf32>,
        %get3A_951 = arith.index_cast %add3A_929 : i32 to index
        %get3A_952 = arith.constant 16 : index
        %get3A_953 = tpu.vector_load %arg14[%get3A_951, %get3A_952] {strides = array<i32>} : memref<80x128xf32, #tpu.memory_space<vmem>>, vector<16xf32>,
        %add3A_954 = arith.addf %get3A_950, %get3A_953 : vector<16xf32>
        %max3A_955 = arith.constant 0.000000e+00 : f32
        %max3A_956 = vector.broadcast %max3A_955 : f32 to vector<16xf32>
        %max3A_957 = arith.maximumf %add3A_954, %max3A_956 : vector<16xf32>
        %min3A_958 = arith.constant 0.000000e+00 : f32
        %min3A_959 = vector.broadcast %min3A_958 : f32 to vector<16xf32>
        %min3A_960 = arith.minimumf %add3A_954, %min3A_959 : vector<16xf32>
        %mul3A_961 = arith.constant 2.000000e-01 : f32
        %mul3A_962 = vector.broadcast %mul3A_961 : f32 to vector<16xf32>
        %mul3A_963 = arith.mulf %mul3A_962, %min3A_960 : vector<16xf32>
        %add3A_964 = arith.addf %max3A_957, %mul3A_963 : vector<16xf32>
        %mul3A_965 = arith.mulf %add3A_964, %get3A_28 : vector<16xf32>
        %add3A_966 = arith.addf %mul3A_947, %mul3A_965 : vector<16xf32>
        %get3A_967 = arith.index_cast %add3A_929 : i32 to index
        %get3A_968 = arith.constant 32 : index
        %get3A_969 = tpu.vector_load %arg13[%get3A_967, %get3A_968] {strides = array<i32>} : memref<80x128xf32, #tpu.memory_space<vmem>>, vector<16xf32>,
        %get3A_970 = arith.index_cast %add3A_929 : i32 to index
        %get3A_971 = arith.constant 32 : index
        %get3A_972 = tpu.vector_load %arg14[%get3A_970, %get3A_971] {strides = array<i32>} : memref<80x128xf32, #tpu.memory_space<vmem>>, vector<16xf32>,
        %add3A_973 = arith.addf %get3A_969, %get3A_972 : vector<16xf32>
        %max3A_974 = arith.constant 0.000000e+00 : f32
        %max3A_975 = vector.broadcast %max3A_974 : f32 to vector<16xf32>
        %max3A_976 = arith.maximumf %add3A_973, %max3A_975 : vector<16xf32>
        %min3A_977 = arith.constant 0.000000e+00 : f32
        %min3A_978 = vector.broadcast %min3A_977 : f32 to vector<16xf32>
        %min3A_979 = arith.minimumf %add3A_973, %min3A_978 : vector<16xf32>
        %mul3A_980 = arith.constant 2.000000e-01 : f32
        %mul3A_981 = vector.broadcast %mul3A_980 : f32 to vector<16xf32>
        %mul3A_982 = arith.mulf %mul3A_981, %min3A_979 : vector<16xf32>
        %add3A_983 = arith.addf %max3A_976, %mul3A_982 : vector<16xf32>
        %mul3A_984 = arith.mulf %add3A_983, %get3A_30 : vector<16xf32>
        %add3A_985 = arith.addf %add3A_966, %mul3A_984 : vector<16xf32>
        %get3A_986 = arith.index_cast %add3A_929 : i32 to index
        %get3A_987 = arith.constant 48 : index
        %get3A_988 = tpu.vector_load %arg13[%get3A_986, %get3A_987] {strides = array<i32>} : memref<80x128xf32, #tpu.memory_space<vmem>>, vector<16xf32>,
        %get3A_989 = arith.index_cast %add3A_929 : i32 to index
        %get3A_990 = arith.constant 48 : index
        %get3A_991 = tpu.vector_load %arg14[%get3A_989, %get3A_990] {strides = array<i32>} : memref<80x128xf32, #tpu.memory_space<vmem>>, vector<16xf32>,
        %add3A_992 = arith.addf %get3A_988, %get3A_991 : vector<16xf32>
        %max3A_993 = arith.constant 0.000000e+00 : f32
        %max3A_994 = vector.broadcast %max3A_993 : f32 to vector<16xf32>
        %max3A_995 = arith.maximumf %add3A_992, %max3A_994 : vector<16xf32>
        %min3A_996 = arith.constant 0.000000e+00 : f32
        %min3A_997 = vector.broadcast %min3A_996 : f32 to vector<16xf32>
        %min3A_998 = arith.minimumf %add3A_992, %min3A_997 : vector<16xf32>
        %mul3A_999 = arith.constant 2.000000e-01 : f32
        %mul3A_1000 = vector.broadcast %mul3A_999 : f32 to vector<16xf32>
        %mul3A_1001 = arith.mulf %mul3A_1000, %min3A_998 : vector<16xf32>
        %add3A_1002 = arith.addf %max3A_995, %mul3A_1001 : vector<16xf32>
        %mul3A_1003 = arith.mulf %add3A_1002, %get3A_32 : vector<16xf32>
        %add3A_1004 = arith.addf %add3A_985, %mul3A_1003 : vector<16xf32>
        %swap3A_1005 = arith.constant 384 : index
        %swap3A_1006 = tpu.vector_load %arg20[%swap3A_1005] {strides = array<i32>} : memref<512xf32, #tpu.memory_space<vmem>>, vector<16xf32>,
        tpu.vector_store %arg20[%swap3A_1005], %add3A_1004 {strides = array<i32>} : memref<512xf32, #tpu.memory_space<vmem>>, vector<16xf32>,
        %add3A_1007 = arith.constant 384 : i32
        %add3A_1008 = vector.broadcast %add3A_1007 : i32 to vector<16xi32>
        %add3A_1009 = arith.addi %add3A_1008, %xor3A_42 : vector<16xi32>
        %gather3A_1010 = tpu.vector_load_idx %arg20[%add3A_1009] : memref<512xf32, #tpu.memory_space<vmem>>[vector<16xi32>], vector<16xf32>,
        %add3A_1011 = arith.addf %add3A_1004, %gather3A_1010 : vector<16xf32>
        %swap3A_1012 = arith.constant 400 : index
        %swap3A_1013 = tpu.vector_load %arg20[%swap3A_1012] {strides = array<i32>} : memref<512xf32, #tpu.memory_space<vmem>>, vector<16xf32>,
        tpu.vector_store %arg20[%swap3A_1012], %add3A_1011 {strides = array<i32>} : memref<512xf32, #tpu.memory_space<vmem>>, vector<16xf32>,
        %add3A_1014 = arith.constant 400 : i32
        %add3A_1015 = vector.broadcast %add3A_1014 : i32 to vector<16xi32>
        %add3A_1016 = arith.addi %add3A_1015, %xor3A_45 : vector<16xi32>
        %gather3A_1017 = tpu.vector_load_idx %arg20[%add3A_1016] : memref<512xf32, #tpu.memory_space<vmem>>[vector<16xi32>], vector<16xf32>,
        %add3A_1018 = arith.addf %add3A_1011, %gather3A_1017 : vector<16xf32>
        %swap3A_1019 = arith.constant 416 : index
        %swap3A_1020 = tpu.vector_load %arg20[%swap3A_1019] {strides = array<i32>} : memref<512xf32, #tpu.memory_space<vmem>>, vector<16xf32>,
        tpu.vector_store %arg20[%swap3A_1019], %add3A_1018 {strides = array<i32>} : memref<512xf32, #tpu.memory_space<vmem>>, vector<16xf32>,
        %add3A_1021 = arith.constant 416 : i32
        %add3A_1022 = vector.broadcast %add3A_1021 : i32 to vector<16xi32>
        %add3A_1023 = arith.addi %add3A_1022, %xor3A_48 : vector<16xi32>
        %gather3A_1024 = tpu.vector_load_idx %arg20[%add3A_1023] : memref<512xf32, #tpu.memory_space<vmem>>[vector<16xi32>], vector<16xf32>,
        %add3A_1025 = arith.addf %add3A_1018, %gather3A_1024 : vector<16xf32>
        %swap3A_1026 = arith.constant 432 : index
        %swap3A_1027 = tpu.vector_load %arg20[%swap3A_1026] {strides = array<i32>} : memref<512xf32, #tpu.memory_space<vmem>>, vector<16xf32>,
        tpu.vector_store %arg20[%swap3A_1026], %add3A_1025 {strides = array<i32>} : memref<512xf32, #tpu.memory_space<vmem>>, vector<16xf32>,
        %add3A_1028 = arith.constant 432 : i32
        %add3A_1029 = vector.broadcast %add3A_1028 : i32 to vector<16xi32>
        %add3A_1030 = arith.addi %add3A_1029, %xor3A_51 : vector<16xi32>
        %gather3A_1031 = tpu.vector_load_idx %arg20[%add3A_1030] : memref<512xf32, #tpu.memory_space<vmem>>[vector<16xi32>], vector<16xf32>,
        %add3A_1032 = arith.addf %add3A_1025, %gather3A_1031 : vector<16xf32>
        %exp3A_1033 = math.exp %add3A_1032 : vector<16xf32>
        %mul3A_1034 = arith.mulf %exp3A_1033, %get3A_932 : vector<16xf32>
        %swap3A_1035 = arith.index_cast %add3A_929 : i32 to index
        %swap3A_1036 = arith.constant 0 : index
        %swap3A_1037 = tpu.vector_load %arg15[%swap3A_1035, %swap3A_1036] {strides = array<i32>} : memref<80x128xf32, #tpu.memory_space<vmem>>, vector<16xf32>,
        tpu.vector_store %arg15[%swap3A_1035, %swap3A_1036], %mul3A_1034 {strides = array<i32>} : memref<80x128xf32, #tpu.memory_space<vmem>>, vector<16xf32>,
        %mul3A_1038 = arith.mulf %exp3A_1033, %get3A_950 : vector<16xf32>
        %swap3A_1039 = arith.index_cast %add3A_929 : i32 to index
        %swap3A_1040 = arith.constant 16 : index
        %swap3A_1041 = tpu.vector_load %arg15[%swap3A_1039, %swap3A_1040] {strides = array<i32>} : memref<80x128xf32, #tpu.memory_space<vmem>>, vector<16xf32>,
        tpu.vector_store %arg15[%swap3A_1039, %swap3A_1040], %mul3A_1038 {strides = array<i32>} : memref<80x128xf32, #tpu.memory_space<vmem>>, vector<16xf32>,
        %mul3A_1042 = arith.mulf %exp3A_1033, %get3A_969 : vector<16xf32>
        %swap3A_1043 = arith.index_cast %add3A_929 : i32 to index
        %swap3A_1044 = arith.constant 32 : index
        %swap3A_1045 = tpu.vector_load %arg15[%swap3A_1043, %swap3A_1044] {strides = array<i32>} : memref<80x128xf32, #tpu.memory_space<vmem>>, vector<16xf32>,
        tpu.vector_store %arg15[%swap3A_1043, %swap3A_1044], %mul3A_1042 {strides = array<i32>} : memref<80x128xf32, #tpu.memory_space<vmem>>, vector<16xf32>,
        %mul3A_1046 = arith.mulf %exp3A_1033, %get3A_988 : vector<16xf32>
        %swap3A_1047 = arith.index_cast %add3A_929 : i32 to index
        %swap3A_1048 = arith.constant 48 : index
        %swap3A_1049 = tpu.vector_load %arg15[%swap3A_1047, %swap3A_1048] {strides = array<i32>} : memref<80x128xf32, #tpu.memory_space<vmem>>, vector<16xf32>,
        tpu.vector_store %arg15[%swap3A_1047, %swap3A_1048], %mul3A_1046 {strides = array<i32>} : memref<80x128xf32, #tpu.memory_space<vmem>>, vector<16xf32>,
        %get3A_1050 = arith.index_cast %add3A_929 : i32 to index
        %get3A_1051 = arith.constant 64 : index
        %get3A_1052 = tpu.vector_load %arg13[%get3A_1050, %get3A_1051] {strides = array<i32>} : memref<80x128xf32, #tpu.memory_space<vmem>>, vector<16xf32>,
        %get3A_1053 = arith.index_cast %add3A_929 : i32 to index
        %get3A_1054 = arith.constant 64 : index
        %get3A_1055 = tpu.vector_load %arg14[%get3A_1053, %get3A_1054] {strides = array<i32>} : memref<80x128xf32, #tpu.memory_space<vmem>>, vector<16xf32>,
        %add3A_1056 = arith.addf %get3A_1052, %get3A_1055 : vector<16xf32>
        %max3A_1057 = arith.constant 0.000000e+00 : f32
        %max3A_1058 = vector.broadcast %max3A_1057 : f32 to vector<16xf32>
        %max3A_1059 = arith.maximumf %add3A_1056, %max3A_1058 : vector<16xf32>
        %min3A_1060 = arith.constant 0.000000e+00 : f32
        %min3A_1061 = vector.broadcast %min3A_1060 : f32 to vector<16xf32>
        %min3A_1062 = arith.minimumf %add3A_1056, %min3A_1061 : vector<16xf32>
        %mul3A_1063 = arith.constant 2.000000e-01 : f32
        %mul3A_1064 = vector.broadcast %mul3A_1063 : f32 to vector<16xf32>
        %mul3A_1065 = arith.mulf %mul3A_1064, %min3A_1062 : vector<16xf32>
        %add3A_1066 = arith.addf %max3A_1059, %mul3A_1065 : vector<16xf32>
        %mul3A_1067 = arith.mulf %add3A_1066, %get3A_34 : vector<16xf32>
        %get3A_1068 = arith.index_cast %add3A_929 : i32 to index
        %get3A_1069 = arith.constant 80 : index
        %get3A_1070 = tpu.vector_load %arg13[%get3A_1068, %get3A_1069] {strides = array<i32>} : memref<80x128xf32, #tpu.memory_space<vmem>>, vector<16xf32>,
        %get3A_1071 = arith.index_cast %add3A_929 : i32 to index
        %get3A_1072 = arith.constant 80 : index
        %get3A_1073 = tpu.vector_load %arg14[%get3A_1071, %get3A_1072] {strides = array<i32>} : memref<80x128xf32, #tpu.memory_space<vmem>>, vector<16xf32>,
        %add3A_1074 = arith.addf %get3A_1070, %get3A_1073 : vector<16xf32>
        %max3A_1075 = arith.constant 0.000000e+00 : f32
        %max3A_1076 = vector.broadcast %max3A_1075 : f32 to vector<16xf32>
        %max3A_1077 = arith.maximumf %add3A_1074, %max3A_1076 : vector<16xf32>
        %min3A_1078 = arith.constant 0.000000e+00 : f32
        %min3A_1079 = vector.broadcast %min3A_1078 : f32 to vector<16xf32>
        %min3A_1080 = arith.minimumf %add3A_1074, %min3A_1079 : vector<16xf32>
        %mul3A_1081 = arith.constant 2.000000e-01 : f32
        %mul3A_1082 = vector.broadcast %mul3A_1081 : f32 to vector<16xf32>
        %mul3A_1083 = arith.mulf %mul3A_1082, %min3A_1080 : vector<16xf32>
        %add3A_1084 = arith.addf %max3A_1077, %mul3A_1083 : vector<16xf32>
        %mul3A_1085 = arith.mulf %add3A_1084, %get3A_36 : vector<16xf32>
        %add3A_1086 = arith.addf %mul3A_1067, %mul3A_1085 : vector<16xf32>
        %get3A_1087 = arith.index_cast %add3A_929 : i32 to index
        %get3A_1088 = arith.constant 96 : index
        %get3A_1089 = tpu.vector_load %arg13[%get3A_1087, %get3A_1088] {strides = array<i32>} : memref<80x128xf32, #tpu.memory_space<vmem>>, vector<16xf32>,
        %get3A_1090 = arith.index_cast %add3A_929 : i32 to index
        %get3A_1091 = arith.constant 96 : index
        %get3A_1092 = tpu.vector_load %arg14[%get3A_1090, %get3A_1091] {strides = array<i32>} : memref<80x128xf32, #tpu.memory_space<vmem>>, vector<16xf32>,
        %add3A_1093 = arith.addf %get3A_1089, %get3A_1092 : vector<16xf32>
        %max3A_1094 = arith.constant 0.000000e+00 : f32
        %max3A_1095 = vector.broadcast %max3A_1094 : f32 to vector<16xf32>
        %max3A_1096 = arith.maximumf %add3A_1093, %max3A_1095 : vector<16xf32>
        %min3A_1097 = arith.constant 0.000000e+00 : f32
        %min3A_1098 = vector.broadcast %min3A_1097 : f32 to vector<16xf32>
        %min3A_1099 = arith.minimumf %add3A_1093, %min3A_1098 : vector<16xf32>
        %mul3A_1100 = arith.constant 2.000000e-01 : f32
        %mul3A_1101 = vector.broadcast %mul3A_1100 : f32 to vector<16xf32>
        %mul3A_1102 = arith.mulf %mul3A_1101, %min3A_1099 : vector<16xf32>
        %add3A_1103 = arith.addf %max3A_1096, %mul3A_1102 : vector<16xf32>
        %mul3A_1104 = arith.mulf %add3A_1103, %get3A_38 : vector<16xf32>
        %add3A_1105 = arith.addf %add3A_1086, %mul3A_1104 : vector<16xf32>
        %get3A_1106 = arith.index_cast %add3A_929 : i32 to index
        %get3A_1107 = arith.constant 112 : index
        %get3A_1108 = tpu.vector_load %arg13[%get3A_1106, %get3A_1107] {strides = array<i32>} : memref<80x128xf32, #tpu.memory_space<vmem>>, vector<16xf32>,
        %get3A_1109 = arith.index_cast %add3A_929 : i32 to index
        %get3A_1110 = arith.constant 112 : index
        %get3A_1111 = tpu.vector_load %arg14[%get3A_1109, %get3A_1110] {strides = array<i32>} : memref<80x128xf32, #tpu.memory_space<vmem>>, vector<16xf32>,
        %add3A_1112 = arith.addf %get3A_1108, %get3A_1111 : vector<16xf32>
        %max3A_1113 = arith.constant 0.000000e+00 : f32
        %max3A_1114 = vector.broadcast %max3A_1113 : f32 to vector<16xf32>
        %max3A_1115 = arith.maximumf %add3A_1112, %max3A_1114 : vector<16xf32>
        %min3A_1116 = arith.constant 0.000000e+00 : f32
        %min3A_1117 = vector.broadcast %min3A_1116 : f32 to vector<16xf32>
        %min3A_1118 = arith.minimumf %add3A_1112, %min3A_1117 : vector<16xf32>
        %mul3A_1119 = arith.constant 2.000000e-01 : f32
        %mul3A_1120 = vector.broadcast %mul3A_1119 : f32 to vector<16xf32>
        %mul3A_1121 = arith.mulf %mul3A_1120, %min3A_1118 : vector<16xf32>
        %add3A_1122 = arith.addf %max3A_1115, %mul3A_1121 : vector<16xf32>
        %mul3A_1123 = arith.mulf %add3A_1122, %get3A_40 : vector<16xf32>
        %add3A_1124 = arith.addf %add3A_1105, %mul3A_1123 : vector<16xf32>
        %swap3A_1125 = arith.constant 448 : index
        %swap3A_1126 = tpu.vector_load %arg20[%swap3A_1125] {strides = array<i32>} : memref<512xf32, #tpu.memory_space<vmem>>, vector<16xf32>,
        tpu.vector_store %arg20[%swap3A_1125], %add3A_1124 {strides = array<i32>} : memref<512xf32, #tpu.memory_space<vmem>>, vector<16xf32>,
        %add3A_1127 = arith.constant 448 : i32
        %add3A_1128 = vector.broadcast %add3A_1127 : i32 to vector<16xi32>
        %add3A_1129 = arith.addi %add3A_1128, %xor3A_42 : vector<16xi32>
        %gather3A_1130 = tpu.vector_load_idx %arg20[%add3A_1129] : memref<512xf32, #tpu.memory_space<vmem>>[vector<16xi32>], vector<16xf32>,
        %add3A_1131 = arith.addf %add3A_1124, %gather3A_1130 : vector<16xf32>
        %swap3A_1132 = arith.constant 464 : index
        %swap3A_1133 = tpu.vector_load %arg20[%swap3A_1132] {strides = array<i32>} : memref<512xf32, #tpu.memory_space<vmem>>, vector<16xf32>,
        tpu.vector_store %arg20[%swap3A_1132], %add3A_1131 {strides = array<i32>} : memref<512xf32, #tpu.memory_space<vmem>>, vector<16xf32>,
        %add3A_1134 = arith.constant 464 : i32
        %add3A_1135 = vector.broadcast %add3A_1134 : i32 to vector<16xi32>
        %add3A_1136 = arith.addi %add3A_1135, %xor3A_45 : vector<16xi32>
        %gather3A_1137 = tpu.vector_load_idx %arg20[%add3A_1136] : memref<512xf32, #tpu.memory_space<vmem>>[vector<16xi32>], vector<16xf32>,
        %add3A_1138 = arith.addf %add3A_1131, %gather3A_1137 : vector<16xf32>
        %swap3A_1139 = arith.constant 480 : index
        %swap3A_1140 = tpu.vector_load %arg20[%swap3A_1139] {strides = array<i32>} : memref<512xf32, #tpu.memory_space<vmem>>, vector<16xf32>,
        tpu.vector_store %arg20[%swap3A_1139], %add3A_1138 {strides = array<i32>} : memref<512xf32, #tpu.memory_space<vmem>>, vector<16xf32>,
        %add3A_1141 = arith.constant 480 : i32
        %add3A_1142 = vector.broadcast %add3A_1141 : i32 to vector<16xi32>
        %add3A_1143 = arith.addi %add3A_1142, %xor3A_48 : vector<16xi32>
        %gather3A_1144 = tpu.vector_load_idx %arg20[%add3A_1143] : memref<512xf32, #tpu.memory_space<vmem>>[vector<16xi32>], vector<16xf32>,
        %add3A_1145 = arith.addf %add3A_1138, %gather3A_1144 : vector<16xf32>
        %swap3A_1146 = arith.constant 496 : index
        %swap3A_1147 = tpu.vector_load %arg20[%swap3A_1146] {strides = array<i32>} : memref<512xf32, #tpu.memory_space<vmem>>, vector<16xf32>,
        tpu.vector_store %arg20[%swap3A_1146], %add3A_1145 {strides = array<i32>} : memref<512xf32, #tpu.memory_space<vmem>>, vector<16xf32>,
        %add3A_1148 = arith.constant 496 : i32
        %add3A_1149 = vector.broadcast %add3A_1148 : i32 to vector<16xi32>
        %add3A_1150 = arith.addi %add3A_1149, %xor3A_51 : vector<16xi32>
        %gather3A_1151 = tpu.vector_load_idx %arg20[%add3A_1150] : memref<512xf32, #tpu.memory_space<vmem>>[vector<16xi32>], vector<16xf32>,
        %add3A_1152 = arith.addf %add3A_1145, %gather3A_1151 : vector<16xf32>
        %exp3A_1153 = math.exp %add3A_1152 : vector<16xf32>
        %mul3A_1154 = arith.mulf %exp3A_1153, %get3A_1052 : vector<16xf32>
        %swap3A_1155 = arith.index_cast %add3A_929 : i32 to index
        %swap3A_1156 = arith.constant 64 : index
        %swap3A_1157 = tpu.vector_load %arg15[%swap3A_1155, %swap3A_1156] {strides = array<i32>} : memref<80x128xf32, #tpu.memory_space<vmem>>, vector<16xf32>,
        tpu.vector_store %arg15[%swap3A_1155, %swap3A_1156], %mul3A_1154 {strides = array<i32>} : memref<80x128xf32, #tpu.memory_space<vmem>>, vector<16xf32>,
        %mul3A_1158 = arith.mulf %exp3A_1153, %get3A_1070 : vector<16xf32>
        %swap3A_1159 = arith.index_cast %add3A_929 : i32 to index
        %swap3A_1160 = arith.constant 80 : index
        %swap3A_1161 = tpu.vector_load %arg15[%swap3A_1159, %swap3A_1160] {strides = array<i32>} : memref<80x128xf32, #tpu.memory_space<vmem>>, vector<16xf32>,
        tpu.vector_store %arg15[%swap3A_1159, %swap3A_1160], %mul3A_1158 {strides = array<i32>} : memref<80x128xf32, #tpu.memory_space<vmem>>, vector<16xf32>,
        %mul3A_1162 = arith.mulf %exp3A_1153, %get3A_1089 : vector<16xf32>
        %swap3A_1163 = arith.index_cast %add3A_929 : i32 to index
        %swap3A_1164 = arith.constant 96 : index
        %swap3A_1165 = tpu.vector_load %arg15[%swap3A_1163, %swap3A_1164] {strides = array<i32>} : memref<80x128xf32, #tpu.memory_space<vmem>>, vector<16xf32>,
        tpu.vector_store %arg15[%swap3A_1163, %swap3A_1164], %mul3A_1162 {strides = array<i32>} : memref<80x128xf32, #tpu.memory_space<vmem>>, vector<16xf32>,
        %mul3A_1166 = arith.mulf %exp3A_1153, %get3A_1108 : vector<16xf32>
        %swap3A_1167 = arith.index_cast %add3A_929 : i32 to index
        %swap3A_1168 = arith.constant 112 : index
        %swap3A_1169 = tpu.vector_load %arg15[%swap3A_1167, %swap3A_1168] {strides = array<i32>} : memref<80x128xf32, #tpu.memory_space<vmem>>, vector<16xf32>,
        tpu.vector_store %arg15[%swap3A_1167, %swap3A_1168], %mul3A_1166 {strides = array<i32>} : memref<80x128xf32, #tpu.memory_space<vmem>>, vector<16xf32>,
        %eq3A_1170 = arith.constant 0 : i32
        %eq3A_1171 = vector.broadcast %eq3A_1170 : i32 to vector<16xi32>
        %eq3A_1172 = arith.cmpi eq, %iota3A, %eq3A_1171 : vector<16xi32>
        %jit3A_1173 = arith.constant 0.000000e+00 : f32
        %broadcast_in_dim3A_1174 = vector.broadcast %jit3A_1173 : f32 to vector<16xf32>
        %select_n3A_1175 = arith.select %eq3A_1172, %exp3A_1033, %broadcast_in_dim3A_1174 : vector<16xi1>, vector<16xf32>
        %eq3A_1176 = arith.constant 1 : i32
        %eq3A_1177 = vector.broadcast %eq3A_1176 : i32 to vector<16xi32>
        %eq3A_1178 = arith.cmpi eq, %iota3A, %eq3A_1177 : vector<16xi32>
        %jit3A_1179 = arith.constant 0.000000e+00 : f32
        %broadcast_in_dim3A_1180 = vector.broadcast %jit3A_1179 : f32 to vector<16xf32>
        %select_n3A_1181 = arith.select %eq3A_1178, %exp3A_1153, %broadcast_in_dim3A_1180 : vector<16xi1>, vector<16xf32>
        %add3A_1182 = arith.addf %select_n3A_1175, %select_n3A_1181 : vector<16xf32>
        %swap3A_1183 = arith.index_cast %add3A_929 : i32 to index
        %swap3A_1184 = arith.constant 0 : index
        %swap3A_1185 = tpu.vector_load %arg16[%swap3A_1183, %swap3A_1184] {strides = array<i32>} : memref<80x16xf32, #tpu.memory_space<vmem>>, vector<16xf32>,
        tpu.vector_store %arg16[%swap3A_1183, %swap3A_1184], %add3A_1182 {strides = array<i32>} : memref<80x16xf32, #tpu.memory_space<vmem>>, vector<16xf32>,
        %scan3A_1186 = arith.constant 0 : i32
        scf.yield %scan3A_1186 : i32
      }
      %scan3A_148 = arith.constant 20 : i32
      "tpu.region"() ({
        %run_scoped3A = tpu.sem_alloc : memref<!tpu.dma_semaphore, #tpu.memory_space<semaphore_mem>>
        %dma_start3A_150 = arith.constant 0 : i32
        %dma_start3A_151 = arith.constant 0 : i32
        %dma_start3A_152 = tpu.memref_slice %arg21[%dma_start3A_150, %dma_start3A_151] : memref<10000x128xf32, #tpu.memory_space<vmem_shared>> -> memref<10000x128xf32, #tpu.memory_space<vmem_shared>>
        tpu.enqueue_indirect_dma source(%arg15 : memref<80x128xf32, #tpu.memory_space<vmem>>) target(%dma_start3A_152 : memref<10000x128xf32, #tpu.memory_space<vmem_shared>>) offsets(%arg10 : memref<80xi32, #tpu.memory_space<vmem>>) semaphore(%run_scoped3A : memref<!tpu.dma_semaphore, #tpu.memory_space<semaphore_mem>>) {add = true}
        %dma_wait3A_153 = arith.constant 0 : i32
        %dma_wait3A_154 = arith.constant 0 : i32
        %dma_wait3A_155 = tpu.memref_slice %arg21[%dma_wait3A_153, %dma_wait3A_154] : memref<10000x128xf32, #tpu.memory_space<vmem_shared>> -> memref<10000x128xf32, #tpu.memory_space<vmem_shared>>
        tpu.wait_indirect_dma semaphore(%run_scoped3A : memref<!tpu.dma_semaphore, #tpu.memory_space<semaphore_mem>>) src(%arg15 : memref<80x128xf32, #tpu.memory_space<vmem>>) dst(%dma_wait3A_155 : memref<10000x128xf32, #tpu.memory_space<vmem_shared>>)
        tpu.yield
      }) : () -> ()
      "tpu.region"() ({
        %run_scoped3A = tpu.sem_alloc : memref<!tpu.dma_semaphore, #tpu.memory_space<semaphore_mem>>
        %dma_start3A_150 = arith.constant 0 : i32
        %dma_start3A_151 = arith.constant 0 : i32
        %dma_start3A_152 = tpu.memref_slice %arg22[%dma_start3A_150, %dma_start3A_151] : memref<10000x16xf32, #tpu.memory_space<vmem_shared>> -> memref<10000x16xf32, #tpu.memory_space<vmem_shared>>
        tpu.enqueue_indirect_dma source(%arg16 : memref<80x16xf32, #tpu.memory_space<vmem>>) target(%dma_start3A_152 : memref<10000x16xf32, #tpu.memory_space<vmem_shared>>) offsets(%arg10 : memref<80xi32, #tpu.memory_space<vmem>>) semaphore(%run_scoped3A : memref<!tpu.dma_semaphore, #tpu.memory_space<semaphore_mem>>) {add = true}
        %dma_wait3A_153 = arith.constant 0 : i32
        %dma_wait3A_154 = arith.constant 0 : i32
        %dma_wait3A_155 = tpu.memref_slice %arg22[%dma_wait3A_153, %dma_wait3A_154] : memref<10000x16xf32, #tpu.memory_space<vmem_shared>> -> memref<10000x16xf32, #tpu.memory_space<vmem_shared>>
        tpu.wait_indirect_dma semaphore(%run_scoped3A : memref<!tpu.dma_semaphore, #tpu.memory_space<semaphore_mem>>) src(%arg16 : memref<80x16xf32, #tpu.memory_space<vmem>>) dst(%dma_wait3A_155 : memref<10000x16xf32, #tpu.memory_space<vmem_shared>>)
        tpu.yield
      }) : () -> ()
      %scan3A_149 = arith.constant 0 : i32
      scf.yield %scan3A_149 : i32
    }
    %scan3A_62 = arith.constant 250 : i32
    %barrier3A_63 = arith.constant 0 : index
    tpu.barrier barrier_id(%barrier3A_63)
    "tpu.region"() ({
      %run_scoped3A = tpu.sem_alloc : memref<!tpu.dma_semaphore, #tpu.memory_space<semaphore_mem>>
      %dma_start3A = arith.constant 0 : i32
      %dma_start3A_69 = tpu.memref_slice %arg7[%arg0, %mul3A_16, %dma_start3A] : memref<2x10000x128xf32, #tpu.memory_space<hbm>> -> memref<1x624x128xf32, #tpu.memory_space<hbm>>
      %dma_start3A_70 = tpu.memref_squeeze %dma_start3A_69 : memref<1x624x128xf32, #tpu.memory_space<hbm>> -> memref<624x128xf32, #tpu.memory_space<hbm>>
      %dma_start3A_71 = arith.constant 0 : i32
      %dma_start3A_72 = tpu.memref_slice %arg21[%mul3A_16, %dma_start3A_71] : memref<10000x128xf32, #tpu.memory_space<vmem_shared>> -> memref<624x128xf32, #tpu.memory_space<vmem_shared>>
      tpu.enqueue_dma source(%dma_start3A_72 : memref<624x128xf32, #tpu.memory_space<vmem_shared>>) target(%dma_start3A_70 : memref<624x128xf32, #tpu.memory_space<hbm>>) target_semaphore(%run_scoped3A : memref<!tpu.dma_semaphore, #tpu.memory_space<semaphore_mem>>)
      %dma_wait3A = arith.constant 0 : i32
      %dma_wait3A_73 = tpu.memref_slice %arg7[%arg0, %mul3A_16, %dma_wait3A] : memref<2x10000x128xf32, #tpu.memory_space<hbm>> -> memref<1x624x128xf32, #tpu.memory_space<hbm>>
      %dma_wait3A_74 = tpu.memref_squeeze %dma_wait3A_73 : memref<1x624x128xf32, #tpu.memory_space<hbm>> -> memref<624x128xf32, #tpu.memory_space<hbm>>
      %dma_wait3A_75 = arith.constant 0 : i32
      %dma_wait3A_76 = tpu.memref_slice %arg21[%mul3A_16, %dma_wait3A_75] : memref<10000x128xf32, #tpu.memory_space<vmem_shared>> -> memref<624x128xf32, #tpu.memory_space<vmem_shared>>
      tpu.wait_dma2 semaphore(%run_scoped3A : memref<!tpu.dma_semaphore, #tpu.memory_space<semaphore_mem>>) src(%dma_wait3A_76 : memref<624x128xf32, #tpu.memory_space<vmem_shared>>) dst(%dma_wait3A_74 : memref<624x128xf32, #tpu.memory_space<hbm>>)
      tpu.yield
    }) : () -> ()
    "tpu.region"() ({
      %run_scoped3A = tpu.sem_alloc : memref<!tpu.dma_semaphore, #tpu.memory_space<semaphore_mem>>
      %dma_start3A = arith.constant 0 : i32
      %dma_start3A_69 = tpu.memref_slice %arg8[%arg0, %mul3A_16, %dma_start3A] : memref<2x10000x16xf32, #tpu.memory_space<hbm>> -> memref<1x624x16xf32, #tpu.memory_space<hbm>>
      %dma_start3A_70 = tpu.memref_squeeze %dma_start3A_69 : memref<1x624x16xf32, #tpu.memory_space<hbm>> -> memref<624x16xf32, #tpu.memory_space<hbm>>
      %dma_start3A_71 = arith.constant 0 : i32
      %dma_start3A_72 = tpu.memref_slice %arg22[%mul3A_16, %dma_start3A_71] : memref<10000x16xf32, #tpu.memory_space<vmem_shared>> -> memref<624x16xf32, #tpu.memory_space<vmem_shared>>
      tpu.enqueue_dma source(%dma_start3A_72 : memref<624x16xf32, #tpu.memory_space<vmem_shared>>) target(%dma_start3A_70 : memref<624x16xf32, #tpu.memory_space<hbm>>) target_semaphore(%run_scoped3A : memref<!tpu.dma_semaphore, #tpu.memory_space<semaphore_mem>>)
      %dma_wait3A = arith.constant 0 : i32
      %dma_wait3A_73 = tpu.memref_slice %arg8[%arg0, %mul3A_16, %dma_wait3A] : memref<2x10000x16xf32, #tpu.memory_space<hbm>> -> memref<1x624x16xf32, #tpu.memory_space<hbm>>
      %dma_wait3A_74 = tpu.memref_squeeze %dma_wait3A_73 : memref<1x624x16xf32, #tpu.memory_space<hbm>> -> memref<624x16xf32, #tpu.memory_space<hbm>>
      %dma_wait3A_75 = arith.constant 0 : i32
      %dma_wait3A_76 = tpu.memref_slice %arg22[%mul3A_16, %dma_wait3A_75] : memref<10000x16xf32, #tpu.memory_space<vmem_shared>> -> memref<624x16xf32, #tpu.memory_space<vmem_shared>>
      tpu.wait_dma2 semaphore(%run_scoped3A : memref<!tpu.dma_semaphore, #tpu.memory_space<semaphore_mem>>) src(%dma_wait3A_76 : memref<624x16xf32, #tpu.memory_space<vmem_shared>>) dst(%dma_wait3A_74 : memref<624x16xf32, #tpu.memory_space<hbm>>)
      tpu.yield
    }) : () -> ()
    %eq3A_64 = arith.constant 15 : i32
    %eq3A_65 = arith.cmpi eq, %arg1, %eq3A_64 : i32
    %convert_element_type3A_66 = arith.extui %eq3A_65 : i1 to i32
    %cond3A_67 = arith.constant 0 : i32
    %cond3A_68 = arith.cmpi ne, %convert_element_type3A_66, %cond3A_67 : i32
    scf.if %cond3A_68 {
      "tpu.region"() ({
        %run_scoped3A = tpu.sem_alloc : memref<!tpu.dma_semaphore, #tpu.memory_space<semaphore_mem>>
        %dma_start3A = arith.constant 9984 : i32
        %dma_start3A_69 = arith.constant 0 : i32
        %dma_start3A_70 = tpu.memref_slice %arg7[%arg0, %dma_start3A, %dma_start3A_69] : memref<2x10000x128xf32, #tpu.memory_space<hbm>> -> memref<1x16x128xf32, #tpu.memory_space<hbm>>
        %dma_start3A_71 = tpu.memref_squeeze %dma_start3A_70 : memref<1x16x128xf32, #tpu.memory_space<hbm>> -> memref<16x128xf32, #tpu.memory_space<hbm>>
        %dma_start3A_72 = arith.constant 9984 : i32
        %dma_start3A_73 = arith.constant 0 : i32
        %dma_start3A_74 = tpu.memref_slice %arg21[%dma_start3A_72, %dma_start3A_73] : memref<10000x128xf32, #tpu.memory_space<vmem_shared>> -> memref<16x128xf32, #tpu.memory_space<vmem_shared>>
        tpu.enqueue_dma source(%dma_start3A_74 : memref<16x128xf32, #tpu.memory_space<vmem_shared>>) target(%dma_start3A_71 : memref<16x128xf32, #tpu.memory_space<hbm>>) target_semaphore(%run_scoped3A : memref<!tpu.dma_semaphore, #tpu.memory_space<semaphore_mem>>)
        %dma_wait3A = arith.constant 9984 : i32
        %dma_wait3A_75 = arith.constant 0 : i32
        %dma_wait3A_76 = tpu.memref_slice %arg7[%arg0, %dma_wait3A, %dma_wait3A_75] : memref<2x10000x128xf32, #tpu.memory_space<hbm>> -> memref<1x16x128xf32, #tpu.memory_space<hbm>>
        %dma_wait3A_77 = tpu.memref_squeeze %dma_wait3A_76 : memref<1x16x128xf32, #tpu.memory_space<hbm>> -> memref<16x128xf32, #tpu.memory_space<hbm>>
        %dma_wait3A_78 = arith.constant 9984 : i32
        %dma_wait3A_79 = arith.constant 0 : i32
        %dma_wait3A_80 = tpu.memref_slice %arg21[%dma_wait3A_78, %dma_wait3A_79] : memref<10000x128xf32, #tpu.memory_space<vmem_shared>> -> memref<16x128xf32, #tpu.memory_space<vmem_shared>>
        tpu.wait_dma2 semaphore(%run_scoped3A : memref<!tpu.dma_semaphore, #tpu.memory_space<semaphore_mem>>) src(%dma_wait3A_80 : memref<16x128xf32, #tpu.memory_space<vmem_shared>>) dst(%dma_wait3A_77 : memref<16x128xf32, #tpu.memory_space<hbm>>)
        tpu.yield
      }) : () -> ()
      "tpu.region"() ({
        %run_scoped3A = tpu.sem_alloc : memref<!tpu.dma_semaphore, #tpu.memory_space<semaphore_mem>>
        %dma_start3A = arith.constant 9984 : i32
        %dma_start3A_69 = arith.constant 0 : i32
        %dma_start3A_70 = tpu.memref_slice %arg8[%arg0, %dma_start3A, %dma_start3A_69] : memref<2x10000x16xf32, #tpu.memory_space<hbm>> -> memref<1x16x16xf32, #tpu.memory_space<hbm>>
        %dma_start3A_71 = tpu.memref_squeeze %dma_start3A_70 : memref<1x16x16xf32, #tpu.memory_space<hbm>> -> memref<16x16xf32, #tpu.memory_space<hbm>>
        %dma_start3A_72 = arith.constant 9984 : i32
        %dma_start3A_73 = arith.constant 0 : i32
        %dma_start3A_74 = tpu.memref_slice %arg22[%dma_start3A_72, %dma_start3A_73] : memref<10000x16xf32, #tpu.memory_space<vmem_shared>> -> memref<16x16xf32, #tpu.memory_space<vmem_shared>>
        tpu.enqueue_dma source(%dma_start3A_74 : memref<16x16xf32, #tpu.memory_space<vmem_shared>>) target(%dma_start3A_71 : memref<16x16xf32, #tpu.memory_space<hbm>>) target_semaphore(%run_scoped3A : memref<!tpu.dma_semaphore, #tpu.memory_space<semaphore_mem>>)
        %dma_wait3A = arith.constant 9984 : i32
        %dma_wait3A_75 = arith.constant 0 : i32
        %dma_wait3A_76 = tpu.memref_slice %arg8[%arg0, %dma_wait3A, %dma_wait3A_75] : memref<2x10000x16xf32, #tpu.memory_space<hbm>> -> memref<1x16x16xf32, #tpu.memory_space<hbm>>
        %dma_wait3A_77 = tpu.memref_squeeze %dma_wait3A_76 : memref<1x16x16xf32, #tpu.memory_space<hbm>> -> memref<16x16xf32, #tpu.memory_space<hbm>>
        %dma_wait3A_78 = arith.constant 9984 : i32
        %dma_wait3A_79 = arith.constant 0 : i32
        %dma_wait3A_80 = tpu.memref_slice %arg22[%dma_wait3A_78, %dma_wait3A_79] : memref<10000x16xf32, #tpu.memory_space<vmem_shared>> -> memref<16x16xf32, #tpu.memory_space<vmem_shared>>
        tpu.wait_dma2 semaphore(%run_scoped3A : memref<!tpu.dma_semaphore, #tpu.memory_space<semaphore_mem>>) src(%dma_wait3A_80 : memref<16x16xf32, #tpu.memory_space<vmem_shared>>) dst(%dma_wait3A_77 : memref<16x16xf32, #tpu.memory_space<hbm>>)
        tpu.yield
      }) : () -> ()
    } else {
    }
    return
  }
}

#map = affine_map<(d0, d1) -> (0, 0)>
#map1 = affine_map<(d0, d1) -> (0)>
#map2 = affine_map<(d0, d1) -> (0, 0, 0)>
module attributes {stable_mosaic.version = 14 : i64} {
  func.func @edge_pass(%arg0: i32, %arg1: i32, %arg2: memref<10000x128xf32, #tpu.memory_space<hbm>>, %arg3: memref<10000x128xf32, #tpu.memory_space<hbm>>, %arg4: memref<320000xi32, #tpu.memory_space<hbm>>, %arg5: memref<320000xi32, #tpu.memory_space<hbm>>, %arg6: memref<2x128xf32, #tpu.memory_space<hbm>>, %arg7: memref<2x10000x128xf32, #tpu.memory_space<hbm>>, %arg8: memref<2x10000x16xf32, #tpu.memory_space<hbm>>, %arg9: memref<80xi32, #tpu.memory_space<vmem>>, %arg10: memref<80xi32, #tpu.memory_space<vmem>>, %arg11: memref<80xi32, #tpu.memory_space<vmem>>, %arg12: memref<80xi32, #tpu.memory_space<vmem>>, %arg13: memref<80x128xf32, #tpu.memory_space<vmem>>, %arg14: memref<80x128xf32, #tpu.memory_space<vmem>>, %arg15: memref<80x128xf32, #tpu.memory_space<vmem>>, %arg16: memref<80x16xf32, #tpu.memory_space<vmem>>, %arg17: memref<128xf32, #tpu.memory_space<vmem>>, %arg18: memref<16x128xf32, #tpu.memory_space<vmem>>, %arg19: memref<16x16xf32, #tpu.memory_space<vmem>>, %arg20: memref<512xf32, #tpu.memory_space<vmem>>, %arg21: memref<10000x128xf32, #tpu.memory_space<vmem_shared>>, %arg22: memref<10000x16xf32, #tpu.memory_space<vmem_shared>>, %arg23: memref<!tpu.dma_semaphore, #tpu.memory_space<semaphore_mem>>, %arg24: memref<!tpu.dma_semaphore, #tpu.memory_space<semaphore_mem>>) attributes {dimension_semantics = [#tpu.dimension_semantics<core_parallel>, #tpu.dimension_semantics<subcore_parallel>], iteration_bounds = array<i64: 2, 16>, scalar_prefetch = 0 : i64, scratch_operands = 16 : i64, tpu.core_type = #tpu.core_type<sc_vector_subcore>, window_params = [{transform_indices = #map}, {transform_indices = #map}, {transform_indices = #map1}, {transform_indices = #map1}, {transform_indices = #map}, {transform_indices = #map2}, {transform_indices = #map2}]} {
    %broadcast_in_dim3A = arith.constant 0.000000e+00 : f32
    %broadcast_in_dim3A_0 = vector.broadcast %broadcast_in_dim3A : f32 to vector<16xf32>
    %scan3A = arith.constant 0 : i32
    %scan3A_1 = arith.constant 0 : i32
    %scan3A_2 = arith.constant 16 : i32
    %scan3A_3 = arith.addi %scan3A_1, %scan3A_2 : i32
    %scan3A_4 = arith.constant 1 : i32
    %scan3A_5 = scf.for %scan3A_70 = %scan3A_1 to %scan3A_3 step %scan3A_4 iter_args(%scan3A_71 = %scan3A) -> (i32)  : i32 {
      %swap3A = arith.index_cast %scan3A_70 : i32 to index
      %swap3A_72 = arith.constant 0 : index
      %swap3A_73 = tpu.vector_load %arg18[%swap3A, %swap3A_72] {strides = array<i32>} : memref<16x128xf32, #tpu.memory_space<vmem>>, vector<16xf32>,
      tpu.vector_store %arg18[%swap3A, %swap3A_72], %broadcast_in_dim3A_0 {strides = array<i32>} : memref<16x128xf32, #tpu.memory_space<vmem>>, vector<16xf32>,
      %swap3A_74 = arith.index_cast %scan3A_70 : i32 to index
      %swap3A_75 = arith.constant 16 : index
      %swap3A_76 = tpu.vector_load %arg18[%swap3A_74, %swap3A_75] {strides = array<i32>} : memref<16x128xf32, #tpu.memory_space<vmem>>, vector<16xf32>,
      tpu.vector_store %arg18[%swap3A_74, %swap3A_75], %broadcast_in_dim3A_0 {strides = array<i32>} : memref<16x128xf32, #tpu.memory_space<vmem>>, vector<16xf32>,
      %swap3A_77 = arith.index_cast %scan3A_70 : i32 to index
      %swap3A_78 = arith.constant 32 : index
      %swap3A_79 = tpu.vector_load %arg18[%swap3A_77, %swap3A_78] {strides = array<i32>} : memref<16x128xf32, #tpu.memory_space<vmem>>, vector<16xf32>,
      tpu.vector_store %arg18[%swap3A_77, %swap3A_78], %broadcast_in_dim3A_0 {strides = array<i32>} : memref<16x128xf32, #tpu.memory_space<vmem>>, vector<16xf32>,
      %swap3A_80 = arith.index_cast %scan3A_70 : i32 to index
      %swap3A_81 = arith.constant 48 : index
      %swap3A_82 = tpu.vector_load %arg18[%swap3A_80, %swap3A_81] {strides = array<i32>} : memref<16x128xf32, #tpu.memory_space<vmem>>, vector<16xf32>,
      tpu.vector_store %arg18[%swap3A_80, %swap3A_81], %broadcast_in_dim3A_0 {strides = array<i32>} : memref<16x128xf32, #tpu.memory_space<vmem>>, vector<16xf32>,
      %swap3A_83 = arith.index_cast %scan3A_70 : i32 to index
      %swap3A_84 = arith.constant 64 : index
      %swap3A_85 = tpu.vector_load %arg18[%swap3A_83, %swap3A_84] {strides = array<i32>} : memref<16x128xf32, #tpu.memory_space<vmem>>, vector<16xf32>,
      tpu.vector_store %arg18[%swap3A_83, %swap3A_84], %broadcast_in_dim3A_0 {strides = array<i32>} : memref<16x128xf32, #tpu.memory_space<vmem>>, vector<16xf32>,
      %swap3A_86 = arith.index_cast %scan3A_70 : i32 to index
      %swap3A_87 = arith.constant 80 : index
      %swap3A_88 = tpu.vector_load %arg18[%swap3A_86, %swap3A_87] {strides = array<i32>} : memref<16x128xf32, #tpu.memory_space<vmem>>, vector<16xf32>,
      tpu.vector_store %arg18[%swap3A_86, %swap3A_87], %broadcast_in_dim3A_0 {strides = array<i32>} : memref<16x128xf32, #tpu.memory_space<vmem>>, vector<16xf32>,
      %swap3A_89 = arith.index_cast %scan3A_70 : i32 to index
      %swap3A_90 = arith.constant 96 : index
      %swap3A_91 = tpu.vector_load %arg18[%swap3A_89, %swap3A_90] {strides = array<i32>} : memref<16x128xf32, #tpu.memory_space<vmem>>, vector<16xf32>,
      tpu.vector_store %arg18[%swap3A_89, %swap3A_90], %broadcast_in_dim3A_0 {strides = array<i32>} : memref<16x128xf32, #tpu.memory_space<vmem>>, vector<16xf32>,
      %swap3A_92 = arith.index_cast %scan3A_70 : i32 to index
      %swap3A_93 = arith.constant 112 : index
      %swap3A_94 = tpu.vector_load %arg18[%swap3A_92, %swap3A_93] {strides = array<i32>} : memref<16x128xf32, #tpu.memory_space<vmem>>, vector<16xf32>,
      tpu.vector_store %arg18[%swap3A_92, %swap3A_93], %broadcast_in_dim3A_0 {strides = array<i32>} : memref<16x128xf32, #tpu.memory_space<vmem>>, vector<16xf32>,
      %scan3A_95 = arith.constant 0 : i32
      scf.yield %scan3A_95 : i32
    }
    %scan3A_6 = arith.constant 16 : i32
    %broadcast_in_dim3A_7 = arith.constant 0.000000e+00 : f32
    %broadcast_in_dim3A_8 = vector.broadcast %broadcast_in_dim3A_7 : f32 to vector<16xf32>
    %scan3A_9 = arith.constant 0 : i32
    %scan3A_10 = arith.constant 0 : i32
    %scan3A_11 = arith.constant 16 : i32
    %scan3A_12 = arith.addi %scan3A_10, %scan3A_11 : i32
    %scan3A_13 = arith.constant 1 : i32
    %scan3A_14 = scf.for %scan3A_70 = %scan3A_10 to %scan3A_12 step %scan3A_13 iter_args(%scan3A_71 = %scan3A_9) -> (i32)  : i32 {
      %swap3A = arith.index_cast %scan3A_70 : i32 to index
      %swap3A_72 = arith.constant 0 : index
      %swap3A_73 = tpu.vector_load %arg19[%swap3A, %swap3A_72] {strides = array<i32>} : memref<16x16xf32, #tpu.memory_space<vmem>>, vector<16xf32>,
      tpu.vector_store %arg19[%swap3A, %swap3A_72], %broadcast_in_dim3A_8 {strides = array<i32>} : memref<16x16xf32, #tpu.memory_space<vmem>>, vector<16xf32>,
      %scan3A_74 = arith.constant 0 : i32
      scf.yield %scan3A_74 : i32
    }
    %scan3A_15 = arith.constant 16 : i32
    %mul3A = arith.constant 624 : i32
    %mul3A_16 = arith.muli %arg1, %mul3A : i32
    %scan3A_17 = arith.constant 0 : i32
    %scan3A_18 = arith.constant 0 : i32
    %scan3A_19 = arith.constant 39 : i32
    %scan3A_20 = arith.addi %scan3A_18, %scan3A_19 : i32
    %scan3A_21 = arith.constant 1 : i32
    %scan3A_22 = scf.for %scan3A_70 = %scan3A_18 to %scan3A_20 step %scan3A_21 iter_args(%scan3A_71 = %scan3A_17) -> (i32)  : i32 {
      %mul3A_72 = arith.constant 16 : i32
      %mul3A_73 = arith.muli %scan3A_70, %mul3A_72 : i32
      %add3A_74 = arith.addi %mul3A_16, %mul3A_73 : i32
      "tpu.region"() ({
        %run_scoped3A = tpu.sem_alloc : memref<!tpu.dma_semaphore, #tpu.memory_space<semaphore_mem>>
        %dma_start3A = arith.constant 0 : i32
        %dma_start3A_79 = tpu.memref_slice %arg21[%add3A_74, %dma_start3A] : memref<10000x128xf32, #tpu.memory_space<vmem_shared>> -> memref<16x128xf32, #tpu.memory_space<vmem_shared>>
        %dma_start3A_80 = arith.constant 0 : i32
        %dma_start3A_81 = tpu.memref_slice %arg21[%add3A_74, %dma_start3A_80] : memref<10000x128xf32, #tpu.memory_space<vmem_shared>> -> memref<16x128xf32, #tpu.memory_space<vmem_shared>>
        tpu.enqueue_dma source(%arg18 : memref<16x128xf32, #tpu.memory_space<vmem>>) target(%dma_start3A_81 : memref<16x128xf32, #tpu.memory_space<vmem_shared>>) target_semaphore(%run_scoped3A : memref<!tpu.dma_semaphore, #tpu.memory_space<semaphore_mem>>)
        %dma_wait3A = arith.constant 0 : i32
        %dma_wait3A_82 = tpu.memref_slice %arg21[%add3A_74, %dma_wait3A] : memref<10000x128xf32, #tpu.memory_space<vmem_shared>> -> memref<16x128xf32, #tpu.memory_space<vmem_shared>>
        %dma_wait3A_83 = arith.constant 0 : i32
        %dma_wait3A_84 = tpu.memref_slice %arg21[%add3A_74, %dma_wait3A_83] : memref<10000x128xf32, #tpu.memory_space<vmem_shared>> -> memref<16x128xf32, #tpu.memory_space<vmem_shared>>
        tpu.wait_dma2 semaphore(%run_scoped3A : memref<!tpu.dma_semaphore, #tpu.memory_space<semaphore_mem>>) src(%arg18 : memref<16x128xf32, #tpu.memory_space<vmem>>) dst(%dma_wait3A_84 : memref<16x128xf32, #tpu.memory_space<vmem_shared>>)
        tpu.yield
      }) : () -> ()
      %mul3A_75 = arith.constant 16 : i32
      %mul3A_76 = arith.muli %scan3A_70, %mul3A_75 : i32
      %add3A_77 = arith.addi %mul3A_16, %mul3A_76 : i32
      "tpu.region"() ({
        %run_scoped3A = tpu.sem_alloc : memref<!tpu.dma_semaphore, #tpu.memory_space<semaphore_mem>>
        %dma_start3A = arith.constant 0 : i32
        %dma_start3A_79 = tpu.memref_slice %arg22[%add3A_77, %dma_start3A] : memref<10000x16xf32, #tpu.memory_space<vmem_shared>> -> memref<16x16xf32, #tpu.memory_space<vmem_shared>>
        %dma_start3A_80 = arith.constant 0 : i32
        %dma_start3A_81 = tpu.memref_slice %arg22[%add3A_77, %dma_start3A_80] : memref<10000x16xf32, #tpu.memory_space<vmem_shared>> -> memref<16x16xf32, #tpu.memory_space<vmem_shared>>
        tpu.enqueue_dma source(%arg19 : memref<16x16xf32, #tpu.memory_space<vmem>>) target(%dma_start3A_81 : memref<16x16xf32, #tpu.memory_space<vmem_shared>>) target_semaphore(%run_scoped3A : memref<!tpu.dma_semaphore, #tpu.memory_space<semaphore_mem>>)
        %dma_wait3A = arith.constant 0 : i32
        %dma_wait3A_82 = tpu.memref_slice %arg22[%add3A_77, %dma_wait3A] : memref<10000x16xf32, #tpu.memory_space<vmem_shared>> -> memref<16x16xf32, #tpu.memory_space<vmem_shared>>
        %dma_wait3A_83 = arith.constant 0 : i32
        %dma_wait3A_84 = tpu.memref_slice %arg22[%add3A_77, %dma_wait3A_83] : memref<10000x16xf32, #tpu.memory_space<vmem_shared>> -> memref<16x16xf32, #tpu.memory_space<vmem_shared>>
        tpu.wait_dma2 semaphore(%run_scoped3A : memref<!tpu.dma_semaphore, #tpu.memory_space<semaphore_mem>>) src(%arg19 : memref<16x16xf32, #tpu.memory_space<vmem>>) dst(%dma_wait3A_84 : memref<16x16xf32, #tpu.memory_space<vmem_shared>>)
        tpu.yield
      }) : () -> ()
      %scan3A_78 = arith.constant 0 : i32
      scf.yield %scan3A_78 : i32
    }
    %scan3A_23 = arith.constant 39 : i32
    %eq3A = arith.constant 15 : i32
    %eq3A_24 = arith.cmpi eq, %arg1, %eq3A : i32
    %convert_element_type3A = arith.extui %eq3A_24 : i1 to i32
    %cond3A = arith.constant 0 : i32
    %cond3A_25 = arith.cmpi ne, %convert_element_type3A, %cond3A : i32
    scf.if %cond3A_25 {
      "tpu.region"() ({
        %run_scoped3A = tpu.sem_alloc : memref<!tpu.dma_semaphore, #tpu.memory_space<semaphore_mem>>
        %dma_start3A = arith.constant 0 : i32
        %dma_start3A_70 = arith.constant 0 : i32
        %dma_start3A_71 = tpu.memref_slice %arg18[%dma_start3A, %dma_start3A_70] : memref<16x128xf32, #tpu.memory_space<vmem>> -> memref<16x128xf32, #tpu.memory_space<vmem>>
        %dma_start3A_72 = arith.constant 9984 : i32
        %dma_start3A_73 = arith.constant 0 : i32
        %dma_start3A_74 = tpu.memref_slice %arg21[%dma_start3A_72, %dma_start3A_73] : memref<10000x128xf32, #tpu.memory_space<vmem_shared>> -> memref<16x128xf32, #tpu.memory_space<vmem_shared>>
        %dma_start3A_75 = arith.constant 9984 : i32
        %dma_start3A_76 = arith.constant 0 : i32
        %dma_start3A_77 = tpu.memref_slice %arg21[%dma_start3A_75, %dma_start3A_76] : memref<10000x128xf32, #tpu.memory_space<vmem_shared>> -> memref<16x128xf32, #tpu.memory_space<vmem_shared>>
        %dma_start3A_78 = arith.constant 0 : i32
        %dma_start3A_79 = arith.constant 0 : i32
        %dma_start3A_80 = tpu.memref_slice %arg18[%dma_start3A_78, %dma_start3A_79] : memref<16x128xf32, #tpu.memory_space<vmem>> -> memref<16x128xf32, #tpu.memory_space<vmem>>
        tpu.enqueue_dma source(%dma_start3A_80 : memref<16x128xf32, #tpu.memory_space<vmem>>) target(%dma_start3A_77 : memref<16x128xf32, #tpu.memory_space<vmem_shared>>) target_semaphore(%run_scoped3A : memref<!tpu.dma_semaphore, #tpu.memory_space<semaphore_mem>>)
        %dma_wait3A = arith.constant 0 : i32
        %dma_wait3A_81 = arith.constant 0 : i32
        %dma_wait3A_82 = tpu.memref_slice %arg18[%dma_wait3A, %dma_wait3A_81] : memref<16x128xf32, #tpu.memory_space<vmem>> -> memref<16x128xf32, #tpu.memory_space<vmem>>
        %dma_wait3A_83 = arith.constant 9984 : i32
        %dma_wait3A_84 = arith.constant 0 : i32
        %dma_wait3A_85 = tpu.memref_slice %arg21[%dma_wait3A_83, %dma_wait3A_84] : memref<10000x128xf32, #tpu.memory_space<vmem_shared>> -> memref<16x128xf32, #tpu.memory_space<vmem_shared>>
        %dma_wait3A_86 = arith.constant 9984 : i32
        %dma_wait3A_87 = arith.constant 0 : i32
        %dma_wait3A_88 = tpu.memref_slice %arg21[%dma_wait3A_86, %dma_wait3A_87] : memref<10000x128xf32, #tpu.memory_space<vmem_shared>> -> memref<16x128xf32, #tpu.memory_space<vmem_shared>>
        %dma_wait3A_89 = arith.constant 0 : i32
        %dma_wait3A_90 = arith.constant 0 : i32
        %dma_wait3A_91 = tpu.memref_slice %arg18[%dma_wait3A_89, %dma_wait3A_90] : memref<16x128xf32, #tpu.memory_space<vmem>> -> memref<16x128xf32, #tpu.memory_space<vmem>>
        tpu.wait_dma2 semaphore(%run_scoped3A : memref<!tpu.dma_semaphore, #tpu.memory_space<semaphore_mem>>) src(%dma_wait3A_91 : memref<16x128xf32, #tpu.memory_space<vmem>>) dst(%dma_wait3A_88 : memref<16x128xf32, #tpu.memory_space<vmem_shared>>)
        tpu.yield
      }) : () -> ()
      "tpu.region"() ({
        %run_scoped3A = tpu.sem_alloc : memref<!tpu.dma_semaphore, #tpu.memory_space<semaphore_mem>>
        %dma_start3A = arith.constant 0 : i32
        %dma_start3A_70 = arith.constant 0 : i32
        %dma_start3A_71 = tpu.memref_slice %arg19[%dma_start3A, %dma_start3A_70] : memref<16x16xf32, #tpu.memory_space<vmem>> -> memref<16x16xf32, #tpu.memory_space<vmem>>
        %dma_start3A_72 = arith.constant 9984 : i32
        %dma_start3A_73 = arith.constant 0 : i32
        %dma_start3A_74 = tpu.memref_slice %arg22[%dma_start3A_72, %dma_start3A_73] : memref<10000x16xf32, #tpu.memory_space<vmem_shared>> -> memref<16x16xf32, #tpu.memory_space<vmem_shared>>
        %dma_start3A_75 = arith.constant 9984 : i32
        %dma_start3A_76 = arith.constant 0 : i32
        %dma_start3A_77 = tpu.memref_slice %arg22[%dma_start3A_75, %dma_start3A_76] : memref<10000x16xf32, #tpu.memory_space<vmem_shared>> -> memref<16x16xf32, #tpu.memory_space<vmem_shared>>
        %dma_start3A_78 = arith.constant 0 : i32
        %dma_start3A_79 = arith.constant 0 : i32
        %dma_start3A_80 = tpu.memref_slice %arg19[%dma_start3A_78, %dma_start3A_79] : memref<16x16xf32, #tpu.memory_space<vmem>> -> memref<16x16xf32, #tpu.memory_space<vmem>>
        tpu.enqueue_dma source(%dma_start3A_80 : memref<16x16xf32, #tpu.memory_space<vmem>>) target(%dma_start3A_77 : memref<16x16xf32, #tpu.memory_space<vmem_shared>>) target_semaphore(%run_scoped3A : memref<!tpu.dma_semaphore, #tpu.memory_space<semaphore_mem>>)
        %dma_wait3A = arith.constant 0 : i32
        %dma_wait3A_81 = arith.constant 0 : i32
        %dma_wait3A_82 = tpu.memref_slice %arg19[%dma_wait3A, %dma_wait3A_81] : memref<16x16xf32, #tpu.memory_space<vmem>> -> memref<16x16xf32, #tpu.memory_space<vmem>>
        %dma_wait3A_83 = arith.constant 9984 : i32
        %dma_wait3A_84 = arith.constant 0 : i32
        %dma_wait3A_85 = tpu.memref_slice %arg22[%dma_wait3A_83, %dma_wait3A_84] : memref<10000x16xf32, #tpu.memory_space<vmem_shared>> -> memref<16x16xf32, #tpu.memory_space<vmem_shared>>
        %dma_wait3A_86 = arith.constant 9984 : i32
        %dma_wait3A_87 = arith.constant 0 : i32
        %dma_wait3A_88 = tpu.memref_slice %arg22[%dma_wait3A_86, %dma_wait3A_87] : memref<10000x16xf32, #tpu.memory_space<vmem_shared>> -> memref<16x16xf32, #tpu.memory_space<vmem_shared>>
        %dma_wait3A_89 = arith.constant 0 : i32
        %dma_wait3A_90 = arith.constant 0 : i32
        %dma_wait3A_91 = tpu.memref_slice %arg19[%dma_wait3A_89, %dma_wait3A_90] : memref<16x16xf32, #tpu.memory_space<vmem>> -> memref<16x16xf32, #tpu.memory_space<vmem>>
        tpu.wait_dma2 semaphore(%run_scoped3A : memref<!tpu.dma_semaphore, #tpu.memory_space<semaphore_mem>>) src(%dma_wait3A_91 : memref<16x16xf32, #tpu.memory_space<vmem>>) dst(%dma_wait3A_88 : memref<16x16xf32, #tpu.memory_space<vmem_shared>>)
        tpu.yield
      }) : () -> ()
    } else {
    }
    %barrier3A = arith.constant 0 : index
    tpu.barrier barrier_id(%barrier3A)
    "tpu.region"() ({
      %run_scoped3A = tpu.sem_alloc : memref<!tpu.dma_semaphore, #tpu.memory_space<semaphore_mem>>
      %dma_start3A = arith.constant 0 : i32
      %dma_start3A_70 = tpu.memref_slice %arg6[%arg0, %dma_start3A] : memref<2x128xf32, #tpu.memory_space<hbm>> -> memref<1x128xf32, #tpu.memory_space<hbm>>
      %dma_start3A_71 = tpu.memref_squeeze %dma_start3A_70 : memref<1x128xf32, #tpu.memory_space<hbm>> -> memref<128xf32, #tpu.memory_space<hbm>>
      %dma_start3A_72 = arith.constant 0 : i32
      %dma_start3A_73 = tpu.memref_slice %arg6[%arg0, %dma_start3A_72] : memref<2x128xf32, #tpu.memory_space<hbm>> -> memref<1x128xf32, #tpu.memory_space<hbm>>
      %dma_start3A_74 = tpu.memref_squeeze %dma_start3A_73 : memref<1x128xf32, #tpu.memory_space<hbm>> -> memref<128xf32, #tpu.memory_space<hbm>>
      tpu.enqueue_dma source(%dma_start3A_74 : memref<128xf32, #tpu.memory_space<hbm>>) target(%arg17 : memref<128xf32, #tpu.memory_space<vmem>>) target_semaphore(%run_scoped3A : memref<!tpu.dma_semaphore, #tpu.memory_space<semaphore_mem>>)
      %dma_wait3A = arith.constant 0 : i32
      %dma_wait3A_75 = tpu.memref_slice %arg6[%arg0, %dma_wait3A] : memref<2x128xf32, #tpu.memory_space<hbm>> -> memref<1x128xf32, #tpu.memory_space<hbm>>
      %dma_wait3A_76 = tpu.memref_squeeze %dma_wait3A_75 : memref<1x128xf32, #tpu.memory_space<hbm>> -> memref<128xf32, #tpu.memory_space<hbm>>
      %dma_wait3A_77 = arith.constant 0 : i32
      %dma_wait3A_78 = tpu.memref_slice %arg6[%arg0, %dma_wait3A_77] : memref<2x128xf32, #tpu.memory_space<hbm>> -> memref<1x128xf32, #tpu.memory_space<hbm>>
      %dma_wait3A_79 = tpu.memref_squeeze %dma_wait3A_78 : memref<1x128xf32, #tpu.memory_space<hbm>> -> memref<128xf32, #tpu.memory_space<hbm>>
      tpu.wait_dma2 semaphore(%run_scoped3A : memref<!tpu.dma_semaphore, #tpu.memory_space<semaphore_mem>>) src(%dma_wait3A_79 : memref<128xf32, #tpu.memory_space<hbm>>) dst(%arg17 : memref<128xf32, #tpu.memory_space<vmem>>)
      tpu.yield
    }) : () -> ()
    %get3A = arith.constant 0 : index
    %get3A_26 = tpu.vector_load %arg17[%get3A] {strides = array<i32>} : memref<128xf32, #tpu.memory_space<vmem>>, vector<16xf32>,
    %get3A_27 = arith.constant 16 : index
    %get3A_28 = tpu.vector_load %arg17[%get3A_27] {strides = array<i32>} : memref<128xf32, #tpu.memory_space<vmem>>, vector<16xf32>,
    %get3A_29 = arith.constant 32 : index
    %get3A_30 = tpu.vector_load %arg17[%get3A_29] {strides = array<i32>} : memref<128xf32, #tpu.memory_space<vmem>>, vector<16xf32>,
    %get3A_31 = arith.constant 48 : index
    %get3A_32 = tpu.vector_load %arg17[%get3A_31] {strides = array<i32>} : memref<128xf32, #tpu.memory_space<vmem>>, vector<16xf32>,
    %get3A_33 = arith.constant 64 : index
    %get3A_34 = tpu.vector_load %arg17[%get3A_33] {strides = array<i32>} : memref<128xf32, #tpu.memory_space<vmem>>, vector<16xf32>,
    %get3A_35 = arith.constant 80 : index
    %get3A_36 = tpu.vector_load %arg17[%get3A_35] {strides = array<i32>} : memref<128xf32, #tpu.memory_space<vmem>>, vector<16xf32>,
    %get3A_37 = arith.constant 96 : index
    %get3A_38 = tpu.vector_load %arg17[%get3A_37] {strides = array<i32>} : memref<128xf32, #tpu.memory_space<vmem>>, vector<16xf32>,
    %get3A_39 = arith.constant 112 : index
    %get3A_40 = tpu.vector_load %arg17[%get3A_39] {strides = array<i32>} : memref<128xf32, #tpu.memory_space<vmem>>, vector<16xf32>,
    %iota3A = tpu.iota {dimensions = array<i32: 0>} : vector<16xi32>
    %xor3A = arith.constant 1 : i32
    %xor3A_41 = vector.broadcast %xor3A : i32 to vector<16xi32>
    %xor3A_42 = arith.xori %iota3A, %xor3A_41 : vector<16xi32>
    %xor3A_43 = arith.constant 2 : i32
    %xor3A_44 = vector.broadcast %xor3A_43 : i32 to vector<16xi32>
    %xor3A_45 = arith.xori %iota3A, %xor3A_44 : vector<16xi32>
    %xor3A_46 = arith.constant 4 : i32
    %xor3A_47 = vector.broadcast %xor3A_46 : i32 to vector<16xi32>
    %xor3A_48 = arith.xori %iota3A, %xor3A_47 : vector<16xi32>
    %xor3A_49 = arith.constant 8 : i32
    %xor3A_50 = vector.broadcast %xor3A_49 : i32 to vector<16xi32>
    %xor3A_51 = arith.xori %iota3A, %xor3A_50 : vector<16xi32>
    %mul3A_52 = arith.constant 160000 : i32
    %mul3A_53 = arith.muli %arg0, %mul3A_52 : i32
    %mul3A_54 = arith.constant 10000 : i32
    %mul3A_55 = arith.muli %arg1, %mul3A_54 : i32
    %add3A = arith.addi %mul3A_53, %mul3A_55 : i32
    %scan3A_56 = arith.constant 0 : i32
    %scan3A_57 = arith.constant 0 : i32
    %scan3A_58 = arith.constant 0 : i32
    %scan3A_59 = arith.constant 125 : i32
    %scan3A_60 = arith.addi %scan3A_58, %scan3A_59 : i32
    %scan3A_61 = arith.constant 1 : i32
    %scan3A_62 = scf.for %scan3A_70 = %scan3A_58 to %scan3A_60 step %scan3A_61 iter_args(%scan3A_71 = %scan3A_57) -> (i32)  : i32 {
      %mul3A_72 = arith.constant 80 : i32
      %mul3A_73 = arith.muli %scan3A_70, %mul3A_72 : i32
      %add3A_74 = arith.addi %add3A, %mul3A_73 : i32
      "tpu.region"() ({
        %run_scoped3A = tpu.sem_alloc : memref<!tpu.dma_semaphore, #tpu.memory_space<semaphore_mem>>
        %dma_start3A_152 = tpu.memref_slice %arg4[%add3A_74] : memref<320000xi32, #tpu.memory_space<hbm>> -> memref<80xi32, #tpu.memory_space<hbm>>
        %dma_start3A_153 = tpu.memref_slice %arg4[%add3A_74] : memref<320000xi32, #tpu.memory_space<hbm>> -> memref<80xi32, #tpu.memory_space<hbm>>
        tpu.enqueue_dma source(%dma_start3A_153 : memref<80xi32, #tpu.memory_space<hbm>>) target(%arg9 : memref<80xi32, #tpu.memory_space<vmem>>) target_semaphore(%run_scoped3A : memref<!tpu.dma_semaphore, #tpu.memory_space<semaphore_mem>>)
        %dma_wait3A_154 = tpu.memref_slice %arg4[%add3A_74] : memref<320000xi32, #tpu.memory_space<hbm>> -> memref<80xi32, #tpu.memory_space<hbm>>
        %dma_wait3A_155 = tpu.memref_slice %arg4[%add3A_74] : memref<320000xi32, #tpu.memory_space<hbm>> -> memref<80xi32, #tpu.memory_space<hbm>>
        tpu.wait_dma2 semaphore(%run_scoped3A : memref<!tpu.dma_semaphore, #tpu.memory_space<semaphore_mem>>) src(%dma_wait3A_155 : memref<80xi32, #tpu.memory_space<hbm>>) dst(%arg9 : memref<80xi32, #tpu.memory_space<vmem>>)
        tpu.yield
      }) : () -> ()
      "tpu.region"() ({
        %run_scoped3A = tpu.sem_alloc : memref<!tpu.dma_semaphore, #tpu.memory_space<semaphore_mem>>
        %dma_start3A_152 = tpu.memref_slice %arg5[%add3A_74] : memref<320000xi32, #tpu.memory_space<hbm>> -> memref<80xi32, #tpu.memory_space<hbm>>
        %dma_start3A_153 = tpu.memref_slice %arg5[%add3A_74] : memref<320000xi32, #tpu.memory_space<hbm>> -> memref<80xi32, #tpu.memory_space<hbm>>
        tpu.enqueue_dma source(%dma_start3A_153 : memref<80xi32, #tpu.memory_space<hbm>>) target(%arg10 : memref<80xi32, #tpu.memory_space<vmem>>) target_semaphore(%run_scoped3A : memref<!tpu.dma_semaphore, #tpu.memory_space<semaphore_mem>>)
        %dma_wait3A_154 = tpu.memref_slice %arg5[%add3A_74] : memref<320000xi32, #tpu.memory_space<hbm>> -> memref<80xi32, #tpu.memory_space<hbm>>
        %dma_wait3A_155 = tpu.memref_slice %arg5[%add3A_74] : memref<320000xi32, #tpu.memory_space<hbm>> -> memref<80xi32, #tpu.memory_space<hbm>>
        tpu.wait_dma2 semaphore(%run_scoped3A : memref<!tpu.dma_semaphore, #tpu.memory_space<semaphore_mem>>) src(%dma_wait3A_155 : memref<80xi32, #tpu.memory_space<hbm>>) dst(%arg10 : memref<80xi32, #tpu.memory_space<vmem>>)
        tpu.yield
      }) : () -> ()
      %get3A_75 = arith.constant 0 : index
      %get3A_76 = tpu.vector_load %arg9[%get3A_75] {strides = array<i32>} : memref<80xi32, #tpu.memory_space<vmem>>, vector<16xi32>,
      %add3A_77 = vector.broadcast %scan3A_56 : i32 to vector<16xi32>
      %add3A_78 = arith.addi %get3A_76, %add3A_77 : vector<16xi32>
      %swap3A = arith.constant 0 : index
      %swap3A_79 = tpu.vector_load %arg11[%swap3A] {strides = array<i32>} : memref<80xi32, #tpu.memory_space<vmem>>, vector<16xi32>,
      tpu.vector_store %arg11[%swap3A], %add3A_78 {strides = array<i32>} : memref<80xi32, #tpu.memory_space<vmem>>, vector<16xi32>,
      %get3A_80 = arith.constant 0 : index
      %get3A_81 = tpu.vector_load %arg10[%get3A_80] {strides = array<i32>} : memref<80xi32, #tpu.memory_space<vmem>>, vector<16xi32>,
      %add3A_82 = vector.broadcast %scan3A_56 : i32 to vector<16xi32>
      %add3A_83 = arith.addi %get3A_81, %add3A_82 : vector<16xi32>
      %swap3A_84 = arith.constant 0 : index
      %swap3A_85 = tpu.vector_load %arg12[%swap3A_84] {strides = array<i32>} : memref<80xi32, #tpu.memory_space<vmem>>, vector<16xi32>,
      tpu.vector_store %arg12[%swap3A_84], %add3A_83 {strides = array<i32>} : memref<80xi32, #tpu.memory_space<vmem>>, vector<16xi32>,
      %get3A_86 = arith.constant 16 : index
      %get3A_87 = tpu.vector_load %arg9[%get3A_86] {strides = array<i32>} : memref<80xi32, #tpu.memory_space<vmem>>, vector<16xi32>,
      %add3A_88 = vector.broadcast %scan3A_56 : i32 to vector<16xi32>
      %add3A_89 = arith.addi %get3A_87, %add3A_88 : vector<16xi32>
      %swap3A_90 = arith.constant 16 : index
      %swap3A_91 = tpu.vector_load %arg11[%swap3A_90] {strides = array<i32>} : memref<80xi32, #tpu.memory_space<vmem>>, vector<16xi32>,
      tpu.vector_store %arg11[%swap3A_90], %add3A_89 {strides = array<i32>} : memref<80xi32, #tpu.memory_space<vmem>>, vector<16xi32>,
      %get3A_92 = arith.constant 16 : index
      %get3A_93 = tpu.vector_load %arg10[%get3A_92] {strides = array<i32>} : memref<80xi32, #tpu.memory_space<vmem>>, vector<16xi32>,
      %add3A_94 = vector.broadcast %scan3A_56 : i32 to vector<16xi32>
      %add3A_95 = arith.addi %get3A_93, %add3A_94 : vector<16xi32>
      %swap3A_96 = arith.constant 16 : index
      %swap3A_97 = tpu.vector_load %arg12[%swap3A_96] {strides = array<i32>} : memref<80xi32, #tpu.memory_space<vmem>>, vector<16xi32>,
      tpu.vector_store %arg12[%swap3A_96], %add3A_95 {strides = array<i32>} : memref<80xi32, #tpu.memory_space<vmem>>, vector<16xi32>,
      %get3A_98 = arith.constant 32 : index
      %get3A_99 = tpu.vector_load %arg9[%get3A_98] {strides = array<i32>} : memref<80xi32, #tpu.memory_space<vmem>>, vector<16xi32>,
      %add3A_100 = vector.broadcast %scan3A_56 : i32 to vector<16xi32>
      %add3A_101 = arith.addi %get3A_99, %add3A_100 : vector<16xi32>
      %swap3A_102 = arith.constant 32 : index
      %swap3A_103 = tpu.vector_load %arg11[%swap3A_102] {strides = array<i32>} : memref<80xi32, #tpu.memory_space<vmem>>, vector<16xi32>,
      tpu.vector_store %arg11[%swap3A_102], %add3A_101 {strides = array<i32>} : memref<80xi32, #tpu.memory_space<vmem>>, vector<16xi32>,
      %get3A_104 = arith.constant 32 : index
      %get3A_105 = tpu.vector_load %arg10[%get3A_104] {strides = array<i32>} : memref<80xi32, #tpu.memory_space<vmem>>, vector<16xi32>,
      %add3A_106 = vector.broadcast %scan3A_56 : i32 to vector<16xi32>
      %add3A_107 = arith.addi %get3A_105, %add3A_106 : vector<16xi32>
      %swap3A_108 = arith.constant 32 : index
      %swap3A_109 = tpu.vector_load %arg12[%swap3A_108] {strides = array<i32>} : memref<80xi32, #tpu.memory_space<vmem>>, vector<16xi32>,
      tpu.vector_store %arg12[%swap3A_108], %add3A_107 {strides = array<i32>} : memref<80xi32, #tpu.memory_space<vmem>>, vector<16xi32>,
      %get3A_110 = arith.constant 48 : index
      %get3A_111 = tpu.vector_load %arg9[%get3A_110] {strides = array<i32>} : memref<80xi32, #tpu.memory_space<vmem>>, vector<16xi32>,
      %add3A_112 = vector.broadcast %scan3A_56 : i32 to vector<16xi32>
      %add3A_113 = arith.addi %get3A_111, %add3A_112 : vector<16xi32>
      %swap3A_114 = arith.constant 48 : index
      %swap3A_115 = tpu.vector_load %arg11[%swap3A_114] {strides = array<i32>} : memref<80xi32, #tpu.memory_space<vmem>>, vector<16xi32>,
      tpu.vector_store %arg11[%swap3A_114], %add3A_113 {strides = array<i32>} : memref<80xi32, #tpu.memory_space<vmem>>, vector<16xi32>,
      %get3A_116 = arith.constant 48 : index
      %get3A_117 = tpu.vector_load %arg10[%get3A_116] {strides = array<i32>} : memref<80xi32, #tpu.memory_space<vmem>>, vector<16xi32>,
      %add3A_118 = vector.broadcast %scan3A_56 : i32 to vector<16xi32>
      %add3A_119 = arith.addi %get3A_117, %add3A_118 : vector<16xi32>
      %swap3A_120 = arith.constant 48 : index
      %swap3A_121 = tpu.vector_load %arg12[%swap3A_120] {strides = array<i32>} : memref<80xi32, #tpu.memory_space<vmem>>, vector<16xi32>,
      tpu.vector_store %arg12[%swap3A_120], %add3A_119 {strides = array<i32>} : memref<80xi32, #tpu.memory_space<vmem>>, vector<16xi32>,
      %get3A_122 = arith.constant 64 : index
      %get3A_123 = tpu.vector_load %arg9[%get3A_122] {strides = array<i32>} : memref<80xi32, #tpu.memory_space<vmem>>, vector<16xi32>,
      %add3A_124 = vector.broadcast %scan3A_56 : i32 to vector<16xi32>
      %add3A_125 = arith.addi %get3A_123, %add3A_124 : vector<16xi32>
      %swap3A_126 = arith.constant 64 : index
      %swap3A_127 = tpu.vector_load %arg11[%swap3A_126] {strides = array<i32>} : memref<80xi32, #tpu.memory_space<vmem>>, vector<16xi32>,
      tpu.vector_store %arg11[%swap3A_126], %add3A_125 {strides = array<i32>} : memref<80xi32, #tpu.memory_space<vmem>>, vector<16xi32>,
      %get3A_128 = arith.constant 64 : index
      %get3A_129 = tpu.vector_load %arg10[%get3A_128] {strides = array<i32>} : memref<80xi32, #tpu.memory_space<vmem>>, vector<16xi32>,
      %add3A_130 = vector.broadcast %scan3A_56 : i32 to vector<16xi32>
      %add3A_131 = arith.addi %get3A_129, %add3A_130 : vector<16xi32>
      %swap3A_132 = arith.constant 64 : index
      %swap3A_133 = tpu.vector_load %arg12[%swap3A_132] {strides = array<i32>} : memref<80xi32, #tpu.memory_space<vmem>>, vector<16xi32>,
      tpu.vector_store %arg12[%swap3A_132], %add3A_131 {strides = array<i32>} : memref<80xi32, #tpu.memory_space<vmem>>, vector<16xi32>,
      %dma_start3A = arith.constant 0 : i32
      %dma_start3A_134 = arith.constant 0 : i32
      %dma_start3A_135 = tpu.memref_slice %arg2[%dma_start3A, %dma_start3A_134] : memref<10000x128xf32, #tpu.memory_space<hbm>> -> memref<10000x128xf32, #tpu.memory_space<hbm>>
      tpu.enqueue_indirect_dma source(%dma_start3A_135 : memref<10000x128xf32, #tpu.memory_space<hbm>>) target(%arg13 : memref<80x128xf32, #tpu.memory_space<vmem>>) offsets(%arg11 : memref<80xi32, #tpu.memory_space<vmem>>) semaphore(%arg23 : memref<!tpu.dma_semaphore, #tpu.memory_space<semaphore_mem>>)
      %dma_start3A_136 = arith.constant 0 : i32
      %dma_start3A_137 = arith.constant 0 : i32
      %dma_start3A_138 = tpu.memref_slice %arg3[%dma_start3A_136, %dma_start3A_137] : memref<10000x128xf32, #tpu.memory_space<hbm>> -> memref<10000x128xf32, #tpu.memory_space<hbm>>
      tpu.enqueue_indirect_dma source(%dma_start3A_138 : memref<10000x128xf32, #tpu.memory_space<hbm>>) target(%arg14 : memref<80x128xf32, #tpu.memory_space<vmem>>) offsets(%arg12 : memref<80xi32, #tpu.memory_space<vmem>>) semaphore(%arg24 : memref<!tpu.dma_semaphore, #tpu.memory_space<semaphore_mem>>)
      %dma_wait3A = arith.constant 0 : i32
      %dma_wait3A_139 = arith.constant 0 : i32
      %dma_wait3A_140 = tpu.memref_slice %arg2[%dma_wait3A, %dma_wait3A_139] : memref<10000x128xf32, #tpu.memory_space<hbm>> -> memref<10000x128xf32, #tpu.memory_space<hbm>>
      tpu.wait_indirect_dma semaphore(%arg23 : memref<!tpu.dma_semaphore, #tpu.memory_space<semaphore_mem>>) src(%dma_wait3A_140 : memref<10000x128xf32, #tpu.memory_space<hbm>>) dst(%arg13 : memref<80x128xf32, #tpu.memory_space<vmem>>)
      %dma_wait3A_141 = arith.constant 0 : i32
      %dma_wait3A_142 = arith.constant 0 : i32
      %dma_wait3A_143 = tpu.memref_slice %arg3[%dma_wait3A_141, %dma_wait3A_142] : memref<10000x128xf32, #tpu.memory_space<hbm>> -> memref<10000x128xf32, #tpu.memory_space<hbm>>
      tpu.wait_indirect_dma semaphore(%arg24 : memref<!tpu.dma_semaphore, #tpu.memory_space<semaphore_mem>>) src(%dma_wait3A_143 : memref<10000x128xf32, #tpu.memory_space<hbm>>) dst(%arg14 : memref<80x128xf32, #tpu.memory_space<vmem>>)
      %scan3A_144 = arith.constant 0 : i32
      %scan3A_145 = arith.constant 0 : i32
      %scan3A_146 = arith.constant 20 : i32
      %scan3A_147 = arith.addi %scan3A_145, %scan3A_146 : i32
      %scan3A_148 = arith.constant 1 : i32
      %scan3A_149 = scf.for %scan3A_152 = %scan3A_145 to %scan3A_147 step %scan3A_148 iter_args(%scan3A_153 = %scan3A_144) -> (i32)  : i32 {
        %mul3A_154 = arith.constant 4 : i32
        %mul3A_155 = arith.muli %scan3A_152, %mul3A_154 : i32
        %add3A_156 = arith.constant 0 : i32
        %add3A_157 = arith.addi %mul3A_155, %add3A_156 : i32
        %get3A_158 = arith.index_cast %add3A_157 : i32 to index
        %get3A_159 = arith.constant 0 : index
        %get3A_160 = tpu.vector_load %arg13[%get3A_158, %get3A_159] {strides = array<i32>} : memref<80x128xf32, #tpu.memory_space<vmem>>, vector<16xf32>,
        %get3A_161 = arith.index_cast %add3A_157 : i32 to index
        %get3A_162 = arith.constant 0 : index
        %get3A_163 = tpu.vector_load %arg14[%get3A_161, %get3A_162] {strides = array<i32>} : memref<80x128xf32, #tpu.memory_space<vmem>>, vector<16xf32>,
        %add3A_164 = arith.addf %get3A_160, %get3A_163 : vector<16xf32>
        %max3A = arith.constant 0.000000e+00 : f32
        %max3A_165 = vector.broadcast %max3A : f32 to vector<16xf32>
        %max3A_166 = arith.maximumf %add3A_164, %max3A_165 : vector<16xf32>
        %min3A = arith.constant 0.000000e+00 : f32
        %min3A_167 = vector.broadcast %min3A : f32 to vector<16xf32>
        %min3A_168 = arith.minimumf %add3A_164, %min3A_167 : vector<16xf32>
        %mul3A_169 = arith.constant 2.000000e-01 : f32
        %mul3A_170 = vector.broadcast %mul3A_169 : f32 to vector<16xf32>
        %mul3A_171 = arith.mulf %mul3A_170, %min3A_168 : vector<16xf32>
        %add3A_172 = arith.addf %max3A_166, %mul3A_171 : vector<16xf32>
        %mul3A_173 = arith.mulf %add3A_172, %get3A_26 : vector<16xf32>
        %get3A_174 = arith.index_cast %add3A_157 : i32 to index
        %get3A_175 = arith.constant 16 : index
        %get3A_176 = tpu.vector_load %arg13[%get3A_174, %get3A_175] {strides = array<i32>} : memref<80x128xf32, #tpu.memory_space<vmem>>, vector<16xf32>,
        %get3A_177 = arith.index_cast %add3A_157 : i32 to index
        %get3A_178 = arith.constant 16 : index
        %get3A_179 = tpu.vector_load %arg14[%get3A_177, %get3A_178] {strides = array<i32>} : memref<80x128xf32, #tpu.memory_space<vmem>>, vector<16xf32>,
        %add3A_180 = arith.addf %get3A_176, %get3A_179 : vector<16xf32>
        %max3A_181 = arith.constant 0.000000e+00 : f32
        %max3A_182 = vector.broadcast %max3A_181 : f32 to vector<16xf32>
        %max3A_183 = arith.maximumf %add3A_180, %max3A_182 : vector<16xf32>
        %min3A_184 = arith.constant 0.000000e+00 : f32
        %min3A_185 = vector.broadcast %min3A_184 : f32 to vector<16xf32>
        %min3A_186 = arith.minimumf %add3A_180, %min3A_185 : vector<16xf32>
        %mul3A_187 = arith.constant 2.000000e-01 : f32
        %mul3A_188 = vector.broadcast %mul3A_187 : f32 to vector<16xf32>
        %mul3A_189 = arith.mulf %mul3A_188, %min3A_186 : vector<16xf32>
        %add3A_190 = arith.addf %max3A_183, %mul3A_189 : vector<16xf32>
        %mul3A_191 = arith.mulf %add3A_190, %get3A_28 : vector<16xf32>
        %add3A_192 = arith.addf %mul3A_173, %mul3A_191 : vector<16xf32>
        %get3A_193 = arith.index_cast %add3A_157 : i32 to index
        %get3A_194 = arith.constant 32 : index
        %get3A_195 = tpu.vector_load %arg13[%get3A_193, %get3A_194] {strides = array<i32>} : memref<80x128xf32, #tpu.memory_space<vmem>>, vector<16xf32>,
        %get3A_196 = arith.index_cast %add3A_157 : i32 to index
        %get3A_197 = arith.constant 32 : index
        %get3A_198 = tpu.vector_load %arg14[%get3A_196, %get3A_197] {strides = array<i32>} : memref<80x128xf32, #tpu.memory_space<vmem>>, vector<16xf32>,
        %add3A_199 = arith.addf %get3A_195, %get3A_198 : vector<16xf32>
        %max3A_200 = arith.constant 0.000000e+00 : f32
        %max3A_201 = vector.broadcast %max3A_200 : f32 to vector<16xf32>
        %max3A_202 = arith.maximumf %add3A_199, %max3A_201 : vector<16xf32>
        %min3A_203 = arith.constant 0.000000e+00 : f32
        %min3A_204 = vector.broadcast %min3A_203 : f32 to vector<16xf32>
        %min3A_205 = arith.minimumf %add3A_199, %min3A_204 : vector<16xf32>
        %mul3A_206 = arith.constant 2.000000e-01 : f32
        %mul3A_207 = vector.broadcast %mul3A_206 : f32 to vector<16xf32>
        %mul3A_208 = arith.mulf %mul3A_207, %min3A_205 : vector<16xf32>
        %add3A_209 = arith.addf %max3A_202, %mul3A_208 : vector<16xf32>
        %mul3A_210 = arith.mulf %add3A_209, %get3A_30 : vector<16xf32>
        %add3A_211 = arith.addf %add3A_192, %mul3A_210 : vector<16xf32>
        %get3A_212 = arith.index_cast %add3A_157 : i32 to index
        %get3A_213 = arith.constant 48 : index
        %get3A_214 = tpu.vector_load %arg13[%get3A_212, %get3A_213] {strides = array<i32>} : memref<80x128xf32, #tpu.memory_space<vmem>>, vector<16xf32>,
        %get3A_215 = arith.index_cast %add3A_157 : i32 to index
        %get3A_216 = arith.constant 48 : index
        %get3A_217 = tpu.vector_load %arg14[%get3A_215, %get3A_216] {strides = array<i32>} : memref<80x128xf32, #tpu.memory_space<vmem>>, vector<16xf32>,
        %add3A_218 = arith.addf %get3A_214, %get3A_217 : vector<16xf32>
        %max3A_219 = arith.constant 0.000000e+00 : f32
        %max3A_220 = vector.broadcast %max3A_219 : f32 to vector<16xf32>
        %max3A_221 = arith.maximumf %add3A_218, %max3A_220 : vector<16xf32>
        %min3A_222 = arith.constant 0.000000e+00 : f32
        %min3A_223 = vector.broadcast %min3A_222 : f32 to vector<16xf32>
        %min3A_224 = arith.minimumf %add3A_218, %min3A_223 : vector<16xf32>
        %mul3A_225 = arith.constant 2.000000e-01 : f32
        %mul3A_226 = vector.broadcast %mul3A_225 : f32 to vector<16xf32>
        %mul3A_227 = arith.mulf %mul3A_226, %min3A_224 : vector<16xf32>
        %add3A_228 = arith.addf %max3A_221, %mul3A_227 : vector<16xf32>
        %mul3A_229 = arith.mulf %add3A_228, %get3A_32 : vector<16xf32>
        %add3A_230 = arith.addf %add3A_211, %mul3A_229 : vector<16xf32>
        %get3A_231 = arith.index_cast %add3A_157 : i32 to index
        %get3A_232 = arith.constant 64 : index
        %get3A_233 = tpu.vector_load %arg13[%get3A_231, %get3A_232] {strides = array<i32>} : memref<80x128xf32, #tpu.memory_space<vmem>>, vector<16xf32>,
        %get3A_234 = arith.index_cast %add3A_157 : i32 to index
        %get3A_235 = arith.constant 64 : index
        %get3A_236 = tpu.vector_load %arg14[%get3A_234, %get3A_235] {strides = array<i32>} : memref<80x128xf32, #tpu.memory_space<vmem>>, vector<16xf32>,
        %add3A_237 = arith.addf %get3A_233, %get3A_236 : vector<16xf32>
        %max3A_238 = arith.constant 0.000000e+00 : f32
        %max3A_239 = vector.broadcast %max3A_238 : f32 to vector<16xf32>
        %max3A_240 = arith.maximumf %add3A_237, %max3A_239 : vector<16xf32>
        %min3A_241 = arith.constant 0.000000e+00 : f32
        %min3A_242 = vector.broadcast %min3A_241 : f32 to vector<16xf32>
        %min3A_243 = arith.minimumf %add3A_237, %min3A_242 : vector<16xf32>
        %mul3A_244 = arith.constant 2.000000e-01 : f32
        %mul3A_245 = vector.broadcast %mul3A_244 : f32 to vector<16xf32>
        %mul3A_246 = arith.mulf %mul3A_245, %min3A_243 : vector<16xf32>
        %add3A_247 = arith.addf %max3A_240, %mul3A_246 : vector<16xf32>
        %mul3A_248 = arith.mulf %add3A_247, %get3A_34 : vector<16xf32>
        %add3A_249 = arith.addf %add3A_230, %mul3A_248 : vector<16xf32>
        %get3A_250 = arith.index_cast %add3A_157 : i32 to index
        %get3A_251 = arith.constant 80 : index
        %get3A_252 = tpu.vector_load %arg13[%get3A_250, %get3A_251] {strides = array<i32>} : memref<80x128xf32, #tpu.memory_space<vmem>>, vector<16xf32>,
        %get3A_253 = arith.index_cast %add3A_157 : i32 to index
        %get3A_254 = arith.constant 80 : index
        %get3A_255 = tpu.vector_load %arg14[%get3A_253, %get3A_254] {strides = array<i32>} : memref<80x128xf32, #tpu.memory_space<vmem>>, vector<16xf32>,
        %add3A_256 = arith.addf %get3A_252, %get3A_255 : vector<16xf32>
        %max3A_257 = arith.constant 0.000000e+00 : f32
        %max3A_258 = vector.broadcast %max3A_257 : f32 to vector<16xf32>
        %max3A_259 = arith.maximumf %add3A_256, %max3A_258 : vector<16xf32>
        %min3A_260 = arith.constant 0.000000e+00 : f32
        %min3A_261 = vector.broadcast %min3A_260 : f32 to vector<16xf32>
        %min3A_262 = arith.minimumf %add3A_256, %min3A_261 : vector<16xf32>
        %mul3A_263 = arith.constant 2.000000e-01 : f32
        %mul3A_264 = vector.broadcast %mul3A_263 : f32 to vector<16xf32>
        %mul3A_265 = arith.mulf %mul3A_264, %min3A_262 : vector<16xf32>
        %add3A_266 = arith.addf %max3A_259, %mul3A_265 : vector<16xf32>
        %mul3A_267 = arith.mulf %add3A_266, %get3A_36 : vector<16xf32>
        %add3A_268 = arith.addf %add3A_249, %mul3A_267 : vector<16xf32>
        %get3A_269 = arith.index_cast %add3A_157 : i32 to index
        %get3A_270 = arith.constant 96 : index
        %get3A_271 = tpu.vector_load %arg13[%get3A_269, %get3A_270] {strides = array<i32>} : memref<80x128xf32, #tpu.memory_space<vmem>>, vector<16xf32>,
        %get3A_272 = arith.index_cast %add3A_157 : i32 to index
        %get3A_273 = arith.constant 96 : index
        %get3A_274 = tpu.vector_load %arg14[%get3A_272, %get3A_273] {strides = array<i32>} : memref<80x128xf32, #tpu.memory_space<vmem>>, vector<16xf32>,
        %add3A_275 = arith.addf %get3A_271, %get3A_274 : vector<16xf32>
        %max3A_276 = arith.constant 0.000000e+00 : f32
        %max3A_277 = vector.broadcast %max3A_276 : f32 to vector<16xf32>
        %max3A_278 = arith.maximumf %add3A_275, %max3A_277 : vector<16xf32>
        %min3A_279 = arith.constant 0.000000e+00 : f32
        %min3A_280 = vector.broadcast %min3A_279 : f32 to vector<16xf32>
        %min3A_281 = arith.minimumf %add3A_275, %min3A_280 : vector<16xf32>
        %mul3A_282 = arith.constant 2.000000e-01 : f32
        %mul3A_283 = vector.broadcast %mul3A_282 : f32 to vector<16xf32>
        %mul3A_284 = arith.mulf %mul3A_283, %min3A_281 : vector<16xf32>
        %add3A_285 = arith.addf %max3A_278, %mul3A_284 : vector<16xf32>
        %mul3A_286 = arith.mulf %add3A_285, %get3A_38 : vector<16xf32>
        %add3A_287 = arith.addf %add3A_268, %mul3A_286 : vector<16xf32>
        %get3A_288 = arith.index_cast %add3A_157 : i32 to index
        %get3A_289 = arith.constant 112 : index
        %get3A_290 = tpu.vector_load %arg13[%get3A_288, %get3A_289] {strides = array<i32>} : memref<80x128xf32, #tpu.memory_space<vmem>>, vector<16xf32>,
        %get3A_291 = arith.index_cast %add3A_157 : i32 to index
        %get3A_292 = arith.constant 112 : index
        %get3A_293 = tpu.vector_load %arg14[%get3A_291, %get3A_292] {strides = array<i32>} : memref<80x128xf32, #tpu.memory_space<vmem>>, vector<16xf32>,
        %add3A_294 = arith.addf %get3A_290, %get3A_293 : vector<16xf32>
        %max3A_295 = arith.constant 0.000000e+00 : f32
        %max3A_296 = vector.broadcast %max3A_295 : f32 to vector<16xf32>
        %max3A_297 = arith.maximumf %add3A_294, %max3A_296 : vector<16xf32>
        %min3A_298 = arith.constant 0.000000e+00 : f32
        %min3A_299 = vector.broadcast %min3A_298 : f32 to vector<16xf32>
        %min3A_300 = arith.minimumf %add3A_294, %min3A_299 : vector<16xf32>
        %mul3A_301 = arith.constant 2.000000e-01 : f32
        %mul3A_302 = vector.broadcast %mul3A_301 : f32 to vector<16xf32>
        %mul3A_303 = arith.mulf %mul3A_302, %min3A_300 : vector<16xf32>
        %add3A_304 = arith.addf %max3A_297, %mul3A_303 : vector<16xf32>
        %mul3A_305 = arith.mulf %add3A_304, %get3A_40 : vector<16xf32>
        %add3A_306 = arith.addf %add3A_287, %mul3A_305 : vector<16xf32>
        %swap3A_307 = arith.constant 0 : index
        %swap3A_308 = tpu.vector_load %arg20[%swap3A_307] {strides = array<i32>} : memref<512xf32, #tpu.memory_space<vmem>>, vector<16xf32>,
        tpu.vector_store %arg20[%swap3A_307], %add3A_306 {strides = array<i32>} : memref<512xf32, #tpu.memory_space<vmem>>, vector<16xf32>,
        %add3A_309 = arith.constant 0 : i32
        %add3A_310 = vector.broadcast %add3A_309 : i32 to vector<16xi32>
        %add3A_311 = arith.addi %add3A_310, %xor3A_42 : vector<16xi32>
        %gather3A = tpu.vector_load_idx %arg20[%add3A_311] : memref<512xf32, #tpu.memory_space<vmem>>[vector<16xi32>], vector<16xf32>,
        %add3A_312 = arith.addf %add3A_306, %gather3A : vector<16xf32>
        %swap3A_313 = arith.constant 16 : index
        %swap3A_314 = tpu.vector_load %arg20[%swap3A_313] {strides = array<i32>} : memref<512xf32, #tpu.memory_space<vmem>>, vector<16xf32>,
        tpu.vector_store %arg20[%swap3A_313], %add3A_312 {strides = array<i32>} : memref<512xf32, #tpu.memory_space<vmem>>, vector<16xf32>,
        %add3A_315 = arith.constant 16 : i32
        %add3A_316 = vector.broadcast %add3A_315 : i32 to vector<16xi32>
        %add3A_317 = arith.addi %add3A_316, %xor3A_45 : vector<16xi32>
        %gather3A_318 = tpu.vector_load_idx %arg20[%add3A_317] : memref<512xf32, #tpu.memory_space<vmem>>[vector<16xi32>], vector<16xf32>,
        %add3A_319 = arith.addf %add3A_312, %gather3A_318 : vector<16xf32>
        %swap3A_320 = arith.constant 32 : index
        %swap3A_321 = tpu.vector_load %arg20[%swap3A_320] {strides = array<i32>} : memref<512xf32, #tpu.memory_space<vmem>>, vector<16xf32>,
        tpu.vector_store %arg20[%swap3A_320], %add3A_319 {strides = array<i32>} : memref<512xf32, #tpu.memory_space<vmem>>, vector<16xf32>,
        %add3A_322 = arith.constant 32 : i32
        %add3A_323 = vector.broadcast %add3A_322 : i32 to vector<16xi32>
        %add3A_324 = arith.addi %add3A_323, %xor3A_48 : vector<16xi32>
        %gather3A_325 = tpu.vector_load_idx %arg20[%add3A_324] : memref<512xf32, #tpu.memory_space<vmem>>[vector<16xi32>], vector<16xf32>,
        %add3A_326 = arith.addf %add3A_319, %gather3A_325 : vector<16xf32>
        %swap3A_327 = arith.constant 48 : index
        %swap3A_328 = tpu.vector_load %arg20[%swap3A_327] {strides = array<i32>} : memref<512xf32, #tpu.memory_space<vmem>>, vector<16xf32>,
        tpu.vector_store %arg20[%swap3A_327], %add3A_326 {strides = array<i32>} : memref<512xf32, #tpu.memory_space<vmem>>, vector<16xf32>,
        %add3A_329 = arith.constant 48 : i32
        %add3A_330 = vector.broadcast %add3A_329 : i32 to vector<16xi32>
        %add3A_331 = arith.addi %add3A_330, %xor3A_51 : vector<16xi32>
        %gather3A_332 = tpu.vector_load_idx %arg20[%add3A_331] : memref<512xf32, #tpu.memory_space<vmem>>[vector<16xi32>], vector<16xf32>,
        %add3A_333 = arith.addf %add3A_326, %gather3A_332 : vector<16xf32>
        %exp3A = math.exp %add3A_333 : vector<16xf32>
        %mul3A_334 = arith.mulf %exp3A, %get3A_160 : vector<16xf32>
        %swap3A_335 = arith.index_cast %add3A_157 : i32 to index
        %swap3A_336 = arith.constant 0 : index
        %swap3A_337 = tpu.vector_load %arg15[%swap3A_335, %swap3A_336] {strides = array<i32>} : memref<80x128xf32, #tpu.memory_space<vmem>>, vector<16xf32>,
        tpu.vector_store %arg15[%swap3A_335, %swap3A_336], %mul3A_334 {strides = array<i32>} : memref<80x128xf32, #tpu.memory_space<vmem>>, vector<16xf32>,
        %mul3A_338 = arith.mulf %exp3A, %get3A_176 : vector<16xf32>
        %swap3A_339 = arith.index_cast %add3A_157 : i32 to index
        %swap3A_340 = arith.constant 16 : index
        %swap3A_341 = tpu.vector_load %arg15[%swap3A_339, %swap3A_340] {strides = array<i32>} : memref<80x128xf32, #tpu.memory_space<vmem>>, vector<16xf32>,
        tpu.vector_store %arg15[%swap3A_339, %swap3A_340], %mul3A_338 {strides = array<i32>} : memref<80x128xf32, #tpu.memory_space<vmem>>, vector<16xf32>,
        %mul3A_342 = arith.mulf %exp3A, %get3A_195 : vector<16xf32>
        %swap3A_343 = arith.index_cast %add3A_157 : i32 to index
        %swap3A_344 = arith.constant 32 : index
        %swap3A_345 = tpu.vector_load %arg15[%swap3A_343, %swap3A_344] {strides = array<i32>} : memref<80x128xf32, #tpu.memory_space<vmem>>, vector<16xf32>,
        tpu.vector_store %arg15[%swap3A_343, %swap3A_344], %mul3A_342 {strides = array<i32>} : memref<80x128xf32, #tpu.memory_space<vmem>>, vector<16xf32>,
        %mul3A_346 = arith.mulf %exp3A, %get3A_214 : vector<16xf32>
        %swap3A_347 = arith.index_cast %add3A_157 : i32 to index
        %swap3A_348 = arith.constant 48 : index
        %swap3A_349 = tpu.vector_load %arg15[%swap3A_347, %swap3A_348] {strides = array<i32>} : memref<80x128xf32, #tpu.memory_space<vmem>>, vector<16xf32>,
        tpu.vector_store %arg15[%swap3A_347, %swap3A_348], %mul3A_346 {strides = array<i32>} : memref<80x128xf32, #tpu.memory_space<vmem>>, vector<16xf32>,
        %mul3A_350 = arith.mulf %exp3A, %get3A_233 : vector<16xf32>
        %swap3A_351 = arith.index_cast %add3A_157 : i32 to index
        %swap3A_352 = arith.constant 64 : index
        %swap3A_353 = tpu.vector_load %arg15[%swap3A_351, %swap3A_352] {strides = array<i32>} : memref<80x128xf32, #tpu.memory_space<vmem>>, vector<16xf32>,
        tpu.vector_store %arg15[%swap3A_351, %swap3A_352], %mul3A_350 {strides = array<i32>} : memref<80x128xf32, #tpu.memory_space<vmem>>, vector<16xf32>,
        %mul3A_354 = arith.mulf %exp3A, %get3A_252 : vector<16xf32>
        %swap3A_355 = arith.index_cast %add3A_157 : i32 to index
        %swap3A_356 = arith.constant 80 : index
        %swap3A_357 = tpu.vector_load %arg15[%swap3A_355, %swap3A_356] {strides = array<i32>} : memref<80x128xf32, #tpu.memory_space<vmem>>, vector<16xf32>,
        tpu.vector_store %arg15[%swap3A_355, %swap3A_356], %mul3A_354 {strides = array<i32>} : memref<80x128xf32, #tpu.memory_space<vmem>>, vector<16xf32>,
        %mul3A_358 = arith.mulf %exp3A, %get3A_271 : vector<16xf32>
        %swap3A_359 = arith.index_cast %add3A_157 : i32 to index
        %swap3A_360 = arith.constant 96 : index
        %swap3A_361 = tpu.vector_load %arg15[%swap3A_359, %swap3A_360] {strides = array<i32>} : memref<80x128xf32, #tpu.memory_space<vmem>>, vector<16xf32>,
        tpu.vector_store %arg15[%swap3A_359, %swap3A_360], %mul3A_358 {strides = array<i32>} : memref<80x128xf32, #tpu.memory_space<vmem>>, vector<16xf32>,
        %mul3A_362 = arith.mulf %exp3A, %get3A_290 : vector<16xf32>
        %swap3A_363 = arith.index_cast %add3A_157 : i32 to index
        %swap3A_364 = arith.constant 112 : index
        %swap3A_365 = tpu.vector_load %arg15[%swap3A_363, %swap3A_364] {strides = array<i32>} : memref<80x128xf32, #tpu.memory_space<vmem>>, vector<16xf32>,
        tpu.vector_store %arg15[%swap3A_363, %swap3A_364], %mul3A_362 {strides = array<i32>} : memref<80x128xf32, #tpu.memory_space<vmem>>, vector<16xf32>,
        %eq3A_366 = arith.constant 0 : i32
        %eq3A_367 = vector.broadcast %eq3A_366 : i32 to vector<16xi32>
        %eq3A_368 = arith.cmpi eq, %iota3A, %eq3A_367 : vector<16xi32>
        %jit3A = arith.constant 0.000000e+00 : f32
        %broadcast_in_dim3A_369 = vector.broadcast %jit3A : f32 to vector<16xf32>
        %select_n3A = arith.select %eq3A_368, %exp3A, %broadcast_in_dim3A_369 : vector<16xi1>, vector<16xf32>
        %swap3A_370 = arith.index_cast %add3A_157 : i32 to index
        %swap3A_371 = arith.constant 0 : index
        %swap3A_372 = tpu.vector_load %arg16[%swap3A_370, %swap3A_371] {strides = array<i32>} : memref<80x16xf32, #tpu.memory_space<vmem>>, vector<16xf32>,
        tpu.vector_store %arg16[%swap3A_370, %swap3A_371], %select_n3A {strides = array<i32>} : memref<80x16xf32, #tpu.memory_space<vmem>>, vector<16xf32>,
        %mul3A_373 = arith.constant 4 : i32
        %mul3A_374 = arith.muli %scan3A_152, %mul3A_373 : i32
        %add3A_375 = arith.constant 1 : i32
        %add3A_376 = arith.addi %mul3A_374, %add3A_375 : i32
        %get3A_377 = arith.index_cast %add3A_376 : i32 to index
        %get3A_378 = arith.constant 0 : index
        %get3A_379 = tpu.vector_load %arg13[%get3A_377, %get3A_378] {strides = array<i32>} : memref<80x128xf32, #tpu.memory_space<vmem>>, vector<16xf32>,
        %get3A_380 = arith.index_cast %add3A_376 : i32 to index
        %get3A_381 = arith.constant 0 : index
        %get3A_382 = tpu.vector_load %arg14[%get3A_380, %get3A_381] {strides = array<i32>} : memref<80x128xf32, #tpu.memory_space<vmem>>, vector<16xf32>,
        %add3A_383 = arith.addf %get3A_379, %get3A_382 : vector<16xf32>
        %max3A_384 = arith.constant 0.000000e+00 : f32
        %max3A_385 = vector.broadcast %max3A_384 : f32 to vector<16xf32>
        %max3A_386 = arith.maximumf %add3A_383, %max3A_385 : vector<16xf32>
        %min3A_387 = arith.constant 0.000000e+00 : f32
        %min3A_388 = vector.broadcast %min3A_387 : f32 to vector<16xf32>
        %min3A_389 = arith.minimumf %add3A_383, %min3A_388 : vector<16xf32>
        %mul3A_390 = arith.constant 2.000000e-01 : f32
        %mul3A_391 = vector.broadcast %mul3A_390 : f32 to vector<16xf32>
        %mul3A_392 = arith.mulf %mul3A_391, %min3A_389 : vector<16xf32>
        %add3A_393 = arith.addf %max3A_386, %mul3A_392 : vector<16xf32>
        %mul3A_394 = arith.mulf %add3A_393, %get3A_26 : vector<16xf32>
        %get3A_395 = arith.index_cast %add3A_376 : i32 to index
        %get3A_396 = arith.constant 16 : index
        %get3A_397 = tpu.vector_load %arg13[%get3A_395, %get3A_396] {strides = array<i32>} : memref<80x128xf32, #tpu.memory_space<vmem>>, vector<16xf32>,
        %get3A_398 = arith.index_cast %add3A_376 : i32 to index
        %get3A_399 = arith.constant 16 : index
        %get3A_400 = tpu.vector_load %arg14[%get3A_398, %get3A_399] {strides = array<i32>} : memref<80x128xf32, #tpu.memory_space<vmem>>, vector<16xf32>,
        %add3A_401 = arith.addf %get3A_397, %get3A_400 : vector<16xf32>
        %max3A_402 = arith.constant 0.000000e+00 : f32
        %max3A_403 = vector.broadcast %max3A_402 : f32 to vector<16xf32>
        %max3A_404 = arith.maximumf %add3A_401, %max3A_403 : vector<16xf32>
        %min3A_405 = arith.constant 0.000000e+00 : f32
        %min3A_406 = vector.broadcast %min3A_405 : f32 to vector<16xf32>
        %min3A_407 = arith.minimumf %add3A_401, %min3A_406 : vector<16xf32>
        %mul3A_408 = arith.constant 2.000000e-01 : f32
        %mul3A_409 = vector.broadcast %mul3A_408 : f32 to vector<16xf32>
        %mul3A_410 = arith.mulf %mul3A_409, %min3A_407 : vector<16xf32>
        %add3A_411 = arith.addf %max3A_404, %mul3A_410 : vector<16xf32>
        %mul3A_412 = arith.mulf %add3A_411, %get3A_28 : vector<16xf32>
        %add3A_413 = arith.addf %mul3A_394, %mul3A_412 : vector<16xf32>
        %get3A_414 = arith.index_cast %add3A_376 : i32 to index
        %get3A_415 = arith.constant 32 : index
        %get3A_416 = tpu.vector_load %arg13[%get3A_414, %get3A_415] {strides = array<i32>} : memref<80x128xf32, #tpu.memory_space<vmem>>, vector<16xf32>,
        %get3A_417 = arith.index_cast %add3A_376 : i32 to index
        %get3A_418 = arith.constant 32 : index
        %get3A_419 = tpu.vector_load %arg14[%get3A_417, %get3A_418] {strides = array<i32>} : memref<80x128xf32, #tpu.memory_space<vmem>>, vector<16xf32>,
        %add3A_420 = arith.addf %get3A_416, %get3A_419 : vector<16xf32>
        %max3A_421 = arith.constant 0.000000e+00 : f32
        %max3A_422 = vector.broadcast %max3A_421 : f32 to vector<16xf32>
        %max3A_423 = arith.maximumf %add3A_420, %max3A_422 : vector<16xf32>
        %min3A_424 = arith.constant 0.000000e+00 : f32
        %min3A_425 = vector.broadcast %min3A_424 : f32 to vector<16xf32>
        %min3A_426 = arith.minimumf %add3A_420, %min3A_425 : vector<16xf32>
        %mul3A_427 = arith.constant 2.000000e-01 : f32
        %mul3A_428 = vector.broadcast %mul3A_427 : f32 to vector<16xf32>
        %mul3A_429 = arith.mulf %mul3A_428, %min3A_426 : vector<16xf32>
        %add3A_430 = arith.addf %max3A_423, %mul3A_429 : vector<16xf32>
        %mul3A_431 = arith.mulf %add3A_430, %get3A_30 : vector<16xf32>
        %add3A_432 = arith.addf %add3A_413, %mul3A_431 : vector<16xf32>
        %get3A_433 = arith.index_cast %add3A_376 : i32 to index
        %get3A_434 = arith.constant 48 : index
        %get3A_435 = tpu.vector_load %arg13[%get3A_433, %get3A_434] {strides = array<i32>} : memref<80x128xf32, #tpu.memory_space<vmem>>, vector<16xf32>,
        %get3A_436 = arith.index_cast %add3A_376 : i32 to index
        %get3A_437 = arith.constant 48 : index
        %get3A_438 = tpu.vector_load %arg14[%get3A_436, %get3A_437] {strides = array<i32>} : memref<80x128xf32, #tpu.memory_space<vmem>>, vector<16xf32>,
        %add3A_439 = arith.addf %get3A_435, %get3A_438 : vector<16xf32>
        %max3A_440 = arith.constant 0.000000e+00 : f32
        %max3A_441 = vector.broadcast %max3A_440 : f32 to vector<16xf32>
        %max3A_442 = arith.maximumf %add3A_439, %max3A_441 : vector<16xf32>
        %min3A_443 = arith.constant 0.000000e+00 : f32
        %min3A_444 = vector.broadcast %min3A_443 : f32 to vector<16xf32>
        %min3A_445 = arith.minimumf %add3A_439, %min3A_444 : vector<16xf32>
        %mul3A_446 = arith.constant 2.000000e-01 : f32
        %mul3A_447 = vector.broadcast %mul3A_446 : f32 to vector<16xf32>
        %mul3A_448 = arith.mulf %mul3A_447, %min3A_445 : vector<16xf32>
        %add3A_449 = arith.addf %max3A_442, %mul3A_448 : vector<16xf32>
        %mul3A_450 = arith.mulf %add3A_449, %get3A_32 : vector<16xf32>
        %add3A_451 = arith.addf %add3A_432, %mul3A_450 : vector<16xf32>
        %get3A_452 = arith.index_cast %add3A_376 : i32 to index
        %get3A_453 = arith.constant 64 : index
        %get3A_454 = tpu.vector_load %arg13[%get3A_452, %get3A_453] {strides = array<i32>} : memref<80x128xf32, #tpu.memory_space<vmem>>, vector<16xf32>,
        %get3A_455 = arith.index_cast %add3A_376 : i32 to index
        %get3A_456 = arith.constant 64 : index
        %get3A_457 = tpu.vector_load %arg14[%get3A_455, %get3A_456] {strides = array<i32>} : memref<80x128xf32, #tpu.memory_space<vmem>>, vector<16xf32>,
        %add3A_458 = arith.addf %get3A_454, %get3A_457 : vector<16xf32>
        %max3A_459 = arith.constant 0.000000e+00 : f32
        %max3A_460 = vector.broadcast %max3A_459 : f32 to vector<16xf32>
        %max3A_461 = arith.maximumf %add3A_458, %max3A_460 : vector<16xf32>
        %min3A_462 = arith.constant 0.000000e+00 : f32
        %min3A_463 = vector.broadcast %min3A_462 : f32 to vector<16xf32>
        %min3A_464 = arith.minimumf %add3A_458, %min3A_463 : vector<16xf32>
        %mul3A_465 = arith.constant 2.000000e-01 : f32
        %mul3A_466 = vector.broadcast %mul3A_465 : f32 to vector<16xf32>
        %mul3A_467 = arith.mulf %mul3A_466, %min3A_464 : vector<16xf32>
        %add3A_468 = arith.addf %max3A_461, %mul3A_467 : vector<16xf32>
        %mul3A_469 = arith.mulf %add3A_468, %get3A_34 : vector<16xf32>
        %add3A_470 = arith.addf %add3A_451, %mul3A_469 : vector<16xf32>
        %get3A_471 = arith.index_cast %add3A_376 : i32 to index
        %get3A_472 = arith.constant 80 : index
        %get3A_473 = tpu.vector_load %arg13[%get3A_471, %get3A_472] {strides = array<i32>} : memref<80x128xf32, #tpu.memory_space<vmem>>, vector<16xf32>,
        %get3A_474 = arith.index_cast %add3A_376 : i32 to index
        %get3A_475 = arith.constant 80 : index
        %get3A_476 = tpu.vector_load %arg14[%get3A_474, %get3A_475] {strides = array<i32>} : memref<80x128xf32, #tpu.memory_space<vmem>>, vector<16xf32>,
        %add3A_477 = arith.addf %get3A_473, %get3A_476 : vector<16xf32>
        %max3A_478 = arith.constant 0.000000e+00 : f32
        %max3A_479 = vector.broadcast %max3A_478 : f32 to vector<16xf32>
        %max3A_480 = arith.maximumf %add3A_477, %max3A_479 : vector<16xf32>
        %min3A_481 = arith.constant 0.000000e+00 : f32
        %min3A_482 = vector.broadcast %min3A_481 : f32 to vector<16xf32>
        %min3A_483 = arith.minimumf %add3A_477, %min3A_482 : vector<16xf32>
        %mul3A_484 = arith.constant 2.000000e-01 : f32
        %mul3A_485 = vector.broadcast %mul3A_484 : f32 to vector<16xf32>
        %mul3A_486 = arith.mulf %mul3A_485, %min3A_483 : vector<16xf32>
        %add3A_487 = arith.addf %max3A_480, %mul3A_486 : vector<16xf32>
        %mul3A_488 = arith.mulf %add3A_487, %get3A_36 : vector<16xf32>
        %add3A_489 = arith.addf %add3A_470, %mul3A_488 : vector<16xf32>
        %get3A_490 = arith.index_cast %add3A_376 : i32 to index
        %get3A_491 = arith.constant 96 : index
        %get3A_492 = tpu.vector_load %arg13[%get3A_490, %get3A_491] {strides = array<i32>} : memref<80x128xf32, #tpu.memory_space<vmem>>, vector<16xf32>,
        %get3A_493 = arith.index_cast %add3A_376 : i32 to index
        %get3A_494 = arith.constant 96 : index
        %get3A_495 = tpu.vector_load %arg14[%get3A_493, %get3A_494] {strides = array<i32>} : memref<80x128xf32, #tpu.memory_space<vmem>>, vector<16xf32>,
        %add3A_496 = arith.addf %get3A_492, %get3A_495 : vector<16xf32>
        %max3A_497 = arith.constant 0.000000e+00 : f32
        %max3A_498 = vector.broadcast %max3A_497 : f32 to vector<16xf32>
        %max3A_499 = arith.maximumf %add3A_496, %max3A_498 : vector<16xf32>
        %min3A_500 = arith.constant 0.000000e+00 : f32
        %min3A_501 = vector.broadcast %min3A_500 : f32 to vector<16xf32>
        %min3A_502 = arith.minimumf %add3A_496, %min3A_501 : vector<16xf32>
        %mul3A_503 = arith.constant 2.000000e-01 : f32
        %mul3A_504 = vector.broadcast %mul3A_503 : f32 to vector<16xf32>
        %mul3A_505 = arith.mulf %mul3A_504, %min3A_502 : vector<16xf32>
        %add3A_506 = arith.addf %max3A_499, %mul3A_505 : vector<16xf32>
        %mul3A_507 = arith.mulf %add3A_506, %get3A_38 : vector<16xf32>
        %add3A_508 = arith.addf %add3A_489, %mul3A_507 : vector<16xf32>
        %get3A_509 = arith.index_cast %add3A_376 : i32 to index
        %get3A_510 = arith.constant 112 : index
        %get3A_511 = tpu.vector_load %arg13[%get3A_509, %get3A_510] {strides = array<i32>} : memref<80x128xf32, #tpu.memory_space<vmem>>, vector<16xf32>,
        %get3A_512 = arith.index_cast %add3A_376 : i32 to index
        %get3A_513 = arith.constant 112 : index
        %get3A_514 = tpu.vector_load %arg14[%get3A_512, %get3A_513] {strides = array<i32>} : memref<80x128xf32, #tpu.memory_space<vmem>>, vector<16xf32>,
        %add3A_515 = arith.addf %get3A_511, %get3A_514 : vector<16xf32>
        %max3A_516 = arith.constant 0.000000e+00 : f32
        %max3A_517 = vector.broadcast %max3A_516 : f32 to vector<16xf32>
        %max3A_518 = arith.maximumf %add3A_515, %max3A_517 : vector<16xf32>
        %min3A_519 = arith.constant 0.000000e+00 : f32
        %min3A_520 = vector.broadcast %min3A_519 : f32 to vector<16xf32>
        %min3A_521 = arith.minimumf %add3A_515, %min3A_520 : vector<16xf32>
        %mul3A_522 = arith.constant 2.000000e-01 : f32
        %mul3A_523 = vector.broadcast %mul3A_522 : f32 to vector<16xf32>
        %mul3A_524 = arith.mulf %mul3A_523, %min3A_521 : vector<16xf32>
        %add3A_525 = arith.addf %max3A_518, %mul3A_524 : vector<16xf32>
        %mul3A_526 = arith.mulf %add3A_525, %get3A_40 : vector<16xf32>
        %add3A_527 = arith.addf %add3A_508, %mul3A_526 : vector<16xf32>
        %swap3A_528 = arith.constant 64 : index
        %swap3A_529 = tpu.vector_load %arg20[%swap3A_528] {strides = array<i32>} : memref<512xf32, #tpu.memory_space<vmem>>, vector<16xf32>,
        tpu.vector_store %arg20[%swap3A_528], %add3A_527 {strides = array<i32>} : memref<512xf32, #tpu.memory_space<vmem>>, vector<16xf32>,
        %add3A_530 = arith.constant 64 : i32
        %add3A_531 = vector.broadcast %add3A_530 : i32 to vector<16xi32>
        %add3A_532 = arith.addi %add3A_531, %xor3A_42 : vector<16xi32>
        %gather3A_533 = tpu.vector_load_idx %arg20[%add3A_532] : memref<512xf32, #tpu.memory_space<vmem>>[vector<16xi32>], vector<16xf32>,
        %add3A_534 = arith.addf %add3A_527, %gather3A_533 : vector<16xf32>
        %swap3A_535 = arith.constant 80 : index
        %swap3A_536 = tpu.vector_load %arg20[%swap3A_535] {strides = array<i32>} : memref<512xf32, #tpu.memory_space<vmem>>, vector<16xf32>,
        tpu.vector_store %arg20[%swap3A_535], %add3A_534 {strides = array<i32>} : memref<512xf32, #tpu.memory_space<vmem>>, vector<16xf32>,
        %add3A_537 = arith.constant 80 : i32
        %add3A_538 = vector.broadcast %add3A_537 : i32 to vector<16xi32>
        %add3A_539 = arith.addi %add3A_538, %xor3A_45 : vector<16xi32>
        %gather3A_540 = tpu.vector_load_idx %arg20[%add3A_539] : memref<512xf32, #tpu.memory_space<vmem>>[vector<16xi32>], vector<16xf32>,
        %add3A_541 = arith.addf %add3A_534, %gather3A_540 : vector<16xf32>
        %swap3A_542 = arith.constant 96 : index
        %swap3A_543 = tpu.vector_load %arg20[%swap3A_542] {strides = array<i32>} : memref<512xf32, #tpu.memory_space<vmem>>, vector<16xf32>,
        tpu.vector_store %arg20[%swap3A_542], %add3A_541 {strides = array<i32>} : memref<512xf32, #tpu.memory_space<vmem>>, vector<16xf32>,
        %add3A_544 = arith.constant 96 : i32
        %add3A_545 = vector.broadcast %add3A_544 : i32 to vector<16xi32>
        %add3A_546 = arith.addi %add3A_545, %xor3A_48 : vector<16xi32>
        %gather3A_547 = tpu.vector_load_idx %arg20[%add3A_546] : memref<512xf32, #tpu.memory_space<vmem>>[vector<16xi32>], vector<16xf32>,
        %add3A_548 = arith.addf %add3A_541, %gather3A_547 : vector<16xf32>
        %swap3A_549 = arith.constant 112 : index
        %swap3A_550 = tpu.vector_load %arg20[%swap3A_549] {strides = array<i32>} : memref<512xf32, #tpu.memory_space<vmem>>, vector<16xf32>,
        tpu.vector_store %arg20[%swap3A_549], %add3A_548 {strides = array<i32>} : memref<512xf32, #tpu.memory_space<vmem>>, vector<16xf32>,
        %add3A_551 = arith.constant 112 : i32
        %add3A_552 = vector.broadcast %add3A_551 : i32 to vector<16xi32>
        %add3A_553 = arith.addi %add3A_552, %xor3A_51 : vector<16xi32>
        %gather3A_554 = tpu.vector_load_idx %arg20[%add3A_553] : memref<512xf32, #tpu.memory_space<vmem>>[vector<16xi32>], vector<16xf32>,
        %add3A_555 = arith.addf %add3A_548, %gather3A_554 : vector<16xf32>
        %exp3A_556 = math.exp %add3A_555 : vector<16xf32>
        %mul3A_557 = arith.mulf %exp3A_556, %get3A_379 : vector<16xf32>
        %swap3A_558 = arith.index_cast %add3A_376 : i32 to index
        %swap3A_559 = arith.constant 0 : index
        %swap3A_560 = tpu.vector_load %arg15[%swap3A_558, %swap3A_559] {strides = array<i32>} : memref<80x128xf32, #tpu.memory_space<vmem>>, vector<16xf32>,
        tpu.vector_store %arg15[%swap3A_558, %swap3A_559], %mul3A_557 {strides = array<i32>} : memref<80x128xf32, #tpu.memory_space<vmem>>, vector<16xf32>,
        %mul3A_561 = arith.mulf %exp3A_556, %get3A_397 : vector<16xf32>
        %swap3A_562 = arith.index_cast %add3A_376 : i32 to index
        %swap3A_563 = arith.constant 16 : index
        %swap3A_564 = tpu.vector_load %arg15[%swap3A_562, %swap3A_563] {strides = array<i32>} : memref<80x128xf32, #tpu.memory_space<vmem>>, vector<16xf32>,
        tpu.vector_store %arg15[%swap3A_562, %swap3A_563], %mul3A_561 {strides = array<i32>} : memref<80x128xf32, #tpu.memory_space<vmem>>, vector<16xf32>,
        %mul3A_565 = arith.mulf %exp3A_556, %get3A_416 : vector<16xf32>
        %swap3A_566 = arith.index_cast %add3A_376 : i32 to index
        %swap3A_567 = arith.constant 32 : index
        %swap3A_568 = tpu.vector_load %arg15[%swap3A_566, %swap3A_567] {strides = array<i32>} : memref<80x128xf32, #tpu.memory_space<vmem>>, vector<16xf32>,
        tpu.vector_store %arg15[%swap3A_566, %swap3A_567], %mul3A_565 {strides = array<i32>} : memref<80x128xf32, #tpu.memory_space<vmem>>, vector<16xf32>,
        %mul3A_569 = arith.mulf %exp3A_556, %get3A_435 : vector<16xf32>
        %swap3A_570 = arith.index_cast %add3A_376 : i32 to index
        %swap3A_571 = arith.constant 48 : index
        %swap3A_572 = tpu.vector_load %arg15[%swap3A_570, %swap3A_571] {strides = array<i32>} : memref<80x128xf32, #tpu.memory_space<vmem>>, vector<16xf32>,
        tpu.vector_store %arg15[%swap3A_570, %swap3A_571], %mul3A_569 {strides = array<i32>} : memref<80x128xf32, #tpu.memory_space<vmem>>, vector<16xf32>,
        %mul3A_573 = arith.mulf %exp3A_556, %get3A_454 : vector<16xf32>
        %swap3A_574 = arith.index_cast %add3A_376 : i32 to index
        %swap3A_575 = arith.constant 64 : index
        %swap3A_576 = tpu.vector_load %arg15[%swap3A_574, %swap3A_575] {strides = array<i32>} : memref<80x128xf32, #tpu.memory_space<vmem>>, vector<16xf32>,
        tpu.vector_store %arg15[%swap3A_574, %swap3A_575], %mul3A_573 {strides = array<i32>} : memref<80x128xf32, #tpu.memory_space<vmem>>, vector<16xf32>,
        %mul3A_577 = arith.mulf %exp3A_556, %get3A_473 : vector<16xf32>
        %swap3A_578 = arith.index_cast %add3A_376 : i32 to index
        %swap3A_579 = arith.constant 80 : index
        %swap3A_580 = tpu.vector_load %arg15[%swap3A_578, %swap3A_579] {strides = array<i32>} : memref<80x128xf32, #tpu.memory_space<vmem>>, vector<16xf32>,
        tpu.vector_store %arg15[%swap3A_578, %swap3A_579], %mul3A_577 {strides = array<i32>} : memref<80x128xf32, #tpu.memory_space<vmem>>, vector<16xf32>,
        %mul3A_581 = arith.mulf %exp3A_556, %get3A_492 : vector<16xf32>
        %swap3A_582 = arith.index_cast %add3A_376 : i32 to index
        %swap3A_583 = arith.constant 96 : index
        %swap3A_584 = tpu.vector_load %arg15[%swap3A_582, %swap3A_583] {strides = array<i32>} : memref<80x128xf32, #tpu.memory_space<vmem>>, vector<16xf32>,
        tpu.vector_store %arg15[%swap3A_582, %swap3A_583], %mul3A_581 {strides = array<i32>} : memref<80x128xf32, #tpu.memory_space<vmem>>, vector<16xf32>,
        %mul3A_585 = arith.mulf %exp3A_556, %get3A_511 : vector<16xf32>
        %swap3A_586 = arith.index_cast %add3A_376 : i32 to index
        %swap3A_587 = arith.constant 112 : index
        %swap3A_588 = tpu.vector_load %arg15[%swap3A_586, %swap3A_587] {strides = array<i32>} : memref<80x128xf32, #tpu.memory_space<vmem>>, vector<16xf32>,
        tpu.vector_store %arg15[%swap3A_586, %swap3A_587], %mul3A_585 {strides = array<i32>} : memref<80x128xf32, #tpu.memory_space<vmem>>, vector<16xf32>,
        %eq3A_589 = arith.constant 0 : i32
        %eq3A_590 = vector.broadcast %eq3A_589 : i32 to vector<16xi32>
        %eq3A_591 = arith.cmpi eq, %iota3A, %eq3A_590 : vector<16xi32>
        %jit3A_592 = arith.constant 0.000000e+00 : f32
        %broadcast_in_dim3A_593 = vector.broadcast %jit3A_592 : f32 to vector<16xf32>
        %select_n3A_594 = arith.select %eq3A_591, %exp3A_556, %broadcast_in_dim3A_593 : vector<16xi1>, vector<16xf32>
        %swap3A_595 = arith.index_cast %add3A_376 : i32 to index
        %swap3A_596 = arith.constant 0 : index
        %swap3A_597 = tpu.vector_load %arg16[%swap3A_595, %swap3A_596] {strides = array<i32>} : memref<80x16xf32, #tpu.memory_space<vmem>>, vector<16xf32>,
        tpu.vector_store %arg16[%swap3A_595, %swap3A_596], %select_n3A_594 {strides = array<i32>} : memref<80x16xf32, #tpu.memory_space<vmem>>, vector<16xf32>,
        %mul3A_598 = arith.constant 4 : i32
        %mul3A_599 = arith.muli %scan3A_152, %mul3A_598 : i32
        %add3A_600 = arith.constant 2 : i32
        %add3A_601 = arith.addi %mul3A_599, %add3A_600 : i32
        %get3A_602 = arith.index_cast %add3A_601 : i32 to index
        %get3A_603 = arith.constant 0 : index
        %get3A_604 = tpu.vector_load %arg13[%get3A_602, %get3A_603] {strides = array<i32>} : memref<80x128xf32, #tpu.memory_space<vmem>>, vector<16xf32>,
        %get3A_605 = arith.index_cast %add3A_601 : i32 to index
        %get3A_606 = arith.constant 0 : index
        %get3A_607 = tpu.vector_load %arg14[%get3A_605, %get3A_606] {strides = array<i32>} : memref<80x128xf32, #tpu.memory_space<vmem>>, vector<16xf32>,
        %add3A_608 = arith.addf %get3A_604, %get3A_607 : vector<16xf32>
        %max3A_609 = arith.constant 0.000000e+00 : f32
        %max3A_610 = vector.broadcast %max3A_609 : f32 to vector<16xf32>
        %max3A_611 = arith.maximumf %add3A_608, %max3A_610 : vector<16xf32>
        %min3A_612 = arith.constant 0.000000e+00 : f32
        %min3A_613 = vector.broadcast %min3A_612 : f32 to vector<16xf32>
        %min3A_614 = arith.minimumf %add3A_608, %min3A_613 : vector<16xf32>
        %mul3A_615 = arith.constant 2.000000e-01 : f32
        %mul3A_616 = vector.broadcast %mul3A_615 : f32 to vector<16xf32>
        %mul3A_617 = arith.mulf %mul3A_616, %min3A_614 : vector<16xf32>
        %add3A_618 = arith.addf %max3A_611, %mul3A_617 : vector<16xf32>
        %mul3A_619 = arith.mulf %add3A_618, %get3A_26 : vector<16xf32>
        %get3A_620 = arith.index_cast %add3A_601 : i32 to index
        %get3A_621 = arith.constant 16 : index
        %get3A_622 = tpu.vector_load %arg13[%get3A_620, %get3A_621] {strides = array<i32>} : memref<80x128xf32, #tpu.memory_space<vmem>>, vector<16xf32>,
        %get3A_623 = arith.index_cast %add3A_601 : i32 to index
        %get3A_624 = arith.constant 16 : index
        %get3A_625 = tpu.vector_load %arg14[%get3A_623, %get3A_624] {strides = array<i32>} : memref<80x128xf32, #tpu.memory_space<vmem>>, vector<16xf32>,
        %add3A_626 = arith.addf %get3A_622, %get3A_625 : vector<16xf32>
        %max3A_627 = arith.constant 0.000000e+00 : f32
        %max3A_628 = vector.broadcast %max3A_627 : f32 to vector<16xf32>
        %max3A_629 = arith.maximumf %add3A_626, %max3A_628 : vector<16xf32>
        %min3A_630 = arith.constant 0.000000e+00 : f32
        %min3A_631 = vector.broadcast %min3A_630 : f32 to vector<16xf32>
        %min3A_632 = arith.minimumf %add3A_626, %min3A_631 : vector<16xf32>
        %mul3A_633 = arith.constant 2.000000e-01 : f32
        %mul3A_634 = vector.broadcast %mul3A_633 : f32 to vector<16xf32>
        %mul3A_635 = arith.mulf %mul3A_634, %min3A_632 : vector<16xf32>
        %add3A_636 = arith.addf %max3A_629, %mul3A_635 : vector<16xf32>
        %mul3A_637 = arith.mulf %add3A_636, %get3A_28 : vector<16xf32>
        %add3A_638 = arith.addf %mul3A_619, %mul3A_637 : vector<16xf32>
        %get3A_639 = arith.index_cast %add3A_601 : i32 to index
        %get3A_640 = arith.constant 32 : index
        %get3A_641 = tpu.vector_load %arg13[%get3A_639, %get3A_640] {strides = array<i32>} : memref<80x128xf32, #tpu.memory_space<vmem>>, vector<16xf32>,
        %get3A_642 = arith.index_cast %add3A_601 : i32 to index
        %get3A_643 = arith.constant 32 : index
        %get3A_644 = tpu.vector_load %arg14[%get3A_642, %get3A_643] {strides = array<i32>} : memref<80x128xf32, #tpu.memory_space<vmem>>, vector<16xf32>,
        %add3A_645 = arith.addf %get3A_641, %get3A_644 : vector<16xf32>
        %max3A_646 = arith.constant 0.000000e+00 : f32
        %max3A_647 = vector.broadcast %max3A_646 : f32 to vector<16xf32>
        %max3A_648 = arith.maximumf %add3A_645, %max3A_647 : vector<16xf32>
        %min3A_649 = arith.constant 0.000000e+00 : f32
        %min3A_650 = vector.broadcast %min3A_649 : f32 to vector<16xf32>
        %min3A_651 = arith.minimumf %add3A_645, %min3A_650 : vector<16xf32>
        %mul3A_652 = arith.constant 2.000000e-01 : f32
        %mul3A_653 = vector.broadcast %mul3A_652 : f32 to vector<16xf32>
        %mul3A_654 = arith.mulf %mul3A_653, %min3A_651 : vector<16xf32>
        %add3A_655 = arith.addf %max3A_648, %mul3A_654 : vector<16xf32>
        %mul3A_656 = arith.mulf %add3A_655, %get3A_30 : vector<16xf32>
        %add3A_657 = arith.addf %add3A_638, %mul3A_656 : vector<16xf32>
        %get3A_658 = arith.index_cast %add3A_601 : i32 to index
        %get3A_659 = arith.constant 48 : index
        %get3A_660 = tpu.vector_load %arg13[%get3A_658, %get3A_659] {strides = array<i32>} : memref<80x128xf32, #tpu.memory_space<vmem>>, vector<16xf32>,
        %get3A_661 = arith.index_cast %add3A_601 : i32 to index
        %get3A_662 = arith.constant 48 : index
        %get3A_663 = tpu.vector_load %arg14[%get3A_661, %get3A_662] {strides = array<i32>} : memref<80x128xf32, #tpu.memory_space<vmem>>, vector<16xf32>,
        %add3A_664 = arith.addf %get3A_660, %get3A_663 : vector<16xf32>
        %max3A_665 = arith.constant 0.000000e+00 : f32
        %max3A_666 = vector.broadcast %max3A_665 : f32 to vector<16xf32>
        %max3A_667 = arith.maximumf %add3A_664, %max3A_666 : vector<16xf32>
        %min3A_668 = arith.constant 0.000000e+00 : f32
        %min3A_669 = vector.broadcast %min3A_668 : f32 to vector<16xf32>
        %min3A_670 = arith.minimumf %add3A_664, %min3A_669 : vector<16xf32>
        %mul3A_671 = arith.constant 2.000000e-01 : f32
        %mul3A_672 = vector.broadcast %mul3A_671 : f32 to vector<16xf32>
        %mul3A_673 = arith.mulf %mul3A_672, %min3A_670 : vector<16xf32>
        %add3A_674 = arith.addf %max3A_667, %mul3A_673 : vector<16xf32>
        %mul3A_675 = arith.mulf %add3A_674, %get3A_32 : vector<16xf32>
        %add3A_676 = arith.addf %add3A_657, %mul3A_675 : vector<16xf32>
        %get3A_677 = arith.index_cast %add3A_601 : i32 to index
        %get3A_678 = arith.constant 64 : index
        %get3A_679 = tpu.vector_load %arg13[%get3A_677, %get3A_678] {strides = array<i32>} : memref<80x128xf32, #tpu.memory_space<vmem>>, vector<16xf32>,
        %get3A_680 = arith.index_cast %add3A_601 : i32 to index
        %get3A_681 = arith.constant 64 : index
        %get3A_682 = tpu.vector_load %arg14[%get3A_680, %get3A_681] {strides = array<i32>} : memref<80x128xf32, #tpu.memory_space<vmem>>, vector<16xf32>,
        %add3A_683 = arith.addf %get3A_679, %get3A_682 : vector<16xf32>
        %max3A_684 = arith.constant 0.000000e+00 : f32
        %max3A_685 = vector.broadcast %max3A_684 : f32 to vector<16xf32>
        %max3A_686 = arith.maximumf %add3A_683, %max3A_685 : vector<16xf32>
        %min3A_687 = arith.constant 0.000000e+00 : f32
        %min3A_688 = vector.broadcast %min3A_687 : f32 to vector<16xf32>
        %min3A_689 = arith.minimumf %add3A_683, %min3A_688 : vector<16xf32>
        %mul3A_690 = arith.constant 2.000000e-01 : f32
        %mul3A_691 = vector.broadcast %mul3A_690 : f32 to vector<16xf32>
        %mul3A_692 = arith.mulf %mul3A_691, %min3A_689 : vector<16xf32>
        %add3A_693 = arith.addf %max3A_686, %mul3A_692 : vector<16xf32>
        %mul3A_694 = arith.mulf %add3A_693, %get3A_34 : vector<16xf32>
        %add3A_695 = arith.addf %add3A_676, %mul3A_694 : vector<16xf32>
        %get3A_696 = arith.index_cast %add3A_601 : i32 to index
        %get3A_697 = arith.constant 80 : index
        %get3A_698 = tpu.vector_load %arg13[%get3A_696, %get3A_697] {strides = array<i32>} : memref<80x128xf32, #tpu.memory_space<vmem>>, vector<16xf32>,
        %get3A_699 = arith.index_cast %add3A_601 : i32 to index
        %get3A_700 = arith.constant 80 : index
        %get3A_701 = tpu.vector_load %arg14[%get3A_699, %get3A_700] {strides = array<i32>} : memref<80x128xf32, #tpu.memory_space<vmem>>, vector<16xf32>,
        %add3A_702 = arith.addf %get3A_698, %get3A_701 : vector<16xf32>
        %max3A_703 = arith.constant 0.000000e+00 : f32
        %max3A_704 = vector.broadcast %max3A_703 : f32 to vector<16xf32>
        %max3A_705 = arith.maximumf %add3A_702, %max3A_704 : vector<16xf32>
        %min3A_706 = arith.constant 0.000000e+00 : f32
        %min3A_707 = vector.broadcast %min3A_706 : f32 to vector<16xf32>
        %min3A_708 = arith.minimumf %add3A_702, %min3A_707 : vector<16xf32>
        %mul3A_709 = arith.constant 2.000000e-01 : f32
        %mul3A_710 = vector.broadcast %mul3A_709 : f32 to vector<16xf32>
        %mul3A_711 = arith.mulf %mul3A_710, %min3A_708 : vector<16xf32>
        %add3A_712 = arith.addf %max3A_705, %mul3A_711 : vector<16xf32>
        %mul3A_713 = arith.mulf %add3A_712, %get3A_36 : vector<16xf32>
        %add3A_714 = arith.addf %add3A_695, %mul3A_713 : vector<16xf32>
        %get3A_715 = arith.index_cast %add3A_601 : i32 to index
        %get3A_716 = arith.constant 96 : index
        %get3A_717 = tpu.vector_load %arg13[%get3A_715, %get3A_716] {strides = array<i32>} : memref<80x128xf32, #tpu.memory_space<vmem>>, vector<16xf32>,
        %get3A_718 = arith.index_cast %add3A_601 : i32 to index
        %get3A_719 = arith.constant 96 : index
        %get3A_720 = tpu.vector_load %arg14[%get3A_718, %get3A_719] {strides = array<i32>} : memref<80x128xf32, #tpu.memory_space<vmem>>, vector<16xf32>,
        %add3A_721 = arith.addf %get3A_717, %get3A_720 : vector<16xf32>
        %max3A_722 = arith.constant 0.000000e+00 : f32
        %max3A_723 = vector.broadcast %max3A_722 : f32 to vector<16xf32>
        %max3A_724 = arith.maximumf %add3A_721, %max3A_723 : vector<16xf32>
        %min3A_725 = arith.constant 0.000000e+00 : f32
        %min3A_726 = vector.broadcast %min3A_725 : f32 to vector<16xf32>
        %min3A_727 = arith.minimumf %add3A_721, %min3A_726 : vector<16xf32>
        %mul3A_728 = arith.constant 2.000000e-01 : f32
        %mul3A_729 = vector.broadcast %mul3A_728 : f32 to vector<16xf32>
        %mul3A_730 = arith.mulf %mul3A_729, %min3A_727 : vector<16xf32>
        %add3A_731 = arith.addf %max3A_724, %mul3A_730 : vector<16xf32>
        %mul3A_732 = arith.mulf %add3A_731, %get3A_38 : vector<16xf32>
        %add3A_733 = arith.addf %add3A_714, %mul3A_732 : vector<16xf32>
        %get3A_734 = arith.index_cast %add3A_601 : i32 to index
        %get3A_735 = arith.constant 112 : index
        %get3A_736 = tpu.vector_load %arg13[%get3A_734, %get3A_735] {strides = array<i32>} : memref<80x128xf32, #tpu.memory_space<vmem>>, vector<16xf32>,
        %get3A_737 = arith.index_cast %add3A_601 : i32 to index
        %get3A_738 = arith.constant 112 : index
        %get3A_739 = tpu.vector_load %arg14[%get3A_737, %get3A_738] {strides = array<i32>} : memref<80x128xf32, #tpu.memory_space<vmem>>, vector<16xf32>,
        %add3A_740 = arith.addf %get3A_736, %get3A_739 : vector<16xf32>
        %max3A_741 = arith.constant 0.000000e+00 : f32
        %max3A_742 = vector.broadcast %max3A_741 : f32 to vector<16xf32>
        %max3A_743 = arith.maximumf %add3A_740, %max3A_742 : vector<16xf32>
        %min3A_744 = arith.constant 0.000000e+00 : f32
        %min3A_745 = vector.broadcast %min3A_744 : f32 to vector<16xf32>
        %min3A_746 = arith.minimumf %add3A_740, %min3A_745 : vector<16xf32>
        %mul3A_747 = arith.constant 2.000000e-01 : f32
        %mul3A_748 = vector.broadcast %mul3A_747 : f32 to vector<16xf32>
        %mul3A_749 = arith.mulf %mul3A_748, %min3A_746 : vector<16xf32>
        %add3A_750 = arith.addf %max3A_743, %mul3A_749 : vector<16xf32>
        %mul3A_751 = arith.mulf %add3A_750, %get3A_40 : vector<16xf32>
        %add3A_752 = arith.addf %add3A_733, %mul3A_751 : vector<16xf32>
        %swap3A_753 = arith.constant 128 : index
        %swap3A_754 = tpu.vector_load %arg20[%swap3A_753] {strides = array<i32>} : memref<512xf32, #tpu.memory_space<vmem>>, vector<16xf32>,
        tpu.vector_store %arg20[%swap3A_753], %add3A_752 {strides = array<i32>} : memref<512xf32, #tpu.memory_space<vmem>>, vector<16xf32>,
        %add3A_755 = arith.constant 128 : i32
        %add3A_756 = vector.broadcast %add3A_755 : i32 to vector<16xi32>
        %add3A_757 = arith.addi %add3A_756, %xor3A_42 : vector<16xi32>
        %gather3A_758 = tpu.vector_load_idx %arg20[%add3A_757] : memref<512xf32, #tpu.memory_space<vmem>>[vector<16xi32>], vector<16xf32>,
        %add3A_759 = arith.addf %add3A_752, %gather3A_758 : vector<16xf32>
        %swap3A_760 = arith.constant 144 : index
        %swap3A_761 = tpu.vector_load %arg20[%swap3A_760] {strides = array<i32>} : memref<512xf32, #tpu.memory_space<vmem>>, vector<16xf32>,
        tpu.vector_store %arg20[%swap3A_760], %add3A_759 {strides = array<i32>} : memref<512xf32, #tpu.memory_space<vmem>>, vector<16xf32>,
        %add3A_762 = arith.constant 144 : i32
        %add3A_763 = vector.broadcast %add3A_762 : i32 to vector<16xi32>
        %add3A_764 = arith.addi %add3A_763, %xor3A_45 : vector<16xi32>
        %gather3A_765 = tpu.vector_load_idx %arg20[%add3A_764] : memref<512xf32, #tpu.memory_space<vmem>>[vector<16xi32>], vector<16xf32>,
        %add3A_766 = arith.addf %add3A_759, %gather3A_765 : vector<16xf32>
        %swap3A_767 = arith.constant 160 : index
        %swap3A_768 = tpu.vector_load %arg20[%swap3A_767] {strides = array<i32>} : memref<512xf32, #tpu.memory_space<vmem>>, vector<16xf32>,
        tpu.vector_store %arg20[%swap3A_767], %add3A_766 {strides = array<i32>} : memref<512xf32, #tpu.memory_space<vmem>>, vector<16xf32>,
        %add3A_769 = arith.constant 160 : i32
        %add3A_770 = vector.broadcast %add3A_769 : i32 to vector<16xi32>
        %add3A_771 = arith.addi %add3A_770, %xor3A_48 : vector<16xi32>
        %gather3A_772 = tpu.vector_load_idx %arg20[%add3A_771] : memref<512xf32, #tpu.memory_space<vmem>>[vector<16xi32>], vector<16xf32>,
        %add3A_773 = arith.addf %add3A_766, %gather3A_772 : vector<16xf32>
        %swap3A_774 = arith.constant 176 : index
        %swap3A_775 = tpu.vector_load %arg20[%swap3A_774] {strides = array<i32>} : memref<512xf32, #tpu.memory_space<vmem>>, vector<16xf32>,
        tpu.vector_store %arg20[%swap3A_774], %add3A_773 {strides = array<i32>} : memref<512xf32, #tpu.memory_space<vmem>>, vector<16xf32>,
        %add3A_776 = arith.constant 176 : i32
        %add3A_777 = vector.broadcast %add3A_776 : i32 to vector<16xi32>
        %add3A_778 = arith.addi %add3A_777, %xor3A_51 : vector<16xi32>
        %gather3A_779 = tpu.vector_load_idx %arg20[%add3A_778] : memref<512xf32, #tpu.memory_space<vmem>>[vector<16xi32>], vector<16xf32>,
        %add3A_780 = arith.addf %add3A_773, %gather3A_779 : vector<16xf32>
        %exp3A_781 = math.exp %add3A_780 : vector<16xf32>
        %mul3A_782 = arith.mulf %exp3A_781, %get3A_604 : vector<16xf32>
        %swap3A_783 = arith.index_cast %add3A_601 : i32 to index
        %swap3A_784 = arith.constant 0 : index
        %swap3A_785 = tpu.vector_load %arg15[%swap3A_783, %swap3A_784] {strides = array<i32>} : memref<80x128xf32, #tpu.memory_space<vmem>>, vector<16xf32>,
        tpu.vector_store %arg15[%swap3A_783, %swap3A_784], %mul3A_782 {strides = array<i32>} : memref<80x128xf32, #tpu.memory_space<vmem>>, vector<16xf32>,
        %mul3A_786 = arith.mulf %exp3A_781, %get3A_622 : vector<16xf32>
        %swap3A_787 = arith.index_cast %add3A_601 : i32 to index
        %swap3A_788 = arith.constant 16 : index
        %swap3A_789 = tpu.vector_load %arg15[%swap3A_787, %swap3A_788] {strides = array<i32>} : memref<80x128xf32, #tpu.memory_space<vmem>>, vector<16xf32>,
        tpu.vector_store %arg15[%swap3A_787, %swap3A_788], %mul3A_786 {strides = array<i32>} : memref<80x128xf32, #tpu.memory_space<vmem>>, vector<16xf32>,
        %mul3A_790 = arith.mulf %exp3A_781, %get3A_641 : vector<16xf32>
        %swap3A_791 = arith.index_cast %add3A_601 : i32 to index
        %swap3A_792 = arith.constant 32 : index
        %swap3A_793 = tpu.vector_load %arg15[%swap3A_791, %swap3A_792] {strides = array<i32>} : memref<80x128xf32, #tpu.memory_space<vmem>>, vector<16xf32>,
        tpu.vector_store %arg15[%swap3A_791, %swap3A_792], %mul3A_790 {strides = array<i32>} : memref<80x128xf32, #tpu.memory_space<vmem>>, vector<16xf32>,
        %mul3A_794 = arith.mulf %exp3A_781, %get3A_660 : vector<16xf32>
        %swap3A_795 = arith.index_cast %add3A_601 : i32 to index
        %swap3A_796 = arith.constant 48 : index
        %swap3A_797 = tpu.vector_load %arg15[%swap3A_795, %swap3A_796] {strides = array<i32>} : memref<80x128xf32, #tpu.memory_space<vmem>>, vector<16xf32>,
        tpu.vector_store %arg15[%swap3A_795, %swap3A_796], %mul3A_794 {strides = array<i32>} : memref<80x128xf32, #tpu.memory_space<vmem>>, vector<16xf32>,
        %mul3A_798 = arith.mulf %exp3A_781, %get3A_679 : vector<16xf32>
        %swap3A_799 = arith.index_cast %add3A_601 : i32 to index
        %swap3A_800 = arith.constant 64 : index
        %swap3A_801 = tpu.vector_load %arg15[%swap3A_799, %swap3A_800] {strides = array<i32>} : memref<80x128xf32, #tpu.memory_space<vmem>>, vector<16xf32>,
        tpu.vector_store %arg15[%swap3A_799, %swap3A_800], %mul3A_798 {strides = array<i32>} : memref<80x128xf32, #tpu.memory_space<vmem>>, vector<16xf32>,
        %mul3A_802 = arith.mulf %exp3A_781, %get3A_698 : vector<16xf32>
        %swap3A_803 = arith.index_cast %add3A_601 : i32 to index
        %swap3A_804 = arith.constant 80 : index
        %swap3A_805 = tpu.vector_load %arg15[%swap3A_803, %swap3A_804] {strides = array<i32>} : memref<80x128xf32, #tpu.memory_space<vmem>>, vector<16xf32>,
        tpu.vector_store %arg15[%swap3A_803, %swap3A_804], %mul3A_802 {strides = array<i32>} : memref<80x128xf32, #tpu.memory_space<vmem>>, vector<16xf32>,
        %mul3A_806 = arith.mulf %exp3A_781, %get3A_717 : vector<16xf32>
        %swap3A_807 = arith.index_cast %add3A_601 : i32 to index
        %swap3A_808 = arith.constant 96 : index
        %swap3A_809 = tpu.vector_load %arg15[%swap3A_807, %swap3A_808] {strides = array<i32>} : memref<80x128xf32, #tpu.memory_space<vmem>>, vector<16xf32>,
        tpu.vector_store %arg15[%swap3A_807, %swap3A_808], %mul3A_806 {strides = array<i32>} : memref<80x128xf32, #tpu.memory_space<vmem>>, vector<16xf32>,
        %mul3A_810 = arith.mulf %exp3A_781, %get3A_736 : vector<16xf32>
        %swap3A_811 = arith.index_cast %add3A_601 : i32 to index
        %swap3A_812 = arith.constant 112 : index
        %swap3A_813 = tpu.vector_load %arg15[%swap3A_811, %swap3A_812] {strides = array<i32>} : memref<80x128xf32, #tpu.memory_space<vmem>>, vector<16xf32>,
        tpu.vector_store %arg15[%swap3A_811, %swap3A_812], %mul3A_810 {strides = array<i32>} : memref<80x128xf32, #tpu.memory_space<vmem>>, vector<16xf32>,
        %eq3A_814 = arith.constant 0 : i32
        %eq3A_815 = vector.broadcast %eq3A_814 : i32 to vector<16xi32>
        %eq3A_816 = arith.cmpi eq, %iota3A, %eq3A_815 : vector<16xi32>
        %jit3A_817 = arith.constant 0.000000e+00 : f32
        %broadcast_in_dim3A_818 = vector.broadcast %jit3A_817 : f32 to vector<16xf32>
        %select_n3A_819 = arith.select %eq3A_816, %exp3A_781, %broadcast_in_dim3A_818 : vector<16xi1>, vector<16xf32>
        %swap3A_820 = arith.index_cast %add3A_601 : i32 to index
        %swap3A_821 = arith.constant 0 : index
        %swap3A_822 = tpu.vector_load %arg16[%swap3A_820, %swap3A_821] {strides = array<i32>} : memref<80x16xf32, #tpu.memory_space<vmem>>, vector<16xf32>,
        tpu.vector_store %arg16[%swap3A_820, %swap3A_821], %select_n3A_819 {strides = array<i32>} : memref<80x16xf32, #tpu.memory_space<vmem>>, vector<16xf32>,
        %mul3A_823 = arith.constant 4 : i32
        %mul3A_824 = arith.muli %scan3A_152, %mul3A_823 : i32
        %add3A_825 = arith.constant 3 : i32
        %add3A_826 = arith.addi %mul3A_824, %add3A_825 : i32
        %get3A_827 = arith.index_cast %add3A_826 : i32 to index
        %get3A_828 = arith.constant 0 : index
        %get3A_829 = tpu.vector_load %arg13[%get3A_827, %get3A_828] {strides = array<i32>} : memref<80x128xf32, #tpu.memory_space<vmem>>, vector<16xf32>,
        %get3A_830 = arith.index_cast %add3A_826 : i32 to index
        %get3A_831 = arith.constant 0 : index
        %get3A_832 = tpu.vector_load %arg14[%get3A_830, %get3A_831] {strides = array<i32>} : memref<80x128xf32, #tpu.memory_space<vmem>>, vector<16xf32>,
        %add3A_833 = arith.addf %get3A_829, %get3A_832 : vector<16xf32>
        %max3A_834 = arith.constant 0.000000e+00 : f32
        %max3A_835 = vector.broadcast %max3A_834 : f32 to vector<16xf32>
        %max3A_836 = arith.maximumf %add3A_833, %max3A_835 : vector<16xf32>
        %min3A_837 = arith.constant 0.000000e+00 : f32
        %min3A_838 = vector.broadcast %min3A_837 : f32 to vector<16xf32>
        %min3A_839 = arith.minimumf %add3A_833, %min3A_838 : vector<16xf32>
        %mul3A_840 = arith.constant 2.000000e-01 : f32
        %mul3A_841 = vector.broadcast %mul3A_840 : f32 to vector<16xf32>
        %mul3A_842 = arith.mulf %mul3A_841, %min3A_839 : vector<16xf32>
        %add3A_843 = arith.addf %max3A_836, %mul3A_842 : vector<16xf32>
        %mul3A_844 = arith.mulf %add3A_843, %get3A_26 : vector<16xf32>
        %get3A_845 = arith.index_cast %add3A_826 : i32 to index
        %get3A_846 = arith.constant 16 : index
        %get3A_847 = tpu.vector_load %arg13[%get3A_845, %get3A_846] {strides = array<i32>} : memref<80x128xf32, #tpu.memory_space<vmem>>, vector<16xf32>,
        %get3A_848 = arith.index_cast %add3A_826 : i32 to index
        %get3A_849 = arith.constant 16 : index
        %get3A_850 = tpu.vector_load %arg14[%get3A_848, %get3A_849] {strides = array<i32>} : memref<80x128xf32, #tpu.memory_space<vmem>>, vector<16xf32>,
        %add3A_851 = arith.addf %get3A_847, %get3A_850 : vector<16xf32>
        %max3A_852 = arith.constant 0.000000e+00 : f32
        %max3A_853 = vector.broadcast %max3A_852 : f32 to vector<16xf32>
        %max3A_854 = arith.maximumf %add3A_851, %max3A_853 : vector<16xf32>
        %min3A_855 = arith.constant 0.000000e+00 : f32
        %min3A_856 = vector.broadcast %min3A_855 : f32 to vector<16xf32>
        %min3A_857 = arith.minimumf %add3A_851, %min3A_856 : vector<16xf32>
        %mul3A_858 = arith.constant 2.000000e-01 : f32
        %mul3A_859 = vector.broadcast %mul3A_858 : f32 to vector<16xf32>
        %mul3A_860 = arith.mulf %mul3A_859, %min3A_857 : vector<16xf32>
        %add3A_861 = arith.addf %max3A_854, %mul3A_860 : vector<16xf32>
        %mul3A_862 = arith.mulf %add3A_861, %get3A_28 : vector<16xf32>
        %add3A_863 = arith.addf %mul3A_844, %mul3A_862 : vector<16xf32>
        %get3A_864 = arith.index_cast %add3A_826 : i32 to index
        %get3A_865 = arith.constant 32 : index
        %get3A_866 = tpu.vector_load %arg13[%get3A_864, %get3A_865] {strides = array<i32>} : memref<80x128xf32, #tpu.memory_space<vmem>>, vector<16xf32>,
        %get3A_867 = arith.index_cast %add3A_826 : i32 to index
        %get3A_868 = arith.constant 32 : index
        %get3A_869 = tpu.vector_load %arg14[%get3A_867, %get3A_868] {strides = array<i32>} : memref<80x128xf32, #tpu.memory_space<vmem>>, vector<16xf32>,
        %add3A_870 = arith.addf %get3A_866, %get3A_869 : vector<16xf32>
        %max3A_871 = arith.constant 0.000000e+00 : f32
        %max3A_872 = vector.broadcast %max3A_871 : f32 to vector<16xf32>
        %max3A_873 = arith.maximumf %add3A_870, %max3A_872 : vector<16xf32>
        %min3A_874 = arith.constant 0.000000e+00 : f32
        %min3A_875 = vector.broadcast %min3A_874 : f32 to vector<16xf32>
        %min3A_876 = arith.minimumf %add3A_870, %min3A_875 : vector<16xf32>
        %mul3A_877 = arith.constant 2.000000e-01 : f32
        %mul3A_878 = vector.broadcast %mul3A_877 : f32 to vector<16xf32>
        %mul3A_879 = arith.mulf %mul3A_878, %min3A_876 : vector<16xf32>
        %add3A_880 = arith.addf %max3A_873, %mul3A_879 : vector<16xf32>
        %mul3A_881 = arith.mulf %add3A_880, %get3A_30 : vector<16xf32>
        %add3A_882 = arith.addf %add3A_863, %mul3A_881 : vector<16xf32>
        %get3A_883 = arith.index_cast %add3A_826 : i32 to index
        %get3A_884 = arith.constant 48 : index
        %get3A_885 = tpu.vector_load %arg13[%get3A_883, %get3A_884] {strides = array<i32>} : memref<80x128xf32, #tpu.memory_space<vmem>>, vector<16xf32>,
        %get3A_886 = arith.index_cast %add3A_826 : i32 to index
        %get3A_887 = arith.constant 48 : index
        %get3A_888 = tpu.vector_load %arg14[%get3A_886, %get3A_887] {strides = array<i32>} : memref<80x128xf32, #tpu.memory_space<vmem>>, vector<16xf32>,
        %add3A_889 = arith.addf %get3A_885, %get3A_888 : vector<16xf32>
        %max3A_890 = arith.constant 0.000000e+00 : f32
        %max3A_891 = vector.broadcast %max3A_890 : f32 to vector<16xf32>
        %max3A_892 = arith.maximumf %add3A_889, %max3A_891 : vector<16xf32>
        %min3A_893 = arith.constant 0.000000e+00 : f32
        %min3A_894 = vector.broadcast %min3A_893 : f32 to vector<16xf32>
        %min3A_895 = arith.minimumf %add3A_889, %min3A_894 : vector<16xf32>
        %mul3A_896 = arith.constant 2.000000e-01 : f32
        %mul3A_897 = vector.broadcast %mul3A_896 : f32 to vector<16xf32>
        %mul3A_898 = arith.mulf %mul3A_897, %min3A_895 : vector<16xf32>
        %add3A_899 = arith.addf %max3A_892, %mul3A_898 : vector<16xf32>
        %mul3A_900 = arith.mulf %add3A_899, %get3A_32 : vector<16xf32>
        %add3A_901 = arith.addf %add3A_882, %mul3A_900 : vector<16xf32>
        %get3A_902 = arith.index_cast %add3A_826 : i32 to index
        %get3A_903 = arith.constant 64 : index
        %get3A_904 = tpu.vector_load %arg13[%get3A_902, %get3A_903] {strides = array<i32>} : memref<80x128xf32, #tpu.memory_space<vmem>>, vector<16xf32>,
        %get3A_905 = arith.index_cast %add3A_826 : i32 to index
        %get3A_906 = arith.constant 64 : index
        %get3A_907 = tpu.vector_load %arg14[%get3A_905, %get3A_906] {strides = array<i32>} : memref<80x128xf32, #tpu.memory_space<vmem>>, vector<16xf32>,
        %add3A_908 = arith.addf %get3A_904, %get3A_907 : vector<16xf32>
        %max3A_909 = arith.constant 0.000000e+00 : f32
        %max3A_910 = vector.broadcast %max3A_909 : f32 to vector<16xf32>
        %max3A_911 = arith.maximumf %add3A_908, %max3A_910 : vector<16xf32>
        %min3A_912 = arith.constant 0.000000e+00 : f32
        %min3A_913 = vector.broadcast %min3A_912 : f32 to vector<16xf32>
        %min3A_914 = arith.minimumf %add3A_908, %min3A_913 : vector<16xf32>
        %mul3A_915 = arith.constant 2.000000e-01 : f32
        %mul3A_916 = vector.broadcast %mul3A_915 : f32 to vector<16xf32>
        %mul3A_917 = arith.mulf %mul3A_916, %min3A_914 : vector<16xf32>
        %add3A_918 = arith.addf %max3A_911, %mul3A_917 : vector<16xf32>
        %mul3A_919 = arith.mulf %add3A_918, %get3A_34 : vector<16xf32>
        %add3A_920 = arith.addf %add3A_901, %mul3A_919 : vector<16xf32>
        %get3A_921 = arith.index_cast %add3A_826 : i32 to index
        %get3A_922 = arith.constant 80 : index
        %get3A_923 = tpu.vector_load %arg13[%get3A_921, %get3A_922] {strides = array<i32>} : memref<80x128xf32, #tpu.memory_space<vmem>>, vector<16xf32>,
        %get3A_924 = arith.index_cast %add3A_826 : i32 to index
        %get3A_925 = arith.constant 80 : index
        %get3A_926 = tpu.vector_load %arg14[%get3A_924, %get3A_925] {strides = array<i32>} : memref<80x128xf32, #tpu.memory_space<vmem>>, vector<16xf32>,
        %add3A_927 = arith.addf %get3A_923, %get3A_926 : vector<16xf32>
        %max3A_928 = arith.constant 0.000000e+00 : f32
        %max3A_929 = vector.broadcast %max3A_928 : f32 to vector<16xf32>
        %max3A_930 = arith.maximumf %add3A_927, %max3A_929 : vector<16xf32>
        %min3A_931 = arith.constant 0.000000e+00 : f32
        %min3A_932 = vector.broadcast %min3A_931 : f32 to vector<16xf32>
        %min3A_933 = arith.minimumf %add3A_927, %min3A_932 : vector<16xf32>
        %mul3A_934 = arith.constant 2.000000e-01 : f32
        %mul3A_935 = vector.broadcast %mul3A_934 : f32 to vector<16xf32>
        %mul3A_936 = arith.mulf %mul3A_935, %min3A_933 : vector<16xf32>
        %add3A_937 = arith.addf %max3A_930, %mul3A_936 : vector<16xf32>
        %mul3A_938 = arith.mulf %add3A_937, %get3A_36 : vector<16xf32>
        %add3A_939 = arith.addf %add3A_920, %mul3A_938 : vector<16xf32>
        %get3A_940 = arith.index_cast %add3A_826 : i32 to index
        %get3A_941 = arith.constant 96 : index
        %get3A_942 = tpu.vector_load %arg13[%get3A_940, %get3A_941] {strides = array<i32>} : memref<80x128xf32, #tpu.memory_space<vmem>>, vector<16xf32>,
        %get3A_943 = arith.index_cast %add3A_826 : i32 to index
        %get3A_944 = arith.constant 96 : index
        %get3A_945 = tpu.vector_load %arg14[%get3A_943, %get3A_944] {strides = array<i32>} : memref<80x128xf32, #tpu.memory_space<vmem>>, vector<16xf32>,
        %add3A_946 = arith.addf %get3A_942, %get3A_945 : vector<16xf32>
        %max3A_947 = arith.constant 0.000000e+00 : f32
        %max3A_948 = vector.broadcast %max3A_947 : f32 to vector<16xf32>
        %max3A_949 = arith.maximumf %add3A_946, %max3A_948 : vector<16xf32>
        %min3A_950 = arith.constant 0.000000e+00 : f32
        %min3A_951 = vector.broadcast %min3A_950 : f32 to vector<16xf32>
        %min3A_952 = arith.minimumf %add3A_946, %min3A_951 : vector<16xf32>
        %mul3A_953 = arith.constant 2.000000e-01 : f32
        %mul3A_954 = vector.broadcast %mul3A_953 : f32 to vector<16xf32>
        %mul3A_955 = arith.mulf %mul3A_954, %min3A_952 : vector<16xf32>
        %add3A_956 = arith.addf %max3A_949, %mul3A_955 : vector<16xf32>
        %mul3A_957 = arith.mulf %add3A_956, %get3A_38 : vector<16xf32>
        %add3A_958 = arith.addf %add3A_939, %mul3A_957 : vector<16xf32>
        %get3A_959 = arith.index_cast %add3A_826 : i32 to index
        %get3A_960 = arith.constant 112 : index
        %get3A_961 = tpu.vector_load %arg13[%get3A_959, %get3A_960] {strides = array<i32>} : memref<80x128xf32, #tpu.memory_space<vmem>>, vector<16xf32>,
        %get3A_962 = arith.index_cast %add3A_826 : i32 to index
        %get3A_963 = arith.constant 112 : index
        %get3A_964 = tpu.vector_load %arg14[%get3A_962, %get3A_963] {strides = array<i32>} : memref<80x128xf32, #tpu.memory_space<vmem>>, vector<16xf32>,
        %add3A_965 = arith.addf %get3A_961, %get3A_964 : vector<16xf32>
        %max3A_966 = arith.constant 0.000000e+00 : f32
        %max3A_967 = vector.broadcast %max3A_966 : f32 to vector<16xf32>
        %max3A_968 = arith.maximumf %add3A_965, %max3A_967 : vector<16xf32>
        %min3A_969 = arith.constant 0.000000e+00 : f32
        %min3A_970 = vector.broadcast %min3A_969 : f32 to vector<16xf32>
        %min3A_971 = arith.minimumf %add3A_965, %min3A_970 : vector<16xf32>
        %mul3A_972 = arith.constant 2.000000e-01 : f32
        %mul3A_973 = vector.broadcast %mul3A_972 : f32 to vector<16xf32>
        %mul3A_974 = arith.mulf %mul3A_973, %min3A_971 : vector<16xf32>
        %add3A_975 = arith.addf %max3A_968, %mul3A_974 : vector<16xf32>
        %mul3A_976 = arith.mulf %add3A_975, %get3A_40 : vector<16xf32>
        %add3A_977 = arith.addf %add3A_958, %mul3A_976 : vector<16xf32>
        %swap3A_978 = arith.constant 192 : index
        %swap3A_979 = tpu.vector_load %arg20[%swap3A_978] {strides = array<i32>} : memref<512xf32, #tpu.memory_space<vmem>>, vector<16xf32>,
        tpu.vector_store %arg20[%swap3A_978], %add3A_977 {strides = array<i32>} : memref<512xf32, #tpu.memory_space<vmem>>, vector<16xf32>,
        %add3A_980 = arith.constant 192 : i32
        %add3A_981 = vector.broadcast %add3A_980 : i32 to vector<16xi32>
        %add3A_982 = arith.addi %add3A_981, %xor3A_42 : vector<16xi32>
        %gather3A_983 = tpu.vector_load_idx %arg20[%add3A_982] : memref<512xf32, #tpu.memory_space<vmem>>[vector<16xi32>], vector<16xf32>,
        %add3A_984 = arith.addf %add3A_977, %gather3A_983 : vector<16xf32>
        %swap3A_985 = arith.constant 208 : index
        %swap3A_986 = tpu.vector_load %arg20[%swap3A_985] {strides = array<i32>} : memref<512xf32, #tpu.memory_space<vmem>>, vector<16xf32>,
        tpu.vector_store %arg20[%swap3A_985], %add3A_984 {strides = array<i32>} : memref<512xf32, #tpu.memory_space<vmem>>, vector<16xf32>,
        %add3A_987 = arith.constant 208 : i32
        %add3A_988 = vector.broadcast %add3A_987 : i32 to vector<16xi32>
        %add3A_989 = arith.addi %add3A_988, %xor3A_45 : vector<16xi32>
        %gather3A_990 = tpu.vector_load_idx %arg20[%add3A_989] : memref<512xf32, #tpu.memory_space<vmem>>[vector<16xi32>], vector<16xf32>,
        %add3A_991 = arith.addf %add3A_984, %gather3A_990 : vector<16xf32>
        %swap3A_992 = arith.constant 224 : index
        %swap3A_993 = tpu.vector_load %arg20[%swap3A_992] {strides = array<i32>} : memref<512xf32, #tpu.memory_space<vmem>>, vector<16xf32>,
        tpu.vector_store %arg20[%swap3A_992], %add3A_991 {strides = array<i32>} : memref<512xf32, #tpu.memory_space<vmem>>, vector<16xf32>,
        %add3A_994 = arith.constant 224 : i32
        %add3A_995 = vector.broadcast %add3A_994 : i32 to vector<16xi32>
        %add3A_996 = arith.addi %add3A_995, %xor3A_48 : vector<16xi32>
        %gather3A_997 = tpu.vector_load_idx %arg20[%add3A_996] : memref<512xf32, #tpu.memory_space<vmem>>[vector<16xi32>], vector<16xf32>,
        %add3A_998 = arith.addf %add3A_991, %gather3A_997 : vector<16xf32>
        %swap3A_999 = arith.constant 240 : index
        %swap3A_1000 = tpu.vector_load %arg20[%swap3A_999] {strides = array<i32>} : memref<512xf32, #tpu.memory_space<vmem>>, vector<16xf32>,
        tpu.vector_store %arg20[%swap3A_999], %add3A_998 {strides = array<i32>} : memref<512xf32, #tpu.memory_space<vmem>>, vector<16xf32>,
        %add3A_1001 = arith.constant 240 : i32
        %add3A_1002 = vector.broadcast %add3A_1001 : i32 to vector<16xi32>
        %add3A_1003 = arith.addi %add3A_1002, %xor3A_51 : vector<16xi32>
        %gather3A_1004 = tpu.vector_load_idx %arg20[%add3A_1003] : memref<512xf32, #tpu.memory_space<vmem>>[vector<16xi32>], vector<16xf32>,
        %add3A_1005 = arith.addf %add3A_998, %gather3A_1004 : vector<16xf32>
        %exp3A_1006 = math.exp %add3A_1005 : vector<16xf32>
        %mul3A_1007 = arith.mulf %exp3A_1006, %get3A_829 : vector<16xf32>
        %swap3A_1008 = arith.index_cast %add3A_826 : i32 to index
        %swap3A_1009 = arith.constant 0 : index
        %swap3A_1010 = tpu.vector_load %arg15[%swap3A_1008, %swap3A_1009] {strides = array<i32>} : memref<80x128xf32, #tpu.memory_space<vmem>>, vector<16xf32>,
        tpu.vector_store %arg15[%swap3A_1008, %swap3A_1009], %mul3A_1007 {strides = array<i32>} : memref<80x128xf32, #tpu.memory_space<vmem>>, vector<16xf32>,
        %mul3A_1011 = arith.mulf %exp3A_1006, %get3A_847 : vector<16xf32>
        %swap3A_1012 = arith.index_cast %add3A_826 : i32 to index
        %swap3A_1013 = arith.constant 16 : index
        %swap3A_1014 = tpu.vector_load %arg15[%swap3A_1012, %swap3A_1013] {strides = array<i32>} : memref<80x128xf32, #tpu.memory_space<vmem>>, vector<16xf32>,
        tpu.vector_store %arg15[%swap3A_1012, %swap3A_1013], %mul3A_1011 {strides = array<i32>} : memref<80x128xf32, #tpu.memory_space<vmem>>, vector<16xf32>,
        %mul3A_1015 = arith.mulf %exp3A_1006, %get3A_866 : vector<16xf32>
        %swap3A_1016 = arith.index_cast %add3A_826 : i32 to index
        %swap3A_1017 = arith.constant 32 : index
        %swap3A_1018 = tpu.vector_load %arg15[%swap3A_1016, %swap3A_1017] {strides = array<i32>} : memref<80x128xf32, #tpu.memory_space<vmem>>, vector<16xf32>,
        tpu.vector_store %arg15[%swap3A_1016, %swap3A_1017], %mul3A_1015 {strides = array<i32>} : memref<80x128xf32, #tpu.memory_space<vmem>>, vector<16xf32>,
        %mul3A_1019 = arith.mulf %exp3A_1006, %get3A_885 : vector<16xf32>
        %swap3A_1020 = arith.index_cast %add3A_826 : i32 to index
        %swap3A_1021 = arith.constant 48 : index
        %swap3A_1022 = tpu.vector_load %arg15[%swap3A_1020, %swap3A_1021] {strides = array<i32>} : memref<80x128xf32, #tpu.memory_space<vmem>>, vector<16xf32>,
        tpu.vector_store %arg15[%swap3A_1020, %swap3A_1021], %mul3A_1019 {strides = array<i32>} : memref<80x128xf32, #tpu.memory_space<vmem>>, vector<16xf32>,
        %mul3A_1023 = arith.mulf %exp3A_1006, %get3A_904 : vector<16xf32>
        %swap3A_1024 = arith.index_cast %add3A_826 : i32 to index
        %swap3A_1025 = arith.constant 64 : index
        %swap3A_1026 = tpu.vector_load %arg15[%swap3A_1024, %swap3A_1025] {strides = array<i32>} : memref<80x128xf32, #tpu.memory_space<vmem>>, vector<16xf32>,
        tpu.vector_store %arg15[%swap3A_1024, %swap3A_1025], %mul3A_1023 {strides = array<i32>} : memref<80x128xf32, #tpu.memory_space<vmem>>, vector<16xf32>,
        %mul3A_1027 = arith.mulf %exp3A_1006, %get3A_923 : vector<16xf32>
        %swap3A_1028 = arith.index_cast %add3A_826 : i32 to index
        %swap3A_1029 = arith.constant 80 : index
        %swap3A_1030 = tpu.vector_load %arg15[%swap3A_1028, %swap3A_1029] {strides = array<i32>} : memref<80x128xf32, #tpu.memory_space<vmem>>, vector<16xf32>,
        tpu.vector_store %arg15[%swap3A_1028, %swap3A_1029], %mul3A_1027 {strides = array<i32>} : memref<80x128xf32, #tpu.memory_space<vmem>>, vector<16xf32>,
        %mul3A_1031 = arith.mulf %exp3A_1006, %get3A_942 : vector<16xf32>
        %swap3A_1032 = arith.index_cast %add3A_826 : i32 to index
        %swap3A_1033 = arith.constant 96 : index
        %swap3A_1034 = tpu.vector_load %arg15[%swap3A_1032, %swap3A_1033] {strides = array<i32>} : memref<80x128xf32, #tpu.memory_space<vmem>>, vector<16xf32>,
        tpu.vector_store %arg15[%swap3A_1032, %swap3A_1033], %mul3A_1031 {strides = array<i32>} : memref<80x128xf32, #tpu.memory_space<vmem>>, vector<16xf32>,
        %mul3A_1035 = arith.mulf %exp3A_1006, %get3A_961 : vector<16xf32>
        %swap3A_1036 = arith.index_cast %add3A_826 : i32 to index
        %swap3A_1037 = arith.constant 112 : index
        %swap3A_1038 = tpu.vector_load %arg15[%swap3A_1036, %swap3A_1037] {strides = array<i32>} : memref<80x128xf32, #tpu.memory_space<vmem>>, vector<16xf32>,
        tpu.vector_store %arg15[%swap3A_1036, %swap3A_1037], %mul3A_1035 {strides = array<i32>} : memref<80x128xf32, #tpu.memory_space<vmem>>, vector<16xf32>,
        %eq3A_1039 = arith.constant 0 : i32
        %eq3A_1040 = vector.broadcast %eq3A_1039 : i32 to vector<16xi32>
        %eq3A_1041 = arith.cmpi eq, %iota3A, %eq3A_1040 : vector<16xi32>
        %jit3A_1042 = arith.constant 0.000000e+00 : f32
        %broadcast_in_dim3A_1043 = vector.broadcast %jit3A_1042 : f32 to vector<16xf32>
        %select_n3A_1044 = arith.select %eq3A_1041, %exp3A_1006, %broadcast_in_dim3A_1043 : vector<16xi1>, vector<16xf32>
        %swap3A_1045 = arith.index_cast %add3A_826 : i32 to index
        %swap3A_1046 = arith.constant 0 : index
        %swap3A_1047 = tpu.vector_load %arg16[%swap3A_1045, %swap3A_1046] {strides = array<i32>} : memref<80x16xf32, #tpu.memory_space<vmem>>, vector<16xf32>,
        tpu.vector_store %arg16[%swap3A_1045, %swap3A_1046], %select_n3A_1044 {strides = array<i32>} : memref<80x16xf32, #tpu.memory_space<vmem>>, vector<16xf32>,
        %scan3A_1048 = arith.constant 0 : i32
        scf.yield %scan3A_1048 : i32
      }
      %scan3A_150 = arith.constant 20 : i32
      "tpu.region"() ({
        %run_scoped3A = tpu.sem_alloc : memref<!tpu.dma_semaphore, #tpu.memory_space<semaphore_mem>>
        %dma_start3A_152 = arith.constant 0 : i32
        %dma_start3A_153 = arith.constant 0 : i32
        %dma_start3A_154 = tpu.memref_slice %arg21[%dma_start3A_152, %dma_start3A_153] : memref<10000x128xf32, #tpu.memory_space<vmem_shared>> -> memref<10000x128xf32, #tpu.memory_space<vmem_shared>>
        tpu.enqueue_indirect_dma source(%arg15 : memref<80x128xf32, #tpu.memory_space<vmem>>) target(%dma_start3A_154 : memref<10000x128xf32, #tpu.memory_space<vmem_shared>>) offsets(%arg10 : memref<80xi32, #tpu.memory_space<vmem>>) semaphore(%run_scoped3A : memref<!tpu.dma_semaphore, #tpu.memory_space<semaphore_mem>>) {add = true}
        %dma_wait3A_155 = arith.constant 0 : i32
        %dma_wait3A_156 = arith.constant 0 : i32
        %dma_wait3A_157 = tpu.memref_slice %arg21[%dma_wait3A_155, %dma_wait3A_156] : memref<10000x128xf32, #tpu.memory_space<vmem_shared>> -> memref<10000x128xf32, #tpu.memory_space<vmem_shared>>
        tpu.wait_indirect_dma semaphore(%run_scoped3A : memref<!tpu.dma_semaphore, #tpu.memory_space<semaphore_mem>>) src(%arg15 : memref<80x128xf32, #tpu.memory_space<vmem>>) dst(%dma_wait3A_157 : memref<10000x128xf32, #tpu.memory_space<vmem_shared>>)
        tpu.yield
      }) : () -> ()
      "tpu.region"() ({
        %run_scoped3A = tpu.sem_alloc : memref<!tpu.dma_semaphore, #tpu.memory_space<semaphore_mem>>
        %dma_start3A_152 = arith.constant 0 : i32
        %dma_start3A_153 = arith.constant 0 : i32
        %dma_start3A_154 = tpu.memref_slice %arg22[%dma_start3A_152, %dma_start3A_153] : memref<10000x16xf32, #tpu.memory_space<vmem_shared>> -> memref<10000x16xf32, #tpu.memory_space<vmem_shared>>
        tpu.enqueue_indirect_dma source(%arg16 : memref<80x16xf32, #tpu.memory_space<vmem>>) target(%dma_start3A_154 : memref<10000x16xf32, #tpu.memory_space<vmem_shared>>) offsets(%arg10 : memref<80xi32, #tpu.memory_space<vmem>>) semaphore(%run_scoped3A : memref<!tpu.dma_semaphore, #tpu.memory_space<semaphore_mem>>) {add = true}
        %dma_wait3A_155 = arith.constant 0 : i32
        %dma_wait3A_156 = arith.constant 0 : i32
        %dma_wait3A_157 = tpu.memref_slice %arg22[%dma_wait3A_155, %dma_wait3A_156] : memref<10000x16xf32, #tpu.memory_space<vmem_shared>> -> memref<10000x16xf32, #tpu.memory_space<vmem_shared>>
        tpu.wait_indirect_dma semaphore(%run_scoped3A : memref<!tpu.dma_semaphore, #tpu.memory_space<semaphore_mem>>) src(%arg16 : memref<80x16xf32, #tpu.memory_space<vmem>>) dst(%dma_wait3A_157 : memref<10000x16xf32, #tpu.memory_space<vmem_shared>>)
        tpu.yield
      }) : () -> ()
      %scan3A_151 = arith.constant 0 : i32
      scf.yield %scan3A_151 : i32
    }
    %scan3A_63 = arith.constant 125 : i32
    %barrier3A_64 = arith.constant 0 : index
    tpu.barrier barrier_id(%barrier3A_64)
    "tpu.region"() ({
      %run_scoped3A = tpu.sem_alloc : memref<!tpu.dma_semaphore, #tpu.memory_space<semaphore_mem>>
      %dma_start3A = arith.constant 0 : i32
      %dma_start3A_70 = tpu.memref_slice %arg7[%arg0, %mul3A_16, %dma_start3A] : memref<2x10000x128xf32, #tpu.memory_space<hbm>> -> memref<1x624x128xf32, #tpu.memory_space<hbm>>
      %dma_start3A_71 = tpu.memref_squeeze %dma_start3A_70 : memref<1x624x128xf32, #tpu.memory_space<hbm>> -> memref<624x128xf32, #tpu.memory_space<hbm>>
      %dma_start3A_72 = arith.constant 0 : i32
      %dma_start3A_73 = tpu.memref_slice %arg21[%mul3A_16, %dma_start3A_72] : memref<10000x128xf32, #tpu.memory_space<vmem_shared>> -> memref<624x128xf32, #tpu.memory_space<vmem_shared>>
      tpu.enqueue_dma source(%dma_start3A_73 : memref<624x128xf32, #tpu.memory_space<vmem_shared>>) target(%dma_start3A_71 : memref<624x128xf32, #tpu.memory_space<hbm>>) target_semaphore(%run_scoped3A : memref<!tpu.dma_semaphore, #tpu.memory_space<semaphore_mem>>)
      %dma_wait3A = arith.constant 0 : i32
      %dma_wait3A_74 = tpu.memref_slice %arg7[%arg0, %mul3A_16, %dma_wait3A] : memref<2x10000x128xf32, #tpu.memory_space<hbm>> -> memref<1x624x128xf32, #tpu.memory_space<hbm>>
      %dma_wait3A_75 = tpu.memref_squeeze %dma_wait3A_74 : memref<1x624x128xf32, #tpu.memory_space<hbm>> -> memref<624x128xf32, #tpu.memory_space<hbm>>
      %dma_wait3A_76 = arith.constant 0 : i32
      %dma_wait3A_77 = tpu.memref_slice %arg21[%mul3A_16, %dma_wait3A_76] : memref<10000x128xf32, #tpu.memory_space<vmem_shared>> -> memref<624x128xf32, #tpu.memory_space<vmem_shared>>
      tpu.wait_dma2 semaphore(%run_scoped3A : memref<!tpu.dma_semaphore, #tpu.memory_space<semaphore_mem>>) src(%dma_wait3A_77 : memref<624x128xf32, #tpu.memory_space<vmem_shared>>) dst(%dma_wait3A_75 : memref<624x128xf32, #tpu.memory_space<hbm>>)
      tpu.yield
    }) : () -> ()
    "tpu.region"() ({
      %run_scoped3A = tpu.sem_alloc : memref<!tpu.dma_semaphore, #tpu.memory_space<semaphore_mem>>
      %dma_start3A = arith.constant 0 : i32
      %dma_start3A_70 = tpu.memref_slice %arg8[%arg0, %mul3A_16, %dma_start3A] : memref<2x10000x16xf32, #tpu.memory_space<hbm>> -> memref<1x624x16xf32, #tpu.memory_space<hbm>>
      %dma_start3A_71 = tpu.memref_squeeze %dma_start3A_70 : memref<1x624x16xf32, #tpu.memory_space<hbm>> -> memref<624x16xf32, #tpu.memory_space<hbm>>
      %dma_start3A_72 = arith.constant 0 : i32
      %dma_start3A_73 = tpu.memref_slice %arg22[%mul3A_16, %dma_start3A_72] : memref<10000x16xf32, #tpu.memory_space<vmem_shared>> -> memref<624x16xf32, #tpu.memory_space<vmem_shared>>
      tpu.enqueue_dma source(%dma_start3A_73 : memref<624x16xf32, #tpu.memory_space<vmem_shared>>) target(%dma_start3A_71 : memref<624x16xf32, #tpu.memory_space<hbm>>) target_semaphore(%run_scoped3A : memref<!tpu.dma_semaphore, #tpu.memory_space<semaphore_mem>>)
      %dma_wait3A = arith.constant 0 : i32
      %dma_wait3A_74 = tpu.memref_slice %arg8[%arg0, %mul3A_16, %dma_wait3A] : memref<2x10000x16xf32, #tpu.memory_space<hbm>> -> memref<1x624x16xf32, #tpu.memory_space<hbm>>
      %dma_wait3A_75 = tpu.memref_squeeze %dma_wait3A_74 : memref<1x624x16xf32, #tpu.memory_space<hbm>> -> memref<624x16xf32, #tpu.memory_space<hbm>>
      %dma_wait3A_76 = arith.constant 0 : i32
      %dma_wait3A_77 = tpu.memref_slice %arg22[%mul3A_16, %dma_wait3A_76] : memref<10000x16xf32, #tpu.memory_space<vmem_shared>> -> memref<624x16xf32, #tpu.memory_space<vmem_shared>>
      tpu.wait_dma2 semaphore(%run_scoped3A : memref<!tpu.dma_semaphore, #tpu.memory_space<semaphore_mem>>) src(%dma_wait3A_77 : memref<624x16xf32, #tpu.memory_space<vmem_shared>>) dst(%dma_wait3A_75 : memref<624x16xf32, #tpu.memory_space<hbm>>)
      tpu.yield
    }) : () -> ()
    %eq3A_65 = arith.constant 15 : i32
    %eq3A_66 = arith.cmpi eq, %arg1, %eq3A_65 : i32
    %convert_element_type3A_67 = arith.extui %eq3A_66 : i1 to i32
    %cond3A_68 = arith.constant 0 : i32
    %cond3A_69 = arith.cmpi ne, %convert_element_type3A_67, %cond3A_68 : i32
    scf.if %cond3A_69 {
      "tpu.region"() ({
        %run_scoped3A = tpu.sem_alloc : memref<!tpu.dma_semaphore, #tpu.memory_space<semaphore_mem>>
        %dma_start3A = arith.constant 9984 : i32
        %dma_start3A_70 = arith.constant 0 : i32
        %dma_start3A_71 = tpu.memref_slice %arg7[%arg0, %dma_start3A, %dma_start3A_70] : memref<2x10000x128xf32, #tpu.memory_space<hbm>> -> memref<1x16x128xf32, #tpu.memory_space<hbm>>
        %dma_start3A_72 = tpu.memref_squeeze %dma_start3A_71 : memref<1x16x128xf32, #tpu.memory_space<hbm>> -> memref<16x128xf32, #tpu.memory_space<hbm>>
        %dma_start3A_73 = arith.constant 9984 : i32
        %dma_start3A_74 = arith.constant 0 : i32
        %dma_start3A_75 = tpu.memref_slice %arg21[%dma_start3A_73, %dma_start3A_74] : memref<10000x128xf32, #tpu.memory_space<vmem_shared>> -> memref<16x128xf32, #tpu.memory_space<vmem_shared>>
        tpu.enqueue_dma source(%dma_start3A_75 : memref<16x128xf32, #tpu.memory_space<vmem_shared>>) target(%dma_start3A_72 : memref<16x128xf32, #tpu.memory_space<hbm>>) target_semaphore(%run_scoped3A : memref<!tpu.dma_semaphore, #tpu.memory_space<semaphore_mem>>)
        %dma_wait3A = arith.constant 9984 : i32
        %dma_wait3A_76 = arith.constant 0 : i32
        %dma_wait3A_77 = tpu.memref_slice %arg7[%arg0, %dma_wait3A, %dma_wait3A_76] : memref<2x10000x128xf32, #tpu.memory_space<hbm>> -> memref<1x16x128xf32, #tpu.memory_space<hbm>>
        %dma_wait3A_78 = tpu.memref_squeeze %dma_wait3A_77 : memref<1x16x128xf32, #tpu.memory_space<hbm>> -> memref<16x128xf32, #tpu.memory_space<hbm>>
        %dma_wait3A_79 = arith.constant 9984 : i32
        %dma_wait3A_80 = arith.constant 0 : i32
        %dma_wait3A_81 = tpu.memref_slice %arg21[%dma_wait3A_79, %dma_wait3A_80] : memref<10000x128xf32, #tpu.memory_space<vmem_shared>> -> memref<16x128xf32, #tpu.memory_space<vmem_shared>>
        tpu.wait_dma2 semaphore(%run_scoped3A : memref<!tpu.dma_semaphore, #tpu.memory_space<semaphore_mem>>) src(%dma_wait3A_81 : memref<16x128xf32, #tpu.memory_space<vmem_shared>>) dst(%dma_wait3A_78 : memref<16x128xf32, #tpu.memory_space<hbm>>)
        tpu.yield
      }) : () -> ()
      "tpu.region"() ({
        %run_scoped3A = tpu.sem_alloc : memref<!tpu.dma_semaphore, #tpu.memory_space<semaphore_mem>>
        %dma_start3A = arith.constant 9984 : i32
        %dma_start3A_70 = arith.constant 0 : i32
        %dma_start3A_71 = tpu.memref_slice %arg8[%arg0, %dma_start3A, %dma_start3A_70] : memref<2x10000x16xf32, #tpu.memory_space<hbm>> -> memref<1x16x16xf32, #tpu.memory_space<hbm>>
        %dma_start3A_72 = tpu.memref_squeeze %dma_start3A_71 : memref<1x16x16xf32, #tpu.memory_space<hbm>> -> memref<16x16xf32, #tpu.memory_space<hbm>>
        %dma_start3A_73 = arith.constant 9984 : i32
        %dma_start3A_74 = arith.constant 0 : i32
        %dma_start3A_75 = tpu.memref_slice %arg22[%dma_start3A_73, %dma_start3A_74] : memref<10000x16xf32, #tpu.memory_space<vmem_shared>> -> memref<16x16xf32, #tpu.memory_space<vmem_shared>>
        tpu.enqueue_dma source(%dma_start3A_75 : memref<16x16xf32, #tpu.memory_space<vmem_shared>>) target(%dma_start3A_72 : memref<16x16xf32, #tpu.memory_space<hbm>>) target_semaphore(%run_scoped3A : memref<!tpu.dma_semaphore, #tpu.memory_space<semaphore_mem>>)
        %dma_wait3A = arith.constant 9984 : i32
        %dma_wait3A_76 = arith.constant 0 : i32
        %dma_wait3A_77 = tpu.memref_slice %arg8[%arg0, %dma_wait3A, %dma_wait3A_76] : memref<2x10000x16xf32, #tpu.memory_space<hbm>> -> memref<1x16x16xf32, #tpu.memory_space<hbm>>
        %dma_wait3A_78 = tpu.memref_squeeze %dma_wait3A_77 : memref<1x16x16xf32, #tpu.memory_space<hbm>> -> memref<16x16xf32, #tpu.memory_space<hbm>>
        %dma_wait3A_79 = arith.constant 9984 : i32
        %dma_wait3A_80 = arith.constant 0 : i32
        %dma_wait3A_81 = tpu.memref_slice %arg22[%dma_wait3A_79, %dma_wait3A_80] : memref<10000x16xf32, #tpu.memory_space<vmem_shared>> -> memref<16x16xf32, #tpu.memory_space<vmem_shared>>
        tpu.wait_dma2 semaphore(%run_scoped3A : memref<!tpu.dma_semaphore, #tpu.memory_space<semaphore_mem>>) src(%dma_wait3A_81 : memref<16x16xf32, #tpu.memory_space<vmem_shared>>) dst(%dma_wait3A_78 : memref<16x16xf32, #tpu.memory_space<hbm>>)
        tpu.yield
      }) : () -> ()
    } else {
    }
    return
  }
}

module attributes {stable_mosaic.version = 14 : i64} {
  func.func @_mm_body(%arg0: i32, %arg1: memref<1000x128xf32, #tpu.memory_space<vmem>>, %arg2: memref<128x512xf32, #tpu.memory_space<vmem>>, %arg3: memref<1x512xf32, #tpu.memory_space<vmem>>, %arg4: memref<1000x512xf32, #tpu.memory_space<vmem>>) attributes {dimension_semantics = [#tpu.dimension_semantics<arbitrary>], iteration_bounds = array<i64: 10>, scalar_prefetch = 0 : i64, scratch_operands = 0 : i64, tpu.core_type = #tpu.core_type<tc>, window_params = [{transform_indices = @transform_0, window_bounds = array<i64: 1000, 128>}, {pipeline_mode = #tpu.pipeline_mode<synchronous>, transform_indices = @transform_1, window_bounds = array<i64: 128, 512>}, {pipeline_mode = #tpu.pipeline_mode<synchronous>, transform_indices = @transform_2, window_bounds = array<i64: 1, 512>}, {transform_indices = @transform_3, window_bounds = array<i64: 1000, 512>}]} {
    %get3A = arith.constant 0 : index
    %get3A_0 = arith.constant 0 : index
    %get3A_1 = vector.load %arg1[%get3A, %get3A_0] : memref<1000x128xf32, #tpu.memory_space<vmem>>, vector<1000x128xf32>
    %get3A_2 = arith.constant 0 : index
    %get3A_3 = arith.constant 0 : index
    %get3A_4 = vector.load %arg2[%get3A_2, %get3A_3] : memref<128x512xf32, #tpu.memory_space<vmem>>, vector<128x512xf32>
    %dot_general3A = arith.constant dense<0.000000e+00> : vector<1000x512xf32>
    %dot_general3A_5 = tpu.matmul %get3A_1, %get3A_4, %dot_general3A {dimension_numbers = #tpu.dot_dimension_numbers<[1], [0], [0], [1], [0, 0, 1, 1], [], []>, transpose_lhs_hint = false} : vector<1000x128xf32>, vector<128x512xf32>, vector<1000x512xf32> -> vector<1000x512xf32>
    %get3A_6 = arith.constant 0 : index
    %get3A_7 = arith.constant 0 : index
    %get3A_8 = vector.load %arg3[%get3A_6, %get3A_7] : memref<1x512xf32, #tpu.memory_space<vmem>>, vector<1x512xf32>
    %add3A = vector.broadcast %get3A_8 : vector<1x512xf32> to vector<1000x512xf32>
    %add3A_9 = arith.addf %dot_general3A_5, %add3A : vector<1000x512xf32>
    %swap3A = arith.constant 0 : index
    %swap3A_10 = arith.constant 0 : index
    %swap3A_11 = vector.load %arg4[%swap3A, %swap3A_10] : memref<1000x512xf32, #tpu.memory_space<vmem>>, vector<1000x512xf32>
    tpu.vector_store %arg4[%swap3A, %swap3A_10], %add3A_9 {strides = array<i32>} : memref<1000x512xf32, #tpu.memory_space<vmem>>, vector<1000x512xf32>,
    return
  }
  func.func @transform_0(%arg0: i32) -> (i32, i32) {
    %c0_i32 = arith.constant 0 : i32
    %c0_i32_0 = arith.constant 0 : i32
    return %arg0, %c0_i32 : i32, i32
  }
  func.func @transform_1(%arg0: i32) -> (i32, i32) {
    %c0_i32 = arith.constant 0 : i32
    %c0_i32_0 = arith.constant 0 : i32
    %c0_i32_1 = arith.constant 0 : i32
    return %c0_i32, %c0_i32_0 : i32, i32
  }
  func.func @transform_2(%arg0: i32) -> (i32, i32) {
    %c0_i32 = arith.constant 0 : i32
    %c0_i32_0 = arith.constant 0 : i32
    %c0_i32_1 = arith.constant 0 : i32
    return %c0_i32, %c0_i32_0 : i32, i32
  }
  func.func @transform_3(%arg0: i32) -> (i32, i32) {
    %c0_i32 = arith.constant 0 : i32
    %c0_i32_0 = arith.constant 0 : i32
    return %arg0, %c0_i32 : i32, i32
  }
}

module attributes {stable_mosaic.version = 14 : i64} {
  func.func @_fin1_body(%arg0: i32, %arg1: memref<2x1000x128xf32, #tpu.memory_space<vmem>>, %arg2: memref<2x1000x16xf32, #tpu.memory_space<vmem>>, %arg3: memref<1x256xf32, #tpu.memory_space<vmem>>, %arg4: memref<256x256xf32, #tpu.memory_space<vmem>>, %arg5: memref<1x256xf32, #tpu.memory_space<vmem>>, %arg6: memref<1000x128xf32, #tpu.memory_space<vmem>>, %arg7: memref<1000x128xf32, #tpu.memory_space<vmem>>) attributes {dimension_semantics = [#tpu.dimension_semantics<arbitrary>], iteration_bounds = array<i64: 10>, scalar_prefetch = 0 : i64, scratch_operands = 0 : i64, tpu.core_type = #tpu.core_type<tc>, window_params = [{transform_indices = @transform_0, window_bounds = array<i64: 2, 1000, 128>}, {transform_indices = @transform_1, window_bounds = array<i64: 2, 1000, 16>}, {pipeline_mode = #tpu.pipeline_mode<synchronous>, transform_indices = @transform_2, window_bounds = array<i64: 1, 256>}, {pipeline_mode = #tpu.pipeline_mode<synchronous>, transform_indices = @transform_3, window_bounds = array<i64: 256, 256>}, {pipeline_mode = #tpu.pipeline_mode<synchronous>, transform_indices = @transform_4, window_bounds = array<i64: 1, 256>}, {transform_indices = @transform_5, window_bounds = array<i64: 1000, 128>}, {transform_indices = @transform_6, window_bounds = array<i64: 1000, 128>}]} {
    %get3A = arith.constant 0 : index
    %get3A_0 = arith.constant 0 : index
    %get3A_1 = arith.constant 0 : index
    %get3A_2 = vector.load %arg1[%get3A, %get3A_0, %get3A_1] : memref<2x1000x128xf32, #tpu.memory_space<vmem>>, vector<2x1000x128xf32>
    %get3A_3 = arith.constant 0 : index
    %get3A_4 = arith.constant 0 : index
    %get3A_5 = arith.constant 0 : index
    %get3A_6 = vector.load %arg2[%get3A_3, %get3A_4, %get3A_5] : memref<2x1000x16xf32, #tpu.memory_space<vmem>>, vector<2x1000x16xf32>
    %slice3A = vector.extract_strided_slice %get3A_2 {offsets = [0, 0, 0], sizes = [1, 1000, 64], strides = [1, 1, 1]} : vector<2x1000x128xf32> to vector<1x1000x64xf32>
    %squeeze3A = vector.shape_cast %slice3A : vector<1x1000x64xf32> to vector<1000x64xf32>
    %slice3A_7 = vector.extract_strided_slice %get3A_6 {offsets = [0, 0, 0], sizes = [1, 1000, 1], strides = [1, 1, 1]} : vector<2x1000x16xf32> to vector<1x1000x1xf32>
    %squeeze3A_8 = vector.shape_cast %slice3A_7 : vector<1x1000x1xf32> to vector<1000x1xf32>
    %add3A = arith.constant 1.000000e-16 : f32
    %add3A_9 = vector.broadcast %add3A : f32 to vector<1000x1xf32>
    %add3A_10 = arith.addf %squeeze3A_8, %add3A_9 : vector<1000x1xf32>
    %div3A = vector.broadcast %add3A_10 : vector<1000x1xf32> to vector<1000x64xf32>
    %div3A_11 = arith.divf %squeeze3A, %div3A : vector<1000x64xf32>
    %slice3A_12 = vector.extract_strided_slice %get3A_2 {offsets = [0, 0, 64], sizes = [1, 1000, 64], strides = [1, 1, 1]} : vector<2x1000x128xf32> to vector<1x1000x64xf32>
    %squeeze3A_13 = vector.shape_cast %slice3A_12 : vector<1x1000x64xf32> to vector<1000x64xf32>
    %slice3A_14 = vector.extract_strided_slice %get3A_6 {offsets = [0, 0, 1], sizes = [1, 1000, 1], strides = [1, 1, 1]} : vector<2x1000x16xf32> to vector<1x1000x1xf32>
    %squeeze3A_15 = vector.shape_cast %slice3A_14 : vector<1x1000x1xf32> to vector<1000x1xf32>
    %add3A_16 = arith.constant 1.000000e-16 : f32
    %add3A_17 = vector.broadcast %add3A_16 : f32 to vector<1000x1xf32>
    %add3A_18 = arith.addf %squeeze3A_15, %add3A_17 : vector<1000x1xf32>
    %div3A_19 = vector.broadcast %add3A_18 : vector<1000x1xf32> to vector<1000x64xf32>
    %div3A_20 = arith.divf %squeeze3A_13, %div3A_19 : vector<1000x64xf32>
    %slice3A_21 = vector.extract_strided_slice %get3A_2 {offsets = [1, 0, 0], sizes = [1, 1000, 64], strides = [1, 1, 1]} : vector<2x1000x128xf32> to vector<1x1000x64xf32>
    %squeeze3A_22 = vector.shape_cast %slice3A_21 : vector<1x1000x64xf32> to vector<1000x64xf32>
    %slice3A_23 = vector.extract_strided_slice %get3A_6 {offsets = [1, 0, 0], sizes = [1, 1000, 1], strides = [1, 1, 1]} : vector<2x1000x16xf32> to vector<1x1000x1xf32>
    %squeeze3A_24 = vector.shape_cast %slice3A_23 : vector<1x1000x1xf32> to vector<1000x1xf32>
    %add3A_25 = arith.constant 1.000000e-16 : f32
    %add3A_26 = vector.broadcast %add3A_25 : f32 to vector<1000x1xf32>
    %add3A_27 = arith.addf %squeeze3A_24, %add3A_26 : vector<1000x1xf32>
    %div3A_28 = vector.broadcast %add3A_27 : vector<1000x1xf32> to vector<1000x64xf32>
    %div3A_29 = arith.divf %squeeze3A_22, %div3A_28 : vector<1000x64xf32>
    %slice3A_30 = vector.extract_strided_slice %get3A_2 {offsets = [1, 0, 64], sizes = [1, 1000, 64], strides = [1, 1, 1]} : vector<2x1000x128xf32> to vector<1x1000x64xf32>
    %squeeze3A_31 = vector.shape_cast %slice3A_30 : vector<1x1000x64xf32> to vector<1000x64xf32>
    %slice3A_32 = vector.extract_strided_slice %get3A_6 {offsets = [1, 0, 1], sizes = [1, 1000, 1], strides = [1, 1, 1]} : vector<2x1000x16xf32> to vector<1x1000x1xf32>
    %squeeze3A_33 = vector.shape_cast %slice3A_32 : vector<1x1000x1xf32> to vector<1000x1xf32>
    %add3A_34 = arith.constant 1.000000e-16 : f32
    %add3A_35 = vector.broadcast %add3A_34 : f32 to vector<1000x1xf32>
    %add3A_36 = arith.addf %squeeze3A_33, %add3A_35 : vector<1000x1xf32>
    %div3A_37 = vector.broadcast %add3A_36 : vector<1000x1xf32> to vector<1000x64xf32>
    %div3A_38 = arith.divf %squeeze3A_31, %div3A_37 : vector<1000x64xf32>
    %concatenate3A = tpu.concatenate %div3A_11, %div3A_20, %div3A_29, %div3A_38 in 1 : vector<1000x64xf32>, vector<1000x64xf32>, vector<1000x64xf32>, vector<1000x64xf32> -> vector<1000x256xf32>
    %get3A_39 = arith.constant 0 : index
    %get3A_40 = arith.constant 0 : index
    %get3A_41 = vector.load %arg3[%get3A_39, %get3A_40] : memref<1x256xf32, #tpu.memory_space<vmem>>, vector<1x256xf32>
    %add3A_42 = vector.broadcast %get3A_41 : vector<1x256xf32> to vector<1000x256xf32>
    %add3A_43 = arith.addf %concatenate3A, %add3A_42 : vector<1000x256xf32>
    %gt3A = arith.constant 0.000000e+00 : f32
    %gt3A_44 = vector.broadcast %gt3A : f32 to vector<1000x256xf32>
    %gt3A_45 = arith.cmpf ogt, %add3A_43, %gt3A_44 : vector<1000x256xf32>
    %exp3A = math.exp %add3A_43 : vector<1000x256xf32>
    %sub3A = arith.constant 1.000000e+00 : f32
    %sub3A_46 = vector.broadcast %sub3A : f32 to vector<1000x256xf32>
    %sub3A_47 = arith.subf %exp3A, %sub3A_46 : vector<1000x256xf32>
    %select_n3A = arith.select %gt3A_45, %add3A_43, %sub3A_47 : vector<1000x256xi1>, vector<1000x256xf32>
    %get3A_48 = arith.constant 0 : index
    %get3A_49 = arith.constant 0 : index
    %get3A_50 = vector.load %arg4[%get3A_48, %get3A_49] : memref<256x256xf32, #tpu.memory_space<vmem>>, vector<256x256xf32>
    %dot_general3A = arith.constant dense<0.000000e+00> : vector<1000x256xf32>
    %dot_general3A_51 = tpu.matmul %select_n3A, %get3A_50, %dot_general3A {dimension_numbers = #tpu.dot_dimension_numbers<[1], [0], [0], [1], [0, 0, 1, 1], [], []>, transpose_lhs_hint = false} : vector<1000x256xf32>, vector<256x256xf32>, vector<1000x256xf32> -> vector<1000x256xf32>
    %get3A_52 = arith.constant 0 : index
    %get3A_53 = arith.constant 0 : index
    %get3A_54 = vector.load %arg5[%get3A_52, %get3A_53] : memref<1x256xf32, #tpu.memory_space<vmem>>, vector<1x256xf32>
    %add3A_55 = vector.broadcast %get3A_54 : vector<1x256xf32> to vector<1000x256xf32>
    %add3A_56 = arith.addf %dot_general3A_51, %add3A_55 : vector<1000x256xf32>
    %slice3A_57 = vector.extract_strided_slice %add3A_56 {offsets = [0, 0], sizes = [1000, 128], strides = [1, 1]} : vector<1000x256xf32> to vector<1000x128xf32>
    %swap3A = arith.constant 0 : index
    %swap3A_58 = arith.constant 0 : index
    %swap3A_59 = vector.load %arg6[%swap3A, %swap3A_58] : memref<1000x128xf32, #tpu.memory_space<vmem>>, vector<1000x128xf32>
    tpu.vector_store %arg6[%swap3A, %swap3A_58], %slice3A_57 {strides = array<i32>} : memref<1000x128xf32, #tpu.memory_space<vmem>>, vector<1000x128xf32>,
    %slice3A_60 = vector.extract_strided_slice %add3A_56 {offsets = [0, 128], sizes = [1000, 128], strides = [1, 1]} : vector<1000x256xf32> to vector<1000x128xf32>
    %swap3A_61 = arith.constant 0 : index
    %swap3A_62 = arith.constant 0 : index
    %swap3A_63 = vector.load %arg7[%swap3A_61, %swap3A_62] : memref<1000x128xf32, #tpu.memory_space<vmem>>, vector<1000x128xf32>
    tpu.vector_store %arg7[%swap3A_61, %swap3A_62], %slice3A_60 {strides = array<i32>} : memref<1000x128xf32, #tpu.memory_space<vmem>>, vector<1000x128xf32>,
    return
  }
  func.func @transform_0(%arg0: i32) -> (i32, i32, i32) {
    %c0_i32 = arith.constant 0 : i32
    %c0_i32_0 = arith.constant 0 : i32
    %c0_i32_1 = arith.constant 0 : i32
    return %c0_i32, %arg0, %c0_i32_0 : i32, i32, i32
  }
  func.func @transform_1(%arg0: i32) -> (i32, i32, i32) {
    %c0_i32 = arith.constant 0 : i32
    %c0_i32_0 = arith.constant 0 : i32
    %c0_i32_1 = arith.constant 0 : i32
    return %c0_i32, %arg0, %c0_i32_0 : i32, i32, i32
  }
  func.func @transform_2(%arg0: i32) -> (i32, i32) {
    %c0_i32 = arith.constant 0 : i32
    %c0_i32_0 = arith.constant 0 : i32
    %c0_i32_1 = arith.constant 0 : i32
    return %c0_i32, %c0_i32_0 : i32, i32
  }
  func.func @transform_3(%arg0: i32) -> (i32, i32) {
    %c0_i32 = arith.constant 0 : i32
    %c0_i32_0 = arith.constant 0 : i32
    %c0_i32_1 = arith.constant 0 : i32
    return %c0_i32, %c0_i32_0 : i32, i32
  }
  func.func @transform_4(%arg0: i32) -> (i32, i32) {
    %c0_i32 = arith.constant 0 : i32
    %c0_i32_0 = arith.constant 0 : i32
    %c0_i32_1 = arith.constant 0 : i32
    return %c0_i32, %c0_i32_0 : i32, i32
  }
  func.func @transform_5(%arg0: i32) -> (i32, i32) {
    %c0_i32 = arith.constant 0 : i32
    %c0_i32_0 = arith.constant 0 : i32
    return %arg0, %c0_i32 : i32, i32
  }
  func.func @transform_6(%arg0: i32) -> (i32, i32) {
    %c0_i32 = arith.constant 0 : i32
    %c0_i32_0 = arith.constant 0 : i32
    return %arg0, %c0_i32 : i32, i32
  }
}

module attributes {stable_mosaic.version = 14 : i64} {
  func.func @_fin2_body(%arg0: i32, %arg1: memref<2x1000x128xf32, #tpu.memory_space<vmem>>, %arg2: memref<2x1000x16xf32, #tpu.memory_space<vmem>>, %arg3: memref<1x128xf32, #tpu.memory_space<vmem>>, %arg4: memref<1000x128xf32, #tpu.memory_space<vmem>>) attributes {dimension_semantics = [#tpu.dimension_semantics<arbitrary>], iteration_bounds = array<i64: 10>, scalar_prefetch = 0 : i64, scratch_operands = 0 : i64, tpu.core_type = #tpu.core_type<tc>, window_params = [{transform_indices = @transform_0, window_bounds = array<i64: 2, 1000, 128>}, {transform_indices = @transform_1, window_bounds = array<i64: 2, 1000, 16>}, {pipeline_mode = #tpu.pipeline_mode<synchronous>, transform_indices = @transform_2, window_bounds = array<i64: 1, 128>}, {transform_indices = @transform_3, window_bounds = array<i64: 1000, 128>}]} {
    %get3A = arith.constant 0 : index
    %get3A_0 = arith.constant 0 : index
    %get3A_1 = arith.constant 0 : index
    %get3A_2 = vector.load %arg2[%get3A, %get3A_0, %get3A_1] : memref<2x1000x16xf32, #tpu.memory_space<vmem>>, vector<1x1000x1xf32>
    %get3A_3 = vector.shape_cast %get3A_2 : vector<1x1000x1xf32> to vector<1000x1xf32>
    %get3A_4 = arith.constant 1 : index
    %get3A_5 = arith.constant 0 : index
    %get3A_6 = arith.constant 0 : index
    %get3A_7 = vector.load %arg2[%get3A_4, %get3A_5, %get3A_6] : memref<2x1000x16xf32, #tpu.memory_space<vmem>>, vector<1x1000x1xf32>
    %get3A_8 = vector.shape_cast %get3A_7 : vector<1x1000x1xf32> to vector<1000x1xf32>
    %add3A = arith.addf %get3A_3, %get3A_8 : vector<1000x1xf32>
    %add3A_9 = arith.constant 1.000000e-16 : f32
    %add3A_10 = vector.broadcast %add3A_9 : f32 to vector<1000x1xf32>
    %add3A_11 = arith.addf %add3A, %add3A_10 : vector<1000x1xf32>
    %get3A_12 = arith.constant 0 : index
    %get3A_13 = arith.constant 0 : index
    %get3A_14 = arith.constant 0 : index
    %get3A_15 = vector.load %arg1[%get3A_12, %get3A_13, %get3A_14] : memref<2x1000x128xf32, #tpu.memory_space<vmem>>, vector<1x1000x128xf32>
    %get3A_16 = vector.shape_cast %get3A_15 : vector<1x1000x128xf32> to vector<1000x128xf32>
    %get3A_17 = arith.constant 1 : index
    %get3A_18 = arith.constant 0 : index
    %get3A_19 = arith.constant 0 : index
    %get3A_20 = vector.load %arg1[%get3A_17, %get3A_18, %get3A_19] : memref<2x1000x128xf32, #tpu.memory_space<vmem>>, vector<1x1000x128xf32>
    %get3A_21 = vector.shape_cast %get3A_20 : vector<1x1000x128xf32> to vector<1000x128xf32>
    %add3A_22 = arith.addf %get3A_16, %get3A_21 : vector<1000x128xf32>
    %div3A = vector.broadcast %add3A_11 : vector<1000x1xf32> to vector<1000x128xf32>
    %div3A_23 = arith.divf %add3A_22, %div3A : vector<1000x128xf32>
    %get3A_24 = arith.constant 0 : index
    %get3A_25 = arith.constant 0 : index
    %get3A_26 = vector.load %arg3[%get3A_24, %get3A_25] : memref<1x128xf32, #tpu.memory_space<vmem>>, vector<1x128xf32>
    %add3A_27 = vector.broadcast %get3A_26 : vector<1x128xf32> to vector<1000x128xf32>
    %add3A_28 = arith.addf %div3A_23, %add3A_27 : vector<1000x128xf32>
    %swap3A = arith.constant 0 : index
    %swap3A_29 = arith.constant 0 : index
    %swap3A_30 = vector.load %arg4[%swap3A, %swap3A_29] : memref<1000x128xf32, #tpu.memory_space<vmem>>, vector<1000x128xf32>
    tpu.vector_store %arg4[%swap3A, %swap3A_29], %add3A_28 {strides = array<i32>} : memref<1000x128xf32, #tpu.memory_space<vmem>>, vector<1000x128xf32>,
    return
  }
  func.func @transform_0(%arg0: i32) -> (i32, i32, i32) {
    %c0_i32 = arith.constant 0 : i32
    %c0_i32_0 = arith.constant 0 : i32
    %c0_i32_1 = arith.constant 0 : i32
    return %c0_i32, %arg0, %c0_i32_0 : i32, i32, i32
  }
  func.func @transform_1(%arg0: i32) -> (i32, i32, i32) {
    %c0_i32 = arith.constant 0 : i32
    %c0_i32_0 = arith.constant 0 : i32
    %c0_i32_1 = arith.constant 0 : i32
    return %c0_i32, %arg0, %c0_i32_0 : i32, i32, i32
  }
  func.func @transform_2(%arg0: i32) -> (i32, i32) {
    %c0_i32 = arith.constant 0 : i32
    %c0_i32_0 = arith.constant 0 : i32
    %c0_i32_1 = arith.constant 0 : i32
    return %c0_i32, %c0_i32_0 : i32, i32
  }
  func.func @transform_3(%arg0: i32) -> (i32, i32) {
    %c0_i32 = arith.constant 0 : i32
    %c0_i32_0 = arith.constant 0 : i32
    return %arg0, %c0_i32 : i32, i32
  }
}

</mosaic_0001>

<sc_bundles>
// kernel: kernel.10.cloned.1.call-start
scs
__scs_entry_jumppad:
0x0: {  	(pc) =	sbr.rel $0x88, $3  }
0x1: {  	(tag) =	ssettag $0x0;
	lr =	simm.s32 $0x1  }
0x2: {  	[smem:$0x3F93] =	sst lr;
	_ =	strace $0xD0000000  }
0x3: {  	_ = 	snop  }
0x4: {  	_ = 	snop  }
0x5: {  	_ = 	snop  }
0x6: {  	_ = 	snop  }
0x7: {  	_ = 	snop  }
__scs_overlays_trampoline_lowered:
0x8: {  	[smem:$0x3FA2] =	sst s0  }
0x9: {  	[smem:$0x3FA3] =	sst s1  }
0xa: {  	[smem:$0x3FA4] =	sst s2  }
0xb: {  	[smem:$0x3FA5] =	sst s3  }
0xc: {  	[smem:$0x3FA6] =	sst s4  }
0xd: {  	[smem:$0x3FA7] =	sst s5  }
0xe: {  	[smem:$0x3FA8] =	sst s6  }
0xf: {  	[smem:$0x3FA9] =	sst s7  }
0x10: {  	[smem:$0x3FAA] =	sst s8  }
0x11: {  	[smem:$0x3FAB] =	sst s9;
	s0 =	simm.s32 @!p0 $0x0  }
0x12: {  	s1 =	sld [smem:$0x3F91];
	s0 =	simm.s32 @p0 $0x1  }
0x13: {  	[smem:$0x3FAC] =	sst s0;
	s0 =	simm.s32 @!p1 $0x0  }
0x14: {  	s2 =	sld [smem:$0x3F90];
	s0 =	simm.s32 @p1 $0x1  }
0x15: {  	[smem:$0x3FAD] =	sst s0;
	s0 =	simm.s32 @!p2 $0x0  }
0x16: {  	s3 =	sld [smem:$0x3FDB];
	s0 =	simm.s32 @p2 $0x1  }
0x17: {  	s4 =	simm.s32 $0x1BF5;
	[smem:$0x3FAF] =	sst s0  }
0x18: {  	s0 =	sld [smem:$0x3F92];
	_ =	swait.ge [sflag:s4], $0x0  }
0x19: {  	s7 =	sld [smem:$0x3F93]  }
0x1a: {  	s8 =	sadd.s32 $0xFFFFE003, lr  }
0x1b: {  	s9 =	sadd.s32 $0xFFFFFEF7, lr;
	s5 =	simm.s32 $0xFFFFFFFF;
	p2 =	slt.u32 s8, $0xFFFFF086  }
0x1c: {  	p1 =	slt.u32 s9, $0xF7A;
	s5 =	simm.s32 @!p2 $0x0  }
0x1d: {  	s5 =	simm.s32 @p1 $0x1;
	p0 =	seq.s32 s7, s2  }
0x1e: {  	s7 =	smul.u32 @!p0 $0xF7A, s2;
	p2 =	seq.s32 @!p0 s5, $0x0  }
0x1f: {  	s9 =	smul.u32 $0xF7A, s1;
	s8 =	simm.s32 @!p0 $0x1BF5;
	p2 =	por !p2, p0  }
0x20: {  	[sflag:s8] =	ssyncset.s32 @!p0 $0xFFFFF086;
	s6 =	sadd.s32 @!p0 s3, s7;
	s7 =	simm.s32 @!p0 $0x108  }
0x21: {  	s3 =	sadd.s32 s3, s9;
	s6 =	sadd.s32 @!p0 $0x88, s6;
	s7 =	simm.s32 @p2 $0x1082  }
0x22: {  	[simem:s7], [sflag:s8] =	dma.local @!p0 [hbm:s6], $0xF7A  }
0x23: {  	s9 =	sor.u32 $0xD0000000, s2;
	s6 =	simm.s32 $0x108;
	_ =	swait.ge @!p0 [sflag:s8], $0x0  }
0x24: {  	s3 =	sadd.s32 $0x88, s3;
	s6 =	simm.s32 @!p1 $0x1082;
	[sflag:s4] =	ssyncset.s32 $0xFFFFF086  }
0x25: {  	[simem:s6], [sflag:s4] =	dma.local [hbm:s3], $0xF7A  }
0x26: {  	[smem:$0x3F93] =	sst s1;
	(tag) =	ssettag s2;
	_ =	strace s9  }
0x27: {  	s1 =	sld [smem:$0x3FA3]  }
0x28: {  	s2 =	sld [smem:$0x3FA4]  }
0x29: {  	s4 =	sld [smem:$0x3FA6]  }
0x2a: {  	p0 =	seq.s32 s5, $0x0;
	s5 =	sld [smem:$0x3FA7]  }
0x2b: {  	s6 =	sld [smem:$0x3FA8]  }
0x2c: {  	s7 =	sld [smem:$0x3FA9]  }
0x2d: {  	s3 =	simm.s32 $0x108;
	s8 =	sld [smem:$0x3FAA]  }
0x2e: {  	s3 =	simm.s32 @!p0 $0x1082;
	s9 =	sld [smem:$0x3FAB]  }
0x2f: {  	lr =	sadd.s32 s0, s3;
	s0 =	sld [smem:$0x3FA2]  }
0x30: {  	s3 =	sld [smem:$0x3FA5]  }
0x31: {  	[smem:$0x3FAE] =	sst s10  }
0x32: {  	s10 =	sld [smem:$0x3FAC];
	_ =	sdelay $0x3  }
0x33: {  	p0 =	seq.s32 s10, $0x1;
	s10 =	sld [smem:$0x3FAE];
	_ =	sdelay $0x3  }
0x34: {  	[smem:$0x3FAE] =	sst s10  }
0x35: {  	s10 =	sld [smem:$0x3FAD];
	_ =	sdelay $0x3  }
0x36: {  	p1 =	seq.s32 s10, $0x1;
	s10 =	sld [smem:$0x3FAE];
	_ =	sdelay $0x3  }
0x37: {  	[smem:$0x3FAE] =	sst s10  }
0x38: {  	s10 =	sld [smem:$0x3FAF]  }
0x39: {  	_ = 	snop;
	(pc) =	sbr.ind lr, $3  }
0x3a: {  	_ = 	snop  }
0x3b: {  	_ = 	snop  }
0x3c: {  	p2 =	seq.s32 s10, $0x1;
	s10 =	sld [smem:$0x3FAE]  }
0x3d: {  	_ =	shalt  }
0x3e: {  	_ =	shalt  }
0x3f: {  	_ =	shalt  }
0x40: {  	_ =	shalt  }
0x41: {  	_ =	shalt  }
0x42: {  	_ =	shalt  }
0x43: {  	_ =	shalt  }
0x44: {  	_ =	shalt  }
0x45: {  	_ =	shalt  }
0x46: {  	_ =	shalt  }
0x47: {  	_ =	shalt  }
0x48: {  	_ =	shalt  }
0x49: {  	_ =	shalt  }
0x4a: {  	_ =	shalt  }
0x4b: {  	_ =	shalt  }
0x4c: {  	_ =	shalt  }
0x4d: {  	_ =	shalt  }
0x4e: {  	_ =	shalt  }
0x4f: {  	_ =	shalt  }
0x50: {  	_ =	shalt  }
0x51: {  	_ =	shalt  }
0x52: {  	_ =	shalt  }
0x53: {  	_ =	shalt  }
0x54: {  	_ =	shalt  }
0x55: {  	_ =	shalt  }
0x56: {  	_ =	shalt  }
0x57: {  	_ =	shalt  }
0x58: {  	_ =	shalt  }
0x59: {  	_ =	shalt  }
0x5a: {  	_ =	shalt  }
0x5b: {  	_ =	shalt  }
0x5c: {  	_ =	shalt  }
0x5d: {  	_ =	shalt  }
0x5e: {  	_ =	shalt  }
0x5f: {  	_ =	shalt  }
0x60: {  	_ =	shalt  }
0x61: {  	_ =	shalt  }
0x62: {  	_ =	shalt  }
0x63: {  	_ =	shalt  }
0x64: {  	_ =	shalt  }
0x65: {  	_ =	shalt  }
0x66: {  	_ =	shalt  }
0x67: {  	_ =	shalt  }
0x68: {  	_ =	shalt  }
0x69: {  	_ =	shalt  }
0x6a: {  	_ =	shalt  }
0x6b: {  	_ =	shalt  }
0x6c: {  	_ =	shalt  }
0x6d: {  	_ =	shalt  }
0x6e: {  	_ =	shalt  }
0x6f: {  	_ =	shalt  }
0x70: {  	_ =	shalt  }
0x71: {  	_ =	shalt  }
0x72: {  	_ =	shalt  }
0x73: {  	_ =	shalt  }
0x74: {  	_ =	shalt  }
0x75: {  	_ =	shalt  }
0x76: {  	_ =	shalt  }
0x77: {  	_ =	shalt  }
0x78: {  	_ =	shalt  }
0x79: {  	_ =	shalt  }
0x7a: {  	_ =	shalt  }
0x7b: {  	_ =	shalt  }
0x7c: {  	_ =	shalt  }
0x7d: {  	_ =	shalt  }
0x7e: {  	_ =	shalt  }
0x7f: {  	_ =	shalt  }
0x80: {  	_ =	shalt  }
0x81: {  	_ =	shalt  }
0x82: {  	_ =	shalt  }
0x83: {  	_ =	shalt  }
0x84: {  	_ =	shalt  }
0x85: {  	_ =	shalt  }
0x86: {  	_ =	shalt  }
0x87: {  	_ =	shalt  }
.Lfunc_end0:
.L_simem_size_0:
called_computation.1_lowered:
.L_overlay_start_0:
0x88: {  	s2 =	sld [smem:$0x3FD9]  }
0x89: {  	s3 =	sld [smem:$0x3FFE];
	_ =	sdelay $0x1  }
0x8a: {  	s1 =	srdreg.scid  }
0x8b: {  	s0 =	sand.u32 $0x1, s1  }
0x8c: {  	s17 =	sshll.u32 s0, $0xA;
	s2 =	sadd.s32 s3, s2  }
0x8d: {  	s2 =	sadd.s32 s2, s17  }
0x8e: {  	[smem:$0x3FBA] =	sst s2  }
0x8f: {  	_ = 	snop  }
0x90: {  	s2 =	sld [smem:$0x3FD0];
	(tm) =	ssettm $0x1  }
0x91: {  	s18 =	sld [smem:$0x3FFB];
	_ =	sdelay $0x3  }
0x92: {  	_ =	strace s18  }
0x93: {  	s3 =	sld [smem:$0x3FFC];
	_ =	sdelay $0x3  }
0x94: {  	_ =	strace s3  }
0x95: {  	s3 =	sld [smem:$0x3FFD];
	_ =	sdelay $0x3  }
0x96: {  	_ =	strace s3  }
0x97: {  	_ =	strace $0x8FFFFFFF  }
0x98: {  	s19 =	sld [smem:$0x3FDB];
	_ =	sdelay $0x1  }
0x99: {  	s4 =	simm.s32 $_scs_section_size  }
0x9a: {  	s5 =	simm.s32 $_size__tile_overlayer_lowered;
	s6 =	simm.s32 $_tile_overlayer_lowered  }
0x9b: {  	s22 =	simm.s32 $0x1BFF;
	s21 =	sshll.u32 s6, $0x1;
	s3 =	sadd.s32 s4, s19  }
0x9c: {  	s7 =	simm.s32 $0x0;
	s20 =	sshll.u32 s5, $0x1;
	s5 =	sadd.s32 s21, s3  }
0x9d: {  	[timem:s7], [sflag:s22] =	dma.local [hbm:s5], s20  }
0x9e: {  	_ =	swait.ge [sflag:s22], s20  }
0x9f: {  	s4 =	ssub.s32 $0x0, s20;
	[sflag:s22] =	ssyncset.done $0x0  }
0xa0: {  	[sflag:s22] =	ssyncadd.s32 s4;
	_ =	sdelay $0x1  }
0xa1: {  	s23 =	simm.s32 $0x1B8B  }
0xa2: {  	_ =	swait.ge [sflag:s23], $0x1  }
0xa3: {  	[sflag:s23] =	ssyncset.done $0x0  }
0xa4: {  	s25 =	simm.s32 $0x1B8E;
	s24 =	sld [smem:$0x3FFE];
	[sflag:s23] =	ssyncadd.s32 $0xFFFFFFFF  }
0xa5: {  	s26 =	simm.s32 $execute0_lowered;
	[smem:$0x3FD2] =	sst s25  }
0xa6: {  	s5 =	sshll.u32 s26, $0x1;
	_ =	strace $0x80000049;
	[dreg:$0x1] =	wrdreg $0xFFFFFFFF  }
0xa7: {  	s28 =	simm.s32 $_size_execute0_lowered;
	s3 =	sadd.s32 s3, s5;
	[dreg:$0x0] =	wrdreg $0x0  }
0xa8: {  	s5 =	sshll.u32 s28, $0x1;
	[dreg:$0x2] =	wrdreg s3  }
0xa9: {  	[dreg:$0x3] =	wrdreg s5  }
0xaa: {  	[dreg:$0x4] =	wrdreg $0xC0  }
0xab: {  	_ =	task [dreg:s7], $0x5FFFF  }
0xac: {  	[dreg:$0x1] =	wrdreg $0xFFFFFFFF  }
0xad: {  	[dreg:$0x0] =	wrdreg $0x60  }
0xae: {  	[dreg:$0x2] =	wrdreg s2  }
0xaf: {  	[dreg:$0x3] =	wrdreg s24  }
0xb0: {  	[dreg:$0x4] =	wrdreg $0x89C00  }
0xb1: {  	[dreg:$0x5] =	wrdreg $0x1C2400  }
0xb2: {  	[dreg:$0x6] =	wrdreg $0x9  }
0xb3: {  	_ =	task.clear_ibuf [dreg:s7], $0x7FFFF;
	_ =	strace $0x90000049  }
0xb4: {  	s29 =	simm.s32 $0x9;
	_ =	strace $0x8000004B  }
0xb5: {  	_ =	swait.ge [sflag:s29], $0x1  }
0xb6: {  	[sflag:s29] =	ssyncadd.s32 $0xFFFFFFFF  }
0xb7: {  	_ =	strace $0x9000004B  }
0xb8: {  	_ =	sfence  }
0xb9: {  	s30 =	sld [smem:$0x0];
	_ =	sdelay $0x2  }
0xba: {  	s31 =	sshll.u32 s1, $0xD;
	s1 =	sshrl.u32 s1, $0x2  }
0xbb: {  	s3 =	sand.u32 $0x4000, s31;
	s1 =	sadd.s32 s1, s30  }
0xbc: {  	s0 =	sor.u32 s3, s0;
	s1 =	sshll.u32 s1, $0x11  }
0xbd: {  	s0 =	sor.u32 s1, s0  }
0xbe: {  	s0 =	sadd.s32 $0x8F2B, s0  }
0xbf: {  	[sflag:s0] =	ssyncadd.remote.s32 $0x1  }
0xc0: {  	_ =	sfence.sel $0xFFFF  }
0xc1: {  	[dreg:$0x0] =	wrdreg $0xFFFFFFFF;
	(pc) =	sbr.abs _section_cstart, $3  }
0xc2: {  	[dreg:$0x1] =	wrdreg $0xFFFFFFFF  }
0xc3: {  	_ =	task.clear_ibuf [dreg:s7], $0x2FFFF;
	_ =	strace $0x9FFFFFFF  }
0xc4: {  	(tm) =	ssettm $0x7FFFFFFF  }
0xc5: {  	_ =	shalt  }
tec
execute0_lowered:
.L_overlay_start_1:
0x0: {  	(tag) =	ssettag $0x1  }
0x1: {  	v0 =	vimm.s32 $0xEFCDAB89  }
0x2: {  	v1 =	vimm.s32 $0x67452301;
	v2 =	vimm.s32 $0x19181B1A;
	v3 =	vimm.s32 $0x1D1C1F1E  }
0x3: {  	vm0 =	vcmask $0x1F10;
	v4 =	vimm.s32 $0x2B2A2928;
	v5 =	vimm.s32 $0x27262524  }
0x4: {  	v6 =	vimm.s32 $0x23222120;
	v7 =	vimm.s32 $0x33323130;
	v9 =	vimm.s32 $0x37363534  }
0x5: {  	v10 =	vimm.s32 $0x67666564;
	v11 =	vimm.s32 $0x63626160;
	v12 =	vimm.s32 $0x73727170  }
0x6: {  	v13 =	vimm.s32 $0x77767574;
	v14 =	vimm.s32 $0xA7A6A5A4;
	v15 =	vimm.s32 $0xA3A2A1A0  }
0x7: {  	v16 =	vimm.s32 $0xB3B2B1B0;
	v17 =	vimm.s32 $0xB7B6B5B4;
	v18 =	vimm.s32 $0xE3E2E1E0  }
0x8: {  	v19 =	vimm.s32 $0xF3F2F1F0;
	v20 =	vimm.s32 $0xF7F6F5F4;
	v21 =	vimm.s32 $0xFBFAF9F8  }
0x9: {  	v22 =	vimm.s32 $0xFFFEFDFC;
	v0 =	vunpack.c.l.s4.s8 v0;
	v1 =	vunpack.c.l.s4.s8 v1  }
0xa: {  	v2 =	vunpack.c.0.s8.s32 v2;
	v3 =	vunpack.c.0.s8.s32 v3;
	v4 =	vunpack.c.0.s8.s32 v4  }
0xb: {  	v5 =	vunpack.c.0.s8.s32 v5;
	v0 =	vunpack.c.0.s8.s32 v0;
	v1 =	vunpack.c.0.s8.s32 v1  }
0xc: {  	v6 =	vunpack.c.0.s8.s32 v6;
	v10 =	vunpack.c.0.s8.s32 v10;
	v11 =	vunpack.c.0.s8.s32 v11  }
0xd: {  	v14 =	vunpack.c.0.s8.s32 v14;
	v15 =	vunpack.c.0.s8.s32 v15;
	v8 =	vcombine.low v1, v0  }
0xe: {  	v0 =	vsel vm0, v3, v2;
	v1 =	vimm.s32 $0x11101312;
	v2 =	vimm.s32 $0x15141716  }
0xf: {  	v3 =	vimm.s32 $0x2F2E2D2C;
	v1 =	vunpack.c.0.s8.s32 v1;
	v2 =	vunpack.c.0.s8.s32 v2  }
0x10: {  	v18 =	vunpack.c.0.s8.s32 v18;
	v19 =	vunpack.c.0.s8.s32 v19;
	v3 =	vunpack.c.0.s8.s32 v3  }
0x11: {  	v1 =	vsel vm0, v2, v1;
	v2 =	vunpack.c.0.s8.s32 v7;
	v7 =	vunpack.c.0.s8.s32 v9  }
0x12: {  	v9 =	vimm.s32 $0x46474445;
	v0 =	vcombine.low v1, v0;
	v1 =	vsel vm0, v4, v3  }
0x13: {  	v3 =	vsel vm0, v6, v5;
	v4 =	vimm.s32 $0x3F3E3D3C;
	v5 =	vimm.s32 $0x4A4B4849  }
0x14: {  	v6 =	vimm.s32 $0x4E4F4C4D;
	v1 =	vcombine.low v3, v1;
	v3 =	vimm.s32 $0x3B3A3938  }
0x15: {  	v2 =	vsel vm0, v7, v2;
	v4 =	vunpack.c.0.s8.s32 v4;
	v3 =	vunpack.c.0.s8.s32 v3  }
0x16: {  	v5 =	vunpack.c.0.s8.s32 v5;
	v6 =	vunpack.c.0.s8.s32 v6;
	v7 =	vimm.s32 $0x42434041  }
0x17: {  	v3 =	vsel vm0, v4, v3;
	v4 =	vunpack.c.0.s8.s32 v7;
	v7 =	vunpack.c.0.s8.s32 v9  }
0x18: {  	v5 =	vsel vm0, v6, v5;
	v6 =	vimm.s32 $0x59585B5A;
	v9 =	vimm.s32 $0x5D5C5F5E  }
0x19: {  	v6 =	vunpack.c.0.s8.s32 v6;
	v4 =	vsel vm0, v7, v4;
	v7 =	vunpack.c.0.s8.s32 v9  }
0x1a: {  	v2 =	vcombine.low v3, v2;
	v9 =	vimm.s32 $0x6B6A6968;
	v3 =	vcombine.low v4, v5  }
0x1b: {  	v5 =	vimm.s32 $0x51505352;
	v4 =	vsel vm0, v7, v6;
	v6 =	vimm.s32 $0x55545756  }
0x1c: {  	v5 =	vunpack.c.0.s8.s32 v5;
	v7 =	vimm.s32 $0x6F6E6D6C;
	v6 =	vunpack.c.0.s8.s32 v6  }
0x1d: {  	v20 =	vunpack.c.0.s8.s32 v20;
	v9 =	vunpack.c.0.s8.s32 v9;
	v7 =	vunpack.c.0.s8.s32 v7  }
0x1e: {  	v5 =	vsel vm0, v6, v5;
	v6 =	vunpack.c.0.s8.s32 v12;
	v12 =	vunpack.c.0.s8.s32 v13  }
0x1f: {  	v13 =	vimm.s32 $0x86878485;
	v4 =	vcombine.low v5, v4;
	v5 =	vsel vm0, v9, v7  }
0x20: {  	v7 =	vsel vm0, v11, v10;
	v9 =	vimm.s32 $0x7F7E7D7C;
	v10 =	vimm.s32 $0x8A8B8889  }
0x21: {  	v11 =	vimm.s32 $0x8E8F8C8D;
	v5 =	vcombine.low v7, v5;
	v7 =	vimm.s32 $0x7B7A7978  }
0x22: {  	v6 =	vsel vm0, v12, v6;
	v9 =	vunpack.c.0.s8.s32 v9;
	v7 =	vunpack.c.0.s8.s32 v7  }
0x23: {  	v10 =	vunpack.c.0.s8.s32 v10;
	v11 =	vunpack.c.0.s8.s32 v11;
	v12 =	vimm.s32 $0x82838081  }
0x24: {  	v7 =	vsel vm0, v9, v7;
	v9 =	vunpack.c.0.s8.s32 v12;
	v12 =	vunpack.c.0.s8.s32 v13  }
0x25: {  	s0 =	rddreg [dreg:$0x0];
	v10 =	vsel vm0, v11, v10;
	v11 =	vimm.s32 $0x99989B9A;
	v13 =	vimm.s32 $0x9D9C9F9E  }
0x26: {  	s2 =	rddreg [dreg:$0x1];
	v11 =	vunpack.c.0.s8.s32 v11;
	v9 =	vsel vm0, v12, v9;
	v12 =	vunpack.c.0.s8.s32 v13  }
0x27: {  	s1 =	rddreg [dreg:$0x2];
	s4 =	simm.s32 $0x0;
	v6 =	vcombine.low v7, v6;
	v13 =	vimm.s32 $0xABAAA9A8;
	v9 =	vcombine.low v9, v10  }
0x28: {  	s6 =	srdreg.scid;
	s23 =	stileid.u32;
	s28 =	simm.s32 $0xA0;
	v10 =	vimm.s32 $0x91909392;
	v7 =	vsel vm0, v12, v11;
	v11 =	vimm.s32 $0x95949796  }
0x29: {  	s29 =	simm.s32 $0x140;
	s30 =	simm.s32 $0xF0;
	s15 =	smul.u32 $0x13800, s23;
	v10 =	vunpack.c.0.s8.s32 v10;
	v12 =	vimm.s32 $0xAFAEADAC;
	v11 =	vunpack.c.0.s8.s32 v11  }
0x2a: {  	s31 =	simm.s32 $0x2940;
	[smem:$0x7FF] =	sst s4;
	s12 =	smul.u32 $0x2710, s23;
	v21 =	vunpack.c.0.s8.s32 v21;
	v13 =	vunpack.c.0.s8.s32 v13;
	v12 =	vunpack.c.0.s8.s32 v12  }
0x2b: {  	s5 =	sadd.s32 $0x16600, s2;
	s8 =	sand.u32 $0x1, s6;
	s18 =	smul.u32 $0x2700, s23;
	v10 =	vsel vm0, v11, v10;
	v11 =	vunpack.c.0.s8.s32 v16;
	v16 =	vunpack.c.0.s8.s32 v17  }
0x2c: {  	s6 =	sadd.s32 $0xC800, s2;
	s7 =	sadd.s32 $0x2A00, s2;
	s22 =	smul.u32 $0x9C00, s23;
	v17 =	vimm.s32 $0xC6C7C4C5;
	v10 =	vcombine.low v10, v7;
	v7 =	vsel vm0, v13, v12  }
0x2d: {  	s3 =	rddreg [dreg:$0x3];
	s13 =	sadd.s32 $0x47800, s2;
	s26 =	smul.u32 $0x4E000, s23;
	v12 =	vsel vm0, v15, v14;
	v13 =	vimm.s32 $0xBFBEBDBC;
	v14 =	vimm.s32 $0xCACBC8C9  }
0x2e: {  	p0 =	sne.s32 s23, $0xF;
	s23 =	simm.s32 $0x2;
	_ =	strace $0x8000004A;
	v12 =	vcombine.low v12, v7;
	v7 =	vsel vm0, v16, v11;
	v11 =	vimm.s32 $0xBBBAB9B8  }
0x2f: {  	s9 =	sshll.u32 s8, $0x4;
	s14 =	smul.u32 $0x27100, s8;
	s19 =	ssub.s32 $0x2, s8;
	v15 =	vimm.s32 $0xCECFCCCD;
	v13 =	vunpack.c.0.s8.s32 v13;
	v11 =	vunpack.c.0.s8.s32 v11  }
0x30: {  	s8 =	smul.u32 $0x138800, s8;
	s11 =	sadd.s32 s9, s2;
	s10 =	sshrl.u32 s19, $0x1;
	v14 =	vunpack.c.0.s8.s32 v14;
	v15 =	vunpack.c.0.s8.s32 v15;
	v16 =	vimm.s32 $0xC2C3C0C1  }
0x31: {  	s2 =	sadd.s32 $0x3DA00, s2;
	s9 =	sadd.s32 $0x138000, s1;
	s16 =	ssub.s32 s19, s10;
	v11 =	vsel vm0, v13, v11;
	v13 =	vunpack.c.0.s8.s32 v16;
	v16 =	vunpack.c.0.s8.s32 v17  }
0x32: {  	s10 =	sadd.s32 $0x27000, s3;
	s17 =	sadd.s32 s15, s8;
	s11 =	sadd.s32 $0x3D800, s11;
	v17 =	vcombine.low v11, v7;
	v7 =	vsel vm0, v15, v14;
	v11 =	vimm.s32 $0xD9D8DBDA  }
0x33: {  	s12 =	sadd.s32 s12, s14;
	s21 =	sadd.s32 s18, s14;
	s8 =	sshrl.u32 s8, $0x3;
	v14 =	vimm.s32 $0xDDDCDFDE;
	v15 =	vimm.s32 $0xD1D0D3D2;
	v13 =	vsel vm0, v16, v13  }
0x34: {  	s14 =	sshrl.u32 s14, $0x3;
	[dreg:$0x5] =	wrdreg s11;
	s20 =	sshrl.u32 s17, $0x3;
	v11 =	vunpack.c.0.s8.s32 v11;
	v14 =	vunpack.c.0.s8.s32 v14;
	v16 =	vimm.s32 $0xD5D4D7D6  }
0x35: {  	s8 =	sadd.s32 s13, s8;
	s24 =	sadd.s32 s2, s14;
	s11 =	sadd.s32 s13, s20;
	v13 =	vcombine.low v13, v7;
	v7 =	vunpack.c.0.s8.s32 v15;
	v15 =	vunpack.c.0.s8.s32 v16  }
0x36: {  	v22 =	vunpack.c.0.s8.s32 v22;
	s8 =	sadd.s32 $0x27000, s8;
	s25 =	sadd.s32 $0x4E00, s24;
	s24 =	sshrl.u32 s22, $0x2;
	v8 =	vand.u32 $0xF, v8;
	v16 =	vimm.s32 $0xEBEAE9E8  }
0x37: {  	s20 =	simm.s32 $0x7EC0;
	s22 =	simm.s32 $0x86C0;
	[dreg:$0x6] =	wrdreg s11;
	v11 =	vsel vm0, v14, v11;
	v14 =	vimm.s32 $0xEFEEEDEC;
	v7 =	vsel vm0, v15, v7  }
0x38: {  	s13 =	simm.s32 $0x7940;
	s11 =	sadd.s32 s15, s1;
	[dreg:$0x7] =	wrdreg s8;
	v14 =	vunpack.c.0.s8.s32 v14;
	v15 =	vunpack.c.0.s8.s32 v16;
	v16 =	vimm.s32 $0xE7E6E5E4  }
0x39: {  	s15 =	sshrl.u32 s21, $0x3;
	[dreg:$0x8] =	wrdreg s25;
	s25 =	smax.u32 s16, $0x1;
	v9 =	vand.u32 $0xFF, v9;
	v10 =	vand.u32 $0xFF, v10;
	v16 =	vunpack.c.0.s8.s32 v16  }
0x3a: {  	s8 =	sshrl.u32 s26, $0x2;
	s21 =	simm.s32 $0x3;
	s2 =	sadd.s32 s2, s15;
	v13 =	vand.u32 $0xFF, v13;
	v23 =	vcombine.low v7, v11;
	v11 =	vsel vm0, v15, v14  }
0x3b: {  	s15 =	sadd.s32 s18, s3;
	[dreg:$0xa] =	wrdreg s25;
	s18 =	sadd.s32 s24, s3;
	v15 =	vsel vm0, v20, v19;
	v14 =	vsel vm0, v18, v16;
	v16 =	vsel vm0, v22, v21  }
0x3c: {  	s19 =	sadd.s32 s8, s1;
	s26 =	sshrl.u32 s11, $0x3;
	[dreg:$0x9] =	wrdreg s2;
	v7 =	vimm.f32 $0.0e+00;
	v18 =	vcombine.low v14, v11;
	v16 =	vcombine.low v16, v15  }
0x3d: {  	s8 =	simm.s32 $0x87C0;
	s11 =	simm.s32 $0x5140;
	[dreg:$0xb] =	wrdreg s26;
	vm0 =	vmmov $0x1;
	v11 =	vand.u32 $0xFF, v12;
	v12 =	vand.u32 $0xFF, v17  }
0x3e: {  	s25 =	sshrl.u32 s15, $0x3;
	s26 =	simm.s32 $0x50;
	s2 =	simm.s32 $0x1;
	v14 =	vand.u32 $0xFF, v23;
	v15 =	vand.u32 $0xFF, v18;
	v16 =	vand.u32 $0xFF, v16  }
.LBB2_1:
0x3f: {  	s14 =	simm.s32 $0x0;
	s15 =	simm.s32 $0x200  }
.LBB2_2:
0x40: {  	p1 =	sne.s32 s15, $0x1E00;
	[tilespmem:s14+$0x7F30] =	vst v7  }
0x41: {  	[tilespmem:s14+$0x7EC0] =	vst v7  }
0x42: {  	[tilespmem:s14+$0x7ED0] =	vst v7  }
.Ltmp0:
0x43: {  	[tilespmem:s14+$0x7EE0] =	vst v7;
	(pc) =	sbr.rel @p1 .LBB2_2-.Ltmp0, $4  }
0x44: {  	[tilespmem:s14+$0x7EF0] =	vst v7  }
0x45: {  	[tilespmem:s14+$0x7F00] =	vst v7  }
0x46: {  	[tilespmem:s14+$0x7F10] =	vst v7  }
0x47: {  	[tilespmem:s14+$0x7F20] =	vst v7;
	s14 =	sshra.s32 s15, $0x2;
	s15 =	sadd.s32 $0x200, s15  }
0x48: {  	[tilespmem:s14+$0x7F30] =	vst v7  }
0x49: {  	[tilespmem:s14+$0x7EC0] =	vst v7  }
0x4a: {  	[tilespmem:s14+$0x7ED0] =	vst v7  }
0x4b: {  	[tilespmem:s14+$0x7EE0] =	vst v7  }
0x4c: {  	[tilespmem:s14+$0x7EF0] =	vst v7  }
0x4d: {  	[tilespmem:s14+$0x7F00] =	vst v7  }
0x4e: {  	[tilespmem:s14+$0x7F10] =	vst v7  }
0x4f: {  	[tilespmem:s14+$0x7F20] =	vst v7  }
0x50: {  	[tilespmem:$0x86C0] =	vst v7  }
0x51: {  	[tilespmem:$0x86D0] =	vst v7  }
0x52: {  	[tilespmem:$0x86E0] =	vst v7  }
0x53: {  	[tilespmem:$0x86F0] =	vst v7  }
0x54: {  	[tilespmem:$0x8700] =	vst v7  }
0x55: {  	[tilespmem:$0x8710] =	vst v7  }
0x56: {  	[tilespmem:$0x8720] =	vst v7  }
0x57: {  	[tilespmem:$0x8730] =	vst v7  }
0x58: {  	[tilespmem:$0x8740] =	vst v7  }
0x59: {  	[tilespmem:$0x8750] =	vst v7  }
0x5a: {  	[tilespmem:$0x8760] =	vst v7  }
0x5b: {  	[tilespmem:$0x8770] =	vst v7  }
0x5c: {  	[tilespmem:$0x8780] =	vst v7  }
0x5d: {  	[tilespmem:$0x8790] =	vst v7  }
0x5e: {  	[tilespmem:$0x87A0] =	vst v7  }
0x5f: {  	[tilespmem:$0x87B0] =	vst v7  }
0x60: {  	[spmem:s19] =	stream.linear.scatter [tilespmem:s20], [sflag:$0x3], $0x800, $0x38;
	[tilespmem:$0x1E950] =	vst v63  }
0x61: {  	_ =	swait.ge [sflag:s21], $0x800  }
0x62: {  	[sflag:s21] =	ssyncset.done $0x0  }
0x63: {  	s24 =	sadd.s32 $0x0, s18;
	[sflag:s21] =	ssyncadd.s32 $0xFFFFF800  }
0x64: {  	[spmem:s24] =	stream.linear.scatter [tilespmem:s22], [sflag:$0x3], $0x100, $0x38;
	[tilespmem:$0x1E950] =	vst v63  }
0x65: {  	_ =	swait.ge [sflag:s21], $0x100  }
0x66: {  	s14 =	simm.s32 $0x400;
	s15 =	smov.u32 s19;
	[sflag:s21] =	ssyncset.done $0x0  }
.LBB2_4:
0x67: {  	p1 =	sne.s32 s14, $0x9800;
	[sflag:s21] =	ssyncadd.s32 $0xFFFFFF00;
	s15 =	sadd.s32 $0x800, s15  }
0x68: {  	[spmem:s15] =	stream.linear.scatter [tilespmem:s20], [sflag:$0x3], $0x800, $0x38;
	[tilespmem:$0x1E950] =	vst v63  }
0x69: {  	s16 =	smov.u32 s14;
	s14 =	sadd.s32 $0x400, s14;
	_ =	swait.ge [sflag:s21], $0x800  }
.Ltmp1:
0x6a: {  	s16 =	sshra.s32 s16, $0x2;
	[sflag:s21] =	ssyncset.done $0x0;
	(pc) =	sbr.rel @p1 .LBB2_4-.Ltmp1, $4  }
0x6b: {  	s16 =	sadd.s32 s16, s18;
	[sflag:s21] =	ssyncadd.s32 $0xFFFFF800  }
0x6c: {  	[spmem:s16] =	stream.linear.scatter [tilespmem:s22], [sflag:$0x3], $0x100, $0x38;
	[tilespmem:$0x1E950] =	vst v63  }
0x6d: {  	_ =	swait.ge [sflag:s21], $0x100  }
0x6e: {  	[sflag:s21] =	ssyncset.done $0x0  }
0x6f: {  	[sflag:s21] =	ssyncadd.s32 $0xFFFFFF00;
	s14 =	simm.s32 @!p0 $0x7EC0  }
0x70: {  	[spmem:s9] =	stream.linear.scatter @!p0 [tilespmem:s14], [sflag:$0x3], $0x800, $0x38;
	[tilespmem:$0x1E950] =	vst v63  }
0x71: {  	s14 =	simm.s32 @!p0 $0x3  }
0x72: {  	_ =	swait.ge @!p0 [sflag:s14], $0x800  }
0x73: {  	[sflag:s14] =	ssyncset.done @!p0 $0x0  }
0x74: {  	s15 =	simm.s32 @!p0 $0x86C0;
	[sflag:s14] =	ssyncadd.s32 @!p0 $0xFFFFF800  }
0x75: {  	[spmem:s10] =	stream.linear.scatter @!p0 [tilespmem:s15], [sflag:$0x3], $0x100, $0x38;
	[tilespmem:$0x1E950] =	vst v63  }
0x76: {  	_ =	swait.ge @!p0 [sflag:s14], $0x100  }
0x77: {  	[sflag:s14] =	ssyncset.done @!p0 $0x0  }
0x78: {  	[sflag:s14] =	ssyncadd.s32 @!p0 $0xFFFFFF00  }
0x79: {  	[bflag:$0x0] =	sbarrier.arrive $0xFFFF  }
0x7a: {  	s16 =	simm.s32 $0x7E40;
	s14 =	simm.s32 $0x0;
	s24 =	rddreg [dreg:$0x5]  }
0x7b: {  	[tilespmem:s16], [sflag:$0x3] =	stream.linear.gather [hbm4b:s24+s14], $0x80, $0x38;
	[tilespmem:$0x1E950] =	vst v63  }
0x7c: {  	_ =	swait.ge [sflag:s21], $0x80  }
0x7d: {  	[sflag:s21] =	ssyncset.done $0x0  }
0x7e: {  	[sflag:s21] =	ssyncadd.s32 $0xFFFFFF80  }
0x7f: {  	v17 =	vld [tilespmem:$0x7E40]  }
0x80: {  	v18 =	vld [tilespmem:$0x7E50]  }
0x81: {  	v19 =	vld [tilespmem:$0x7E60]  }
0x82: {  	v20 =	vld [tilespmem:$0x7E70]  }
0x83: {  	v21 =	vld [tilespmem:$0x7E80]  }
0x84: {  	v22 =	vld [tilespmem:$0x7E90]  }
0x85: {  	v23 =	vld [tilespmem:$0x7EA0]  }
0x86: {  	s15 =	simm.s32 $0x0;
	v24 =	vld [tilespmem:$0x7EB0]  }
.LBB2_6:
0x87: {  	s16 =	smul.u32 $0x50, s15;
	_ =	sdelay $0x1  }
0x88: {  	s16 =	sadd.s32 s16, s12  }
0x89: {  	s16 =	sshrl.u32 s16, $0x3  }
0x8a: {  	s17 =	sadd.s32 s6, s16  }
0x8b: {  	[tilespmem:s14], [sflag:$0x3] =	stream.linear.gather [hbm4b:s17+s14], $0x50, $0x38;
	[tilespmem:$0x1E950] =	vst v63  }
0x8c: {  	_ =	swait.ge [sflag:s21], $0x50  }
0x8d: {  	[sflag:s21] =	ssyncset.done $0x0  }
0x8e: {  	s16 =	sadd.s32 s7, s16;
	[sflag:s21] =	ssyncadd.s32 $0xFFFFFFB0  }
0x8f: {  	[tilespmem:s26], [sflag:$0x3] =	stream.linear.gather [hbm4b:s16+s14], $0x50, $0x38;
	[tilespmem:$0x1E950] =	vst v63  }
0x90: {  	_ =	swait.ge [sflag:s21], $0x50  }
0x91: {  	[sflag:s21] =	ssyncset.done $0x0  }
0x92: {  	[sflag:s21] =	ssyncadd.s32 $0xFFFFFFB0  }
0x93: {  	v25 =	vld [tilespmem:$0x0]  }
0x94: {  	v26 =	vld [tilespmem:$0x50]  }
0x95: {  	v27 =	vld [tilespmem:$0x10]  }
0x96: {  	v28 =	vld [tilespmem:$0x60]  }
0x97: {  	v29 =	vld [tilespmem:$0x20]  }
0x98: {  	v62 =	vld [tilespmem:$0x40];
	[tilespmem:$0xA0] =	vst v25  }
0x99: {  	v63 =	vld [tilespmem:$0x90];
	[tilespmem:$0xF0] =	vst v26  }
0x9a: {  	v25 =	vld [tilespmem:$0x70];
	[tilespmem:$0xB0] =	vst v27  }
0x9b: {  	v26 =	vld [tilespmem:$0x30];
	[tilespmem:$0x100] =	vst v28  }
0x9c: {  	v27 =	vld [tilespmem:$0x80];
	[tilespmem:$0xC0] =	vst v29  }
0x9d: {  	[tilespmem:$0xE0] =	vst v62  }
0x9e: {  	[tilespmem:$0x130] =	vst v63  }
0x9f: {  	[tilespmem:$0x110] =	vst v25  }
0xa0: {  	[tilespmem:$0xD0] =	vst v26  }
0xa1: {  	[tilespmem:$0x120] =	vst v27  }
0xa2: {  	[tilespmem:s29], [sflag:$0x1] =	stream.indirect.gather [hbm4b:s0+s26], $0x80, s28, s26, $0xb8;
	[tilespmem:$0x1E950] =	vst v63  }
0xa3: {  	_ = 	snop  }
0xa4: {  	[tilespmem:s31], [sflag:$0x2] =	stream.indirect.gather [hbm4b:s5+s26], $0x80, s30, s26, $0xb8;
	[tilespmem:$0x1E950] =	vst v63  }
0xa5: {  	_ =	swait.ge [sflag:s2], $0x2800  }
0xa6: {  	[sflag:s2] =	ssyncset.done $0x0  }
0xa7: {  	[sflag:s2] =	ssyncadd.s32 $0xFFFFD800  }
0xa8: {  	_ =	swait.ge [sflag:s23], $0x2800  }
0xa9: {  	[sflag:s23] =	ssyncset.done $0x0  }
0xaa: {  	s17 =	simm.s32 $0x0;
	s16 =	simm.s32 $0x7960;
	[sflag:s23] =	ssyncadd.s32 $0xFFFFD800  }
.LBB2_7:
0xab: {  	s24 =	sshra.s32 s17, $0x2  }
0xac: {  	v25 =	vld [tilespmem:s24+$0x140]  }
0xad: {  	v26 =	vld [tilespmem:s24+$0x2940]  }
0xae: {  	v27 =	vld [tilespmem:s24+$0x150]  }
0xaf: {  	v28 =	vld [tilespmem:s24+$0x2950]  }
0xb0: {  	v29 =	vld [tilespmem:s24+$0x160]  }
0xb1: {  	v30 =	vld [tilespmem:s24+$0x2960]  }
0xb2: {  	v31 =	vld [tilespmem:s24+$0x170]  }
0xb3: {  	v33 =	vld [tilespmem:s24+$0x2970]  }
0xb4: {  	v35 =	vld [tilespmem:s24+$0x180]  }
0xb5: {  	v36 =	vld [tilespmem:s24+$0x2980]  }
0xb6: {  	v39 =	vld [tilespmem:s24+$0x1A0]  }
0xb7: {  	v57 =	vld [tilespmem:s24+$0x29A0]  }
0xb8: {  	v28 =	vadd.f32 v28, v27;
	_ =	sdelay $0x1  }
0xb9: {  	v26 =	vadd.f32 v26, v25;
	v30 =	vadd.f32 v30, v29;
	v34 =	vmin.f32 v28, $0.0e+00  }
0xba: {  	v33 =	vadd.f32 v33, v31;
	v36 =	vadd.f32 v36, v35;
	v34 =	vmul.f32 $2.000000030e-01, v34  }
0xbb: {  	v37 =	vld [tilespmem:s24+$0x2990];
	v41 =	vadd.f32 v57, v39;
	v32 =	vmin.f32 v26, $0.0e+00;
	v28 =	vmax.f32 v28, $0.0e+00  }
0xbc: {  	v26 =	vmax.f32 v26, $0.0e+00;
	v32 =	vmul.f32 $2.000000030e-01, v32;
	v28 =	vadd.f32 v34, v28;
	v34 =	vld [tilespmem:s24+$0x190]  }
0xbd: {  	v40 =	vld [tilespmem:s24+$0x1B0];
	v55 =	vmin.f32 v30, $0.0e+00;
	v30 =	vmax.f32 v30, $0.0e+00;
	v38 =	vmin.f32 v33, $0.0e+00  }
0xbe: {  	v61 =	vld [tilespmem:s24+$0x29B0];
	v58 =	vmax.f32 v33, $0.0e+00;
	v26 =	vadd.f32 v32, v26;
	v32 =	vmul.f32 $2.000000030e-01, v55  }
0xbf: {  	v59 =	vmin.f32 v36, $0.0e+00;
	v36 =	vmax.f32 v36, $0.0e+00;
	v56 =	vmul.f32 $2.000000030e-01, v38  }
0xc0: {  	v26 =	vmul.f32 v26, v17;
	v28 =	vmul.f32 v28, v18;
	v30 =	vadd.f32 v32, v30  }
0xc1: {  	v45 =	vmin.f32 v41, $0.0e+00;
	v60 =	vmul.f32 $2.000000030e-01, v59;
	v37 =	vadd.f32 v37, v34  }
0xc2: {  	v26 =	vadd.f32 v28, v26;
	v30 =	vmul.f32 v30, v19;
	v28 =	vadd.f32 v56, v58  }
0xc3: {  	v33 =	vadd.f32 v61, v40;
	v62 =	vadd.f32 v60, v36;
	v63 =	vmin.f32 v37, $0.0e+00  }
0xc4: {  	v26 =	vadd.f32 v30, v26;
	v28 =	vmul.f32 v28, v20;
	v43 =	vmul.f32 $2.000000030e-01, v63  }
0xc5: {  	v46 =	vmul.f32 $2.000000030e-01, v45;
	v48 =	vmin.f32 v33, $0.0e+00;
	v44 =	vmax.f32 v37, $0.0e+00  }
0xc6: {  	v42 =	vmul.f32 v62, v21;
	v26 =	vadd.f32 v28, v26;
	v30 =	vadd.f32 v43, v44  }
0xc7: {  	v47 =	vmax.f32 v41, $0.0e+00;
	v49 =	vmul.f32 $2.000000030e-01, v48  }
0xc8: {  	v28 =	vadd.f32 v46, v47;
	v26 =	vadd.f32 v42, v26;
	v30 =	vmul.f32 v30, v22  }
0xc9: {  	v33 =	vmax.f32 v33, $0.0e+00  }
0xca: {  	v50 =	vadd.f32 v49, v33;
	v28 =	vmul.f32 v28, v23;
	v26 =	vadd.f32 v30, v26;
	_ =	sdelay $0x1  }
0xcb: {  	v51 =	vmul.f32 v50, v24;
	v26 =	vadd.f32 v28, v26;
	_ =	sdelay $0x1  }
0xcc: {  	v26 =	vadd.f32 v51, v26;
	_ =	sdelay $0x1  }
0xcd: {  	[tilespmem:$0x87C0] =	vst v26  }
0xce: {  	v52 =	vld.idx.msk [tilespmem:v8+s8+$0x0], $0xffff;
	_ =	sdelay $0x4  }
0xcf: {  	v26 =	vadd.f32 v26, v52;
	_ =	sdelay $0x1  }
0xd0: {  	[tilespmem:$0x87D0] =	vst v26  }
0xd1: {  	v53 =	vld.idx.msk [tilespmem:v0+s8+$0x0], $0xffff;
	_ =	sdelay $0x4  }
0xd2: {  	v26 =	vadd.f32 v26, v53;
	_ =	sdelay $0x1  }
0xd3: {  	[tilespmem:$0x87E0] =	vst v26  }
0xd4: {  	v54 =	vld.idx.msk [tilespmem:v1+s8+$0x0], $0xffff;
	_ =	sdelay $0x4  }
0xd5: {  	v26 =	vadd.f32 v26, v54;
	_ =	sdelay $0x1  }
0xd6: {  	[tilespmem:$0x87F0] =	vst v26  }
0xd7: {  	v55 =	vld.idx.msk [tilespmem:v2+s8+$0x0], $0xffff;
	_ =	sdelay $0x4  }
0xd8: {  	v26 =	vadd.f32 v26, v55;
	_ =	sdelay $0x1  }
0xd9: {  	v26 =	vmul.f32 $1.442695020e+00, v26;
	_ =	sdelay $0x1  }
0xda: {  	(erf) = vpow2.f32 v26;
	_ =	sdelay $0x8  }
0xdb: {  	v26 =	vpop (erf)  }
0xdc: {  	v25 =	vmul.f32 v26, v25  }
0xdd: {  	v27 =	vmul.f32 v26, v27  }
0xde: {  	[tilespmem:s24+$0x5140] =	vst v25;
	v25 =	vmul.f32 v26, v29  }
0xdf: {  	[tilespmem:s24+$0x5150] =	vst v27;
	v27 =	vmul.f32 v26, v31  }
0xe0: {  	[tilespmem:s24+$0x5160] =	vst v25;
	v25 =	vmul.f32 v26, v35  }
0xe1: {  	[tilespmem:s24+$0x5170] =	vst v27;
	v27 =	vmul.f32 v26, v34  }
0xe2: {  	[tilespmem:s24+$0x5180] =	vst v25;
	v25 =	vmul.f32 v26, v39  }
0xe3: {  	[tilespmem:s24+$0x5190] =	vst v27;
	v27 =	vmul.f32 v26, v40  }
0xe4: {  	[tilespmem:s24+$0x51A0] =	vst v25  }
0xe5: {  	[tilespmem:s24+$0x51B0] =	vst v27;
	v25 =	vnsel vm0, $0x0, v26  }
0xe6: {  	[tilespmem:s16+$0xFFFFFFE0] =	vst v25  }
0xe7: {  	v25 =	vld [tilespmem:s24+$0x1C0]  }
0xe8: {  	v26 =	vld [tilespmem:s24+$0x29C0]  }
0xe9: {  	v27 =	vld [tilespmem:s24+$0x1D0]  }
0xea: {  	v56 =	vld [tilespmem:s24+$0x29D0]  }
0xeb: {  	v29 =	vld [tilespmem:s24+$0x1E0]  }
0xec: {  	v57 =	vld [tilespmem:s24+$0x29E0]  }
0xed: {  	v31 =	vld [tilespmem:s24+$0x1F0]  }
0xee: {  	v59 =	vld [tilespmem:s24+$0x29F0]  }
0xef: {  	v35 =	vld [tilespmem:s24+$0x200]  }
0xf0: {  	v61 =	vld [tilespmem:s24+$0x2A00]  }
0xf1: {  	v44 =	vld [tilespmem:s24+$0x220]  }
0xf2: {  	v46 =	vld [tilespmem:s24+$0x2A20]  }
0xf3: {  	v28 =	vadd.f32 v56, v27;
	_ =	sdelay $0x1  }
0xf4: {  	v63 =	vld [tilespmem:s24+$0x2A10];
	v26 =	vadd.f32 v26, v25;
	v30 =	vadd.f32 v57, v29;
	v60 =	vmin.f32 v28, $0.0e+00  }
0xf5: {  	v49 =	vld [tilespmem:s24+$0x230];
	v33 =	vadd.f32 v59, v31;
	v36 =	vadd.f32 v61, v35;
	v34 =	vmul.f32 $2.000000030e-01, v60  }
0xf6: {  	v51 =	vld [tilespmem:s24+$0x2A30];
	v54 =	vadd.f32 v46, v44;
	v58 =	vmin.f32 v26, $0.0e+00;
	v28 =	vmax.f32 v28, $0.0e+00  }
0xf7: {  	v26 =	vmax.f32 v26, $0.0e+00;
	v32 =	vmul.f32 $2.000000030e-01, v58;
	v28 =	vadd.f32 v34, v28;
	v34 =	vld [tilespmem:s24+$0x210]  }
0xf8: {  	v62 =	vmin.f32 v30, $0.0e+00;
	v30 =	vmax.f32 v30, $0.0e+00;
	v43 =	vmin.f32 v33, $0.0e+00  }
0xf9: {  	v47 =	vmax.f32 v33, $0.0e+00;
	v26 =	vadd.f32 v32, v26;
	v32 =	vmul.f32 $2.000000030e-01, v62  }
0xfa: {  	v48 =	vmin.f32 v36, $0.0e+00;
	v36 =	vmax.f32 v36, $0.0e+00;
	v45 =	vmul.f32 $2.000000030e-01, v43  }
0xfb: {  	v26 =	vmul.f32 v26, v17;
	v28 =	vmul.f32 v28, v18;
	v30 =	vadd.f32 v32, v30  }
0xfc: {  	v33 =	vadd.f32 v51, v49;
	v50 =	vmul.f32 $2.000000030e-01, v48;
	v37 =	vadd.f32 v63, v34  }
0xfd: {  	v26 =	vadd.f32 v28, v26;
	v30 =	vmul.f32 v30, v19;
	v28 =	vadd.f32 v45, v47  }
0xfe: {  	v58 =	vmin.f32 v54, $0.0e+00;
	v52 =	vadd.f32 v50, v36;
	v53 =	vmin.f32 v37, $0.0e+00  }
0xff: {  	v26 =	vadd.f32 v30, v26;
	v28 =	vmul.f32 v28, v20;
	v56 =	vmul.f32 $2.000000030e-01, v53  }
0x100: {  	v59 =	vmul.f32 $2.000000030e-01, v58;
	v61 =	vmin.f32 v33, $0.0e+00;
	v57 =	vmax.f32 v37, $0.0e+00  }
0x101: {  	v55 =	vmul.f32 v52, v21;
	v26 =	vadd.f32 v28, v26;
	v30 =	vadd.f32 v56, v57  }
0x102: {  	v60 =	vmax.f32 v54, $0.0e+00;
	v62 =	vmul.f32 $2.000000030e-01, v61  }
0x103: {  	v28 =	vadd.f32 v59, v60;
	v26 =	vadd.f32 v55, v26;
	v30 =	vmul.f32 v30, v22  }
0x104: {  	v33 =	vmax.f32 v33, $0.0e+00  }
0x105: {  	v63 =	vadd.f32 v62, v33;
	v28 =	vmul.f32 v28, v23;
	v26 =	vadd.f32 v30, v26;
	_ =	sdelay $0x1  }
0x106: {  	v32 =	vmul.f32 v63, v24;
	v26 =	vadd.f32 v28, v26;
	_ =	sdelay $0x1  }
0x107: {  	v26 =	vadd.f32 v32, v26;
	_ =	sdelay $0x1  }
0x108: {  	[tilespmem:$0x8800] =	vst v26  }
0x109: {  	v33 =	vld.idx.msk [tilespmem:v3+s8+$0x0], $0xffff;
	_ =	sdelay $0x4  }
0x10a: {  	v26 =	vadd.f32 v26, v33;
	_ =	sdelay $0x1  }
0x10b: {  	[tilespmem:$0x8810] =	vst v26  }
0x10c: {  	v36 =	vld.idx.msk [tilespmem:v4+s8+$0x0], $0xffff;
	_ =	sdelay $0x4  }
0x10d: {  	v26 =	vadd.f32 v26, v36;
	_ =	sdelay $0x1  }
0x10e: {  	[tilespmem:$0x8820] =	vst v26  }
0x10f: {  	v37 =	vld.idx.msk [tilespmem:v5+s8+$0x0], $0xffff;
	_ =	sdelay $0x4  }
0x110: {  	v26 =	vadd.f32 v26, v37;
	_ =	sdelay $0x1  }
0x111: {  	[tilespmem:$0x8830] =	vst v26  }
0x112: {  	v38 =	vld.idx.msk [tilespmem:v6+s8+$0x0], $0xffff;
	_ =	sdelay $0x4  }
0x113: {  	v26 =	vadd.f32 v26, v38;
	_ =	sdelay $0x1  }
0x114: {  	v26 =	vmul.f32 $1.442695020e+00, v26;
	_ =	sdelay $0x1  }
0x115: {  	(erf) = vpow2.f32 v26;
	_ =	sdelay $0x8  }
0x116: {  	v26 =	vpop (erf)  }
0x117: {  	v25 =	vmul.f32 v26, v25  }
0x118: {  	v27 =	vmul.f32 v26, v27  }
0x119: {  	[tilespmem:s24+$0x51C0] =	vst v25;
	v25 =	vmul.f32 v26, v29  }
0x11a: {  	[tilespmem:s24+$0x51D0] =	vst v27;
	v27 =	vmul.f32 v26, v31  }
0x11b: {  	[tilespmem:s24+$0x51E0] =	vst v25;
	v25 =	vmul.f32 v26, v35  }
0x11c: {  	[tilespmem:s24+$0x51F0] =	vst v27;
	v27 =	vmul.f32 v26, v34  }
0x11d: {  	[tilespmem:s24+$0x5200] =	vst v25;
	v25 =	vmul.f32 v26, v44  }
0x11e: {  	[tilespmem:s24+$0x5210] =	vst v27;
	v27 =	vmul.f32 v26, v49  }
0x11f: {  	[tilespmem:s24+$0x5220] =	vst v25  }
0x120: {  	[tilespmem:s24+$0x5230] =	vst v27;
	v25 =	vnsel vm0, $0x0, v26  }
0x121: {  	[tilespmem:s16+$0xFFFFFFF0] =	vst v25  }
0x122: {  	v25 =	vld [tilespmem:s24+$0x240]  }
0x123: {  	v26 =	vld [tilespmem:s24+$0x2A40]  }
0x124: {  	v27 =	vld [tilespmem:s24+$0x250]  }
0x125: {  	v41 =	vld [tilespmem:s24+$0x2A50]  }
0x126: {  	v29 =	vld [tilespmem:s24+$0x260]  }
0x127: {  	v42 =	vld [tilespmem:s24+$0x2A60]  }
0x128: {  	v31 =	vld [tilespmem:s24+$0x270]  }
0x129: {  	v44 =	vld [tilespmem:s24+$0x2A70]  }
0x12a: {  	v35 =	vld [tilespmem:s24+$0x280]  }
0x12b: {  	v46 =	vld [tilespmem:s24+$0x2A80]  }
0x12c: {  	v39 =	vld [tilespmem:s24+$0x2A0]  }
0x12d: {  	v51 =	vld [tilespmem:s24+$0x2AA0]  }
0x12e: {  	v28 =	vadd.f32 v41, v27;
	_ =	sdelay $0x1  }
0x12f: {  	v26 =	vadd.f32 v26, v25;
	v30 =	vadd.f32 v42, v29;
	v45 =	vmin.f32 v28, $0.0e+00  }
0x130: {  	v33 =	vadd.f32 v44, v31;
	v36 =	vadd.f32 v46, v35;
	v34 =	vmul.f32 $2.000000030e-01, v45  }
0x131: {  	v48 =	vld [tilespmem:s24+$0x2A90];
	v59 =	vadd.f32 v51, v39;
	v43 =	vmin.f32 v26, $0.0e+00;
	v28 =	vmax.f32 v28, $0.0e+00  }
0x132: {  	v26 =	vmax.f32 v26, $0.0e+00;
	v32 =	vmul.f32 $2.000000030e-01, v43;
	v28 =	vadd.f32 v34, v28;
	v34 =	vld [tilespmem:s24+$0x290]  }
0x133: {  	v54 =	vld [tilespmem:s24+$0x2B0];
	v47 =	vmin.f32 v30, $0.0e+00;
	v30 =	vmax.f32 v30, $0.0e+00;
	v49 =	vmin.f32 v33, $0.0e+00  }
0x134: {  	v56 =	vld [tilespmem:s24+$0x2AB0];
	v52 =	vmax.f32 v33, $0.0e+00;
	v26 =	vadd.f32 v32, v26;
	v32 =	vmul.f32 $2.000000030e-01, v47  }
0x135: {  	v53 =	vmin.f32 v36, $0.0e+00;
	v36 =	vmax.f32 v36, $0.0e+00;
	v50 =	vmul.f32 $2.000000030e-01, v49  }
0x136: {  	v26 =	vmul.f32 v26, v17;
	v28 =	vmul.f32 v28, v18;
	v30 =	vadd.f32 v32, v30  }
0x137: {  	v63 =	vmin.f32 v59, $0.0e+00;
	v55 =	vmul.f32 $2.000000030e-01, v53;
	v37 =	vadd.f32 v48, v34  }
0x138: {  	v26 =	vadd.f32 v28, v26;
	v30 =	vmul.f32 v30, v19;
	v28 =	vadd.f32 v50, v52  }
0x139: {  	v33 =	vadd.f32 v56, v54;
	v57 =	vadd.f32 v55, v36;
	v58 =	vmin.f32 v37, $0.0e+00  }
0x13a: {  	v26 =	vadd.f32 v30, v26;
	v28 =	vmul.f32 v28, v20;
	v61 =	vmul.f32 $2.000000030e-01, v58  }
0x13b: {  	v41 =	vmul.f32 $2.000000030e-01, v63;
	v43 =	vmin.f32 v33, $0.0e+00;
	v62 =	vmax.f32 v37, $0.0e+00  }
0x13c: {  	v60 =	vmul.f32 v57, v21;
	v26 =	vadd.f32 v28, v26;
	v30 =	vadd.f32 v61, v62  }
0x13d: {  	v42 =	vmax.f32 v59, $0.0e+00;
	v44 =	vmul.f32 $2.000000030e-01, v43  }
0x13e: {  	v28 =	vadd.f32 v41, v42;
	v26 =	vadd.f32 v60, v26;
	v30 =	vmul.f32 v30, v22  }
0x13f: {  	v33 =	vmax.f32 v33, $0.0e+00  }
0x140: {  	v45 =	vadd.f32 v44, v33;
	v28 =	vmul.f32 v28, v23;
	v26 =	vadd.f32 v30, v26;
	_ =	sdelay $0x1  }
0x141: {  	v46 =	vmul.f32 v45, v24;
	v26 =	vadd.f32 v28, v26;
	_ =	sdelay $0x1  }
0x142: {  	v26 =	vadd.f32 v46, v26;
	_ =	sdelay $0x1  }
0x143: {  	[tilespmem:$0x8840] =	vst v26  }
0x144: {  	v47 =	vld.idx.msk [tilespmem:v9+s8+$0x0], $0xffff;
	_ =	sdelay $0x4  }
0x145: {  	v26 =	vadd.f32 v26, v47;
	_ =	sdelay $0x1  }
0x146: {  	[tilespmem:$0x8850] =	vst v26  }
0x147: {  	v48 =	vld.idx.msk [tilespmem:v10+s8+$0x0], $0xffff;
	_ =	sdelay $0x4  }
0x148: {  	v26 =	vadd.f32 v26, v48;
	_ =	sdelay $0x1  }
0x149: {  	[tilespmem:$0x8860] =	vst v26  }
0x14a: {  	v49 =	vld.idx.msk [tilespmem:v11+s8+$0x0], $0xffff;
	_ =	sdelay $0x4  }
0x14b: {  	v26 =	vadd.f32 v26, v49;
	_ =	sdelay $0x1  }
0x14c: {  	[tilespmem:$0x8870] =	vst v26  }
0x14d: {  	v50 =	vld.idx.msk [tilespmem:v12+s8+$0x0], $0xffff;
	_ =	sdelay $0x4  }
0x14e: {  	v26 =	vadd.f32 v26, v50;
	_ =	sdelay $0x1  }
0x14f: {  	v26 =	vmul.f32 $1.442695020e+00, v26;
	_ =	sdelay $0x1  }
0x150: {  	(erf) = vpow2.f32 v26;
	_ =	sdelay $0x8  }
0x151: {  	v26 =	vpop (erf)  }
0x152: {  	v25 =	vmul.f32 v26, v25  }
0x153: {  	v27 =	vmul.f32 v26, v27  }
0x154: {  	[tilespmem:s24+$0x5240] =	vst v25;
	v25 =	vmul.f32 v26, v29  }
0x155: {  	[tilespmem:s24+$0x5250] =	vst v27;
	v27 =	vmul.f32 v26, v31  }
0x156: {  	[tilespmem:s24+$0x5260] =	vst v25;
	v25 =	vmul.f32 v26, v35  }
0x157: {  	[tilespmem:s24+$0x5270] =	vst v27;
	v27 =	vmul.f32 v26, v34  }
0x158: {  	[tilespmem:s24+$0x5280] =	vst v25;
	v25 =	vmul.f32 v26, v39  }
0x159: {  	[tilespmem:s24+$0x5290] =	vst v27;
	v27 =	vmul.f32 v26, v54  }
0x15a: {  	[tilespmem:s24+$0x52A0] =	vst v25  }
0x15b: {  	[tilespmem:s24+$0x52B0] =	vst v27;
	v25 =	vnsel vm0, $0x0, v26  }
0x15c: {  	[tilespmem:s16+$0x0] =	vst v25  }
0x15d: {  	v25 =	vld [tilespmem:s24+$0x2C0]  }
0x15e: {  	v26 =	vld [tilespmem:s24+$0x2AC0]  }
0x15f: {  	v27 =	vld [tilespmem:s24+$0x2D0]  }
0x160: {  	v51 =	vld [tilespmem:s24+$0x2AD0]  }
0x161: {  	v29 =	vld [tilespmem:s24+$0x2E0]  }
0x162: {  	v52 =	vld [tilespmem:s24+$0x2AE0]  }
0x163: {  	v31 =	vld [tilespmem:s24+$0x2F0]  }
0x164: {  	v54 =	vld [tilespmem:s24+$0x2AF0]  }
0x165: {  	v35 =	vld [tilespmem:s24+$0x300]  }
0x166: {  	v56 =	vld [tilespmem:s24+$0x2B00]  }
0x167: {  	v39 =	vld [tilespmem:s24+$0x320]  }
0x168: {  	v61 =	vld [tilespmem:s24+$0x2B20]  }
0x169: {  	v28 =	vadd.f32 v51, v27;
	_ =	sdelay $0x1  }
0x16a: {  	v58 =	vld [tilespmem:s24+$0x2B10];
	v26 =	vadd.f32 v26, v25;
	v30 =	vadd.f32 v52, v29;
	v55 =	vmin.f32 v28, $0.0e+00  }
0x16b: {  	v44 =	vld [tilespmem:s24+$0x330];
	v33 =	vadd.f32 v54, v31;
	v36 =	vadd.f32 v56, v35;
	v34 =	vmul.f32 $2.000000030e-01, v55  }
0x16c: {  	v46 =	vld [tilespmem:s24+$0x2B30];
	v49 =	vadd.f32 v61, v39;
	v53 =	vmin.f32 v26, $0.0e+00;
	v28 =	vmax.f32 v28, $0.0e+00  }
0x16d: {  	v26 =	vmax.f32 v26, $0.0e+00;
	v32 =	vmul.f32 $2.000000030e-01, v53;
	v28 =	vadd.f32 v34, v28;
	v34 =	vld [tilespmem:s24+$0x310]  }
0x16e: {  	v57 =	vmin.f32 v30, $0.0e+00;
	v30 =	vmax.f32 v30, $0.0e+00;
	v59 =	vmin.f32 v33, $0.0e+00  }
0x16f: {  	v62 =	vmax.f32 v33, $0.0e+00;
	v26 =	vadd.f32 v32, v26;
	v32 =	vmul.f32 $2.000000030e-01, v57  }
0x170: {  	v63 =	vmin.f32 v36, $0.0e+00;
	v36 =	vmax.f32 v36, $0.0e+00;
	v60 =	vmul.f32 $2.000000030e-01, v59  }
0x171: {  	v26 =	vmul.f32 v26, v17;
	v28 =	vmul.f32 v28, v18;
	v30 =	vadd.f32 v32, v30  }
0x172: {  	v33 =	vadd.f32 v46, v44;
	v45 =	vmul.f32 $2.000000030e-01, v63;
	v37 =	vadd.f32 v58, v34  }
0x173: {  	v26 =	vadd.f32 v28, v26;
	v30 =	vmul.f32 v30, v19;
	v28 =	vadd.f32 v60, v62  }
0x174: {  	v53 =	vmin.f32 v49, $0.0e+00;
	v47 =	vadd.f32 v45, v36;
	v48 =	vmin.f32 v37, $0.0e+00  }
0x175: {  	v26 =	vadd.f32 v30, v26;
	v28 =	vmul.f32 v28, v20;
	v51 =	vmul.f32 $2.000000030e-01, v48  }
0x176: {  	v54 =	vmul.f32 $2.000000030e-01, v53;
	v56 =	vmin.f32 v33, $0.0e+00;
	v52 =	vmax.f32 v37, $0.0e+00  }
0x177: {  	v50 =	vmul.f32 v47, v21;
	v26 =	vadd.f32 v28, v26;
	v30 =	vadd.f32 v51, v52  }
0x178: {  	v55 =	vmax.f32 v49, $0.0e+00;
	v57 =	vmul.f32 $2.000000030e-01, v56  }
0x179: {  	v28 =	vadd.f32 v54, v55;
	v26 =	vadd.f32 v50, v26;
	v30 =	vmul.f32 v30, v22  }
0x17a: {  	v33 =	vmax.f32 v33, $0.0e+00  }
0x17b: {  	v58 =	vadd.f32 v57, v33;
	v28 =	vmul.f32 v28, v23;
	v26 =	vadd.f32 v30, v26;
	_ =	sdelay $0x1  }
0x17c: {  	v59 =	vmul.f32 v58, v24;
	v26 =	vadd.f32 v28, v26;
	_ =	sdelay $0x1  }
0x17d: {  	v26 =	vadd.f32 v59, v26;
	_ =	sdelay $0x1  }
0x17e: {  	[tilespmem:$0x8880] =	vst v26  }
0x17f: {  	v60 =	vld.idx.msk [tilespmem:v13+s8+$0x0], $0xffff;
	_ =	sdelay $0x4  }
0x180: {  	v26 =	vadd.f32 v26, v60;
	_ =	sdelay $0x1  }
0x181: {  	[tilespmem:$0x8890] =	vst v26  }
0x182: {  	v61 =	vld.idx.msk [tilespmem:v14+s8+$0x0], $0xffff;
	_ =	sdelay $0x4  }
0x183: {  	v26 =	vadd.f32 v26, v61;
	_ =	sdelay $0x1  }
0x184: {  	[tilespmem:$0x88A0] =	vst v26  }
0x185: {  	v62 =	vld.idx.msk [tilespmem:v15+s8+$0x0], $0xffff;
	_ =	sdelay $0x4  }
0x186: {  	v26 =	vadd.f32 v26, v62;
	_ =	sdelay $0x1  }
0x187: {  	[tilespmem:$0x88B0] =	vst v26  }
0x188: {  	v63 =	vld.idx.msk [tilespmem:v16+s8+$0x0], $0xffff;
	_ =	sdelay $0x4  }
0x189: {  	v26 =	vadd.f32 v26, v63;
	_ =	sdelay $0x1  }
0x18a: {  	v26 =	vmul.f32 $1.442695020e+00, v26;
	_ =	sdelay $0x1  }
0x18b: {  	(erf) = vpow2.f32 v26;
	_ =	sdelay $0x8  }
0x18c: {  	v26 =	vpop (erf)  }
0x18d: {  	v25 =	vmul.f32 v26, v25  }
0x18e: {  	v27 =	vmul.f32 v26, v27  }
0x18f: {  	[tilespmem:s24+$0x52C0] =	vst v25;
	v25 =	vmul.f32 v26, v29  }
0x190: {  	[tilespmem:s24+$0x52D0] =	vst v27;
	v27 =	vmul.f32 v26, v31  }
0x191: {  	[tilespmem:s24+$0x52E0] =	vst v25;
	v25 =	vmul.f32 v26, v35  }
0x192: {  	p1 =	sne.s32 s17, $0x9800;
	[tilespmem:s24+$0x52F0] =	vst v27;
	v27 =	vmul.f32 v26, v34  }
.Ltmp2:
0x193: {  	[tilespmem:s24+$0x5300] =	vst v25;
	v25 =	vmul.f32 v26, v39;
	(pc) =	sbr.rel @p1 .LBB2_7-.Ltmp2, $4  }
0x194: {  	[tilespmem:s24+$0x5310] =	vst v27;
	v27 =	vmul.f32 v26, v44  }
0x195: {  	[tilespmem:s24+$0x5320] =	vst v25  }
0x196: {  	[tilespmem:s24+$0x5330] =	vst v27;
	v25 =	vnsel vm0, $0x0, v26  }
0x197: {  	s17 =	sadd.s32 $0x800, s17;
	[tilespmem:s16+$0x10] =	vst v25;
	s16 =	sadd.s32 $0x40, s16  }
0x198: {  	[spmem:s1] =	stream.indirect.scatter.add.f32 [tilespmem:s11], [sflag:$0x3], $0x80, s26, s26, $0xb8;
	[tilespmem:$0x1E950] =	vst v63  }
0x199: {  	s15 =	sadd.s32 $0x1, s15;
	_ =	swait.ge [sflag:s21], $0x2800  }
0x19a: {  	p1 =	sne.s32 s15, $0x7D;
	[sflag:s21] =	ssyncset.done $0x0  }
.Ltmp3:
0x19b: {  	[sflag:s21] =	ssyncadd.s32 $0xFFFFD800;
	(pc) =	sbr.rel @p1 .LBB2_6-.Ltmp3, $4  }
0x19c: {  	[spmem:s3] =	stream.indirect.scatter.add.f32 [tilespmem:s13], [sflag:$0x3], $0x10, s26, s26, $0xb8;
	[tilespmem:$0x1E950] =	vst v63  }
0x19d: {  	_ =	swait.ge [sflag:s21], $0x500  }
0x19e: {  	[sflag:s21] =	ssyncset.done $0x0  }
0x19f: {  	[sflag:s21] =	ssyncadd.s32 $0xFFFFFB00  }
0x1a0: {  	s14 =	stileid.u32;
	[bflag:$0x0] =	sbarrier.arrive $0xFFFF  }
0x1a1: {  	s14 =	sshll.u32 s14, $0x6;
	s15 =	rddreg [dreg:$0x6]  }
0x1a2: {  	s16 =	rddreg [dreg:$0xb];
	s14 =	sor.u32 $0x1C03, s14  }
0x1a3: {  	[hbm:s15], [sflag:s14] =	dma.local [spmem:s16], $0x2700  }
0x1a4: {  	_ =	swait.ge [sflag:s21], $0x2700  }
0x1a5: {  	[sflag:s21] =	ssyncset.done $0x0  }
0x1a6: {  	s17 =	rddreg [dreg:$0x9];
	[sflag:s21] =	ssyncadd.s32 $0xFFFFD900  }
0x1a7: {  	[hbm:s17], [sflag:s14] =	dma.local [spmem:s25], $0x4E0  }
0x1a8: {  	_ =	swait.ge [sflag:s21], $0x4E0  }
0x1a9: {  	[sflag:s21] =	ssyncset.done $0x0  }
0x1aa: {  	s15 =	sshrl.u32 @!p0 s9, $0x3;
	s16 =	rddreg [dreg:$0x7];
	[sflag:s21] =	ssyncadd.s32 $0xFFFFFB20  }
0x1ab: {  	[hbm:s16], [sflag:s14] =	dma.local @!p0 [spmem:s15], $0x100  }
0x1ac: {  	s15 =	simm.s32 @!p0 $0x3  }
0x1ad: {  	_ =	swait.ge @!p0 [sflag:s15], $0x100  }
0x1ae: {  	[sflag:s15] =	ssyncset.done @!p0 $0x0  }
0x1af: {  	s16 =	sshrl.u32 @!p0 s10, $0x3;
	s17 =	rddreg [dreg:$0x8];
	[sflag:s15] =	ssyncadd.s32 @!p0 $0xFFFFFF00  }
0x1b0: {  	[hbm:s17], [sflag:s14] =	dma.local @!p0 [spmem:s16], $0x20  }
0x1b1: {  	_ =	swait.ge @!p0 [sflag:s15], $0x20  }
0x1b2: {  	s4 =	sadd.s32 $0x1, s4;
	s24 =	rddreg [dreg:$0xa]  }
0x1b3: {  	p1 =	sne.s32 s4, s24  }
.Ltmp4:
0x1b4: {  	_ = 	snop;
	(pc) =	sbr.rel @p1 .LBB2_1-.Ltmp4, $3  }
0x1b5: {  	_ =	sdelay $0x1  }
0x1b6: {  	[sflag:s15] =	ssyncset.done @!p0 $0x0  }
0x1b7: {  	[sflag:s15] =	ssyncadd.s32 @!p0 $0xFFFFFFE0  }
0x1b8: {  	_ =	sfence.sel $0x180000  }
0x1b9: {  	[bflag:$0x0] =	sbarrier.arrive $0xFFFF  }
0x1ba: {  	_ =	strace $0x9000004A  }
0x1bb: {  	s0 =	stileid.u32;
	[bflag:$0x2] =	sbarrier.arrive $0xFFFF  }
0x1bc: {  	p0 =	sne.s32 s0, $0x0;
	s0 =	rddreg [dreg:$0x4]  }
0x1bd: {  	s0 =	sadd.s32 @!p0 $0x100000, s0  }
0x1be: {  	[sflag:s0] =	ssyncadd.tile.s32 @!p0 $0x1;
	_ =	shalt  }
.Lfunc_end2:
_tile_overlayer_lowered:
.L_overlay_start_2:
0x1bf: {  	(tag) =	ssettag $0x2  }
0x1c0: {  	s0 =	rddreg [dreg:$0x0];
	s2 =	stileid.u32  }
0x1c1: {  	s1 =	rddreg [dreg:$0x1];
	p0 =	sne.s32 s2, $0x0  }
0x1c2: {  	s3 =	rddreg [dreg:$0x2];
	[bflag:$0x3] =	sbarrier.arrive $0xFFFF;
	s2 =	simm.s32 @!p0 $0x1C03  }
0x1c3: {  	[timem:s3], [sflag:s2] =	dma.local @!p0 [hbm:s0], s1  }
0x1c4: {  	s0 =	simm.s32 @!p0 $0x3  }
0x1c5: {  	_ =	swait.ge @!p0 [sflag:s0], s1  }
0x1c6: {  	s1 =	ssub.s32 @!p0 $0x0, s1;
	[sflag:s0] =	ssyncset.done @!p0 $0x0  }
0x1c7: {  	[sflag:s0] =	ssyncadd.s32 @!p0 s1  }
0x1c8: {  	[bflag:$0x3] =	sbarrier.arrive $0xFFFF  }
0x1c9: {  	_ =	shalt  }

// kernel: kernel.7.cloned.1.call-start
scs
__scs_entry_jumppad:
0x0: {  	(pc) =	sbr.rel $0x88, $3  }
0x1: {  	(tag) =	ssettag $0x0;
	lr =	simm.s32 $0x1  }
0x2: {  	[smem:$0x3F93] =	sst lr;
	_ =	strace $0xD0000000  }
0x3: {  	_ = 	snop  }
0x4: {  	_ = 	snop  }
0x5: {  	_ = 	snop  }
0x6: {  	_ = 	snop  }
0x7: {  	_ = 	snop  }
__scs_overlays_trampoline_lowered:
0x8: {  	[smem:$0x3FA2] =	sst s0  }
0x9: {  	[smem:$0x3FA3] =	sst s1  }
0xa: {  	[smem:$0x3FA4] =	sst s2  }
0xb: {  	[smem:$0x3FA5] =	sst s3  }
0xc: {  	[smem:$0x3FA6] =	sst s4  }
0xd: {  	[smem:$0x3FA7] =	sst s5  }
0xe: {  	[smem:$0x3FA8] =	sst s6  }
0xf: {  	[smem:$0x3FA9] =	sst s7  }
0x10: {  	[smem:$0x3FAA] =	sst s8  }
0x11: {  	[smem:$0x3FAB] =	sst s9;
	s0 =	simm.s32 @!p0 $0x0  }
0x12: {  	s1 =	sld [smem:$0x3F91];
	s0 =	simm.s32 @p0 $0x1  }
0x13: {  	[smem:$0x3FAC] =	sst s0;
	s0 =	simm.s32 @!p1 $0x0  }
0x14: {  	s2 =	sld [smem:$0x3F90];
	s0 =	simm.s32 @p1 $0x1  }
0x15: {  	[smem:$0x3FAD] =	sst s0;
	s0 =	simm.s32 @!p2 $0x0  }
0x16: {  	s3 =	sld [smem:$0x3FDB];
	s0 =	simm.s32 @p2 $0x1  }
0x17: {  	s4 =	simm.s32 $0x1BF5;
	[smem:$0x3FAF] =	sst s0  }
0x18: {  	s0 =	sld [smem:$0x3F92];
	_ =	swait.ge [sflag:s4], $0x0  }
0x19: {  	s7 =	sld [smem:$0x3F93]  }
0x1a: {  	s8 =	sadd.s32 $0xFFFFE003, lr  }
0x1b: {  	s9 =	sadd.s32 $0xFFFFFEF7, lr;
	s5 =	simm.s32 $0xFFFFFFFF;
	p2 =	slt.u32 s8, $0xFFFFF086  }
0x1c: {  	p1 =	slt.u32 s9, $0xF7A;
	s5 =	simm.s32 @!p2 $0x0  }
0x1d: {  	s5 =	simm.s32 @p1 $0x1;
	p0 =	seq.s32 s7, s2  }
0x1e: {  	s7 =	smul.u32 @!p0 $0xF7A, s2;
	p2 =	seq.s32 @!p0 s5, $0x0  }
0x1f: {  	s9 =	smul.u32 $0xF7A, s1;
	s8 =	simm.s32 @!p0 $0x1BF5;
	p2 =	por !p2, p0  }
0x20: {  	[sflag:s8] =	ssyncset.s32 @!p0 $0xFFFFF086;
	s6 =	sadd.s32 @!p0 s3, s7;
	s7 =	simm.s32 @!p0 $0x108  }
0x21: {  	s3 =	sadd.s32 s3, s9;
	s6 =	sadd.s32 @!p0 $0x88, s6;
	s7 =	simm.s32 @p2 $0x1082  }
0x22: {  	[simem:s7], [sflag:s8] =	dma.local @!p0 [hbm:s6], $0xF7A  }
0x23: {  	s9 =	sor.u32 $0xD0000000, s2;
	s6 =	simm.s32 $0x108;
	_ =	swait.ge @!p0 [sflag:s8], $0x0  }
0x24: {  	s3 =	sadd.s32 $0x88, s3;
	s6 =	simm.s32 @!p1 $0x1082;
	[sflag:s4] =	ssyncset.s32 $0xFFFFF086  }
0x25: {  	[simem:s6], [sflag:s4] =	dma.local [hbm:s3], $0xF7A  }
0x26: {  	[smem:$0x3F93] =	sst s1;
	(tag) =	ssettag s2;
	_ =	strace s9  }
0x27: {  	s1 =	sld [smem:$0x3FA3]  }
0x28: {  	s2 =	sld [smem:$0x3FA4]  }
0x29: {  	s4 =	sld [smem:$0x3FA6]  }
0x2a: {  	p0 =	seq.s32 s5, $0x0;
	s5 =	sld [smem:$0x3FA7]  }
0x2b: {  	s6 =	sld [smem:$0x3FA8]  }
0x2c: {  	s7 =	sld [smem:$0x3FA9]  }
0x2d: {  	s3 =	simm.s32 $0x108;
	s8 =	sld [smem:$0x3FAA]  }
0x2e: {  	s3 =	simm.s32 @!p0 $0x1082;
	s9 =	sld [smem:$0x3FAB]  }
0x2f: {  	lr =	sadd.s32 s0, s3;
	s0 =	sld [smem:$0x3FA2]  }
0x30: {  	s3 =	sld [smem:$0x3FA5]  }
0x31: {  	[smem:$0x3FAE] =	sst s10  }
0x32: {  	s10 =	sld [smem:$0x3FAC];
	_ =	sdelay $0x3  }
0x33: {  	p0 =	seq.s32 s10, $0x1;
	s10 =	sld [smem:$0x3FAE];
	_ =	sdelay $0x3  }
0x34: {  	[smem:$0x3FAE] =	sst s10  }
0x35: {  	s10 =	sld [smem:$0x3FAD];
	_ =	sdelay $0x3  }
0x36: {  	p1 =	seq.s32 s10, $0x1;
	s10 =	sld [smem:$0x3FAE];
	_ =	sdelay $0x3  }
0x37: {  	[smem:$0x3FAE] =	sst s10  }
0x38: {  	s10 =	sld [smem:$0x3FAF]  }
0x39: {  	_ = 	snop;
	(pc) =	sbr.ind lr, $3  }
0x3a: {  	_ = 	snop  }
0x3b: {  	_ = 	snop  }
0x3c: {  	p2 =	seq.s32 s10, $0x1;
	s10 =	sld [smem:$0x3FAE]  }
0x3d: {  	_ =	shalt  }
0x3e: {  	_ =	shalt  }
0x3f: {  	_ =	shalt  }
0x40: {  	_ =	shalt  }
0x41: {  	_ =	shalt  }
0x42: {  	_ =	shalt  }
0x43: {  	_ =	shalt  }
0x44: {  	_ =	shalt  }
0x45: {  	_ =	shalt  }
0x46: {  	_ =	shalt  }
0x47: {  	_ =	shalt  }
0x48: {  	_ =	shalt  }
0x49: {  	_ =	shalt  }
0x4a: {  	_ =	shalt  }
0x4b: {  	_ =	shalt  }
0x4c: {  	_ =	shalt  }
0x4d: {  	_ =	shalt  }
0x4e: {  	_ =	shalt  }
0x4f: {  	_ =	shalt  }
0x50: {  	_ =	shalt  }
0x51: {  	_ =	shalt  }
0x52: {  	_ =	shalt  }
0x53: {  	_ =	shalt  }
0x54: {  	_ =	shalt  }
0x55: {  	_ =	shalt  }
0x56: {  	_ =	shalt  }
0x57: {  	_ =	shalt  }
0x58: {  	_ =	shalt  }
0x59: {  	_ =	shalt  }
0x5a: {  	_ =	shalt  }
0x5b: {  	_ =	shalt  }
0x5c: {  	_ =	shalt  }
0x5d: {  	_ =	shalt  }
0x5e: {  	_ =	shalt  }
0x5f: {  	_ =	shalt  }
0x60: {  	_ =	shalt  }
0x61: {  	_ =	shalt  }
0x62: {  	_ =	shalt  }
0x63: {  	_ =	shalt  }
0x64: {  	_ =	shalt  }
0x65: {  	_ =	shalt  }
0x66: {  	_ =	shalt  }
0x67: {  	_ =	shalt  }
0x68: {  	_ =	shalt  }
0x69: {  	_ =	shalt  }
0x6a: {  	_ =	shalt  }
0x6b: {  	_ =	shalt  }
0x6c: {  	_ =	shalt  }
0x6d: {  	_ =	shalt  }
0x6e: {  	_ =	shalt  }
0x6f: {  	_ =	shalt  }
0x70: {  	_ =	shalt  }
0x71: {  	_ =	shalt  }
0x72: {  	_ =	shalt  }
0x73: {  	_ =	shalt  }
0x74: {  	_ =	shalt  }
0x75: {  	_ =	shalt  }
0x76: {  	_ =	shalt  }
0x77: {  	_ =	shalt  }
0x78: {  	_ =	shalt  }
0x79: {  	_ =	shalt  }
0x7a: {  	_ =	shalt  }
0x7b: {  	_ =	shalt  }
0x7c: {  	_ =	shalt  }
0x7d: {  	_ =	shalt  }
0x7e: {  	_ =	shalt  }
0x7f: {  	_ =	shalt  }
0x80: {  	_ =	shalt  }
0x81: {  	_ =	shalt  }
0x82: {  	_ =	shalt  }
0x83: {  	_ =	shalt  }
0x84: {  	_ =	shalt  }
0x85: {  	_ =	shalt  }
0x86: {  	_ =	shalt  }
0x87: {  	_ =	shalt  }
.Lfunc_end0:
.L_simem_size_0:
called_computation_lowered:
.L_overlay_start_0:
0x88: {  	s2 =	sld [smem:$0x3FD9]  }
0x89: {  	s3 =	sld [smem:$0x3FFE];
	_ =	sdelay $0x1  }
0x8a: {  	s1 =	srdreg.scid  }
0x8b: {  	s0 =	sand.u32 $0x1, s1  }
0x8c: {  	s17 =	sshll.u32 s0, $0xA;
	s2 =	sadd.s32 s3, s2  }
0x8d: {  	s2 =	sadd.s32 s2, s17  }
0x8e: {  	[smem:$0x3FBA] =	sst s2  }
0x8f: {  	_ = 	snop  }
0x90: {  	s2 =	sld [smem:$0x3FD0];
	(tm) =	ssettm $0x1  }
0x91: {  	s18 =	sld [smem:$0x3FFB];
	_ =	sdelay $0x3  }
0x92: {  	_ =	strace s18  }
0x93: {  	s3 =	sld [smem:$0x3FFC];
	_ =	sdelay $0x3  }
0x94: {  	_ =	strace s3  }
0x95: {  	s3 =	sld [smem:$0x3FFD];
	_ =	sdelay $0x3  }
0x96: {  	_ =	strace s3  }
0x97: {  	_ =	strace $0x8FFFFFFF  }
0x98: {  	s19 =	sld [smem:$0x3FDB];
	_ =	sdelay $0x1  }
0x99: {  	s4 =	simm.s32 $_scs_section_size  }
0x9a: {  	s5 =	simm.s32 $_size__tile_overlayer_lowered;
	s6 =	simm.s32 $_tile_overlayer_lowered  }
0x9b: {  	s22 =	simm.s32 $0x1BFF;
	s21 =	sshll.u32 s6, $0x1;
	s3 =	sadd.s32 s4, s19  }
0x9c: {  	s7 =	simm.s32 $0x0;
	s20 =	sshll.u32 s5, $0x1;
	s5 =	sadd.s32 s21, s3  }
0x9d: {  	[timem:s7], [sflag:s22] =	dma.local [hbm:s5], s20  }
0x9e: {  	_ =	swait.ge [sflag:s22], s20  }
0x9f: {  	s4 =	ssub.s32 $0x0, s20;
	[sflag:s22] =	ssyncset.done $0x0  }
0xa0: {  	[sflag:s22] =	ssyncadd.s32 s4;
	_ =	sdelay $0x1  }
0xa1: {  	s23 =	simm.s32 $0x1B8B  }
0xa2: {  	_ =	swait.ge [sflag:s23], $0x1  }
0xa3: {  	[sflag:s23] =	ssyncset.done $0x0  }
0xa4: {  	s25 =	simm.s32 $0x1B8E;
	s24 =	sld [smem:$0x3FFE];
	[sflag:s23] =	ssyncadd.s32 $0xFFFFFFFF  }
0xa5: {  	s26 =	simm.s32 $execute0_lowered;
	[smem:$0x3FD2] =	sst s25  }
0xa6: {  	s5 =	sshll.u32 s26, $0x1;
	_ =	strace $0x80000046;
	[dreg:$0x1] =	wrdreg $0xFFFFFFFF  }
0xa7: {  	s28 =	simm.s32 $_size_execute0_lowered;
	s3 =	sadd.s32 s3, s5;
	[dreg:$0x0] =	wrdreg $0x0  }
0xa8: {  	s5 =	sshll.u32 s28, $0x1;
	[dreg:$0x2] =	wrdreg s3  }
0xa9: {  	[dreg:$0x3] =	wrdreg s5  }
0xaa: {  	[dreg:$0x4] =	wrdreg $0xC0  }
0xab: {  	_ =	task [dreg:s7], $0x5FFFF  }
0xac: {  	[dreg:$0x1] =	wrdreg $0xFFFFFFFF  }
0xad: {  	[dreg:$0x0] =	wrdreg $0x60  }
0xae: {  	[dreg:$0x2] =	wrdreg s24  }
0xaf: {  	[dreg:$0x3] =	wrdreg s2  }
0xb0: {  	[dreg:$0x4] =	wrdreg $0x89C00  }
0xb1: {  	[dreg:$0x5] =	wrdreg $0x1C2400  }
0xb2: {  	[dreg:$0x6] =	wrdreg $0x9  }
0xb3: {  	_ =	task.clear_ibuf [dreg:s7], $0x7FFFF;
	_ =	strace $0x90000046  }
0xb4: {  	s29 =	simm.s32 $0x9;
	_ =	strace $0x80000048  }
0xb5: {  	_ =	swait.ge [sflag:s29], $0x1  }
0xb6: {  	[sflag:s29] =	ssyncadd.s32 $0xFFFFFFFF  }
0xb7: {  	_ =	strace $0x90000048  }
0xb8: {  	_ =	sfence  }
0xb9: {  	s30 =	sld [smem:$0x0];
	_ =	sdelay $0x2  }
0xba: {  	s31 =	sshll.u32 s1, $0xD;
	s1 =	sshrl.u32 s1, $0x2  }
0xbb: {  	s3 =	sand.u32 $0x4000, s31;
	s1 =	sadd.s32 s1, s30  }
0xbc: {  	s0 =	sor.u32 s3, s0;
	s1 =	sshll.u32 s1, $0x11  }
0xbd: {  	s0 =	sor.u32 s1, s0  }
0xbe: {  	s0 =	sadd.s32 $0x8F2B, s0  }
0xbf: {  	[sflag:s0] =	ssyncadd.remote.s32 $0x1  }
0xc0: {  	_ =	sfence.sel $0xFFFF  }
0xc1: {  	[dreg:$0x0] =	wrdreg $0xFFFFFFFF;
	(pc) =	sbr.abs _section_cstart, $3  }
0xc2: {  	[dreg:$0x1] =	wrdreg $0xFFFFFFFF  }
0xc3: {  	_ =	task.clear_ibuf [dreg:s7], $0x2FFFF;
	_ =	strace $0x9FFFFFFF  }
0xc4: {  	(tm) =	ssettm $0x7FFFFFFF  }
0xc5: {  	_ =	shalt  }
tec
execute0_lowered:
.L_overlay_start_1:
0x0: {  	(tag) =	ssettag $0x1  }
0x1: {  	v0 =	vimm.s32 $0xEFCDAB89  }
0x2: {  	v1 =	vimm.s32 $0x67452301;
	v2 =	vimm.s32 $0x19181B1A;
	v3 =	vimm.s32 $0x1D1C1F1E  }
0x3: {  	vm0 =	vcmask $0x1F10;
	v4 =	vimm.s32 $0x15141716;
	v5 =	vimm.s32 $0x2F2E2D2C  }
0x4: {  	v6 =	vimm.s32 $0x2B2A2928;
	v7 =	vimm.s32 $0x27262524;
	v8 =	vimm.s32 $0x23222120  }
0x5: {  	v10 =	vimm.s32 $0x46474445;
	v11 =	vimm.s32 $0x77767574;
	v12 =	vimm.s32 $0x7B7A7978  }
0x6: {  	v13 =	vimm.s32 $0x7F7E7D7C;
	v14 =	vimm.s32 $0x8A8B8889;
	v15 =	vimm.s32 $0x8E8F8C8D  }
0x7: {  	v17 =	vimm.s32 $0xEFEEEDEC;
	v28 =	vimm.s32 $0xEBEAE9E8;
	vm1 =	vcmask $0x300  }
0x8: {  	v31 =	vimm.s32 $0x15D;
	v32 =	vimm.s32 $0x16B;
	v33 =	vimm.s32 $0x177  }
0x9: {  	v34 =	vimm.s32 $0x18E;
	v35 =	vimm.s32 $0x19D;
	v36 =	vimm.s32 $0x1AB  }
0xa: {  	v37 =	vimm.s32 $0x1B7;
	v38 =	vimm.s32 $0x1CE;
	v39 =	vimm.s32 $0x1DD  }
0xb: {  	v40 =	vimm.s32 $0x1EB;
	v41 =	vimm.s32 $0x1F7;
	v0 =	vunpack.c.l.s4.s8 v0  }
0xc: {  	v1 =	vunpack.c.l.s4.s8 v1;
	v2 =	vunpack.c.0.s8.s32 v2;
	v3 =	vunpack.c.0.s8.s32 v3  }
0xd: {  	v4 =	vunpack.c.0.s8.s32 v4;
	v5 =	vunpack.c.0.s8.s32 v5;
	v6 =	vunpack.c.0.s8.s32 v6  }
0xe: {  	v10 =	vunpack.c.0.s8.s32 v10;
	v11 =	vunpack.c.0.s8.s32 v11;
	v12 =	vunpack.c.0.s8.s32 v12  }
0xf: {  	v13 =	vunpack.c.0.s8.s32 v13;
	v14 =	vunpack.c.0.s8.s32 v14;
	v15 =	vunpack.c.0.s8.s32 v15  }
0x10: {  	v30 =	vunpack.c.0.s8.s32 v17;
	v28 =	vunpack.c.0.s8.s32 v28;
	v31 =	vsel vm1, $0x152, v31  }
0x11: {  	v32 =	vsel vm1, $0x164, v32;
	v33 =	vsel vm1, $0x178, v33;
	v34 =	vsel vm1, $0x181, v34  }
0x12: {  	v35 =	vsel vm1, $0x192, v35;
	v36 =	vsel vm1, $0x1A4, v36;
	v37 =	vsel vm1, $0x1B8, v37  }
0x13: {  	v38 =	vsel vm1, $0x1C1, v38;
	v39 =	vsel vm1, $0x1D2, v39;
	v40 =	vsel vm1, $0x1E4, v40  }
0x14: {  	v41 =	vsel vm1, $0x1F8, v41;
	v0 =	vunpack.c.0.s8.s32 v0;
	v1 =	vunpack.c.0.s8.s32 v1  }
0x15: {  	v2 =	vsel vm0, v3, v2;
	v3 =	vimm.s32 $0x11101312;
	v24 =	vsel vm0, v13, v12  }
0x16: {  	v22 =	vsel vm0, v15, v14;
	v12 =	vimm.s32 $0x91909392;
	v13 =	vimm.s32 $0x95949796  }
0x17: {  	v14 =	vimm.s32 $0xBBBAB9B8;
	v15 =	vimm.s32 $0xBFBEBDBC;
	v3 =	vunpack.c.0.s8.s32 v3  }
0x18: {  	v16 =	vunpack.c.0.s8.s32 v14;
	v15 =	vunpack.c.0.s8.s32 v15;
	v9 =	vcombine.low v1, v0  }
0x19: {  	v1 =	vsel vm0, v6, v5;
	v5 =	vimm.s32 $0x3F3E3D3C;
	v6 =	vimm.s32 $0x4A4B4849  }
0x1a: {  	v3 =	vsel vm0, v4, v3;
	v4 =	vunpack.c.0.s8.s32 v7;
	v7 =	vunpack.c.0.s8.s32 v8  }
0x1b: {  	v5 =	vunpack.c.0.s8.s32 v5;
	v6 =	vunpack.c.0.s8.s32 v6;
	v8 =	vimm.s32 $0x42434041  }
0x1c: {  	v15 =	vsel vm0, v15, v16;
	v0 =	vcombine.low v3, v2;
	v2 =	vsel vm0, v7, v4  }
0x1d: {  	v3 =	vimm.s32 $0x33323130;
	v4 =	vimm.s32 $0x37363534;
	v1 =	vcombine.low v2, v1  }
0x1e: {  	v2 =	vunpack.c.0.s8.s32 v3;
	v3 =	vunpack.c.0.s8.s32 v4;
	v4 =	vimm.s32 $0x3B3A3938  }
0x1f: {  	v16 =	vimm.s32 $0xD1D0D3D2;
	v7 =	vimm.s32 $0x4E4F4C4D;
	v4 =	vunpack.c.0.s8.s32 v4  }
0x20: {  	v8 =	vunpack.c.0.s8.s32 v8;
	v27 =	vunpack.c.0.s8.s32 v16;
	v7 =	vunpack.c.0.s8.s32 v7  }
0x21: {  	v2 =	vsel vm0, v3, v2;
	v3 =	vsel vm0, v5, v4;
	v4 =	vimm.s32 $0x59585B5A  }
0x22: {  	v5 =	vsel vm0, v7, v6;
	v6 =	vsel vm0, v10, v8;
	v7 =	vimm.s32 $0x5D5C5F5E  }
0x23: {  	v8 =	vimm.s32 $0x51505352;
	v10 =	vimm.s32 $0x55545756;
	v4 =	vunpack.c.0.s8.s32 v4  }
0x24: {  	v7 =	vunpack.c.0.s8.s32 v7;
	v8 =	vunpack.c.0.s8.s32 v8;
	v10 =	vunpack.c.0.s8.s32 v10  }
0x25: {  	v2 =	vcombine.low v3, v2;
	v3 =	vcombine.low v6, v5;
	v5 =	vimm.s32 $0x6F6E6D6C  }
0x26: {  	v16 =	vimm.s32 $0xD5D4D7D6;
	v6 =	vimm.s32 $0x6B6A6968;
	v5 =	vunpack.c.0.s8.s32 v5  }
0x27: {  	v6 =	vunpack.c.0.s8.s32 v6;
	v4 =	vsel vm0, v7, v4;
	v25 =	vsel vm0, v10, v8  }
0x28: {  	v7 =	vimm.s32 $0x67666564;
	v8 =	vimm.s32 $0x63626160;
	v10 =	vimm.s32 $0x73727170  }
0x29: {  	v7 =	vunpack.c.0.s8.s32 v7;
	v8 =	vunpack.c.0.s8.s32 v8;
	v10 =	vunpack.c.0.s8.s32 v10  }
0x2a: {  	v9 =	vand.u32 $0xF, v9;
	v29 =	vunpack.c.0.s8.s32 v16;
	v5 =	vsel vm0, v6, v5  }
0x2b: {  	v4 =	vcombine.low v25, v4;
	v26 =	vsel vm0, v8, v7;
	v6 =	vsel vm0, v11, v10  }
0x2c: {  	v7 =	vimm.s32 $0x82838081;
	v8 =	vimm.s32 $0x86878485;
	v10 =	vimm.s32 $0x99989B9A  }
0x2d: {  	v11 =	vimm.s32 $0x9D9C9F9E;
	v7 =	vunpack.c.0.s8.s32 v7;
	v8 =	vunpack.c.0.s8.s32 v8  }
0x2e: {  	v10 =	vunpack.c.0.s8.s32 v10;
	v11 =	vunpack.c.0.s8.s32 v11;
	v5 =	vcombine.low v26, v5  }
0x2f: {  	v23 =	vsel vm0, v8, v7;
	v7 =	vunpack.c.0.s8.s32 v12;
	v8 =	vunpack.c.0.s8.s32 v13  }
0x30: {  	v18 =	vsel vm0, v11, v10;
	v10 =	vimm.s32 $0xAFAEADAC;
	v12 =	vimm.s32 $0xB3B2B1B0  }
0x31: {  	v11 =	vimm.s32 $0xABAAA9A8;
	v13 =	vimm.s32 $0xB7B6B5B4;
	v12 =	vunpack.c.0.s8.s32 v12  }
0x32: {  	v13 =	vunpack.c.0.s8.s32 v13;
	v21 =	vsel vm0, v8, v7;
	v7 =	vunpack.c.0.s8.s32 v10  }
0x33: {  	v8 =	vunpack.c.0.s8.s32 v11;
	v10 =	vimm.s32 $0xA7A6A5A4;
	v11 =	vimm.s32 $0xA3A2A1A0  }
0x34: {  	v6 =	vcombine.low v24, v6;
	v10 =	vunpack.c.0.s8.s32 v10;
	v11 =	vunpack.c.0.s8.s32 v11  }
0x35: {  	v14 =	vsel vm0, v13, v12;
	v12 =	vimm.s32 $0xD9D8DBDA;
	v13 =	vimm.s32 $0xDDDCDFDE  }
0x36: {  	v19 =	vsel vm0, v8, v7;
	v7 =	vimm.s32 $0xCACBC8C9;
	v8 =	vimm.s32 $0xCECFCCCD  }
0x37: {  	v12 =	vunpack.c.0.s8.s32 v12;
	v13 =	vunpack.c.0.s8.s32 v13;
	v20 =	vsel vm0, v11, v10  }
0x38: {  	v7 =	vunpack.c.0.s8.s32 v7;
	v10 =	vimm.s32 $0xC2C3C0C1;
	v11 =	vimm.s32 $0xC6C7C4C5  }
0x39: {  	v8 =	vunpack.c.0.s8.s32 v8;
	v10 =	vunpack.c.0.s8.s32 v10;
	v11 =	vunpack.c.0.s8.s32 v11  }
0x3a: {  	v12 =	vsel vm0, v13, v12;
	v13 =	vsel vm0, v29, v27;
	v29 =	vimm.s32 $0xFBFAF9F8  }
0x3b: {  	v16 =	vsel vm0, v8, v7;
	v8 =	vimm.s32 $0xE7E6E5E4;
	v17 =	vsel vm0, v11, v10  }
0x3c: {  	v8 =	vunpack.c.0.s8.s32 v8;
	v10 =	vimm.s32 $0xE3E2E1E0;
	v11 =	vimm.s32 $0xF3F2F1F0  }
0x3d: {  	v10 =	vunpack.c.0.s8.s32 v10;
	v27 =	vunpack.c.0.s8.s32 v11;
	v11 =	vimm.s32 $0xF7F6F5F4  }
0x3e: {  	v7 =	vsel vm0, v28, v30;
	v30 =	vimm.s32 $0xFFFEFDFC;
	v28 =	vunpack.c.0.s8.s32 v11  }
0x3f: {  	v11 =	vsel vm0, v10, v8;
	v10 =	vunpack.c.0.s8.s32 v29;
	v29 =	vunpack.c.0.s8.s32 v30  }
0x40: {  	v30 =	vimm.s32 $0x14E;
	v8 =	vsel vm0, v28, v27;
	v27 =	vimm.s32 $0x10E  }
0x41: {  	v28 =	vimm.s32 $0x12B;
	v30 =	vsel vm1, $0x141, v30;
	v10 =	vsel vm0, v29, v10  }
0x42: {  	v27 =	vsel vm1, $0x101, v27;
	vm0 =	vcmask $0x704;
	v29 =	vimm.s32 $0x137  }
0x43: {  	v28 =	vsel vm1, $0x124, v28;
	v25 =	vsel vm0, $0x100, v27;
	v27 =	vimm.s32 $0x11D  }
0x44: {  	v29 =	vsel vm1, $0x138, v29;
	v44 =	vsel vm0, $0x179, v33;
	v45 =	vsel vm0, $0x180, v34  }
0x45: {  	v46 =	vsel vm0, $0x193, v35;
	v47 =	vsel vm0, $0x1A5, v36;
	v48 =	vsel vm0, $0x1B9, v37  }
0x46: {  	v49 =	vsel vm0, $0x1C0, v38;
	v50 =	vsel vm0, $0x1D3, v39;
	v51 =	vsel vm0, $0x1E5, v40  }
0x47: {  	v52 =	vsel vm0, $0x1F9, v41;
	v27 =	vsel vm1, $0x112, v27;
	vm1 =	vcmask $0xB08  }
0x48: {  	v25 =	vsel vm1, $0x103, v25;
	v26 =	vsel vm0, $0x113, v27;
	v27 =	vsel vm0, $0x125, v28  }
0x49: {  	v28 =	vsel vm0, $0x139, v29;
	v29 =	vsel vm0, $0x140, v30;
	v30 =	vsel vm0, $0x153, v31  }
0x4a: {  	v31 =	vsel vm0, $0x165, v32;
	vm0 =	vcmask $0xF0C;
	v32 =	vsel vm1, $0x17A, v44  }
0x4b: {  	v33 =	vsel vm1, $0x183, v45;
	v34 =	vsel vm1, $0x190, v46;
	v35 =	vsel vm1, $0x1A6, v47  }
0x4c: {  	v36 =	vsel vm1, $0x1BA, v48;
	v37 =	vsel vm1, $0x1C3, v49;
	v38 =	vsel vm1, $0x1D0, v50  }
0x4d: {  	v39 =	vsel vm1, $0x1E6, v51;
	v40 =	vsel vm1, $0x1FA, v52;
	v24 =	vsel vm0, $0x102, v25  }
0x4e: {  	v25 =	vsel vm1, $0x110, v26;
	v27 =	vsel vm1, $0x126, v27;
	v28 =	vsel vm1, $0x13A, v28  }
0x4f: {  	v29 =	vsel vm1, $0x143, v29;
	v30 =	vsel vm1, $0x150, v30;
	v31 =	vsel vm1, $0x166, v31  }
0x50: {  	vm1 =	vcmask $0x1310;
	v26 =	vcombine.low v23, v22;
	v53 =	vsel vm0, $0x182, v33  }
0x51: {  	v54 =	vsel vm0, $0x191, v34;
	v55 =	vsel vm0, $0x1A7, v35;
	v56 =	vsel vm0, $0x1BB, v36  }
0x52: {  	v57 =	vsel vm0, $0x1C2, v37;
	v58 =	vsel vm0, $0x1D1, v38;
	v59 =	vsel vm0, $0x1E7, v39  }
0x53: {  	v60 =	vsel vm0, $0x1FB, v40;
	v22 =	vsel vm1, $0x105, v24;
	v23 =	vsel vm0, $0x111, v25  }
0x54: {  	v24 =	vsel vm0, $0x127, v27;
	v25 =	vsel vm0, $0x13B, v28;
	v28 =	vsel vm0, $0x142, v29  }
0x55: {  	v29 =	vsel vm0, $0x151, v30;
	v30 =	vsel vm0, $0x167, v31;
	v31 =	vsel vm0, $0x17B, v32  }
0x56: {  	vm0 =	vcmask $0x1714;
	v27 =	vcombine.low v21, v18;
	v61 =	vsel vm1, $0x196, v54  }
0x57: {  	v62 =	vsel vm1, $0x1A0, v55;
	v63 =	vsel vm1, $0x1BC, v56;
	v40 =	vsel vm1, $0x1C5, v57  }
0x58: {  	v41 =	vsel vm1, $0x1D6, v58;
	v42 =	vsel vm1, $0x1E0, v59;
	v43 =	vsel vm1, $0x1FC, v60  }
0x59: {  	v18 =	vsel vm0, $0x104, v22;
	v21 =	vsel vm1, $0x116, v23;
	v22 =	vsel vm1, $0x120, v24  }
0x5a: {  	v23 =	vsel vm1, $0x13C, v25;
	v24 =	vsel vm1, $0x145, v28;
	v25 =	vsel vm1, $0x156, v29  }
0x5b: {  	v29 =	vsel vm1, $0x160, v30;
	v30 =	vsel vm1, $0x17C, v31;
	v31 =	vsel vm1, $0x185, v53  }
0x5c: {  	vm1 =	vcmask $0x1B18;
	v28 =	vcombine.low v20, v19;
	v44 =	vsel vm0, $0x1A1, v62  }
0x5d: {  	v45 =	vsel vm0, $0x1BD, v63;
	v46 =	vsel vm0, $0x1C4, v40;
	v47 =	vsel vm0, $0x1D7, v41  }
0x5e: {  	v48 =	vsel vm0, $0x1E1, v42;
	v49 =	vsel vm0, $0x1FD, v43;
	v63 =	vcombine.low v10, v8  }
0x5f: {  	v8 =	vimm.f32 $0.0e+00;
	v26 =	vand.u32 $0xFF, v26;
	v18 =	vsel vm1, $0x107, v18  }
0x60: {  	v19 =	vsel vm0, $0x117, v21;
	v20 =	vsel vm0, $0x121, v22;
	v21 =	vsel vm0, $0x13D, v23  }
0x61: {  	s0 =	srdreg.scid;
	v22 =	vsel vm0, $0x144, v24;
	v23 =	vsel vm0, $0x157, v25;
	v24 =	vsel vm0, $0x161, v29  }
0x62: {  	s7 =	sand.u32 $0x1, s0;
	v25 =	vsel vm0, $0x17D, v30;
	v30 =	vsel vm0, $0x184, v31;
	v31 =	vsel vm0, $0x197, v61  }
0x63: {  	s0 =	smul.u32 $0x2710, s7;
	vm0 =	vcmask $0x1F1C;
	v29 =	vcombine.low v15, v14;
	v50 =	vsel vm1, $0x1BE, v45  }
0x64: {  	v51 =	vsel vm1, $0x1C7, v46;
	v52 =	vsel vm1, $0x1D4, v47;
	v53 =	vsel vm1, $0x1E2, v48  }
0x65: {  	v54 =	vsel vm1, $0x1FE, v49;
	v61 =	vcombine.low v11, v7;
	v7 =	vmov s0  }
0x66: {  	v27 =	vand.u32 $0xFF, v27;
	v14 =	vsel vm0, $0x106, v18;
	v15 =	vsel vm1, $0x114, v19  }
0x67: {  	v18 =	vsel vm1, $0x122, v20;
	v19 =	vsel vm1, $0x13E, v21;
	v20 =	vsel vm1, $0x147, v22  }
0x68: {  	v21 =	vsel vm1, $0x154, v23;
	v22 =	vsel vm1, $0x162, v24;
	v23 =	vsel vm1, $0x17E, v25  }
0x69: {  	v24 =	vsel vm1, $0x187, v30;
	v25 =	vsel vm1, $0x194, v31;
	v31 =	vsel vm1, $0x1A2, v44  }
0x6a: {  	vm1 =	vcmask $0x2320;
	v30 =	vcombine.low v17, v16;
	v55 =	vsel vm0, $0x1C6, v51  }
0x6b: {  	v56 =	vsel vm0, $0x1D5, v52;
	v57 =	vsel vm0, $0x1E3, v53;
	v58 =	vsel vm0, $0x1FF, v54  }
0x6c: {  	v28 =	vand.u32 $0xFF, v28;
	v33 =	vand.u32 $0xFF, v63;
	v14 =	vsel vm1, $0x109, v14  }
0x6d: {  	v15 =	vsel vm0, $0x115, v15;
	v16 =	vsel vm0, $0x123, v18;
	v17 =	vsel vm0, $0x13F, v19  }
0x6e: {  	v18 =	vsel vm0, $0x146, v20;
	v19 =	vsel vm0, $0x155, v21;
	v20 =	vsel vm0, $0x163, v22  }
0x6f: {  	v21 =	vsel vm0, $0x17F, v23;
	v22 =	vsel vm0, $0x186, v24;
	v23 =	vsel vm0, $0x195, v25  }
0x70: {  	v24 =	vsel vm0, $0x1A3, v31;
	v25 =	vsel vm0, $0x1BF, v50;
	vm0 =	vcmask $0x2724  }
0x71: {  	v31 =	vcombine.low v13, v12;
	v59 =	vsel vm1, $0x1EC, v57;
	v60 =	vsel vm1, $0x1F0, v58  }
0x72: {  	v12 =	vsel vm0, $0x108, v14;
	v13 =	vsel vm1, $0x11A, v15;
	v14 =	vsel vm1, $0x12C, v16  }
0x73: {  	v15 =	vsel vm1, $0x130, v17;
	v16 =	vsel vm1, $0x149, v18;
	v17 =	vsel vm1, $0x15A, v19  }
0x74: {  	v18 =	vsel vm1, $0x16C, v20;
	v19 =	vsel vm1, $0x170, v21;
	v20 =	vsel vm1, $0x189, v22  }
0x75: {  	v21 =	vsel vm1, $0x19A, v23;
	v22 =	vsel vm1, $0x1AC, v24;
	v23 =	vsel vm1, $0x1B0, v25  }
0x76: {  	v24 =	vsel vm1, $0x1C9, v55;
	v25 =	vsel vm1, $0x1DA, v56;
	vm1 =	vcmask $0x2B28  }
0x77: {  	v29 =	vand.u32 $0xFF, v29;
	v62 =	vsel vm0, $0x1F1, v60;
	v11 =	vsel vm1, $0x10B, v12  }
0x78: {  	v12 =	vsel vm0, $0x11B, v13;
	v13 =	vsel vm0, $0x12D, v14;
	v14 =	vsel vm0, $0x131, v15  }
0x79: {  	v15 =	vsel vm0, $0x148, v16;
	v16 =	vsel vm0, $0x15B, v17;
	v17 =	vsel vm0, $0x16D, v18  }
0x7a: {  	v18 =	vsel vm0, $0x171, v19;
	v19 =	vsel vm0, $0x188, v20;
	v20 =	vsel vm0, $0x19B, v21  }
0x7b: {  	v21 =	vsel vm0, $0x1AD, v22;
	v22 =	vsel vm0, $0x1B1, v23;
	v23 =	vsel vm0, $0x1C8, v24  }
0x7c: {  	v24 =	vsel vm0, $0x1DB, v25;
	v25 =	vsel vm0, $0x1ED, v59;
	vm0 =	vcmask $0x2F2C  }
0x7d: {  	v32 =	vand.u32 $0xFF, v61;
	v34 =	vsel vm1, $0x1F2, v62;
	v11 =	vsel vm0, $0x10A, v11  }
0x7e: {  	v12 =	vsel vm1, $0x118, v12;
	v13 =	vsel vm1, $0x12E, v13;
	v14 =	vsel vm1, $0x132, v14  }
0x7f: {  	v15 =	vsel vm1, $0x14B, v15;
	v16 =	vsel vm1, $0x158, v16;
	v17 =	vsel vm1, $0x16E, v17  }
0x80: {  	v18 =	vsel vm1, $0x172, v18;
	v19 =	vsel vm1, $0x18B, v19;
	v20 =	vsel vm1, $0x198, v20  }
0x81: {  	s9 =	rddreg [dreg:$0x0];
	v21 =	vsel vm1, $0x1AE, v21;
	v22 =	vsel vm1, $0x1B2, v22;
	v23 =	vsel vm1, $0x1CB, v23  }
0x82: {  	s1 =	rddreg [dreg:$0x1];
	v24 =	vsel vm1, $0x1D8, v24;
	v25 =	vsel vm1, $0x1EE, v25;
	vm1 =	vcmask $0x3330  }
0x83: {  	s2 =	rddreg [dreg:$0x3];
	s3 =	simm.s32 $0x0;
	v30 =	vand.u32 $0xFF, v30;
	v10 =	vsel vm1, $0x10D, v11;
	v11 =	vsel vm0, $0x119, v12  }
0x84: {  	s23 =	stileid.u32;
	s28 =	simm.s32 $0xA0;
	s29 =	simm.s32 $0x140;
	v12 =	vsel vm0, $0x12F, v13;
	v13 =	vsel vm0, $0x133, v14;
	v14 =	vsel vm0, $0x14A, v15  }
0x85: {  	s30 =	simm.s32 $0xF0;
	s31 =	simm.s32 $0x2940;
	s13 =	smul.u32 $0x13800, s23;
	v15 =	vsel vm0, $0x159, v16;
	v16 =	vsel vm0, $0x16F, v17;
	v17 =	vsel vm0, $0x173, v18  }
0x86: {  	[smem:$0x7FF] =	sst s3;
	s4 =	sadd.s32 $0x16800, s9;
	s17 =	smul.u32 $0x2700, s23;
	v18 =	vsel vm0, $0x18A, v19;
	v19 =	vsel vm0, $0x199, v20;
	v20 =	vsel vm0, $0x1AF, v21  }
0x87: {  	s5 =	sadd.s32 $0x64A00, s9;
	s6 =	sadd.s32 $0xC800, s9;
	s20 =	smul.u32 $0x9C00, s23;
	v21 =	vsel vm0, $0x1B3, v22;
	v22 =	vsel vm0, $0x1CA, v23;
	v23 =	vsel vm0, $0x1D9, v24  }
0x88: {  	s8 =	sadd.s32 $0x2A00, s9;
	s15 =	sadd.s32 $0xB2C00, s9;
	s21 =	smul.u32 $0x4E000, s23;
	v24 =	vsel vm0, $0x1EF, v25;
	v25 =	vsel vm0, $0x1F3, v34;
	vm0 =	vcmask $0x3734  }
0x89: {  	p0 =	sne.s32 s23, $0xF;
	s11 =	smul.u32 $0x138800, s7;
	s10 =	sshll.u32 s7, $0x4;
	v31 =	vand.u32 $0xFF, v31;
	v10 =	vsel vm0, $0x10C, v10;
	v11 =	vsel vm1, $0x11E, v11  }
0x8a: {  	s12 =	ssub.s32 $0x2, s7;
	s7 =	smul.u32 $0x27100, s7;
	s14 =	sadd.s32 s10, s9;
	v12 =	vsel vm1, $0x128, v12;
	v13 =	vsel vm1, $0x134, v13;
	v14 =	vsel vm1, $0x14D, v14  }
0x8b: {  	s24 =	sshrl.u32 s12, $0x1;
	s10 =	sadd.s32 $0x27000, s2;
	s22 =	sshrl.u32 s20, $0x2;
	v15 =	vsel vm1, $0x15E, v15;
	v16 =	vsel vm1, $0x168, v16;
	v17 =	vsel vm1, $0x174, v17  }
0x8c: {  	s20 =	simm.s32 $0x7EC0;
	s16 =	ssub.s32 s12, s24;
	s25 =	sadd.s32 s13, s11;
	v18 =	vsel vm1, $0x18D, v18;
	v19 =	vsel vm1, $0x19E, v19;
	v20 =	vsel vm1, $0x1A8, v20  }
0x8d: {  	s14 =	sadd.s32 $0x16600, s14;
	s18 =	sadd.s32 s17, s7;
	s12 =	smul.u32 $0x4E20, s23;
	v21 =	vsel vm1, $0x1B4, v21;
	v22 =	vsel vm1, $0x1CD, v22;
	v23 =	vsel vm1, $0x1DE, v23  }
0x8e: {  	s11 =	sshrl.u32 s11, $0x3;
	s7 =	sshrl.u32 s7, $0x3;
	s23 =	simm.s32 $0x2;
	v24 =	vsel vm1, $0x1E8, v24;
	v25 =	vsel vm1, $0x1F4, v25;
	vm1 =	vcmask $0x3B38  }
0x8f: {  	s26 =	sshrl.u32 s25, $0x3;
	s19 =	sshrl.u32 s18, $0x3;
	s11 =	sadd.s32 s15, s11;
	v11 =	vsel vm0, $0x11F, v11;
	v12 =	vsel vm0, $0x129, v12;
	v13 =	vsel vm0, $0x135, v13  }
0x90: {  	s24 =	smax.u32 s16, $0x1;
	s18 =	sadd.s32 s22, s2;
	s0 =	rddreg [dreg:$0x2];
	v14 =	vsel vm0, $0x14C, v14;
	v15 =	vsel vm0, $0x15F, v15;
	v16 =	vsel vm0, $0x169, v16  }
0x91: {  	s11 =	sadd.s32 $0x27000, s11;
	_ =	strace $0x80000047;
	[dreg:$0x5] =	wrdreg s14;
	v17 =	vsel vm0, $0x175, v17;
	v18 =	vsel vm0, $0x18C, v18;
	v19 =	vsel vm0, $0x19F, v19  }
0x92: {  	s25 =	sshrl.u32 s21, $0x2;
	s21 =	simm.s32 $0x3;
	[dreg:$0x8] =	wrdreg s11;
	v20 =	vsel vm0, $0x1A9, v20;
	v21 =	vsel vm0, $0x1B5, v21;
	v22 =	vsel vm0, $0x1CC, v22  }
0x93: {  	s22 =	simm.s32 $0x86C0;
	s14 =	sadd.s32 s15, s26;
	[dreg:$0xa] =	wrdreg s24;
	v23 =	vsel vm0, $0x1DF, v23;
	v24 =	vsel vm0, $0x1E9, v24;
	v25 =	vsel vm0, $0x1F5, v25  }
0x94: {  	s11 =	simm.s32 $0x5140;
	s9 =	sadd.s32 $0x138000, s0;
	[dreg:$0x6] =	wrdreg s14;
	vm0 =	vmmov $0x1;
	v10 =	vsel vm1, $0x10F, v10;
	v11 =	vsel vm1, $0x11C, v11  }
0x95: {  	s13 =	sadd.s32 s13, s0;
	s14 =	sadd.s32 s1, s19;
	s1 =	sadd.s32 s1, s7;
	v12 =	vsel vm1, $0x12A, v12;
	v13 =	vsel vm1, $0x136, v13;
	v14 =	vsel vm1, $0x14F, v14  }
0x96: {  	s19 =	sadd.s32 s25, s0;
	[dreg:$0x7] =	wrdreg s14;
	s1 =	sadd.s32 $0x4E00, s1;
	v15 =	vsel vm1, $0x15C, v15;
	v16 =	vsel vm1, $0x16A, v16;
	v17 =	vsel vm1, $0x176, v17  }
0x97: {  	s7 =	simm.s32 $0x87C0;
	s26 =	sshrl.u32 s13, $0x3;
	[dreg:$0x9] =	wrdreg s1;
	v18 =	vsel vm1, $0x18F, v18;
	v19 =	vsel vm1, $0x19C, v19;
	v20 =	vsel vm1, $0x1AA, v20  }
0x98: {  	s14 =	sadd.s32 s17, s2;
	s13 =	simm.s32 $0x7940;
	[dreg:$0xb] =	wrdreg s26;
	v21 =	vsel vm1, $0x1B6, v21;
	v22 =	vsel vm1, $0x1CF, v22;
	v23 =	vsel vm1, $0x1DC, v23  }
0x99: {  	s25 =	sshrl.u32 s14, $0x3;
	s26 =	simm.s32 $0x50;
	s1 =	simm.s32 $0x1;
	v24 =	vsel vm1, $0x1EA, v24;
	v25 =	vsel vm1, $0x1F6, v25;
	vm1 =	vcmask $0x308  }
.LBB2_1:
0x9a: {  	s14 =	simm.s32 $0x0;
	s15 =	simm.s32 $0x200  }
.LBB2_2:
0x9b: {  	p1 =	sne.s32 s15, $0x1E00;
	[tilespmem:s14+$0x7F30] =	vst v8  }
0x9c: {  	[tilespmem:s14+$0x7EC0] =	vst v8  }
0x9d: {  	[tilespmem:s14+$0x7ED0] =	vst v8  }
.Ltmp0:
0x9e: {  	[tilespmem:s14+$0x7EE0] =	vst v8;
	(pc) =	sbr.rel @p1 .LBB2_2-.Ltmp0, $4  }
0x9f: {  	[tilespmem:s14+$0x7EF0] =	vst v8  }
0xa0: {  	[tilespmem:s14+$0x7F00] =	vst v8  }
0xa1: {  	[tilespmem:s14+$0x7F10] =	vst v8  }
0xa2: {  	[tilespmem:s14+$0x7F20] =	vst v8;
	s14 =	sshra.s32 s15, $0x2;
	s15 =	sadd.s32 $0x200, s15  }
0xa3: {  	[tilespmem:s14+$0x7F30] =	vst v8  }
0xa4: {  	[tilespmem:s14+$0x7EC0] =	vst v8  }
0xa5: {  	[tilespmem:s14+$0x7ED0] =	vst v8  }
0xa6: {  	[tilespmem:s14+$0x7EE0] =	vst v8  }
0xa7: {  	[tilespmem:s14+$0x7EF0] =	vst v8  }
0xa8: {  	[tilespmem:s14+$0x7F00] =	vst v8  }
0xa9: {  	[tilespmem:s14+$0x7F10] =	vst v8  }
0xaa: {  	[tilespmem:s14+$0x7F20] =	vst v8  }
0xab: {  	[tilespmem:$0x86C0] =	vst v8  }
0xac: {  	[tilespmem:$0x86D0] =	vst v8  }
0xad: {  	[tilespmem:$0x86E0] =	vst v8  }
0xae: {  	[tilespmem:$0x86F0] =	vst v8  }
0xaf: {  	[tilespmem:$0x8700] =	vst v8  }
0xb0: {  	[tilespmem:$0x8710] =	vst v8  }
0xb1: {  	[tilespmem:$0x8720] =	vst v8  }
0xb2: {  	[tilespmem:$0x8730] =	vst v8  }
0xb3: {  	[tilespmem:$0x8740] =	vst v8  }
0xb4: {  	[tilespmem:$0x8750] =	vst v8  }
0xb5: {  	[tilespmem:$0x8760] =	vst v8  }
0xb6: {  	[tilespmem:$0x8770] =	vst v8  }
0xb7: {  	[tilespmem:$0x8780] =	vst v8  }
0xb8: {  	[tilespmem:$0x8790] =	vst v8  }
0xb9: {  	[tilespmem:$0x87A0] =	vst v8  }
0xba: {  	[tilespmem:$0x87B0] =	vst v8  }
0xbb: {  	[spmem:s19] =	stream.linear.scatter [tilespmem:s20], [sflag:$0x3], $0x800, $0x38;
	[tilespmem:$0x1E950] =	vst v63  }
0xbc: {  	_ =	swait.ge [sflag:s21], $0x800  }
0xbd: {  	[sflag:s21] =	ssyncset.done $0x0  }
0xbe: {  	s24 =	sadd.s32 $0x0, s18;
	[sflag:s21] =	ssyncadd.s32 $0xFFFFF800  }
0xbf: {  	[spmem:s24] =	stream.linear.scatter [tilespmem:s22], [sflag:$0x3], $0x100, $0x38;
	[tilespmem:$0x1E950] =	vst v63  }
0xc0: {  	_ =	swait.ge [sflag:s21], $0x100  }
0xc1: {  	s14 =	simm.s32 $0x400;
	s15 =	smov.u32 s19;
	[sflag:s21] =	ssyncset.done $0x0  }
.LBB2_4:
0xc2: {  	p1 =	sne.s32 s14, $0x9800;
	[sflag:s21] =	ssyncadd.s32 $0xFFFFFF00;
	s15 =	sadd.s32 $0x800, s15  }
0xc3: {  	[spmem:s15] =	stream.linear.scatter [tilespmem:s20], [sflag:$0x3], $0x800, $0x38;
	[tilespmem:$0x1E950] =	vst v63  }
0xc4: {  	s16 =	smov.u32 s14;
	s14 =	sadd.s32 $0x400, s14;
	_ =	swait.ge [sflag:s21], $0x800  }
.Ltmp1:
0xc5: {  	s16 =	sshra.s32 s16, $0x2;
	[sflag:s21] =	ssyncset.done $0x0;
	(pc) =	sbr.rel @p1 .LBB2_4-.Ltmp1, $4  }
0xc6: {  	s16 =	sadd.s32 s16, s18;
	[sflag:s21] =	ssyncadd.s32 $0xFFFFF800  }
0xc7: {  	[spmem:s16] =	stream.linear.scatter [tilespmem:s22], [sflag:$0x3], $0x100, $0x38;
	[tilespmem:$0x1E950] =	vst v63  }
0xc8: {  	_ =	swait.ge [sflag:s21], $0x100  }
0xc9: {  	[sflag:s21] =	ssyncset.done $0x0  }
0xca: {  	[sflag:s21] =	ssyncadd.s32 $0xFFFFFF00;
	s14 =	simm.s32 @!p0 $0x7EC0  }
0xcb: {  	[spmem:s9] =	stream.linear.scatter @!p0 [tilespmem:s14], [sflag:$0x3], $0x800, $0x38;
	[tilespmem:$0x1E950] =	vst v63  }
0xcc: {  	s14 =	simm.s32 @!p0 $0x3  }
0xcd: {  	_ =	swait.ge @!p0 [sflag:s14], $0x800  }
0xce: {  	[sflag:s14] =	ssyncset.done @!p0 $0x0  }
0xcf: {  	s15 =	simm.s32 @!p0 $0x86C0;
	[sflag:s14] =	ssyncadd.s32 @!p0 $0xFFFFF800  }
0xd0: {  	[spmem:s10] =	stream.linear.scatter @!p0 [tilespmem:s15], [sflag:$0x3], $0x100, $0x38;
	[tilespmem:$0x1E950] =	vst v63  }
0xd1: {  	_ =	swait.ge @!p0 [sflag:s14], $0x100  }
0xd2: {  	[sflag:s14] =	ssyncset.done @!p0 $0x0  }
0xd3: {  	[sflag:s14] =	ssyncadd.s32 @!p0 $0xFFFFFF00  }
0xd4: {  	[bflag:$0x0] =	sbarrier.arrive $0xFFFF  }
0xd5: {  	s16 =	simm.s32 $0x7E40;
	s14 =	simm.s32 $0x0;
	s24 =	rddreg [dreg:$0x5]  }
0xd6: {  	[tilespmem:s16], [sflag:$0x3] =	stream.linear.gather [hbm4b:s24+s14], $0x80, $0x38;
	[tilespmem:$0x1E950] =	vst v63  }
0xd7: {  	_ =	swait.ge [sflag:s21], $0x80  }
0xd8: {  	[sflag:s21] =	ssyncset.done $0x0  }
0xd9: {  	[sflag:s21] =	ssyncadd.s32 $0xFFFFFF80  }
0xda: {  	v34 =	vld [tilespmem:$0x7E40]  }
0xdb: {  	v35 =	vld [tilespmem:$0x7E50]  }
0xdc: {  	v36 =	vld [tilespmem:$0x7E60]  }
0xdd: {  	v37 =	vld [tilespmem:$0x7E70]  }
0xde: {  	v38 =	vld [tilespmem:$0x7E80]  }
0xdf: {  	v39 =	vld [tilespmem:$0x7E90]  }
0xe0: {  	v40 =	vld [tilespmem:$0x7EA0]  }
0xe1: {  	s15 =	simm.s32 $0x0;
	v41 =	vld [tilespmem:$0x7EB0]  }
.LBB2_6:
0xe2: {  	s16 =	smul.u32 $0x50, s15;
	_ =	sdelay $0x1  }
0xe3: {  	s16 =	sadd.s32 s12, s16  }
0xe4: {  	s16 =	sshrl.u32 s16, $0x3  }
0xe5: {  	s17 =	sadd.s32 s6, s16  }
0xe6: {  	[tilespmem:s14], [sflag:$0x3] =	stream.linear.gather [hbm4b:s17+s14], $0x50, $0x38;
	[tilespmem:$0x1E950] =	vst v63  }
0xe7: {  	_ =	swait.ge [sflag:s21], $0x50  }
0xe8: {  	[sflag:s21] =	ssyncset.done $0x0  }
0xe9: {  	s16 =	sadd.s32 s8, s16;
	[sflag:s21] =	ssyncadd.s32 $0xFFFFFFB0  }
0xea: {  	[tilespmem:s26], [sflag:$0x3] =	stream.linear.gather [hbm4b:s16+s14], $0x50, $0x38;
	[tilespmem:$0x1E950] =	vst v63  }
0xeb: {  	_ =	swait.ge [sflag:s21], $0x50  }
0xec: {  	[sflag:s21] =	ssyncset.done $0x0  }
0xed: {  	[sflag:s21] =	ssyncadd.s32 $0xFFFFFFB0  }
0xee: {  	v42 =	vld [tilespmem:$0x0]  }
0xef: {  	v43 =	vld [tilespmem:$0x50]  }
0xf0: {  	v44 =	vld [tilespmem:$0x10]  }
0xf1: {  	v45 =	vld [tilespmem:$0x60]  }
0xf2: {  	v46 =	vld [tilespmem:$0x20]  }
0xf3: {  	v47 =	vld [tilespmem:$0x70];
	v42 =	vadd.s32 v7, v42  }
0xf4: {  	v52 =	vld [tilespmem:$0x30];
	v51 =	vadd.s32 v7, v43;
	[tilespmem:$0xA0] =	vst v42  }
0xf5: {  	v54 =	vld [tilespmem:$0x80];
	v53 =	vadd.s32 v7, v44;
	[tilespmem:$0xF0] =	vst v51  }
0xf6: {  	v56 =	vld [tilespmem:$0x40];
	v55 =	vadd.s32 v7, v45;
	[tilespmem:$0xB0] =	vst v53  }
0xf7: {  	v58 =	vld [tilespmem:$0x90];
	v57 =	vadd.s32 v7, v46;
	[tilespmem:$0x100] =	vst v55  }
0xf8: {  	v59 =	vadd.s32 v7, v47;
	[tilespmem:$0xC0] =	vst v57  }
0xf9: {  	v60 =	vadd.s32 v7, v52;
	[tilespmem:$0x110] =	vst v59  }
0xfa: {  	v61 =	vadd.s32 v7, v54;
	[tilespmem:$0xD0] =	vst v60  }
0xfb: {  	v62 =	vadd.s32 v7, v56;
	[tilespmem:$0x120] =	vst v61  }
0xfc: {  	v63 =	vadd.s32 v7, v58;
	[tilespmem:$0xE0] =	vst v62  }
0xfd: {  	[tilespmem:$0x130] =	vst v63  }
0xfe: {  	[tilespmem:s29], [sflag:$0x1] =	stream.indirect.gather [hbm4b:s4+s26], $0x80, s28, s26, $0xb8;
	[tilespmem:$0x1E950] =	vst v63  }
0xff: {  	_ = 	snop  }
0x100: {  	[tilespmem:s31], [sflag:$0x2] =	stream.indirect.gather [hbm4b:s5+s26], $0x80, s30, s26, $0xb8;
	[tilespmem:$0x1E950] =	vst v63  }
0x101: {  	_ =	swait.ge [sflag:s1], $0x2800  }
0x102: {  	[sflag:s1] =	ssyncset.done $0x0  }
0x103: {  	[sflag:s1] =	ssyncadd.s32 $0xFFFFD800  }
0x104: {  	_ =	swait.ge [sflag:s23], $0x2800  }
0x105: {  	[sflag:s23] =	ssyncset.done $0x0  }
0x106: {  	s17 =	simm.s32 $0x0;
	s16 =	simm.s32 $0x7960;
	[sflag:s23] =	ssyncadd.s32 $0xFFFFD800  }
.LBB2_7:
0x107: {  	s24 =	sshra.s32 s17, $0x2  }
0x108: {  	v42 =	vld [tilespmem:s24+$0x140]  }
0x109: {  	v43 =	vld [tilespmem:s24+$0x2940]  }
0x10a: {  	v44 =	vld [tilespmem:s24+$0x150]  }
0x10b: {  	v45 =	vld [tilespmem:s24+$0x2950]  }
0x10c: {  	v46 =	vld [tilespmem:s24+$0x160]  }
0x10d: {  	v47 =	vld [tilespmem:s24+$0x2960]  }
0x10e: {  	v48 =	vld [tilespmem:s24+$0x170]  }
0x10f: {  	v49 =	vld [tilespmem:s24+$0x2970];
	_ =	sdelay $0x2  }
0x110: {  	v43 =	vadd.f32 v43, v42;
	v45 =	vadd.f32 v45, v44  }
0x111: {  	v47 =	vadd.f32 v47, v46  }
0x112: {  	v49 =	vadd.f32 v49, v48;
	v50 =	vmin.f32 v43, $0.0e+00;
	v51 =	vmin.f32 v45, $0.0e+00  }
0x113: {  	v43 =	vmax.f32 v43, $0.0e+00;
	v50 =	vmul.f32 $2.000000030e-01, v50;
	v60 =	vmul.f32 $2.000000030e-01, v51  }
0x114: {  	v45 =	vmax.f32 v45, $0.0e+00;
	v61 =	vmin.f32 v47, $0.0e+00;
	v63 =	vmin.f32 v49, $0.0e+00  }
0x115: {  	v62 =	vmul.f32 $2.000000030e-01, v61;
	v43 =	vadd.f32 v50, v43;
	v45 =	vadd.f32 v60, v45  }
0x116: {  	v47 =	vmax.f32 v47, $0.0e+00;
	v54 =	vmul.f32 $2.000000030e-01, v63  }
0x117: {  	v47 =	vadd.f32 v62, v47;
	v43 =	vmul.f32 v43, v34;
	v45 =	vmul.f32 v45, v35  }
0x118: {  	v49 =	vmax.f32 v49, $0.0e+00  }
0x119: {  	v56 =	vadd.f32 v54, v49;
	v55 =	vmul.f32 v47, v36;
	v43 =	vadd.f32 v45, v43;
	_ =	sdelay $0x1  }
0x11a: {  	v57 =	vmul.f32 v56, v37;
	v43 =	vadd.f32 v55, v43;
	_ =	sdelay $0x1  }
0x11b: {  	v43 =	vadd.f32 v57, v43;
	_ =	sdelay $0x1  }
0x11c: {  	[tilespmem:$0x87C0] =	vst v43  }
0x11d: {  	v58 =	vld.idx.msk [tilespmem:v9+s7+$0x0], $0xffff;
	_ =	sdelay $0x4  }
0x11e: {  	v43 =	vadd.f32 v43, v58;
	_ =	sdelay $0x1  }
0x11f: {  	[tilespmem:$0x87D0] =	vst v43  }
0x120: {  	v59 =	vld.idx.msk [tilespmem:v0+s7+$0x0], $0xffff;
	_ =	sdelay $0x4  }
0x121: {  	v43 =	vadd.f32 v43, v59;
	_ =	sdelay $0x1  }
0x122: {  	[tilespmem:$0x87E0] =	vst v43  }
0x123: {  	v60 =	vld.idx.msk [tilespmem:v1+s7+$0x0], $0xffff;
	_ =	sdelay $0x4  }
0x124: {  	v43 =	vadd.f32 v43, v60;
	_ =	sdelay $0x1  }
0x125: {  	[tilespmem:$0x87F0] =	vst v43  }
0x126: {  	v61 =	vld.idx.msk [tilespmem:v2+s7+$0x0], $0xffff  }
0x127: {  	v47 =	vld [tilespmem:s24+$0x180]  }
0x128: {  	v62 =	vld [tilespmem:s24+$0x2980]  }
0x129: {  	v45 =	vld [tilespmem:s24+$0x190]  }
0x12a: {  	v63 =	vld [tilespmem:s24+$0x2990]  }
0x12b: {  	v51 =	vld [tilespmem:s24+$0x1A0]  }
0x12c: {  	v52 =	vld [tilespmem:s24+$0x29A0];
	v43 =	vadd.f32 v43, v61  }
0x12d: {  	v49 =	vld [tilespmem:s24+$0x1B0]  }
0x12e: {  	v53 =	vld [tilespmem:s24+$0x29B0];
	v43 =	vmul.f32 $1.442695020e+00, v43;
	_ =	sdelay $0x1  }
0x12f: {  	(erf) = vpow2.f32 v43  }
0x130: {  	v57 =	vadd.f32 v62, v47;
	v50 =	vadd.f32 v63, v45  }
0x131: {  	v52 =	vadd.f32 v52, v51  }
0x132: {  	v53 =	vadd.f32 v53, v49;
	v54 =	vmin.f32 v57, $0.0e+00;
	v55 =	vmin.f32 v50, $0.0e+00  }
0x133: {  	v50 =	vmax.f32 v50, $0.0e+00;
	v54 =	vmul.f32 $2.000000030e-01, v54;
	v58 =	vmul.f32 $2.000000030e-01, v55  }
0x134: {  	v59 =	vmin.f32 v52, $0.0e+00;
	v61 =	vmin.f32 v53, $0.0e+00;
	v43 =	vmax.f32 v57, $0.0e+00  }
0x135: {  	v60 =	vmul.f32 $2.000000030e-01, v59;
	v43 =	vadd.f32 v54, v43;
	v50 =	vadd.f32 v58, v50  }
0x136: {  	v52 =	vmax.f32 v52, $0.0e+00;
	v53 =	vmax.f32 v53, $0.0e+00;
	v55 =	vmul.f32 $2.000000030e-01, v61  }
0x137: {  	v52 =	vadd.f32 v60, v52;
	v43 =	vmul.f32 v43, v38;
	v50 =	vmul.f32 v50, v39  }
0x138: {  	v63 =	vadd.f32 v55, v53;
	v54 =	vpop (erf)  }
0x139: {  	v62 =	vmul.f32 v52, v40;
	v43 =	vadd.f32 v50, v43;
	v42 =	vmul.f32 v54, v42  }
0x13a: {  	v44 =	vmul.f32 v54, v44  }
0x13b: {  	v56 =	vmul.f32 v63, v41;
	v43 =	vadd.f32 v62, v43;
	v55 =	vmul.f32 v54, v46;
	[tilespmem:s24+$0x5140] =	vst v42  }
0x13c: {  	v57 =	vmul.f32 v54, v48;
	[tilespmem:s24+$0x5150] =	vst v44  }
0x13d: {  	v58 =	vadd.f32 v56, v43;
	[tilespmem:s24+$0x5160] =	vst v55  }
0x13e: {  	[tilespmem:s24+$0x5170] =	vst v57  }
0x13f: {  	[tilespmem:$0x8800] =	vst v58  }
0x140: {  	v59 =	vld.idx.msk [tilespmem:v3+s7+$0x0], $0xffff;
	_ =	sdelay $0x4  }
0x141: {  	v42 =	vadd.f32 v58, v59;
	_ =	sdelay $0x1  }
0x142: {  	[tilespmem:$0x8810] =	vst v42  }
0x143: {  	v60 =	vld.idx.msk [tilespmem:v4+s7+$0x0], $0xffff;
	_ =	sdelay $0x4  }
0x144: {  	v42 =	vadd.f32 v42, v60;
	_ =	sdelay $0x1  }
0x145: {  	[tilespmem:$0x8820] =	vst v42  }
0x146: {  	v61 =	vld.idx.msk [tilespmem:v5+s7+$0x0], $0xffff;
	_ =	sdelay $0x4  }
0x147: {  	v42 =	vadd.f32 v42, v61;
	_ =	sdelay $0x1  }
0x148: {  	[tilespmem:$0x8830] =	vst v42  }
0x149: {  	v62 =	vld.idx.msk [tilespmem:v6+s7+$0x0], $0xffff;
	_ =	sdelay $0x4  }
0x14a: {  	v42 =	vadd.f32 v42, v62;
	_ =	sdelay $0x1  }
0x14b: {  	v42 =	vmul.f32 $1.442695020e+00, v42;
	_ =	sdelay $0x1  }
0x14c: {  	(erf) = vpow2.f32 v42;
	_ =	sdelay $0x8  }
0x14d: {  	v42 =	vpop (erf)  }
0x14e: {  	v63 =	vmul.f32 v42, v47  }
0x14f: {  	v48 =	vmul.f32 v42, v45  }
0x150: {  	v50 =	vmul.f32 v42, v51;
	[tilespmem:s24+$0x5180] =	vst v63  }
0x151: {  	v52 =	vnsel vm0, $0x0, v54;
	v51 =	vmul.f32 v42, v49;
	v42 =	vsel vm1, $0x0, v42;
	[tilespmem:s24+$0x5190] =	vst v48  }
0x152: {  	v42 =	vadd.f32 v42, v52;
	[tilespmem:s24+$0x51A0] =	vst v50  }
0x153: {  	[tilespmem:s24+$0x51B0] =	vst v51  }
0x154: {  	[tilespmem:s16+$0xFFFFFFE0] =	vst v42  }
0x155: {  	v42 =	vld [tilespmem:s24+$0x1C0]  }
0x156: {  	v53 =	vld [tilespmem:s24+$0x29C0]  }
0x157: {  	v44 =	vld [tilespmem:s24+$0x1D0]  }
0x158: {  	v54 =	vld [tilespmem:s24+$0x29D0]  }
0x159: {  	v46 =	vld [tilespmem:s24+$0x1E0]  }
0x15a: {  	v55 =	vld [tilespmem:s24+$0x29E0]  }
0x15b: {  	v48 =	vld [tilespmem:s24+$0x1F0]  }
0x15c: {  	v56 =	vld [tilespmem:s24+$0x29F0];
	_ =	sdelay $0x2  }
0x15d: {  	v43 =	vadd.f32 v53, v42;
	v45 =	vadd.f32 v54, v44  }
0x15e: {  	v47 =	vadd.f32 v55, v46  }
0x15f: {  	v49 =	vadd.f32 v56, v48;
	v57 =	vmin.f32 v43, $0.0e+00;
	v58 =	vmin.f32 v45, $0.0e+00  }
0x160: {  	v43 =	vmax.f32 v43, $0.0e+00;
	v50 =	vmul.f32 $2.000000030e-01, v57;
	v59 =	vmul.f32 $2.000000030e-01, v58  }
0x161: {  	v45 =	vmax.f32 v45, $0.0e+00;
	v60 =	vmin.f32 v47, $0.0e+00;
	v62 =	vmin.f32 v49, $0.0e+00  }
0x162: {  	v61 =	vmul.f32 $2.000000030e-01, v60;
	v43 =	vadd.f32 v50, v43;
	v45 =	vadd.f32 v59, v45  }
0x163: {  	v47 =	vmax.f32 v47, $0.0e+00;
	v63 =	vmul.f32 $2.000000030e-01, v62  }
0x164: {  	v47 =	vadd.f32 v61, v47;
	v43 =	vmul.f32 v43, v34;
	v45 =	vmul.f32 v45, v35  }
0x165: {  	v49 =	vmax.f32 v49, $0.0e+00  }
0x166: {  	v52 =	vadd.f32 v63, v49;
	v51 =	vmul.f32 v47, v36;
	v43 =	vadd.f32 v45, v43;
	_ =	sdelay $0x1  }
0x167: {  	v53 =	vmul.f32 v52, v37;
	v43 =	vadd.f32 v51, v43;
	_ =	sdelay $0x1  }
0x168: {  	v43 =	vadd.f32 v53, v43;
	_ =	sdelay $0x1  }
0x169: {  	[tilespmem:$0x8840] =	vst v43  }
0x16a: {  	v54 =	vld.idx.msk [tilespmem:v26+s7+$0x0], $0xffff;
	_ =	sdelay $0x4  }
0x16b: {  	v43 =	vadd.f32 v43, v54;
	_ =	sdelay $0x1  }
0x16c: {  	[tilespmem:$0x8850] =	vst v43  }
0x16d: {  	v55 =	vld.idx.msk [tilespmem:v27+s7+$0x0], $0xffff;
	_ =	sdelay $0x4  }
0x16e: {  	v43 =	vadd.f32 v43, v55;
	_ =	sdelay $0x1  }
0x16f: {  	[tilespmem:$0x8860] =	vst v43  }
0x170: {  	v56 =	vld.idx.msk [tilespmem:v28+s7+$0x0], $0xffff;
	_ =	sdelay $0x4  }
0x171: {  	v43 =	vadd.f32 v43, v56;
	_ =	sdelay $0x1  }
0x172: {  	[tilespmem:$0x8870] =	vst v43  }
0x173: {  	v57 =	vld.idx.msk [tilespmem:v29+s7+$0x0], $0xffff  }
0x174: {  	v47 =	vld [tilespmem:s24+$0x200]  }
0x175: {  	v58 =	vld [tilespmem:s24+$0x2A00]  }
0x176: {  	v45 =	vld [tilespmem:s24+$0x210]  }
0x177: {  	v59 =	vld [tilespmem:s24+$0x2A10]  }
0x178: {  	v51 =	vld [tilespmem:s24+$0x220]  }
0x179: {  	v60 =	vld [tilespmem:s24+$0x2A20]  }
0x17a: {  	v49 =	vld [tilespmem:s24+$0x230];
	v43 =	vadd.f32 v43, v57  }
0x17b: {  	v62 =	vld [tilespmem:s24+$0x2A30]  }
0x17c: {  	v43 =	vmul.f32 $1.442695020e+00, v43;
	_ =	sdelay $0x1  }
0x17d: {  	(erf) = vpow2.f32 v43  }
0x17e: {  	v61 =	vadd.f32 v58, v47;
	v50 =	vadd.f32 v59, v45  }
0x17f: {  	v52 =	vadd.f32 v60, v51;
	v53 =	vadd.f32 v62, v49  }
0x180: {  	v63 =	vmin.f32 v61, $0.0e+00;
	v57 =	vmin.f32 v50, $0.0e+00;
	v50 =	vmax.f32 v50, $0.0e+00  }
0x181: {  	v59 =	vmin.f32 v52, $0.0e+00;
	v54 =	vmul.f32 $2.000000030e-01, v63;
	v58 =	vmul.f32 $2.000000030e-01, v57  }
0x182: {  	v52 =	vmax.f32 v52, $0.0e+00;
	v60 =	vmul.f32 $2.000000030e-01, v59;
	v43 =	vmax.f32 v61, $0.0e+00  }
0x183: {  	v61 =	vmin.f32 v53, $0.0e+00;
	v43 =	vadd.f32 v54, v43;
	v50 =	vadd.f32 v58, v50  }
0x184: {  	v52 =	vadd.f32 v60, v52;
	v55 =	vmul.f32 $2.000000030e-01, v61  }
0x185: {  	v43 =	vmul.f32 v43, v38;
	v50 =	vmul.f32 v50, v39  }
0x186: {  	v53 =	vmax.f32 v53, $0.0e+00;
	v62 =	vmul.f32 v52, v40;
	v54 =	vpop (erf)  }
0x187: {  	v63 =	vadd.f32 v55, v53;
	v43 =	vadd.f32 v50, v43;
	v42 =	vmul.f32 v54, v42  }
0x188: {  	v44 =	vmul.f32 v54, v44  }
0x189: {  	v56 =	vmul.f32 v63, v41;
	v43 =	vadd.f32 v62, v43;
	v55 =	vmul.f32 v54, v46;
	[tilespmem:s24+$0x51C0] =	vst v42  }
0x18a: {  	v57 =	vmul.f32 v54, v48;
	[tilespmem:s24+$0x51D0] =	vst v44  }
0x18b: {  	v58 =	vadd.f32 v56, v43;
	[tilespmem:s24+$0x51E0] =	vst v55  }
0x18c: {  	[tilespmem:s24+$0x51F0] =	vst v57  }
0x18d: {  	[tilespmem:$0x8880] =	vst v58  }
0x18e: {  	v59 =	vld.idx.msk [tilespmem:v30+s7+$0x0], $0xffff;
	_ =	sdelay $0x4  }
0x18f: {  	v42 =	vadd.f32 v58, v59;
	_ =	sdelay $0x1  }
0x190: {  	[tilespmem:$0x8890] =	vst v42  }
0x191: {  	v60 =	vld.idx.msk [tilespmem:v31+s7+$0x0], $0xffff;
	_ =	sdelay $0x4  }
0x192: {  	v42 =	vadd.f32 v42, v60;
	_ =	sdelay $0x1  }
0x193: {  	[tilespmem:$0x88A0] =	vst v42  }
0x194: {  	v61 =	vld.idx.msk [tilespmem:v32+s7+$0x0], $0xffff;
	_ =	sdelay $0x4  }
0x195: {  	v42 =	vadd.f32 v42, v61;
	_ =	sdelay $0x1  }
0x196: {  	[tilespmem:$0x88B0] =	vst v42  }
0x197: {  	v62 =	vld.idx.msk [tilespmem:v33+s7+$0x0], $0xffff;
	_ =	sdelay $0x4  }
0x198: {  	v42 =	vadd.f32 v42, v62;
	_ =	sdelay $0x1  }
0x199: {  	v42 =	vmul.f32 $1.442695020e+00, v42;
	_ =	sdelay $0x1  }
0x19a: {  	(erf) = vpow2.f32 v42;
	_ =	sdelay $0x8  }
0x19b: {  	v42 =	vpop (erf)  }
0x19c: {  	v63 =	vmul.f32 v42, v47  }
0x19d: {  	v48 =	vmul.f32 v42, v45  }
0x19e: {  	v50 =	vmul.f32 v42, v51;
	[tilespmem:s24+$0x5200] =	vst v63  }
0x19f: {  	v52 =	vnsel vm0, $0x0, v54;
	v51 =	vmul.f32 v42, v49;
	v42 =	vsel vm1, $0x0, v42;
	[tilespmem:s24+$0x5210] =	vst v48  }
0x1a0: {  	v42 =	vadd.f32 v42, v52;
	[tilespmem:s24+$0x5220] =	vst v50  }
0x1a1: {  	[tilespmem:s24+$0x5230] =	vst v51  }
0x1a2: {  	[tilespmem:s16+$0xFFFFFFF0] =	vst v42  }
0x1a3: {  	v42 =	vld [tilespmem:s24+$0x240]  }
0x1a4: {  	v53 =	vld [tilespmem:s24+$0x2A40]  }
0x1a5: {  	v44 =	vld [tilespmem:s24+$0x250]  }
0x1a6: {  	v54 =	vld [tilespmem:s24+$0x2A50]  }
0x1a7: {  	v46 =	vld [tilespmem:s24+$0x260]  }
0x1a8: {  	v55 =	vld [tilespmem:s24+$0x2A60]  }
0x1a9: {  	v48 =	vld [tilespmem:s24+$0x270]  }
0x1aa: {  	v56 =	vld [tilespmem:s24+$0x2A70];
	_ =	sdelay $0x2  }
0x1ab: {  	v43 =	vadd.f32 v53, v42;
	v45 =	vadd.f32 v54, v44  }
0x1ac: {  	v47 =	vadd.f32 v55, v46  }
0x1ad: {  	v49 =	vadd.f32 v56, v48;
	v57 =	vmin.f32 v43, $0.0e+00;
	v58 =	vmin.f32 v45, $0.0e+00  }
0x1ae: {  	v43 =	vmax.f32 v43, $0.0e+00;
	v50 =	vmul.f32 $2.000000030e-01, v57;
	v59 =	vmul.f32 $2.000000030e-01, v58  }
0x1af: {  	v45 =	vmax.f32 v45, $0.0e+00;
	v60 =	vmin.f32 v47, $0.0e+00;
	v62 =	vmin.f32 v49, $0.0e+00  }
0x1b0: {  	v61 =	vmul.f32 $2.000000030e-01, v60;
	v43 =	vadd.f32 v50, v43;
	v45 =	vadd.f32 v59, v45  }
0x1b1: {  	v47 =	vmax.f32 v47, $0.0e+00;
	v63 =	vmul.f32 $2.000000030e-01, v62  }
0x1b2: {  	v47 =	vadd.f32 v61, v47;
	v43 =	vmul.f32 v43, v34;
	v45 =	vmul.f32 v45, v35  }
0x1b3: {  	v49 =	vmax.f32 v49, $0.0e+00  }
0x1b4: {  	v53 =	vadd.f32 v63, v49;
	v52 =	vmul.f32 v47, v36;
	v43 =	vadd.f32 v45, v43;
	_ =	sdelay $0x1  }
0x1b5: {  	v54 =	vmul.f32 v53, v37;
	v43 =	vadd.f32 v52, v43;
	_ =	sdelay $0x1  }
0x1b6: {  	v43 =	vadd.f32 v54, v43;
	_ =	sdelay $0x1  }
0x1b7: {  	[tilespmem:$0x88C0] =	vst v43  }
0x1b8: {  	v55 =	vld.idx.msk [tilespmem:v10+s7+$0x0], $0xffff;
	_ =	sdelay $0x4  }
0x1b9: {  	v43 =	vadd.f32 v43, v55;
	_ =	sdelay $0x1  }
0x1ba: {  	[tilespmem:$0x88D0] =	vst v43  }
0x1bb: {  	v56 =	vld.idx.msk [tilespmem:v11+s7+$0x0], $0xffff;
	_ =	sdelay $0x4  }
0x1bc: {  	v43 =	vadd.f32 v43, v56;
	_ =	sdelay $0x1  }
0x1bd: {  	[tilespmem:$0x88E0] =	vst v43  }
0x1be: {  	v57 =	vld.idx.msk [tilespmem:v12+s7+$0x0], $0xffff;
	_ =	sdelay $0x4  }
0x1bf: {  	v43 =	vadd.f32 v43, v57;
	_ =	sdelay $0x1  }
0x1c0: {  	[tilespmem:$0x88F0] =	vst v43  }
0x1c1: {  	v58 =	vld.idx.msk [tilespmem:v13+s7+$0x0], $0xffff  }
0x1c2: {  	v47 =	vld [tilespmem:s24+$0x280]  }
0x1c3: {  	v59 =	vld [tilespmem:s24+$0x2A80]  }
0x1c4: {  	v45 =	vld [tilespmem:s24+$0x290]  }
0x1c5: {  	v60 =	vld [tilespmem:s24+$0x2A90]  }
0x1c6: {  	v51 =	vld [tilespmem:s24+$0x2A0]  }
0x1c7: {  	v61 =	vld [tilespmem:s24+$0x2AA0]  }
0x1c8: {  	v49 =	vld [tilespmem:s24+$0x2B0];
	v43 =	vadd.f32 v43, v58  }
0x1c9: {  	v63 =	vld [tilespmem:s24+$0x2AB0]  }
0x1ca: {  	v43 =	vmul.f32 $1.442695020e+00, v43;
	_ =	sdelay $0x1  }
0x1cb: {  	(erf) = vpow2.f32 v43  }
0x1cc: {  	v62 =	vadd.f32 v59, v47;
	v50 =	vadd.f32 v60, v45  }
0x1cd: {  	v52 =	vadd.f32 v61, v51;
	v53 =	vadd.f32 v63, v49  }
0x1ce: {  	v57 =	vmin.f32 v62, $0.0e+00;
	v58 =	vmin.f32 v50, $0.0e+00;
	v50 =	vmax.f32 v50, $0.0e+00  }
0x1cf: {  	v60 =	vmin.f32 v52, $0.0e+00;
	v54 =	vmul.f32 $2.000000030e-01, v57;
	v59 =	vmul.f32 $2.000000030e-01, v58  }
0x1d0: {  	v52 =	vmax.f32 v52, $0.0e+00;
	v61 =	vmul.f32 $2.000000030e-01, v60;
	v43 =	vmax.f32 v62, $0.0e+00  }
0x1d1: {  	v62 =	vmin.f32 v53, $0.0e+00;
	v43 =	vadd.f32 v54, v43;
	v50 =	vadd.f32 v59, v50  }
0x1d2: {  	v52 =	vadd.f32 v61, v52;
	v55 =	vmul.f32 $2.000000030e-01, v62  }
0x1d3: {  	v43 =	vmul.f32 v43, v38;
	v50 =	vmul.f32 v50, v39  }
0x1d4: {  	v53 =	vmax.f32 v53, $0.0e+00;
	v63 =	vmul.f32 v52, v40;
	v54 =	vpop (erf)  }
0x1d5: {  	v56 =	vadd.f32 v55, v53;
	v43 =	vadd.f32 v50, v43;
	v42 =	vmul.f32 v54, v42  }
0x1d6: {  	v44 =	vmul.f32 v54, v44  }
0x1d7: {  	v58 =	vmul.f32 v56, v41;
	v43 =	vadd.f32 v63, v43;
	v57 =	vmul.f32 v54, v46;
	[tilespmem:s24+$0x5240] =	vst v42  }
0x1d8: {  	v59 =	vmul.f32 v54, v48;
	[tilespmem:s24+$0x5250] =	vst v44  }
0x1d9: {  	v60 =	vadd.f32 v58, v43;
	[tilespmem:s24+$0x5260] =	vst v57  }
0x1da: {  	[tilespmem:s24+$0x5270] =	vst v59  }
0x1db: {  	[tilespmem:$0x8900] =	vst v60  }
0x1dc: {  	v61 =	vld.idx.msk [tilespmem:v14+s7+$0x0], $0xffff;
	_ =	sdelay $0x4  }
0x1dd: {  	v42 =	vadd.f32 v60, v61;
	_ =	sdelay $0x1  }
0x1de: {  	[tilespmem:$0x8910] =	vst v42  }
0x1df: {  	v62 =	vld.idx.msk [tilespmem:v15+s7+$0x0], $0xffff;
	_ =	sdelay $0x4  }
0x1e0: {  	v42 =	vadd.f32 v42, v62;
	_ =	sdelay $0x1  }
0x1e1: {  	[tilespmem:$0x8920] =	vst v42  }
0x1e2: {  	v63 =	vld.idx.msk [tilespmem:v16+s7+$0x0], $0xffff;
	_ =	sdelay $0x4  }
0x1e3: {  	v42 =	vadd.f32 v42, v63;
	_ =	sdelay $0x1  }
0x1e4: {  	[tilespmem:$0x8930] =	vst v42  }
0x1e5: {  	v46 =	vld.idx.msk [tilespmem:v17+s7+$0x0], $0xffff;
	_ =	sdelay $0x4  }
0x1e6: {  	v42 =	vadd.f32 v42, v46;
	_ =	sdelay $0x1  }
0x1e7: {  	v42 =	vmul.f32 $1.442695020e+00, v42;
	_ =	sdelay $0x1  }
0x1e8: {  	(erf) = vpow2.f32 v42;
	_ =	sdelay $0x8  }
0x1e9: {  	v42 =	vpop (erf)  }
0x1ea: {  	v48 =	vmul.f32 v42, v47  }
0x1eb: {  	v50 =	vmul.f32 v42, v45  }
0x1ec: {  	v51 =	vmul.f32 v42, v51;
	[tilespmem:s24+$0x5280] =	vst v48  }
0x1ed: {  	v53 =	vnsel vm0, $0x0, v54;
	v52 =	vmul.f32 v42, v49;
	v42 =	vsel vm1, $0x0, v42;
	[tilespmem:s24+$0x5290] =	vst v50  }
0x1ee: {  	v42 =	vadd.f32 v42, v53;
	[tilespmem:s24+$0x52A0] =	vst v51  }
0x1ef: {  	[tilespmem:s24+$0x52B0] =	vst v52  }
0x1f0: {  	[tilespmem:s16+$0x0] =	vst v42  }
0x1f1: {  	v42 =	vld [tilespmem:s24+$0x2C0]  }
0x1f2: {  	v54 =	vld [tilespmem:s24+$0x2AC0]  }
0x1f3: {  	v44 =	vld [tilespmem:s24+$0x2D0]  }
0x1f4: {  	v55 =	vld [tilespmem:s24+$0x2AD0]  }
0x1f5: {  	v46 =	vld [tilespmem:s24+$0x2E0]  }
0x1f6: {  	v56 =	vld [tilespmem:s24+$0x2AE0]  }
0x1f7: {  	v48 =	vld [tilespmem:s24+$0x2F0]  }
0x1f8: {  	v57 =	vld [tilespmem:s24+$0x2AF0];
	_ =	sdelay $0x2  }
0x1f9: {  	v43 =	vadd.f32 v54, v42;
	v45 =	vadd.f32 v55, v44  }
0x1fa: {  	v47 =	vadd.f32 v56, v46  }
0x1fb: {  	v49 =	vadd.f32 v57, v48;
	v58 =	vmin.f32 v43, $0.0e+00;
	v59 =	vmin.f32 v45, $0.0e+00  }
0x1fc: {  	v43 =	vmax.f32 v43, $0.0e+00;
	v50 =	vmul.f32 $2.000000030e-01, v58;
	v60 =	vmul.f32 $2.000000030e-01, v59  }
0x1fd: {  	v45 =	vmax.f32 v45, $0.0e+00;
	v61 =	vmin.f32 v47, $0.0e+00;
	v63 =	vmin.f32 v49, $0.0e+00  }
0x1fe: {  	v62 =	vmul.f32 $2.000000030e-01, v61;
	v43 =	vadd.f32 v50, v43;
	v45 =	vadd.f32 v60, v45  }
0x1ff: {  	v47 =	vmax.f32 v47, $0.0e+00;
	v52 =	vmul.f32 $2.000000030e-01, v63  }
0x200: {  	v47 =	vadd.f32 v62, v47;
	v43 =	vmul.f32 v43, v34;
	v45 =	vmul.f32 v45, v35  }
0x201: {  	v49 =	vmax.f32 v49, $0.0e+00  }
0x202: {  	v54 =	vadd.f32 v52, v49;
	v53 =	vmul.f32 v47, v36;
	v43 =	vadd.f32 v45, v43;
	_ =	sdelay $0x1  }
0x203: {  	v55 =	vmul.f32 v54, v37;
	v43 =	vadd.f32 v53, v43;
	_ =	sdelay $0x1  }
0x204: {  	v43 =	vadd.f32 v55, v43;
	_ =	sdelay $0x1  }
0x205: {  	[tilespmem:$0x8940] =	vst v43  }
0x206: {  	v56 =	vld.idx.msk [tilespmem:v18+s7+$0x0], $0xffff;
	_ =	sdelay $0x4  }
0x207: {  	v43 =	vadd.f32 v43, v56;
	_ =	sdelay $0x1  }
0x208: {  	[tilespmem:$0x8950] =	vst v43  }
0x209: {  	v57 =	vld.idx.msk [tilespmem:v19+s7+$0x0], $0xffff;
	_ =	sdelay $0x4  }
0x20a: {  	v43 =	vadd.f32 v43, v57;
	_ =	sdelay $0x1  }
0x20b: {  	[tilespmem:$0x8960] =	vst v43  }
0x20c: {  	v58 =	vld.idx.msk [tilespmem:v20+s7+$0x0], $0xffff;
	_ =	sdelay $0x4  }
0x20d: {  	v43 =	vadd.f32 v43, v58;
	_ =	sdelay $0x1  }
0x20e: {  	[tilespmem:$0x8970] =	vst v43  }
0x20f: {  	v59 =	vld.idx.msk [tilespmem:v21+s7+$0x0], $0xffff  }
0x210: {  	v47 =	vld [tilespmem:s24+$0x300]  }
0x211: {  	v60 =	vld [tilespmem:s24+$0x2B00]  }
0x212: {  	v50 =	vld [tilespmem:s24+$0x310]  }
0x213: {  	v61 =	vld [tilespmem:s24+$0x2B10]  }
0x214: {  	v45 =	vld [tilespmem:s24+$0x320];
	v43 =	vadd.f32 v43, v59  }
0x215: {  	v62 =	vld [tilespmem:s24+$0x2B20]  }
0x216: {  	v53 =	vld [tilespmem:s24+$0x330];
	v49 =	vadd.f32 v60, v47;
	v43 =	vmul.f32 $1.442695020e+00, v43  }
0x217: {  	v57 =	vld [tilespmem:s24+$0x2B30]  }
0x218: {  	v63 =	vadd.f32 v61, v50;
	v58 =	vmin.f32 v49, $0.0e+00;
	(erf) = vpow2.f32 v43  }
0x219: {  	v54 =	vmul.f32 $2.000000030e-01, v58  }
0x21a: {  	v59 =	vmin.f32 v63, $0.0e+00;
	v49 =	vmax.f32 v49, $0.0e+00  }
0x21b: {  	v52 =	vadd.f32 v62, v45;
	v55 =	vmul.f32 $2.000000030e-01, v59;
	v49 =	vadd.f32 v54, v49  }
0x21c: {  	v51 =	vadd.f32 v57, v53;
	v43 =	vmax.f32 v63, $0.0e+00  }
0x21d: {  	v60 =	vmin.f32 v52, $0.0e+00;
	v43 =	vadd.f32 v55, v43;
	v49 =	vmul.f32 v49, v38  }
0x21e: {  	v54 =	vmul.f32 $2.000000030e-01, v60  }
0x21f: {  	v52 =	vmax.f32 v52, $0.0e+00;
	v61 =	vmin.f32 v51, $0.0e+00;
	v43 =	vmul.f32 v43, v39  }
0x220: {  	v62 =	vmul.f32 $2.000000030e-01, v61;
	v52 =	vadd.f32 v54, v52  }
0x221: {  	v51 =	vmax.f32 v51, $0.0e+00;
	v43 =	vadd.f32 v43, v49;
	v49 =	vpop (erf)  }
0x222: {  	v51 =	vadd.f32 v62, v51;
	v52 =	vmul.f32 v52, v40;
	v42 =	vmul.f32 v49, v42  }
0x223: {  	v44 =	vmul.f32 v49, v44  }
0x224: {  	v54 =	vmul.f32 v51, v41;
	v63 =	vadd.f32 v52, v43;
	v52 =	vmul.f32 v49, v46;
	[tilespmem:s24+$0x52C0] =	vst v42  }
0x225: {  	v55 =	vmul.f32 v49, v48;
	[tilespmem:s24+$0x52D0] =	vst v44  }
0x226: {  	[tilespmem:s24+$0x52E0] =	vst v52;
	v42 =	vadd.f32 v54, v63  }
0x227: {  	[tilespmem:s24+$0x52F0] =	vst v55  }
0x228: {  	[tilespmem:$0x8980] =	vst v42  }
0x229: {  	v43 =	vld.idx.msk [tilespmem:v22+s7+$0x0], $0xffff;
	_ =	sdelay $0x4  }
0x22a: {  	v42 =	vadd.f32 v42, v43;
	_ =	sdelay $0x1  }
0x22b: {  	[tilespmem:$0x8990] =	vst v42  }
0x22c: {  	v56 =	vld.idx.msk [tilespmem:v23+s7+$0x0], $0xffff;
	_ =	sdelay $0x4  }
0x22d: {  	v42 =	vadd.f32 v42, v56;
	_ =	sdelay $0x1  }
0x22e: {  	[tilespmem:$0x89A0] =	vst v42  }
0x22f: {  	v57 =	vld.idx.msk [tilespmem:v24+s7+$0x0], $0xffff;
	_ =	sdelay $0x4  }
0x230: {  	v42 =	vadd.f32 v42, v57;
	_ =	sdelay $0x1  }
0x231: {  	[tilespmem:$0x89B0] =	vst v42  }
0x232: {  	v58 =	vld.idx.msk [tilespmem:v25+s7+$0x0], $0xffff;
	_ =	sdelay $0x4  }
0x233: {  	v42 =	vadd.f32 v42, v58;
	_ =	sdelay $0x1  }
0x234: {  	v42 =	vmul.f32 $1.442695020e+00, v42;
	_ =	sdelay $0x1  }
0x235: {  	(erf) = vpow2.f32 v42;
	_ =	sdelay $0x8  }
0x236: {  	v42 =	vpop (erf)  }
0x237: {  	v59 =	vmul.f32 v42, v47  }
0x238: {  	p1 =	sne.s32 s17, $0x9800;
	v60 =	vmul.f32 v42, v50  }
.Ltmp2:
0x239: {  	v61 =	vmul.f32 v42, v45;
	[tilespmem:s24+$0x5300] =	vst v59;
	(pc) =	sbr.rel @p1 .LBB2_7-.Ltmp2, $4  }
0x23a: {  	v63 =	vnsel vm0, $0x0, v49;
	v62 =	vmul.f32 v42, v53;
	v42 =	vsel vm1, $0x0, v42;
	[tilespmem:s24+$0x5310] =	vst v60  }
0x23b: {  	v42 =	vadd.f32 v42, v63;
	[tilespmem:s24+$0x5320] =	vst v61  }
0x23c: {  	[tilespmem:s24+$0x5330] =	vst v62  }
0x23d: {  	s17 =	sadd.s32 $0x800, s17;
	[tilespmem:s16+$0x10] =	vst v42;
	s16 =	sadd.s32 $0x40, s16  }
0x23e: {  	[spmem:s0] =	stream.indirect.scatter.add.f32 [tilespmem:s11], [sflag:$0x3], $0x80, s26, s26, $0xb8;
	[tilespmem:$0x1E950] =	vst v63  }
0x23f: {  	s15 =	sadd.s32 $0x1, s15;
	_ =	swait.ge [sflag:s21], $0x2800  }
0x240: {  	p1 =	sne.s32 s15, $0xFA;
	[sflag:s21] =	ssyncset.done $0x0  }
.Ltmp3:
0x241: {  	[sflag:s21] =	ssyncadd.s32 $0xFFFFD800;
	(pc) =	sbr.rel @p1 .LBB2_6-.Ltmp3, $4  }
0x242: {  	[spmem:s2] =	stream.indirect.scatter.add.f32 [tilespmem:s13], [sflag:$0x3], $0x10, s26, s26, $0xb8;
	[tilespmem:$0x1E950] =	vst v63  }
0x243: {  	_ =	swait.ge [sflag:s21], $0x500  }
0x244: {  	[sflag:s21] =	ssyncset.done $0x0  }
0x245: {  	[sflag:s21] =	ssyncadd.s32 $0xFFFFFB00  }
0x246: {  	s14 =	stileid.u32;
	[bflag:$0x0] =	sbarrier.arrive $0xFFFF  }
0x247: {  	s14 =	sshll.u32 s14, $0x6;
	s15 =	rddreg [dreg:$0x6]  }
0x248: {  	s16 =	rddreg [dreg:$0xb];
	s14 =	sor.u32 $0x1C03, s14  }
0x249: {  	[hbm:s15], [sflag:s14] =	dma.local [spmem:s16], $0x2700  }
0x24a: {  	_ =	swait.ge [sflag:s21], $0x2700  }
0x24b: {  	[sflag:s21] =	ssyncset.done $0x0  }
0x24c: {  	s17 =	rddreg [dreg:$0x7];
	[sflag:s21] =	ssyncadd.s32 $0xFFFFD900  }
0x24d: {  	[hbm:s17], [sflag:s14] =	dma.local [spmem:s25], $0x4E0  }
0x24e: {  	_ =	swait.ge [sflag:s21], $0x4E0  }
0x24f: {  	[sflag:s21] =	ssyncset.done $0x0  }
0x250: {  	s15 =	sshrl.u32 @!p0 s9, $0x3;
	s16 =	rddreg [dreg:$0x8];
	[sflag:s21] =	ssyncadd.s32 $0xFFFFFB20  }
0x251: {  	[hbm:s16], [sflag:s14] =	dma.local @!p0 [spmem:s15], $0x100  }
0x252: {  	s15 =	simm.s32 @!p0 $0x3  }
0x253: {  	_ =	swait.ge @!p0 [sflag:s15], $0x100  }
0x254: {  	[sflag:s15] =	ssyncset.done @!p0 $0x0  }
0x255: {  	s16 =	sshrl.u32 @!p0 s10, $0x3;
	s17 =	rddreg [dreg:$0x9];
	[sflag:s15] =	ssyncadd.s32 @!p0 $0xFFFFFF00  }
0x256: {  	[hbm:s17], [sflag:s14] =	dma.local @!p0 [spmem:s16], $0x20  }
0x257: {  	_ =	swait.ge @!p0 [sflag:s15], $0x20  }
0x258: {  	s3 =	sadd.s32 $0x1, s3;
	s24 =	rddreg [dreg:$0xa]  }
0x259: {  	p1 =	sne.s32 s3, s24  }
.Ltmp4:
0x25a: {  	_ = 	snop;
	(pc) =	sbr.rel @p1 .LBB2_1-.Ltmp4, $3  }
0x25b: {  	_ =	sdelay $0x1  }
0x25c: {  	[sflag:s15] =	ssyncset.done @!p0 $0x0  }
0x25d: {  	[sflag:s15] =	ssyncadd.s32 @!p0 $0xFFFFFFE0  }
0x25e: {  	_ =	sfence.sel $0x180000  }
0x25f: {  	[bflag:$0x0] =	sbarrier.arrive $0xFFFF  }
0x260: {  	_ =	strace $0x90000047  }
0x261: {  	s0 =	stileid.u32;
	[bflag:$0x2] =	sbarrier.arrive $0xFFFF  }
0x262: {  	p0 =	sne.s32 s0, $0x0;
	s0 =	rddreg [dreg:$0x4]  }
0x263: {  	s0 =	sadd.s32 @!p0 $0x100000, s0  }
0x264: {  	[sflag:s0] =	ssyncadd.tile.s32 @!p0 $0x1;
	_ =	shalt  }
.Lfunc_end2:
_tile_overlayer_lowered:
.L_overlay_start_2:
0x265: {  	(tag) =	ssettag $0x2  }
0x266: {  	s0 =	rddreg [dreg:$0x0];
	s2 =	stileid.u32  }
0x267: {  	s1 =	rddreg [dreg:$0x1];
	p0 =	sne.s32 s2, $0x0  }
0x268: {  	s3 =	rddreg [dreg:$0x2];
	[bflag:$0x3] =	sbarrier.arrive $0xFFFF;
	s2 =	simm.s32 @!p0 $0x1C03  }
0x269: {  	[timem:s3], [sflag:s2] =	dma.local @!p0 [hbm:s0], s1  }
0x26a: {  	s0 =	simm.s32 @!p0 $0x3  }
0x26b: {  	_ =	swait.ge @!p0 [sflag:s0], s1  }
0x26c: {  	s1 =	ssub.s32 @!p0 $0x0, s1;
	[sflag:s0] =	ssyncset.done @!p0 $0x0  }
0x26d: {  	[sflag:s0] =	ssyncadd.s32 @!p0 s1  }
0x26e: {  	[bflag:$0x3] =	sbarrier.arrive $0xFFFF  }
0x26f: {  	_ =	shalt  }

</sc_bundles>
